<compile_context>
chip_gen: v7x
topology: tpu7x:2x2x1
jax: 0.10.2.dev20260603
libtpu: 0.0.44.dev20260713+nightly
codegen_flags: <defaults>
</compile_context>

<pallas_src>
import jax
import jax.numpy as jnp
from jax import lax
from jax.experimental import pallas as pl
from jax.experimental.pallas import tpu as pltpu
from jax.experimental.pallas import tpu_sc as plsc

F32 = jnp.float32
BF16 = jnp.bfloat16

B = 2
N = 10000
D = 128
E = 160000
H1 = 64
H2 = 32
ZW = 16

NC = 2
NS = 16
CH = 128
E_PAD = 163840
PER_TILE = E_PAD // NS
CHUNKS = PER_TILE // CH
N_PAD = 10240
ROWS_PER_TILE = N_PAD // NS
RB2 = 512
BE = 4 * RB2
PW = H1 // 2


def _sc_mesh():
    return plsc.VectorSubcoreMesh(core_axis_name="c", subcore_axis_name="s",
                                  num_cores=NC, num_subcores=NS)


def _pack_bf16_words(v):
    u = lax.bitcast_convert_type(v, jnp.uint32)
    ur = u + 0x7FFF + ((u >> 16) & 1)
    h = ur >> 16
    w = h[:, :PW] | (h[:, PW:] << 16)
    return lax.bitcast_convert_type(w, F32)


def _unpack_bf16_words(w):
    u = lax.bitcast_convert_type(w, jnp.uint32)
    lo = lax.bitcast_convert_type(u << 16, F32)
    hi = lax.bitcast_convert_type(u & jnp.uint32(0xFFFF0000), F32)
    return jnp.concatenate([lo, hi], axis=1)


def _tables_body(nf_ref, w1s_ref, w1t_ref, b1_ref, p_ref, q_ref):
    x = nf_ref[0]
    p = jnp.dot(x, w1s_ref[...], preferred_element_type=F32)
    q = jnp.dot(x, w1t_ref[...], preferred_element_type=F32) + b1_ref[...]
    p_ref[0] = _pack_bf16_words(p)
    q_ref[0] = _pack_bf16_words(q)


def _tables(nf, w1s, w1t, b1r):
    nb = 1000
    return pl.pallas_call(
        _tables_body,
        grid=(B, N // nb),
        in_specs=[
            pl.BlockSpec((1, nb, D), lambda b, i: (b, i, 0)),
            pl.BlockSpec((D, H1), lambda b, i: (0, 0)),
            pl.BlockSpec((D, H1), lambda b, i: (0, 0)),
            pl.BlockSpec((1, H1), lambda b, i: (0, 0)),
        ],
        out_specs=[
            pl.BlockSpec((1, nb, PW), lambda b, i: (b, i, 0)),
            pl.BlockSpec((1, nb, PW), lambda b, i: (b, i, 0)),
        ],
        out_shape=[jax.ShapeDtypeStruct((B, N, PW), F32)] * 2,
    )(nf, w1s, w1t, b1r)


KG = 4
NCG = CHUNKS // KG
CG = KG * CH


def _gather_body(pf, qf, srcg, tgtg, gs, gt, idxs, idxt,
                 bap, baq, bbp, bbq, gsa, gsb, wsa, wsb):
    c = lax.axis_index("c")
    s = lax.axis_index("s")
    pltpu.sync_copy(srcg.at[c, s], idxs)
    pltpu.sync_copy(tgtg.at[c, s], idxt)
    base = c * E_PAD + s * PER_TILE

    def start(j, bp, bq, sem):
        pltpu.async_copy(pf.at[idxs.at[pl.ds(j * CG, CG)]], bp, sem)
        pltpu.async_copy(qf.at[idxt.at[pl.ds(j * CG, CG)]], bq, sem)

    def drain_gather(bp, bq, sem):
        pltpu.make_async_copy(pf.at[idxs.at[pl.ds(0, CG)]], bp, sem).wait()
        pltpu.make_async_copy(qf.at[idxt.at[pl.ds(0, CG)]], bq, sem).wait()

    rbase = base // 4
    rcg = CG // 4

    def start_wb(j, bp, bq, sem):
        off = rbase + j * rcg
        for t in range(4):
            rows = pl.ds(rcg * t, rcg)
            cols = pl.ds(PW * t, PW)
            pltpu.async_copy(bp.at[rows], gs.at[pl.ds(off, rcg), cols], sem)
            pltpu.async_copy(bq.at[rows], gt.at[pl.ds(off, rcg), cols], sem)

    def drain_wb(bp, bq, sem):
        for t in range(4):
            rows = pl.ds(rcg * t, rcg)
            cols = pl.ds(PW * t, PW)
            pltpu.make_async_copy(bp.at[rows], gs.at[pl.ds(rbase, rcg), cols],
                                  sem).wait()
            pltpu.make_async_copy(bq.at[rows], gt.at[pl.ds(rbase, rcg), cols],
                                  sem).wait()

    start(0, bap, baq, gsa)

    def body(g, carry):
        j0 = 2 * g

        @pl.when(g > 0)
        def _():
            drain_wb(bbp, bbq, wsb)

        start(j0 + 1, bbp, bbq, gsb)
        drain_gather(bap, baq, gsa)
        start_wb(j0, bap, baq, wsa)

        @pl.when(g < NCG // 2 - 1)
        def _():
            drain_wb(bap, baq, wsa)
            start(j0 + 2, bap, baq, gsa)

        drain_gather(bbp, bbq, gsb)
        start_wb(j0 + 1, bbp, bbq, wsb)
        return carry

    lax.fori_loop(0, NCG // 2, body, 0)
    drain_wb(bap, baq, wsa)
    drain_wb(bbp, bbq, wsb)


def _gather(pf, qf, src_g4, tgt_g4):
    return pl.kernel(
        _gather_body,
        out_type=[jax.ShapeDtypeStruct((B * E_PAD // 4, D), F32)] * 2,
        mesh=_sc_mesh(),
        scratch_types=[
            pltpu.VMEM((PER_TILE,), jnp.int32),
            pltpu.VMEM((PER_TILE,), jnp.int32),
            pltpu.VMEM((CG, PW), F32),
            pltpu.VMEM((CG, PW), F32),
            pltpu.VMEM((CG, PW), F32),
            pltpu.VMEM((CG, PW), F32),
            pltpu.SemaphoreType.DMA,
            pltpu.SemaphoreType.DMA,
            pltpu.SemaphoreType.DMA,
            pltpu.SemaphoreType.DMA,
        ],
        compiler_params=pltpu.CompilerParams(use_tc_tiling_on_sc=False),
    )(pf, qf, src_g4, tgt_g4)


def _edge_body(gs_ref, gt_ref, ew4_ref, w1e_ref, w2_ref, b2_ref,
               w3_ref, b3_ref, w4_ref, z_ref, zn_ref):
    gs = gs_ref[0]
    gt = gt_ref[0]
    ew4 = ew4_ref[0, 0]
    w1e = w1e_ref[...]
    nr = RB2 // 2
    eye = (lax.broadcasted_iota(jnp.int32, (D, D), 0)
           == lax.broadcasted_iota(jnp.int32, (D, D), 1)).astype(F32)
    xs = []
    for p in range(2):
        rows = slice(nr * p, nr * (p + 1))
        for t in range(4):
            k = 4 * p + t
            cols = slice(PW * t, PW * (t + 1))
            g = _unpack_bf16_words(gs[rows, cols]) + _unpack_bf16_words(gt[rows, cols])
            tk = lax.dot_general(eye, ew4[k], (((1,), (1,)), ((), ())),
                                 preferred_element_type=F32)
            vcol = jnp.concatenate([tk[:, 0:1], tk[:, 1:2]], axis=0)
            xs.append(g + vcol * w1e)
    h1 = jax.nn.relu(jnp.concatenate(xs, axis=0))
    h2 = jax.nn.relu(jnp.dot(h1, w2_ref[...], preferred_element_type=F32) + b2_ref[...])
    e3 = jax.nn.sigmoid(jnp.dot(h2, w3_ref[...], preferred_element_type=F32) + b3_ref[...])
    z = jnp.dot(e3, w4_ref[...], preferred_element_type=F32)
    out = jnp.concatenate([z[nr * k:nr * (k + 1)] for k in range(8)], axis=1)
    z_ref[0] = out
    zn_ref[0] = -out


def _edge_mlp(gsr, gtr, ew4, w1e, w2, b2r, w3, b3r, w4a):
    return pl.pallas_call(
        _edge_body,
        grid=(B, E_PAD // BE),
        in_specs=[
            pl.BlockSpec((1, RB2, D), lambda b, i: (b, i, 0)),
            pl.BlockSpec((1, RB2, D), lambda b, i: (b, i, 0)),
            pl.BlockSpec((1, 1, 8, 2, D), lambda b, i: (b, i, 0, 0, 0)),
            pl.BlockSpec((1, H1), lambda b, i: (0, 0)),
            pl.BlockSpec((H1, H2), lambda b, i: (0, 0)),
            pl.BlockSpec((1, H2), lambda b, i: (0, 0)),
            pl.BlockSpec((H2, H1), lambda b, i: (0, 0)),
            pl.BlockSpec((1, H1), lambda b, i: (0, 0)),
            pl.BlockSpec((H1, ZW), lambda b, i: (0, 0)),
        ],
        out_specs=[
            pl.BlockSpec((1, RB2 // 2, 8 * ZW), lambda b, i: (b, i, 0)),
            pl.BlockSpec((1, RB2 // 2, 8 * ZW), lambda b, i: (b, i, 0)),
        ],
        out_shape=[jax.ShapeDtypeStruct((B, E_PAD // 8, 8 * ZW), F32)] * 2,
    )(gsr, gtr, ew4, w1e, w2, b2r, w3, b3r, w4a)


KS = 4
NCS = CHUNKS // KS
CS = KS * CH


def _scatter_body(zf, znf, tgts, srcs, accout, idx1, idx2,
                  zba1, zba2, zbb1, zbb2, zrows, acc_sh, lsa, lsb, ssa, ssb):
    c = lax.axis_index("c")
    s = lax.axis_index("s")
    pltpu.sync_copy(tgts.at[s], idx1)
    pltpu.sync_copy(srcs.at[s], idx2)

    def zero_row(i, carry):
        zrows[i] = jnp.zeros((ZW,), F32)
        return carry

    lax.fori_loop(0, CH, zero_row, 0)
    for k in range(ROWS_PER_TILE // CH):
        pltpu.sync_copy(zrows, acc_sh.at[pl.ds(s * ROWS_PER_TILE + k * CH, CH)])
    plsc.subcore_barrier()

    base = c * E_PAD + s * PER_TILE

    def load(j, b1, b2, sem):
        off = base + j * CS
        pltpu.async_copy(zf.at[pl.ds(off, CS)], b1, sem)
        pltpu.async_copy(znf.at[pl.ds(off, CS)], b2, sem)

    def drain_load(b1, b2, sem):
        pltpu.make_async_copy(zf.at[pl.ds(base, CS)], b1, sem).wait()
        pltpu.make_async_copy(znf.at[pl.ds(base, CS)], b2, sem).wait()

    def scat(j, b1, b2, sem):
        pltpu.async_copy(b1, acc_sh.at[idx1.at[pl.ds(j * CS, CS)]], sem, add=True)
        pltpu.async_copy(b2, acc_sh.at[idx2.at[pl.ds(j * CS, CS)]], sem, add=True)

    def drain_scat(b1, b2, sem):
        pltpu.make_async_copy(b1, acc_sh.at[idx1.at[pl.ds(0, CS)]], sem).wait()
        pltpu.make_async_copy(b2, acc_sh.at[idx2.at[pl.ds(0, CS)]], sem).wait()

    load(0, zba1, zba2, lsa)

    def body(g, carry):
        j0 = 2 * g

        @pl.when(g > 0)
        def _():
            drain_scat(zbb1, zbb2, ssb)

        load(j0 + 1, zbb1, zbb2, lsb)
        drain_load(zba1, zba2, lsa)
        scat(j0, zba1, zba2, ssa)

        @pl.when(g < NCS // 2 - 1)
        def _():
            drain_scat(zba1, zba2, ssa)
            load(j0 + 2, zba1, zba2, lsa)

        drain_load(zbb1, zbb2, lsb)
        scat(j0 + 1, zbb1, zbb2, ssb)
        return carry

    lax.fori_loop(0, NCS // 2, body, 0)
    drain_scat(zba1, zba2, ssa)
    drain_scat(zbb1, zbb2, ssb)
    plsc.subcore_barrier()
    pltpu.sync_copy(
        acc_sh.at[pl.ds(s * ROWS_PER_TILE, ROWS_PER_TILE)],
        accout.at[pl.ds(c * N_PAD + s * ROWS_PER_TILE, ROWS_PER_TILE)],
    )


def _scatter(zf, znf, tgt_s3, src_s3):
    return pl.kernel(
        _scatter_body,
        out_type=jax.ShapeDtypeStruct((B * N_PAD, ZW), F32),
        mesh=_sc_mesh(),
        scratch_types=[
            pltpu.VMEM((PER_TILE,), jnp.int32),
            pltpu.VMEM((PER_TILE,), jnp.int32),
            pltpu.VMEM((CS, ZW), F32),
            pltpu.VMEM((CS, ZW), F32),
            pltpu.VMEM((CS, ZW), F32),
            pltpu.VMEM((CS, ZW), F32),
            pltpu.VMEM((CH, ZW), F32),
            pltpu.VMEM_SHARED((N_PAD, ZW), F32),
            pltpu.SemaphoreType.DMA,
            pltpu.SemaphoreType.DMA,
            pltpu.SemaphoreType.DMA,
            pltpu.SemaphoreType.DMA,
        ],
        compiler_params=pltpu.CompilerParams(use_tc_tiling_on_sc=False),
    )(zf, znf, tgt_s3, src_s3)


def _node_body(acc_ref, lp_ref, w4l_ref, b4_ref, w5_ref, b5_ref, y_ref):
    a = acc_ref[0][:, :12]
    h4 = jax.nn.relu(a + lp_ref[0] * w4l_ref[...] + b4_ref[...])
    y_ref[0] = jax.nn.sigmoid(jnp.dot(h4, w5_ref[...], preferred_element_type=F32)
                              + b5_ref[...])


def _node_mlp(acc, lp, w4l, b4r, w5, b5r):
    nb = 1000
    return pl.pallas_call(
        _node_body,
        grid=(B, N // nb),
        in_specs=[
            pl.BlockSpec((1, nb, ZW), lambda b, i: (b, i, 0)),
            pl.BlockSpec((1, nb, 1), lambda b, i: (b, i, 0)),
            pl.BlockSpec((1, 12), lambda b, i: (0, 0)),
            pl.BlockSpec((1, 12), lambda b, i: (0, 0)),
            pl.BlockSpec((12, 1), lambda b, i: (0, 0)),
            pl.BlockSpec((1, 1), lambda b, i: (0, 0)),
        ],
        out_specs=pl.BlockSpec((1, nb, 1), lambda b, i: (b, i, 0)),
        out_shape=jax.ShapeDtypeStruct((B, N, 1), F32),
    )(acc, lp, w4l, b4r, w5, b5r)


def kernel(node_features, edge_weight, label_prev, edge_index,
           W1, b1, W2, b2, W3, b3, W4, b4, W5, b5):
    src = edge_index[0]
    tgt = edge_index[1]
    pad = E_PAD - E

    src_p = jnp.concatenate([src, jnp.zeros((pad,), jnp.int32)])
    tgt_p = jnp.concatenate([tgt, jnp.zeros((pad,), jnp.int32)])
    gi = jnp.arange(E_PAD, dtype=jnp.int32)
    ii = gi % CG
    gp = (gi - ii) + 4 * (ii % (CG // 4)) + ii // (CG // 4)
    src_p = jnp.take(src_p, gp)
    tgt_p = jnp.take(tgt_p, gp)
    src_g4 = jnp.concatenate([src_p, src_p + N]).reshape(NC, NS, PER_TILE)
    tgt_g4 = jnp.concatenate([tgt_p, tgt_p + N]).reshape(NC, NS, PER_TILE)

    r = jnp.arange(E_PAD, dtype=jnp.int32)
    k = r % 8
    eo = (BE * (r // BE) + 2 * RB2 * (k // 4)
          + 4 * ((r % BE) // 8) + k % 4)
    dump = jnp.full((pad,), N, jnp.int32)
    src_s3 = jnp.take(jnp.concatenate([src, dump]), eo).reshape(NS, PER_TILE)
    tgt_s3 = jnp.take(jnp.concatenate([tgt, dump]), eo).reshape(NS, PER_TILE)

    ew_p = jnp.pad(edge_weight, ((0, 0), (0, pad)))
    nr = RB2 // 2
    ew8 = (ew_p.reshape(B, E_PAD // BE, 2, 2, D, 4)
           .transpose(0, 1, 2, 5, 3, 4)
           .reshape(B, E_PAD // BE, 8, 2, D))

    w1s = W1[:D]
    w1t = W1[D:2 * D]
    w1e = W1[2 * D].reshape(1, H1)
    w4a = jnp.pad(W4[:H1], ((0, 0), (0, ZW - 12)))
    w4l = W4[H1].reshape(1, 12)

    p, q = _tables(node_features, w1s, w1t, b1.reshape(1, H1))
    gs, gt = _gather(p.reshape(B * N, PW), q.reshape(B * N, PW), src_g4, tgt_g4)
    z, zn = _edge_mlp(gs.reshape(B, E_PAD // 4, D), gt.reshape(B, E_PAD // 4, D),
                      ew8, w1e, W2, b2.reshape(1, H2), W3,
                      b3.reshape(1, H1), w4a)
    acc = _scatter(z.reshape(B * E_PAD, ZW), zn.reshape(B * E_PAD, ZW),
                   tgt_s3, src_s3)
    y = _node_mlp(acc.reshape(B, N_PAD, ZW), label_prev, w4l,
                  b4.reshape(1, 12), W5, b5.reshape(1, 1))
    return y

# --- scband reference (transcript-rebuilt; emitter-appended) ---
"""Pipeline reference for scband-edge-gnn-53678501265910 (READ-ONLY COPY).

The authoritative reference and input builder live on the scoring server;
editing this copy changes nothing except your own understanding.
"""

import jax, jax.numpy as jnp
import numpy as np

B, N, D, E = 2, 10000, 128, 160000
IN_DIM = 2 * D + 1  # 257


def _lin_init(key, fan_in, fan_out):
    kw, kb = jax.random.split(key)
    lim = 1.0 / np.sqrt(fan_in)
    W = jax.random.uniform(kw, (fan_in, fan_out), minval=-lim, maxval=lim, dtype=jnp.float32)
    b = jax.random.uniform(kb, (fan_out,), minval=-lim, maxval=lim, dtype=jnp.float32)
    return W, b


def setup_inputs(seed: int = 0):
    key = jax.random.key(seed)
    ks = jax.random.split(key, 10)
    inp = {}
    inp["node_features"] = jax.random.normal(ks[0], (B, N, D), dtype=jnp.float32)
    inp["edge_weight"] = jax.random.uniform(ks[1], (B, E), dtype=jnp.float32)
    inp["label_prev"] = jax.random.uniform(ks[2], (B, N, 1), dtype=jnp.float32)
    inp["edge_index"] = jax.random.randint(ks[3], (2, E), 0, N, dtype=jnp.int32)
    inp["W1"], inp["b1"] = _lin_init(ks[4], IN_DIM, 64)
    inp["W2"], inp["b2"] = _lin_init(ks[5], 64, 32)
    inp["W3"], inp["b3"] = _lin_init(ks[6], 32, 64)
    inp["W4"], inp["b4"] = _lin_init(ks[7], 64 + 1, 12)
    inp["W5"], inp["b5"] = _lin_init(ks[8], 12, 1)
    return inp


def reference(node_features, edge_weight, label_prev, edge_index, W1, b1, W2, b2, W3, b3, W4, b4, W5, b5):
    src = edge_index[0]
    tgt = edge_index[1]
    # gather endpoint features along the node axis (dim=1)
    node_src = jnp.take(node_features, src, axis=1)
    node_tgt = jnp.take(node_features, tgt, axis=1)
    lp = jnp.squeeze(label_prev)[..., None]
    out = jnp.concatenate([node_src, node_tgt, edge_weight[..., None]], axis=-1).astype(jnp.float32)
    # edge_mlp (dropout is identity in eval / p=0.0)
    h = jax.nn.relu(out @ W1 + b1)
    h = jax.nn.relu(h @ W2 + b2)
    e = jax.nn.sigmoid(h @ W3 + b3)
    # scatter_add along node axis
    zeros = jnp.zeros((node_features.shape[0], node_features.shape[1], e.shape[-1]), dtype=e.dtype)
    out_add = zeros.at[:, tgt].add(e)
    out_sub = zeros.at[:, src].add(-e)
    agg = out_add + out_sub
    agg = jnp.concatenate([agg, lp], axis=-1).astype(jnp.float32)
    # node_mlp
    h2 = jax.nn.relu(agg @ W4 + b4)
    y = jax.nn.sigmoid(h2 @ W5 + b5)
    return y

if __name__ == "__main__":
    import jax
    _d = setup_inputs()
    print(jax.jit(kernel)(*tuple(_d.values())))

</pallas_src>

<mosaic_0001>
#map = affine_map<(d0, d1) -> (0, 0)>
#map1 = affine_map<(d0, d1) -> (0, 0, 0)>
module attributes {stable_mosaic.version = 14 : i64} {
  func.func @_gather_body(%arg0: i32, %arg1: i32, %arg2: memref<20000x32xf32, #tpu.memory_space<hbm>>, %arg3: memref<20000x32xf32, #tpu.memory_space<hbm>>, %arg4: memref<2x16x10240xi32, #tpu.memory_space<hbm>>, %arg5: memref<2x16x10240xi32, #tpu.memory_space<hbm>>, %arg6: memref<81920x128xf32, #tpu.memory_space<hbm>>, %arg7: memref<81920x128xf32, #tpu.memory_space<hbm>>, %arg8: memref<10240xi32, #tpu.memory_space<vmem>>, %arg9: memref<10240xi32, #tpu.memory_space<vmem>>, %arg10: memref<512x32xf32, #tpu.memory_space<vmem>>, %arg11: memref<512x32xf32, #tpu.memory_space<vmem>>, %arg12: memref<512x32xf32, #tpu.memory_space<vmem>>, %arg13: memref<512x32xf32, #tpu.memory_space<vmem>>, %arg14: memref<!tpu.dma_semaphore, #tpu.memory_space<semaphore_mem>>, %arg15: memref<!tpu.dma_semaphore, #tpu.memory_space<semaphore_mem>>, %arg16: memref<!tpu.dma_semaphore, #tpu.memory_space<semaphore_mem>>, %arg17: memref<!tpu.dma_semaphore, #tpu.memory_space<semaphore_mem>>) attributes {dimension_semantics = [#tpu.dimension_semantics<core_parallel>, #tpu.dimension_semantics<subcore_parallel>], iteration_bounds = array<i64: 2, 16>, scalar_prefetch = 0 : i64, scratch_operands = 10 : i64, tpu.core_type = #tpu.core_type<sc_vector_subcore>, window_params = [{transform_indices = #map}, {transform_indices = #map}, {transform_indices = #map1}, {transform_indices = #map1}, {transform_indices = #map}, {transform_indices = #map}]} {
    "tpu.region"() ({
      %run_scoped3A = tpu.sem_alloc : memref<!tpu.dma_semaphore, #tpu.memory_space<semaphore_mem>>
      %dma_start3A_192 = arith.constant 0 : i32
      %dma_start3A_193 = tpu.memref_slice %arg4[%arg0, %arg1, %dma_start3A_192] : memref<2x16x10240xi32, #tpu.memory_space<hbm>> -> memref<1x1x10240xi32, #tpu.memory_space<hbm>>
      %dma_start3A_194 = tpu.memref_squeeze %dma_start3A_193 : memref<1x1x10240xi32, #tpu.memory_space<hbm>> -> memref<10240xi32, #tpu.memory_space<hbm>>
      %dma_start3A_195 = arith.constant 0 : i32
      %dma_start3A_196 = tpu.memref_slice %arg4[%arg0, %arg1, %dma_start3A_195] : memref<2x16x10240xi32, #tpu.memory_space<hbm>> -> memref<1x1x10240xi32, #tpu.memory_space<hbm>>
      %dma_start3A_197 = tpu.memref_squeeze %dma_start3A_196 : memref<1x1x10240xi32, #tpu.memory_space<hbm>> -> memref<10240xi32, #tpu.memory_space<hbm>>
      tpu.enqueue_dma source(%dma_start3A_197 : memref<10240xi32, #tpu.memory_space<hbm>>) target(%arg8 : memref<10240xi32, #tpu.memory_space<vmem>>) target_semaphore(%run_scoped3A : memref<!tpu.dma_semaphore, #tpu.memory_space<semaphore_mem>>)
      %dma_wait3A_198 = arith.constant 0 : i32
      %dma_wait3A_199 = tpu.memref_slice %arg4[%arg0, %arg1, %dma_wait3A_198] : memref<2x16x10240xi32, #tpu.memory_space<hbm>> -> memref<1x1x10240xi32, #tpu.memory_space<hbm>>
      %dma_wait3A_200 = tpu.memref_squeeze %dma_wait3A_199 : memref<1x1x10240xi32, #tpu.memory_space<hbm>> -> memref<10240xi32, #tpu.memory_space<hbm>>
      %dma_wait3A_201 = arith.constant 0 : i32
      %dma_wait3A_202 = tpu.memref_slice %arg4[%arg0, %arg1, %dma_wait3A_201] : memref<2x16x10240xi32, #tpu.memory_space<hbm>> -> memref<1x1x10240xi32, #tpu.memory_space<hbm>>
      %dma_wait3A_203 = tpu.memref_squeeze %dma_wait3A_202 : memref<1x1x10240xi32, #tpu.memory_space<hbm>> -> memref<10240xi32, #tpu.memory_space<hbm>>
      tpu.wait_dma2 semaphore(%run_scoped3A : memref<!tpu.dma_semaphore, #tpu.memory_space<semaphore_mem>>) src(%dma_wait3A_203 : memref<10240xi32, #tpu.memory_space<hbm>>) dst(%arg8 : memref<10240xi32, #tpu.memory_space<vmem>>)
      tpu.yield
    }) : () -> ()
    "tpu.region"() ({
      %run_scoped3A = tpu.sem_alloc : memref<!tpu.dma_semaphore, #tpu.memory_space<semaphore_mem>>
      %dma_start3A_192 = arith.constant 0 : i32
      %dma_start3A_193 = tpu.memref_slice %arg5[%arg0, %arg1, %dma_start3A_192] : memref<2x16x10240xi32, #tpu.memory_space<hbm>> -> memref<1x1x10240xi32, #tpu.memory_space<hbm>>
      %dma_start3A_194 = tpu.memref_squeeze %dma_start3A_193 : memref<1x1x10240xi32, #tpu.memory_space<hbm>> -> memref<10240xi32, #tpu.memory_space<hbm>>
      %dma_start3A_195 = arith.constant 0 : i32
      %dma_start3A_196 = tpu.memref_slice %arg5[%arg0, %arg1, %dma_start3A_195] : memref<2x16x10240xi32, #tpu.memory_space<hbm>> -> memref<1x1x10240xi32, #tpu.memory_space<hbm>>
      %dma_start3A_197 = tpu.memref_squeeze %dma_start3A_196 : memref<1x1x10240xi32, #tpu.memory_space<hbm>> -> memref<10240xi32, #tpu.memory_space<hbm>>
      tpu.enqueue_dma source(%dma_start3A_197 : memref<10240xi32, #tpu.memory_space<hbm>>) target(%arg9 : memref<10240xi32, #tpu.memory_space<vmem>>) target_semaphore(%run_scoped3A : memref<!tpu.dma_semaphore, #tpu.memory_space<semaphore_mem>>)
      %dma_wait3A_198 = arith.constant 0 : i32
      %dma_wait3A_199 = tpu.memref_slice %arg5[%arg0, %arg1, %dma_wait3A_198] : memref<2x16x10240xi32, #tpu.memory_space<hbm>> -> memref<1x1x10240xi32, #tpu.memory_space<hbm>>
      %dma_wait3A_200 = tpu.memref_squeeze %dma_wait3A_199 : memref<1x1x10240xi32, #tpu.memory_space<hbm>> -> memref<10240xi32, #tpu.memory_space<hbm>>
      %dma_wait3A_201 = arith.constant 0 : i32
      %dma_wait3A_202 = tpu.memref_slice %arg5[%arg0, %arg1, %dma_wait3A_201] : memref<2x16x10240xi32, #tpu.memory_space<hbm>> -> memref<1x1x10240xi32, #tpu.memory_space<hbm>>
      %dma_wait3A_203 = tpu.memref_squeeze %dma_wait3A_202 : memref<1x1x10240xi32, #tpu.memory_space<hbm>> -> memref<10240xi32, #tpu.memory_space<hbm>>
      tpu.wait_dma2 semaphore(%run_scoped3A : memref<!tpu.dma_semaphore, #tpu.memory_space<semaphore_mem>>) src(%dma_wait3A_203 : memref<10240xi32, #tpu.memory_space<hbm>>) dst(%arg9 : memref<10240xi32, #tpu.memory_space<vmem>>)
      tpu.yield
    }) : () -> ()
    %mul3A = arith.constant 163840 : i32
    %mul3A_0 = arith.muli %arg0, %mul3A : i32
    %mul3A_1 = arith.constant 10240 : i32
    %mul3A_2 = arith.muli %arg1, %mul3A_1 : i32
    %add3A = arith.addi %mul3A_0, %mul3A_2 : i32
    %jit3A = arith.constant 4 : i32
    %div3A = arith.divsi %add3A, %jit3A : i32
    %sign3A = arith.constant 0 : i32
    %sign3A_3 = arith.cmpi sgt, %add3A, %sign3A : i32
    %sign3A_4 = arith.extui %sign3A_3 : i1 to i32
    %sign3A_5 = arith.constant 0 : i32
    %sign3A_6 = arith.cmpi slt, %add3A, %sign3A_5 : i32
    %sign3A_7 = arith.extui %sign3A_6 : i1 to i32
    %sign3A_8 = arith.subi %sign3A_4, %sign3A_7 : i32
    %sign3A_9 = arith.constant 0 : i32
    %sign3A_10 = arith.cmpi sgt, %jit3A, %sign3A_9 : i32
    %sign3A_11 = arith.extui %sign3A_10 : i1 to i32
    %sign3A_12 = arith.constant 0 : i32
    %sign3A_13 = arith.cmpi slt, %jit3A, %sign3A_12 : i32
    %sign3A_14 = arith.extui %sign3A_13 : i1 to i32
    %sign3A_15 = arith.subi %sign3A_11, %sign3A_14 : i32
    %ne3A = arith.cmpi ne, %sign3A_8, %sign3A_15 : i32
    %rem3A = arith.remsi %add3A, %jit3A : i32
    %ne3A_16 = arith.constant 0 : i32
    %ne3A_17 = arith.cmpi ne, %rem3A, %ne3A_16 : i32
    %and3A = arith.andi %ne3A, %ne3A_17 : i1
    %sub3A = arith.constant 1 : i32
    %sub3A_18 = arith.subi %div3A, %sub3A : i32
    %select_n3A = arith.select %and3A, %sub3A_18, %div3A : i32
    %dma_start3A = arith.constant 0 : i32
    %dma_start3A_19 = tpu.memref_slice %arg8[%dma_start3A] : memref<10240xi32, #tpu.memory_space<vmem>> -> memref<512xi32, #tpu.memory_space<vmem>>
    %dma_start3A_20 = arith.constant 0 : i32
    %dma_start3A_21 = arith.constant 0 : i32
    %dma_start3A_22 = tpu.memref_slice %arg2[%dma_start3A_20, %dma_start3A_21] : memref<20000x32xf32, #tpu.memory_space<hbm>> -> memref<20000x32xf32, #tpu.memory_space<hbm>>
    tpu.enqueue_indirect_dma source(%dma_start3A_22 : memref<20000x32xf32, #tpu.memory_space<hbm>>) target(%arg10 : memref<512x32xf32, #tpu.memory_space<vmem>>) offsets(%dma_start3A_19 : memref<512xi32, #tpu.memory_space<vmem>>) semaphore(%arg14 : memref<!tpu.dma_semaphore, #tpu.memory_space<semaphore_mem>>)
    %dma_start3A_23 = arith.constant 0 : i32
    %dma_start3A_24 = tpu.memref_slice %arg9[%dma_start3A_23] : memref<10240xi32, #tpu.memory_space<vmem>> -> memref<512xi32, #tpu.memory_space<vmem>>
    %dma_start3A_25 = arith.constant 0 : i32
    %dma_start3A_26 = arith.constant 0 : i32
    %dma_start3A_27 = tpu.memref_slice %arg3[%dma_start3A_25, %dma_start3A_26] : memref<20000x32xf32, #tpu.memory_space<hbm>> -> memref<20000x32xf32, #tpu.memory_space<hbm>>
    tpu.enqueue_indirect_dma source(%dma_start3A_27 : memref<20000x32xf32, #tpu.memory_space<hbm>>) target(%arg11 : memref<512x32xf32, #tpu.memory_space<vmem>>) offsets(%dma_start3A_24 : memref<512xi32, #tpu.memory_space<vmem>>) semaphore(%arg14 : memref<!tpu.dma_semaphore, #tpu.memory_space<semaphore_mem>>)
    %scan3A = arith.constant 0 : i32
    %scan3A_28 = arith.constant 0 : i32
    %scan3A_29 = arith.constant 10 : i32
    %scan3A_30 = arith.addi %scan3A_28, %scan3A_29 : i32
    %scan3A_31 = arith.constant 1 : i32
    scf.for %scan3A_192 = %scan3A_28 to %scan3A_30 step %scan3A_31  : i32 {
      %mul3A_193 = arith.constant 2 : i32
      %mul3A_194 = arith.muli %mul3A_193, %scan3A_192 : i32
      %gt3A = arith.constant 0 : i32
      %gt3A_195 = arith.cmpi sgt, %scan3A_192, %gt3A : i32
      %convert_element_type3A = arith.extui %gt3A_195 : i1 to i32
      %cond3A = arith.constant 0 : i32
      %cond3A_196 = arith.cmpi ne, %convert_element_type3A, %cond3A : i32
      scf.if %cond3A_196 {
        %dma_wait3A_403 = arith.constant 0 : i32
        %dma_wait3A_404 = arith.constant 0 : i32
        %dma_wait3A_405 = tpu.memref_slice %arg12[%dma_wait3A_403, %dma_wait3A_404] : memref<512x32xf32, #tpu.memory_space<vmem>> -> memref<128x32xf32, #tpu.memory_space<vmem>>
        %dma_wait3A_406 = arith.constant 0 : i32
        %dma_wait3A_407 = tpu.memref_slice %arg6[%select_n3A, %dma_wait3A_406] : memref<81920x128xf32, #tpu.memory_space<hbm>> -> memref<128x32xf32, #tpu.memory_space<hbm>>
        %dma_wait3A_408 = arith.constant 0 : i32
        %dma_wait3A_409 = tpu.memref_slice %arg6[%select_n3A, %dma_wait3A_408] : memref<81920x128xf32, #tpu.memory_space<hbm>> -> memref<128x32xf32, #tpu.memory_space<hbm>>
        %dma_wait3A_410 = arith.constant 0 : i32
        %dma_wait3A_411 = arith.constant 0 : i32
        %dma_wait3A_412 = tpu.memref_slice %arg12[%dma_wait3A_410, %dma_wait3A_411] : memref<512x32xf32, #tpu.memory_space<vmem>> -> memref<128x32xf32, #tpu.memory_space<vmem>>
        tpu.wait_dma2 semaphore(%arg17 : memref<!tpu.dma_semaphore, #tpu.memory_space<semaphore_mem>>) src(%dma_wait3A_412 : memref<128x32xf32, #tpu.memory_space<vmem>>) dst(%dma_wait3A_409 : memref<128x32xf32, #tpu.memory_space<hbm>>)
        %dma_wait3A_413 = arith.constant 0 : i32
        %dma_wait3A_414 = arith.constant 0 : i32
        %dma_wait3A_415 = tpu.memref_slice %arg13[%dma_wait3A_413, %dma_wait3A_414] : memref<512x32xf32, #tpu.memory_space<vmem>> -> memref<128x32xf32, #tpu.memory_space<vmem>>
        %dma_wait3A_416 = arith.constant 0 : i32
        %dma_wait3A_417 = tpu.memref_slice %arg7[%select_n3A, %dma_wait3A_416] : memref<81920x128xf32, #tpu.memory_space<hbm>> -> memref<128x32xf32, #tpu.memory_space<hbm>>
        %dma_wait3A_418 = arith.constant 0 : i32
        %dma_wait3A_419 = tpu.memref_slice %arg7[%select_n3A, %dma_wait3A_418] : memref<81920x128xf32, #tpu.memory_space<hbm>> -> memref<128x32xf32, #tpu.memory_space<hbm>>
        %dma_wait3A_420 = arith.constant 0 : i32
        %dma_wait3A_421 = arith.constant 0 : i32
        %dma_wait3A_422 = tpu.memref_slice %arg13[%dma_wait3A_420, %dma_wait3A_421] : memref<512x32xf32, #tpu.memory_space<vmem>> -> memref<128x32xf32, #tpu.memory_space<vmem>>
        tpu.wait_dma2 semaphore(%arg17 : memref<!tpu.dma_semaphore, #tpu.memory_space<semaphore_mem>>) src(%dma_wait3A_422 : memref<128x32xf32, #tpu.memory_space<vmem>>) dst(%dma_wait3A_419 : memref<128x32xf32, #tpu.memory_space<hbm>>)
        %dma_wait3A_423 = arith.constant 128 : i32
        %dma_wait3A_424 = arith.constant 0 : i32
        %dma_wait3A_425 = tpu.memref_slice %arg12[%dma_wait3A_423, %dma_wait3A_424] : memref<512x32xf32, #tpu.memory_space<vmem>> -> memref<128x32xf32, #tpu.memory_space<vmem>>
        %dma_wait3A_426 = arith.constant 32 : i32
        %dma_wait3A_427 = tpu.memref_slice %arg6[%select_n3A, %dma_wait3A_426] : memref<81920x128xf32, #tpu.memory_space<hbm>> -> memref<128x32xf32, #tpu.memory_space<hbm>>
        %dma_wait3A_428 = arith.constant 32 : i32
        %dma_wait3A_429 = tpu.memref_slice %arg6[%select_n3A, %dma_wait3A_428] : memref<81920x128xf32, #tpu.memory_space<hbm>> -> memref<128x32xf32, #tpu.memory_space<hbm>>
        %dma_wait3A_430 = arith.constant 128 : i32
        %dma_wait3A_431 = arith.constant 0 : i32
        %dma_wait3A_432 = tpu.memref_slice %arg12[%dma_wait3A_430, %dma_wait3A_431] : memref<512x32xf32, #tpu.memory_space<vmem>> -> memref<128x32xf32, #tpu.memory_space<vmem>>
        tpu.wait_dma2 semaphore(%arg17 : memref<!tpu.dma_semaphore, #tpu.memory_space<semaphore_mem>>) src(%dma_wait3A_432 : memref<128x32xf32, #tpu.memory_space<vmem>>) dst(%dma_wait3A_429 : memref<128x32xf32, #tpu.memory_space<hbm>>)
        %dma_wait3A_433 = arith.constant 128 : i32
        %dma_wait3A_434 = arith.constant 0 : i32
        %dma_wait3A_435 = tpu.memref_slice %arg13[%dma_wait3A_433, %dma_wait3A_434] : memref<512x32xf32, #tpu.memory_space<vmem>> -> memref<128x32xf32, #tpu.memory_space<vmem>>
        %dma_wait3A_436 = arith.constant 32 : i32
        %dma_wait3A_437 = tpu.memref_slice %arg7[%select_n3A, %dma_wait3A_436] : memref<81920x128xf32, #tpu.memory_space<hbm>> -> memref<128x32xf32, #tpu.memory_space<hbm>>
        %dma_wait3A_438 = arith.constant 32 : i32
        %dma_wait3A_439 = tpu.memref_slice %arg7[%select_n3A, %dma_wait3A_438] : memref<81920x128xf32, #tpu.memory_space<hbm>> -> memref<128x32xf32, #tpu.memory_space<hbm>>
        %dma_wait3A_440 = arith.constant 128 : i32
        %dma_wait3A_441 = arith.constant 0 : i32
        %dma_wait3A_442 = tpu.memref_slice %arg13[%dma_wait3A_440, %dma_wait3A_441] : memref<512x32xf32, #tpu.memory_space<vmem>> -> memref<128x32xf32, #tpu.memory_space<vmem>>
        tpu.wait_dma2 semaphore(%arg17 : memref<!tpu.dma_semaphore, #tpu.memory_space<semaphore_mem>>) src(%dma_wait3A_442 : memref<128x32xf32, #tpu.memory_space<vmem>>) dst(%dma_wait3A_439 : memref<128x32xf32, #tpu.memory_space<hbm>>)
        %dma_wait3A_443 = arith.constant 256 : i32
        %dma_wait3A_444 = arith.constant 0 : i32
        %dma_wait3A_445 = tpu.memref_slice %arg12[%dma_wait3A_443, %dma_wait3A_444] : memref<512x32xf32, #tpu.memory_space<vmem>> -> memref<128x32xf32, #tpu.memory_space<vmem>>
        %dma_wait3A_446 = arith.constant 64 : i32
        %dma_wait3A_447 = tpu.memref_slice %arg6[%select_n3A, %dma_wait3A_446] : memref<81920x128xf32, #tpu.memory_space<hbm>> -> memref<128x32xf32, #tpu.memory_space<hbm>>
        %dma_wait3A_448 = arith.constant 64 : i32
        %dma_wait3A_449 = tpu.memref_slice %arg6[%select_n3A, %dma_wait3A_448] : memref<81920x128xf32, #tpu.memory_space<hbm>> -> memref<128x32xf32, #tpu.memory_space<hbm>>
        %dma_wait3A_450 = arith.constant 256 : i32
        %dma_wait3A_451 = arith.constant 0 : i32
        %dma_wait3A_452 = tpu.memref_slice %arg12[%dma_wait3A_450, %dma_wait3A_451] : memref<512x32xf32, #tpu.memory_space<vmem>> -> memref<128x32xf32, #tpu.memory_space<vmem>>
        tpu.wait_dma2 semaphore(%arg17 : memref<!tpu.dma_semaphore, #tpu.memory_space<semaphore_mem>>) src(%dma_wait3A_452 : memref<128x32xf32, #tpu.memory_space<vmem>>) dst(%dma_wait3A_449 : memref<128x32xf32, #tpu.memory_space<hbm>>)
        %dma_wait3A_453 = arith.constant 256 : i32
        %dma_wait3A_454 = arith.constant 0 : i32
        %dma_wait3A_455 = tpu.memref_slice %arg13[%dma_wait3A_453, %dma_wait3A_454] : memref<512x32xf32, #tpu.memory_space<vmem>> -> memref<128x32xf32, #tpu.memory_space<vmem>>
        %dma_wait3A_456 = arith.constant 64 : i32
        %dma_wait3A_457 = tpu.memref_slice %arg7[%select_n3A, %dma_wait3A_456] : memref<81920x128xf32, #tpu.memory_space<hbm>> -> memref<128x32xf32, #tpu.memory_space<hbm>>
        %dma_wait3A_458 = arith.constant 64 : i32
        %dma_wait3A_459 = tpu.memref_slice %arg7[%select_n3A, %dma_wait3A_458] : memref<81920x128xf32, #tpu.memory_space<hbm>> -> memref<128x32xf32, #tpu.memory_space<hbm>>
        %dma_wait3A_460 = arith.constant 256 : i32
        %dma_wait3A_461 = arith.constant 0 : i32
        %dma_wait3A_462 = tpu.memref_slice %arg13[%dma_wait3A_460, %dma_wait3A_461] : memref<512x32xf32, #tpu.memory_space<vmem>> -> memref<128x32xf32, #tpu.memory_space<vmem>>
        tpu.wait_dma2 semaphore(%arg17 : memref<!tpu.dma_semaphore, #tpu.memory_space<semaphore_mem>>) src(%dma_wait3A_462 : memref<128x32xf32, #tpu.memory_space<vmem>>) dst(%dma_wait3A_459 : memref<128x32xf32, #tpu.memory_space<hbm>>)
        %dma_wait3A_463 = arith.constant 384 : i32
        %dma_wait3A_464 = arith.constant 0 : i32
        %dma_wait3A_465 = tpu.memref_slice %arg12[%dma_wait3A_463, %dma_wait3A_464] : memref<512x32xf32, #tpu.memory_space<vmem>> -> memref<128x32xf32, #tpu.memory_space<vmem>>
        %dma_wait3A_466 = arith.constant 96 : i32
        %dma_wait3A_467 = tpu.memref_slice %arg6[%select_n3A, %dma_wait3A_466] : memref<81920x128xf32, #tpu.memory_space<hbm>> -> memref<128x32xf32, #tpu.memory_space<hbm>>
        %dma_wait3A_468 = arith.constant 96 : i32
        %dma_wait3A_469 = tpu.memref_slice %arg6[%select_n3A, %dma_wait3A_468] : memref<81920x128xf32, #tpu.memory_space<hbm>> -> memref<128x32xf32, #tpu.memory_space<hbm>>
        %dma_wait3A_470 = arith.constant 384 : i32
        %dma_wait3A_471 = arith.constant 0 : i32
        %dma_wait3A_472 = tpu.memref_slice %arg12[%dma_wait3A_470, %dma_wait3A_471] : memref<512x32xf32, #tpu.memory_space<vmem>> -> memref<128x32xf32, #tpu.memory_space<vmem>>
        tpu.wait_dma2 semaphore(%arg17 : memref<!tpu.dma_semaphore, #tpu.memory_space<semaphore_mem>>) src(%dma_wait3A_472 : memref<128x32xf32, #tpu.memory_space<vmem>>) dst(%dma_wait3A_469 : memref<128x32xf32, #tpu.memory_space<hbm>>)
        %dma_wait3A_473 = arith.constant 384 : i32
        %dma_wait3A_474 = arith.constant 0 : i32
        %dma_wait3A_475 = tpu.memref_slice %arg13[%dma_wait3A_473, %dma_wait3A_474] : memref<512x32xf32, #tpu.memory_space<vmem>> -> memref<128x32xf32, #tpu.memory_space<vmem>>
        %dma_wait3A_476 = arith.constant 96 : i32
        %dma_wait3A_477 = tpu.memref_slice %arg7[%select_n3A, %dma_wait3A_476] : memref<81920x128xf32, #tpu.memory_space<hbm>> -> memref<128x32xf32, #tpu.memory_space<hbm>>
        %dma_wait3A_478 = arith.constant 96 : i32
        %dma_wait3A_479 = tpu.memref_slice %arg7[%select_n3A, %dma_wait3A_478] : memref<81920x128xf32, #tpu.memory_space<hbm>> -> memref<128x32xf32, #tpu.memory_space<hbm>>
        %dma_wait3A_480 = arith.constant 384 : i32
        %dma_wait3A_481 = arith.constant 0 : i32
        %dma_wait3A_482 = tpu.memref_slice %arg13[%dma_wait3A_480, %dma_wait3A_481] : memref<512x32xf32, #tpu.memory_space<vmem>> -> memref<128x32xf32, #tpu.memory_space<vmem>>
        tpu.wait_dma2 semaphore(%arg17 : memref<!tpu.dma_semaphore, #tpu.memory_space<semaphore_mem>>) src(%dma_wait3A_482 : memref<128x32xf32, #tpu.memory_space<vmem>>) dst(%dma_wait3A_479 : memref<128x32xf32, #tpu.memory_space<hbm>>)
      } else {
      }
      %add3A_197 = arith.constant 1 : i32
      %add3A_198 = arith.addi %mul3A_194, %add3A_197 : i32
      %mul3A_199 = arith.constant 512 : i32
      %mul3A_200 = arith.muli %add3A_198, %mul3A_199 : i32
      %dma_start3A_201 = tpu.memref_slice %arg8[%mul3A_200] : memref<10240xi32, #tpu.memory_space<vmem>> -> memref<512xi32, #tpu.memory_space<vmem>>
      %dma_start3A_202 = arith.constant 0 : i32
      %dma_start3A_203 = arith.constant 0 : i32
      %dma_start3A_204 = tpu.memref_slice %arg2[%dma_start3A_202, %dma_start3A_203] : memref<20000x32xf32, #tpu.memory_space<hbm>> -> memref<20000x32xf32, #tpu.memory_space<hbm>>
      tpu.enqueue_indirect_dma source(%dma_start3A_204 : memref<20000x32xf32, #tpu.memory_space<hbm>>) target(%arg12 : memref<512x32xf32, #tpu.memory_space<vmem>>) offsets(%dma_start3A_201 : memref<512xi32, #tpu.memory_space<vmem>>) semaphore(%arg15 : memref<!tpu.dma_semaphore, #tpu.memory_space<semaphore_mem>>)
      %mul3A_205 = arith.constant 512 : i32
      %mul3A_206 = arith.muli %add3A_198, %mul3A_205 : i32
      %dma_start3A_207 = tpu.memref_slice %arg9[%mul3A_206] : memref<10240xi32, #tpu.memory_space<vmem>> -> memref<512xi32, #tpu.memory_space<vmem>>
      %dma_start3A_208 = arith.constant 0 : i32
      %dma_start3A_209 = arith.constant 0 : i32
      %dma_start3A_210 = tpu.memref_slice %arg3[%dma_start3A_208, %dma_start3A_209] : memref<20000x32xf32, #tpu.memory_space<hbm>> -> memref<20000x32xf32, #tpu.memory_space<hbm>>
      tpu.enqueue_indirect_dma source(%dma_start3A_210 : memref<20000x32xf32, #tpu.memory_space<hbm>>) target(%arg13 : memref<512x32xf32, #tpu.memory_space<vmem>>) offsets(%dma_start3A_207 : memref<512xi32, #tpu.memory_space<vmem>>) semaphore(%arg15 : memref<!tpu.dma_semaphore, #tpu.memory_space<semaphore_mem>>)
      %dma_wait3A_211 = arith.constant 0 : i32
      %dma_wait3A_212 = tpu.memref_slice %arg8[%dma_wait3A_211] : memref<10240xi32, #tpu.memory_space<vmem>> -> memref<512xi32, #tpu.memory_space<vmem>>
      %dma_wait3A_213 = arith.constant 0 : i32
      %dma_wait3A_214 = arith.constant 0 : i32
      %dma_wait3A_215 = tpu.memref_slice %arg2[%dma_wait3A_213, %dma_wait3A_214] : memref<20000x32xf32, #tpu.memory_space<hbm>> -> memref<20000x32xf32, #tpu.memory_space<hbm>>
      tpu.wait_indirect_dma semaphore(%arg14 : memref<!tpu.dma_semaphore, #tpu.memory_space<semaphore_mem>>) src(%dma_wait3A_215 : memref<20000x32xf32, #tpu.memory_space<hbm>>) dst(%arg10 : memref<512x32xf32, #tpu.memory_space<vmem>>)
      %dma_wait3A_216 = arith.constant 0 : i32
      %dma_wait3A_217 = tpu.memref_slice %arg9[%dma_wait3A_216] : memref<10240xi32, #tpu.memory_space<vmem>> -> memref<512xi32, #tpu.memory_space<vmem>>
      %dma_wait3A_218 = arith.constant 0 : i32
      %dma_wait3A_219 = arith.constant 0 : i32
      %dma_wait3A_220 = tpu.memref_slice %arg3[%dma_wait3A_218, %dma_wait3A_219] : memref<20000x32xf32, #tpu.memory_space<hbm>> -> memref<20000x32xf32, #tpu.memory_space<hbm>>
      tpu.wait_indirect_dma semaphore(%arg14 : memref<!tpu.dma_semaphore, #tpu.memory_space<semaphore_mem>>) src(%dma_wait3A_220 : memref<20000x32xf32, #tpu.memory_space<hbm>>) dst(%arg11 : memref<512x32xf32, #tpu.memory_space<vmem>>)
      %mul3A_221 = arith.constant 128 : i32
      %mul3A_222 = arith.muli %mul3A_194, %mul3A_221 : i32
      %add3A_223 = arith.addi %select_n3A, %mul3A_222 : i32
      %dma_start3A_224 = arith.constant 0 : i32
      %dma_start3A_225 = arith.constant 0 : i32
      %dma_start3A_226 = tpu.memref_slice %arg10[%dma_start3A_224, %dma_start3A_225] : memref<512x32xf32, #tpu.memory_space<vmem>> -> memref<128x32xf32, #tpu.memory_space<vmem>>
      %dma_start3A_227 = arith.constant 0 : i32
      %dma_start3A_228 = tpu.memref_slice %arg6[%add3A_223, %dma_start3A_227] : memref<81920x128xf32, #tpu.memory_space<hbm>> -> memref<128x32xf32, #tpu.memory_space<hbm>>
      %dma_start3A_229 = arith.constant 0 : i32
      %dma_start3A_230 = tpu.memref_slice %arg6[%add3A_223, %dma_start3A_229] : memref<81920x128xf32, #tpu.memory_space<hbm>> -> memref<128x32xf32, #tpu.memory_space<hbm>>
      %dma_start3A_231 = arith.constant 0 : i32
      %dma_start3A_232 = arith.constant 0 : i32
      %dma_start3A_233 = tpu.memref_slice %arg10[%dma_start3A_231, %dma_start3A_232] : memref<512x32xf32, #tpu.memory_space<vmem>> -> memref<128x32xf32, #tpu.memory_space<vmem>>
      tpu.enqueue_dma source(%dma_start3A_233 : memref<128x32xf32, #tpu.memory_space<vmem>>) target(%dma_start3A_230 : memref<128x32xf32, #tpu.memory_space<hbm>>) target_semaphore(%arg16 : memref<!tpu.dma_semaphore, #tpu.memory_space<semaphore_mem>>)
      %dma_start3A_234 = arith.constant 0 : i32
      %dma_start3A_235 = arith.constant 0 : i32
      %dma_start3A_236 = tpu.memref_slice %arg11[%dma_start3A_234, %dma_start3A_235] : memref<512x32xf32, #tpu.memory_space<vmem>> -> memref<128x32xf32, #tpu.memory_space<vmem>>
      %dma_start3A_237 = arith.constant 0 : i32
      %dma_start3A_238 = tpu.memref_slice %arg7[%add3A_223, %dma_start3A_237] : memref<81920x128xf32, #tpu.memory_space<hbm>> -> memref<128x32xf32, #tpu.memory_space<hbm>>
      %dma_start3A_239 = arith.constant 0 : i32
      %dma_start3A_240 = tpu.memref_slice %arg7[%add3A_223, %dma_start3A_239] : memref<81920x128xf32, #tpu.memory_space<hbm>> -> memref<128x32xf32, #tpu.memory_space<hbm>>
      %dma_start3A_241 = arith.constant 0 : i32
      %dma_start3A_242 = arith.constant 0 : i32
      %dma_start3A_243 = tpu.memref_slice %arg11[%dma_start3A_241, %dma_start3A_242] : memref<512x32xf32, #tpu.memory_space<vmem>> -> memref<128x32xf32, #tpu.memory_space<vmem>>
      tpu.enqueue_dma source(%dma_start3A_243 : memref<128x32xf32, #tpu.memory_space<vmem>>) target(%dma_start3A_240 : memref<128x32xf32, #tpu.memory_space<hbm>>) target_semaphore(%arg16 : memref<!tpu.dma_semaphore, #tpu.memory_space<semaphore_mem>>)
      %dma_start3A_244 = arith.constant 128 : i32
      %dma_start3A_245 = arith.constant 0 : i32
      %dma_start3A_246 = tpu.memref_slice %arg10[%dma_start3A_244, %dma_start3A_245] : memref<512x32xf32, #tpu.memory_space<vmem>> -> memref<128x32xf32, #tpu.memory_space<vmem>>
      %dma_start3A_247 = arith.constant 32 : i32
      %dma_start3A_248 = tpu.memref_slice %arg6[%add3A_223, %dma_start3A_247] : memref<81920x128xf32, #tpu.memory_space<hbm>> -> memref<128x32xf32, #tpu.memory_space<hbm>>
      %dma_start3A_249 = arith.constant 32 : i32
      %dma_start3A_250 = tpu.memref_slice %arg6[%add3A_223, %dma_start3A_249] : memref<81920x128xf32, #tpu.memory_space<hbm>> -> memref<128x32xf32, #tpu.memory_space<hbm>>
      %dma_start3A_251 = arith.constant 128 : i32
      %dma_start3A_252 = arith.constant 0 : i32
      %dma_start3A_253 = tpu.memref_slice %arg10[%dma_start3A_251, %dma_start3A_252] : memref<512x32xf32, #tpu.memory_space<vmem>> -> memref<128x32xf32, #tpu.memory_space<vmem>>
      tpu.enqueue_dma source(%dma_start3A_253 : memref<128x32xf32, #tpu.memory_space<vmem>>) target(%dma_start3A_250 : memref<128x32xf32, #tpu.memory_space<hbm>>) target_semaphore(%arg16 : memref<!tpu.dma_semaphore, #tpu.memory_space<semaphore_mem>>)
      %dma_start3A_254 = arith.constant 128 : i32
      %dma_start3A_255 = arith.constant 0 : i32
      %dma_start3A_256 = tpu.memref_slice %arg11[%dma_start3A_254, %dma_start3A_255] : memref<512x32xf32, #tpu.memory_space<vmem>> -> memref<128x32xf32, #tpu.memory_space<vmem>>
      %dma_start3A_257 = arith.constant 32 : i32
      %dma_start3A_258 = tpu.memref_slice %arg7[%add3A_223, %dma_start3A_257] : memref<81920x128xf32, #tpu.memory_space<hbm>> -> memref<128x32xf32, #tpu.memory_space<hbm>>
      %dma_start3A_259 = arith.constant 32 : i32
      %dma_start3A_260 = tpu.memref_slice %arg7[%add3A_223, %dma_start3A_259] : memref<81920x128xf32, #tpu.memory_space<hbm>> -> memref<128x32xf32, #tpu.memory_space<hbm>>
      %dma_start3A_261 = arith.constant 128 : i32
      %dma_start3A_262 = arith.constant 0 : i32
      %dma_start3A_263 = tpu.memref_slice %arg11[%dma_start3A_261, %dma_start3A_262] : memref<512x32xf32, #tpu.memory_space<vmem>> -> memref<128x32xf32, #tpu.memory_space<vmem>>
      tpu.enqueue_dma source(%dma_start3A_263 : memref<128x32xf32, #tpu.memory_space<vmem>>) target(%dma_start3A_260 : memref<128x32xf32, #tpu.memory_space<hbm>>) target_semaphore(%arg16 : memref<!tpu.dma_semaphore, #tpu.memory_space<semaphore_mem>>)
      %dma_start3A_264 = arith.constant 256 : i32
      %dma_start3A_265 = arith.constant 0 : i32
      %dma_start3A_266 = tpu.memref_slice %arg10[%dma_start3A_264, %dma_start3A_265] : memref<512x32xf32, #tpu.memory_space<vmem>> -> memref<128x32xf32, #tpu.memory_space<vmem>>
      %dma_start3A_267 = arith.constant 64 : i32
      %dma_start3A_268 = tpu.memref_slice %arg6[%add3A_223, %dma_start3A_267] : memref<81920x128xf32, #tpu.memory_space<hbm>> -> memref<128x32xf32, #tpu.memory_space<hbm>>
      %dma_start3A_269 = arith.constant 64 : i32
      %dma_start3A_270 = tpu.memref_slice %arg6[%add3A_223, %dma_start3A_269] : memref<81920x128xf32, #tpu.memory_space<hbm>> -> memref<128x32xf32, #tpu.memory_space<hbm>>
      %dma_start3A_271 = arith.constant 256 : i32
      %dma_start3A_272 = arith.constant 0 : i32
      %dma_start3A_273 = tpu.memref_slice %arg10[%dma_start3A_271, %dma_start3A_272] : memref<512x32xf32, #tpu.memory_space<vmem>> -> memref<128x32xf32, #tpu.memory_space<vmem>>
      tpu.enqueue_dma source(%dma_start3A_273 : memref<128x32xf32, #tpu.memory_space<vmem>>) target(%dma_start3A_270 : memref<128x32xf32, #tpu.memory_space<hbm>>) target_semaphore(%arg16 : memref<!tpu.dma_semaphore, #tpu.memory_space<semaphore_mem>>)
      %dma_start3A_274 = arith.constant 256 : i32
      %dma_start3A_275 = arith.constant 0 : i32
      %dma_start3A_276 = tpu.memref_slice %arg11[%dma_start3A_274, %dma_start3A_275] : memref<512x32xf32, #tpu.memory_space<vmem>> -> memref<128x32xf32, #tpu.memory_space<vmem>>
      %dma_start3A_277 = arith.constant 64 : i32
      %dma_start3A_278 = tpu.memref_slice %arg7[%add3A_223, %dma_start3A_277] : memref<81920x128xf32, #tpu.memory_space<hbm>> -> memref<128x32xf32, #tpu.memory_space<hbm>>
      %dma_start3A_279 = arith.constant 64 : i32
      %dma_start3A_280 = tpu.memref_slice %arg7[%add3A_223, %dma_start3A_279] : memref<81920x128xf32, #tpu.memory_space<hbm>> -> memref<128x32xf32, #tpu.memory_space<hbm>>
      %dma_start3A_281 = arith.constant 256 : i32
      %dma_start3A_282 = arith.constant 0 : i32
      %dma_start3A_283 = tpu.memref_slice %arg11[%dma_start3A_281, %dma_start3A_282] : memref<512x32xf32, #tpu.memory_space<vmem>> -> memref<128x32xf32, #tpu.memory_space<vmem>>
      tpu.enqueue_dma source(%dma_start3A_283 : memref<128x32xf32, #tpu.memory_space<vmem>>) target(%dma_start3A_280 : memref<128x32xf32, #tpu.memory_space<hbm>>) target_semaphore(%arg16 : memref<!tpu.dma_semaphore, #tpu.memory_space<semaphore_mem>>)
      %dma_start3A_284 = arith.constant 384 : i32
      %dma_start3A_285 = arith.constant 0 : i32
      %dma_start3A_286 = tpu.memref_slice %arg10[%dma_start3A_284, %dma_start3A_285] : memref<512x32xf32, #tpu.memory_space<vmem>> -> memref<128x32xf32, #tpu.memory_space<vmem>>
      %dma_start3A_287 = arith.constant 96 : i32
      %dma_start3A_288 = tpu.memref_slice %arg6[%add3A_223, %dma_start3A_287] : memref<81920x128xf32, #tpu.memory_space<hbm>> -> memref<128x32xf32, #tpu.memory_space<hbm>>
      %dma_start3A_289 = arith.constant 96 : i32
      %dma_start3A_290 = tpu.memref_slice %arg6[%add3A_223, %dma_start3A_289] : memref<81920x128xf32, #tpu.memory_space<hbm>> -> memref<128x32xf32, #tpu.memory_space<hbm>>
      %dma_start3A_291 = arith.constant 384 : i32
      %dma_start3A_292 = arith.constant 0 : i32
      %dma_start3A_293 = tpu.memref_slice %arg10[%dma_start3A_291, %dma_start3A_292] : memref<512x32xf32, #tpu.memory_space<vmem>> -> memref<128x32xf32, #tpu.memory_space<vmem>>
      tpu.enqueue_dma source(%dma_start3A_293 : memref<128x32xf32, #tpu.memory_space<vmem>>) target(%dma_start3A_290 : memref<128x32xf32, #tpu.memory_space<hbm>>) target_semaphore(%arg16 : memref<!tpu.dma_semaphore, #tpu.memory_space<semaphore_mem>>)
      %dma_start3A_294 = arith.constant 384 : i32
      %dma_start3A_295 = arith.constant 0 : i32
      %dma_start3A_296 = tpu.memref_slice %arg11[%dma_start3A_294, %dma_start3A_295] : memref<512x32xf32, #tpu.memory_space<vmem>> -> memref<128x32xf32, #tpu.memory_space<vmem>>
      %dma_start3A_297 = arith.constant 96 : i32
      %dma_start3A_298 = tpu.memref_slice %arg7[%add3A_223, %dma_start3A_297] : memref<81920x128xf32, #tpu.memory_space<hbm>> -> memref<128x32xf32, #tpu.memory_space<hbm>>
      %dma_start3A_299 = arith.constant 96 : i32
      %dma_start3A_300 = tpu.memref_slice %arg7[%add3A_223, %dma_start3A_299] : memref<81920x128xf32, #tpu.memory_space<hbm>> -> memref<128x32xf32, #tpu.memory_space<hbm>>
      %dma_start3A_301 = arith.constant 384 : i32
      %dma_start3A_302 = arith.constant 0 : i32
      %dma_start3A_303 = tpu.memref_slice %arg11[%dma_start3A_301, %dma_start3A_302] : memref<512x32xf32, #tpu.memory_space<vmem>> -> memref<128x32xf32, #tpu.memory_space<vmem>>
      tpu.enqueue_dma source(%dma_start3A_303 : memref<128x32xf32, #tpu.memory_space<vmem>>) target(%dma_start3A_300 : memref<128x32xf32, #tpu.memory_space<hbm>>) target_semaphore(%arg16 : memref<!tpu.dma_semaphore, #tpu.memory_space<semaphore_mem>>)
      %lt3A = arith.constant 9 : i32
      %lt3A_304 = arith.cmpi slt, %scan3A_192, %lt3A : i32
      %convert_element_type3A_305 = arith.extui %lt3A_304 : i1 to i32
      %cond3A_306 = arith.constant 0 : i32
      %cond3A_307 = arith.cmpi ne, %convert_element_type3A_305, %cond3A_306 : i32
      scf.if %cond3A_307 {
        %dma_wait3A_403 = arith.constant 0 : i32
        %dma_wait3A_404 = arith.constant 0 : i32
        %dma_wait3A_405 = tpu.memref_slice %arg10[%dma_wait3A_403, %dma_wait3A_404] : memref<512x32xf32, #tpu.memory_space<vmem>> -> memref<128x32xf32, #tpu.memory_space<vmem>>
        %dma_wait3A_406 = arith.constant 0 : i32
        %dma_wait3A_407 = tpu.memref_slice %arg6[%select_n3A, %dma_wait3A_406] : memref<81920x128xf32, #tpu.memory_space<hbm>> -> memref<128x32xf32, #tpu.memory_space<hbm>>
        %dma_wait3A_408 = arith.constant 0 : i32
        %dma_wait3A_409 = tpu.memref_slice %arg6[%select_n3A, %dma_wait3A_408] : memref<81920x128xf32, #tpu.memory_space<hbm>> -> memref<128x32xf32, #tpu.memory_space<hbm>>
        %dma_wait3A_410 = arith.constant 0 : i32
        %dma_wait3A_411 = arith.constant 0 : i32
        %dma_wait3A_412 = tpu.memref_slice %arg10[%dma_wait3A_410, %dma_wait3A_411] : memref<512x32xf32, #tpu.memory_space<vmem>> -> memref<128x32xf32, #tpu.memory_space<vmem>>
        tpu.wait_dma2 semaphore(%arg16 : memref<!tpu.dma_semaphore, #tpu.memory_space<semaphore_mem>>) src(%dma_wait3A_412 : memref<128x32xf32, #tpu.memory_space<vmem>>) dst(%dma_wait3A_409 : memref<128x32xf32, #tpu.memory_space<hbm>>)
        %dma_wait3A_413 = arith.constant 0 : i32
        %dma_wait3A_414 = arith.constant 0 : i32
        %dma_wait3A_415 = tpu.memref_slice %arg11[%dma_wait3A_413, %dma_wait3A_414] : memref<512x32xf32, #tpu.memory_space<vmem>> -> memref<128x32xf32, #tpu.memory_space<vmem>>
        %dma_wait3A_416 = arith.constant 0 : i32
        %dma_wait3A_417 = tpu.memref_slice %arg7[%select_n3A, %dma_wait3A_416] : memref<81920x128xf32, #tpu.memory_space<hbm>> -> memref<128x32xf32, #tpu.memory_space<hbm>>
        %dma_wait3A_418 = arith.constant 0 : i32
        %dma_wait3A_419 = tpu.memref_slice %arg7[%select_n3A, %dma_wait3A_418] : memref<81920x128xf32, #tpu.memory_space<hbm>> -> memref<128x32xf32, #tpu.memory_space<hbm>>
        %dma_wait3A_420 = arith.constant 0 : i32
        %dma_wait3A_421 = arith.constant 0 : i32
        %dma_wait3A_422 = tpu.memref_slice %arg11[%dma_wait3A_420, %dma_wait3A_421] : memref<512x32xf32, #tpu.memory_space<vmem>> -> memref<128x32xf32, #tpu.memory_space<vmem>>
        tpu.wait_dma2 semaphore(%arg16 : memref<!tpu.dma_semaphore, #tpu.memory_space<semaphore_mem>>) src(%dma_wait3A_422 : memref<128x32xf32, #tpu.memory_space<vmem>>) dst(%dma_wait3A_419 : memref<128x32xf32, #tpu.memory_space<hbm>>)
        %dma_wait3A_423 = arith.constant 128 : i32
        %dma_wait3A_424 = arith.constant 0 : i32
        %dma_wait3A_425 = tpu.memref_slice %arg10[%dma_wait3A_423, %dma_wait3A_424] : memref<512x32xf32, #tpu.memory_space<vmem>> -> memref<128x32xf32, #tpu.memory_space<vmem>>
        %dma_wait3A_426 = arith.constant 32 : i32
        %dma_wait3A_427 = tpu.memref_slice %arg6[%select_n3A, %dma_wait3A_426] : memref<81920x128xf32, #tpu.memory_space<hbm>> -> memref<128x32xf32, #tpu.memory_space<hbm>>
        %dma_wait3A_428 = arith.constant 32 : i32
        %dma_wait3A_429 = tpu.memref_slice %arg6[%select_n3A, %dma_wait3A_428] : memref<81920x128xf32, #tpu.memory_space<hbm>> -> memref<128x32xf32, #tpu.memory_space<hbm>>
        %dma_wait3A_430 = arith.constant 128 : i32
        %dma_wait3A_431 = arith.constant 0 : i32
        %dma_wait3A_432 = tpu.memref_slice %arg10[%dma_wait3A_430, %dma_wait3A_431] : memref<512x32xf32, #tpu.memory_space<vmem>> -> memref<128x32xf32, #tpu.memory_space<vmem>>
        tpu.wait_dma2 semaphore(%arg16 : memref<!tpu.dma_semaphore, #tpu.memory_space<semaphore_mem>>) src(%dma_wait3A_432 : memref<128x32xf32, #tpu.memory_space<vmem>>) dst(%dma_wait3A_429 : memref<128x32xf32, #tpu.memory_space<hbm>>)
        %dma_wait3A_433 = arith.constant 128 : i32
        %dma_wait3A_434 = arith.constant 0 : i32
        %dma_wait3A_435 = tpu.memref_slice %arg11[%dma_wait3A_433, %dma_wait3A_434] : memref<512x32xf32, #tpu.memory_space<vmem>> -> memref<128x32xf32, #tpu.memory_space<vmem>>
        %dma_wait3A_436 = arith.constant 32 : i32
        %dma_wait3A_437 = tpu.memref_slice %arg7[%select_n3A, %dma_wait3A_436] : memref<81920x128xf32, #tpu.memory_space<hbm>> -> memref<128x32xf32, #tpu.memory_space<hbm>>
        %dma_wait3A_438 = arith.constant 32 : i32
        %dma_wait3A_439 = tpu.memref_slice %arg7[%select_n3A, %dma_wait3A_438] : memref<81920x128xf32, #tpu.memory_space<hbm>> -> memref<128x32xf32, #tpu.memory_space<hbm>>
        %dma_wait3A_440 = arith.constant 128 : i32
        %dma_wait3A_441 = arith.constant 0 : i32
        %dma_wait3A_442 = tpu.memref_slice %arg11[%dma_wait3A_440, %dma_wait3A_441] : memref<512x32xf32, #tpu.memory_space<vmem>> -> memref<128x32xf32, #tpu.memory_space<vmem>>
        tpu.wait_dma2 semaphore(%arg16 : memref<!tpu.dma_semaphore, #tpu.memory_space<semaphore_mem>>) src(%dma_wait3A_442 : memref<128x32xf32, #tpu.memory_space<vmem>>) dst(%dma_wait3A_439 : memref<128x32xf32, #tpu.memory_space<hbm>>)
        %dma_wait3A_443 = arith.constant 256 : i32
        %dma_wait3A_444 = arith.constant 0 : i32
        %dma_wait3A_445 = tpu.memref_slice %arg10[%dma_wait3A_443, %dma_wait3A_444] : memref<512x32xf32, #tpu.memory_space<vmem>> -> memref<128x32xf32, #tpu.memory_space<vmem>>
        %dma_wait3A_446 = arith.constant 64 : i32
        %dma_wait3A_447 = tpu.memref_slice %arg6[%select_n3A, %dma_wait3A_446] : memref<81920x128xf32, #tpu.memory_space<hbm>> -> memref<128x32xf32, #tpu.memory_space<hbm>>
        %dma_wait3A_448 = arith.constant 64 : i32
        %dma_wait3A_449 = tpu.memref_slice %arg6[%select_n3A, %dma_wait3A_448] : memref<81920x128xf32, #tpu.memory_space<hbm>> -> memref<128x32xf32, #tpu.memory_space<hbm>>
        %dma_wait3A_450 = arith.constant 256 : i32
        %dma_wait3A_451 = arith.constant 0 : i32
        %dma_wait3A_452 = tpu.memref_slice %arg10[%dma_wait3A_450, %dma_wait3A_451] : memref<512x32xf32, #tpu.memory_space<vmem>> -> memref<128x32xf32, #tpu.memory_space<vmem>>
        tpu.wait_dma2 semaphore(%arg16 : memref<!tpu.dma_semaphore, #tpu.memory_space<semaphore_mem>>) src(%dma_wait3A_452 : memref<128x32xf32, #tpu.memory_space<vmem>>) dst(%dma_wait3A_449 : memref<128x32xf32, #tpu.memory_space<hbm>>)
        %dma_wait3A_453 = arith.constant 256 : i32
        %dma_wait3A_454 = arith.constant 0 : i32
        %dma_wait3A_455 = tpu.memref_slice %arg11[%dma_wait3A_453, %dma_wait3A_454] : memref<512x32xf32, #tpu.memory_space<vmem>> -> memref<128x32xf32, #tpu.memory_space<vmem>>
        %dma_wait3A_456 = arith.constant 64 : i32
        %dma_wait3A_457 = tpu.memref_slice %arg7[%select_n3A, %dma_wait3A_456] : memref<81920x128xf32, #tpu.memory_space<hbm>> -> memref<128x32xf32, #tpu.memory_space<hbm>>
        %dma_wait3A_458 = arith.constant 64 : i32
        %dma_wait3A_459 = tpu.memref_slice %arg7[%select_n3A, %dma_wait3A_458] : memref<81920x128xf32, #tpu.memory_space<hbm>> -> memref<128x32xf32, #tpu.memory_space<hbm>>
        %dma_wait3A_460 = arith.constant 256 : i32
        %dma_wait3A_461 = arith.constant 0 : i32
        %dma_wait3A_462 = tpu.memref_slice %arg11[%dma_wait3A_460, %dma_wait3A_461] : memref<512x32xf32, #tpu.memory_space<vmem>> -> memref<128x32xf32, #tpu.memory_space<vmem>>
        tpu.wait_dma2 semaphore(%arg16 : memref<!tpu.dma_semaphore, #tpu.memory_space<semaphore_mem>>) src(%dma_wait3A_462 : memref<128x32xf32, #tpu.memory_space<vmem>>) dst(%dma_wait3A_459 : memref<128x32xf32, #tpu.memory_space<hbm>>)
        %dma_wait3A_463 = arith.constant 384 : i32
        %dma_wait3A_464 = arith.constant 0 : i32
        %dma_wait3A_465 = tpu.memref_slice %arg10[%dma_wait3A_463, %dma_wait3A_464] : memref<512x32xf32, #tpu.memory_space<vmem>> -> memref<128x32xf32, #tpu.memory_space<vmem>>
        %dma_wait3A_466 = arith.constant 96 : i32
        %dma_wait3A_467 = tpu.memref_slice %arg6[%select_n3A, %dma_wait3A_466] : memref<81920x128xf32, #tpu.memory_space<hbm>> -> memref<128x32xf32, #tpu.memory_space<hbm>>
        %dma_wait3A_468 = arith.constant 96 : i32
        %dma_wait3A_469 = tpu.memref_slice %arg6[%select_n3A, %dma_wait3A_468] : memref<81920x128xf32, #tpu.memory_space<hbm>> -> memref<128x32xf32, #tpu.memory_space<hbm>>
        %dma_wait3A_470 = arith.constant 384 : i32
        %dma_wait3A_471 = arith.constant 0 : i32
        %dma_wait3A_472 = tpu.memref_slice %arg10[%dma_wait3A_470, %dma_wait3A_471] : memref<512x32xf32, #tpu.memory_space<vmem>> -> memref<128x32xf32, #tpu.memory_space<vmem>>
        tpu.wait_dma2 semaphore(%arg16 : memref<!tpu.dma_semaphore, #tpu.memory_space<semaphore_mem>>) src(%dma_wait3A_472 : memref<128x32xf32, #tpu.memory_space<vmem>>) dst(%dma_wait3A_469 : memref<128x32xf32, #tpu.memory_space<hbm>>)
        %dma_wait3A_473 = arith.constant 384 : i32
        %dma_wait3A_474 = arith.constant 0 : i32
        %dma_wait3A_475 = tpu.memref_slice %arg11[%dma_wait3A_473, %dma_wait3A_474] : memref<512x32xf32, #tpu.memory_space<vmem>> -> memref<128x32xf32, #tpu.memory_space<vmem>>
        %dma_wait3A_476 = arith.constant 96 : i32
        %dma_wait3A_477 = tpu.memref_slice %arg7[%select_n3A, %dma_wait3A_476] : memref<81920x128xf32, #tpu.memory_space<hbm>> -> memref<128x32xf32, #tpu.memory_space<hbm>>
        %dma_wait3A_478 = arith.constant 96 : i32
        %dma_wait3A_479 = tpu.memref_slice %arg7[%select_n3A, %dma_wait3A_478] : memref<81920x128xf32, #tpu.memory_space<hbm>> -> memref<128x32xf32, #tpu.memory_space<hbm>>
        %dma_wait3A_480 = arith.constant 384 : i32
        %dma_wait3A_481 = arith.constant 0 : i32
        %dma_wait3A_482 = tpu.memref_slice %arg11[%dma_wait3A_480, %dma_wait3A_481] : memref<512x32xf32, #tpu.memory_space<vmem>> -> memref<128x32xf32, #tpu.memory_space<vmem>>
        tpu.wait_dma2 semaphore(%arg16 : memref<!tpu.dma_semaphore, #tpu.memory_space<semaphore_mem>>) src(%dma_wait3A_482 : memref<128x32xf32, #tpu.memory_space<vmem>>) dst(%dma_wait3A_479 : memref<128x32xf32, #tpu.memory_space<hbm>>)
        %add3A_483 = arith.constant 2 : i32
        %add3A_484 = arith.addi %mul3A_194, %add3A_483 : i32
        %mul3A_485 = arith.constant 512 : i32
        %mul3A_486 = arith.muli %add3A_484, %mul3A_485 : i32
        %dma_start3A_487 = tpu.memref_slice %arg8[%mul3A_486] : memref<10240xi32, #tpu.memory_space<vmem>> -> memref<512xi32, #tpu.memory_space<vmem>>
        %dma_start3A_488 = arith.constant 0 : i32
        %dma_start3A_489 = arith.constant 0 : i32
        %dma_start3A_490 = tpu.memref_slice %arg2[%dma_start3A_488, %dma_start3A_489] : memref<20000x32xf32, #tpu.memory_space<hbm>> -> memref<20000x32xf32, #tpu.memory_space<hbm>>
        tpu.enqueue_indirect_dma source(%dma_start3A_490 : memref<20000x32xf32, #tpu.memory_space<hbm>>) target(%arg10 : memref<512x32xf32, #tpu.memory_space<vmem>>) offsets(%dma_start3A_487 : memref<512xi32, #tpu.memory_space<vmem>>) semaphore(%arg14 : memref<!tpu.dma_semaphore, #tpu.memory_space<semaphore_mem>>)
        %mul3A_491 = arith.constant 512 : i32
        %mul3A_492 = arith.muli %add3A_484, %mul3A_491 : i32
        %dma_start3A_493 = tpu.memref_slice %arg9[%mul3A_492] : memref<10240xi32, #tpu.memory_space<vmem>> -> memref<512xi32, #tpu.memory_space<vmem>>
        %dma_start3A_494 = arith.constant 0 : i32
        %dma_start3A_495 = arith.constant 0 : i32
        %dma_start3A_496 = tpu.memref_slice %arg3[%dma_start3A_494, %dma_start3A_495] : memref<20000x32xf32, #tpu.memory_space<hbm>> -> memref<20000x32xf32, #tpu.memory_space<hbm>>
        tpu.enqueue_indirect_dma source(%dma_start3A_496 : memref<20000x32xf32, #tpu.memory_space<hbm>>) target(%arg11 : memref<512x32xf32, #tpu.memory_space<vmem>>) offsets(%dma_start3A_493 : memref<512xi32, #tpu.memory_space<vmem>>) semaphore(%arg14 : memref<!tpu.dma_semaphore, #tpu.memory_space<semaphore_mem>>)
      } else {
      }
      %dma_wait3A_308 = arith.constant 0 : i32
      %dma_wait3A_309 = tpu.memref_slice %arg8[%dma_wait3A_308] : memref<10240xi32, #tpu.memory_space<vmem>> -> memref<512xi32, #tpu.memory_space<vmem>>
      %dma_wait3A_310 = arith.constant 0 : i32
      %dma_wait3A_311 = arith.constant 0 : i32
      %dma_wait3A_312 = tpu.memref_slice %arg2[%dma_wait3A_310, %dma_wait3A_311] : memref<20000x32xf32, #tpu.memory_space<hbm>> -> memref<20000x32xf32, #tpu.memory_space<hbm>>
      tpu.wait_indirect_dma semaphore(%arg15 : memref<!tpu.dma_semaphore, #tpu.memory_space<semaphore_mem>>) src(%dma_wait3A_312 : memref<20000x32xf32, #tpu.memory_space<hbm>>) dst(%arg12 : memref<512x32xf32, #tpu.memory_space<vmem>>)
      %dma_wait3A_313 = arith.constant 0 : i32
      %dma_wait3A_314 = tpu.memref_slice %arg9[%dma_wait3A_313] : memref<10240xi32, #tpu.memory_space<vmem>> -> memref<512xi32, #tpu.memory_space<vmem>>
      %dma_wait3A_315 = arith.constant 0 : i32
      %dma_wait3A_316 = arith.constant 0 : i32
      %dma_wait3A_317 = tpu.memref_slice %arg3[%dma_wait3A_315, %dma_wait3A_316] : memref<20000x32xf32, #tpu.memory_space<hbm>> -> memref<20000x32xf32, #tpu.memory_space<hbm>>
      tpu.wait_indirect_dma semaphore(%arg15 : memref<!tpu.dma_semaphore, #tpu.memory_space<semaphore_mem>>) src(%dma_wait3A_317 : memref<20000x32xf32, #tpu.memory_space<hbm>>) dst(%arg13 : memref<512x32xf32, #tpu.memory_space<vmem>>)
      %add3A_318 = arith.constant 1 : i32
      %add3A_319 = arith.addi %mul3A_194, %add3A_318 : i32
      %mul3A_320 = arith.constant 128 : i32
      %mul3A_321 = arith.muli %add3A_319, %mul3A_320 : i32
      %add3A_322 = arith.addi %select_n3A, %mul3A_321 : i32
      %dma_start3A_323 = arith.constant 0 : i32
      %dma_start3A_324 = arith.constant 0 : i32
      %dma_start3A_325 = tpu.memref_slice %arg12[%dma_start3A_323, %dma_start3A_324] : memref<512x32xf32, #tpu.memory_space<vmem>> -> memref<128x32xf32, #tpu.memory_space<vmem>>
      %dma_start3A_326 = arith.constant 0 : i32
      %dma_start3A_327 = tpu.memref_slice %arg6[%add3A_322, %dma_start3A_326] : memref<81920x128xf32, #tpu.memory_space<hbm>> -> memref<128x32xf32, #tpu.memory_space<hbm>>
      %dma_start3A_328 = arith.constant 0 : i32
      %dma_start3A_329 = tpu.memref_slice %arg6[%add3A_322, %dma_start3A_328] : memref<81920x128xf32, #tpu.memory_space<hbm>> -> memref<128x32xf32, #tpu.memory_space<hbm>>
      %dma_start3A_330 = arith.constant 0 : i32
      %dma_start3A_331 = arith.constant 0 : i32
      %dma_start3A_332 = tpu.memref_slice %arg12[%dma_start3A_330, %dma_start3A_331] : memref<512x32xf32, #tpu.memory_space<vmem>> -> memref<128x32xf32, #tpu.memory_space<vmem>>
      tpu.enqueue_dma source(%dma_start3A_332 : memref<128x32xf32, #tpu.memory_space<vmem>>) target(%dma_start3A_329 : memref<128x32xf32, #tpu.memory_space<hbm>>) target_semaphore(%arg17 : memref<!tpu.dma_semaphore, #tpu.memory_space<semaphore_mem>>)
      %dma_start3A_333 = arith.constant 0 : i32
      %dma_start3A_334 = arith.constant 0 : i32
      %dma_start3A_335 = tpu.memref_slice %arg13[%dma_start3A_333, %dma_start3A_334] : memref<512x32xf32, #tpu.memory_space<vmem>> -> memref<128x32xf32, #tpu.memory_space<vmem>>
      %dma_start3A_336 = arith.constant 0 : i32
      %dma_start3A_337 = tpu.memref_slice %arg7[%add3A_322, %dma_start3A_336] : memref<81920x128xf32, #tpu.memory_space<hbm>> -> memref<128x32xf32, #tpu.memory_space<hbm>>
      %dma_start3A_338 = arith.constant 0 : i32
      %dma_start3A_339 = tpu.memref_slice %arg7[%add3A_322, %dma_start3A_338] : memref<81920x128xf32, #tpu.memory_space<hbm>> -> memref<128x32xf32, #tpu.memory_space<hbm>>
      %dma_start3A_340 = arith.constant 0 : i32
      %dma_start3A_341 = arith.constant 0 : i32
      %dma_start3A_342 = tpu.memref_slice %arg13[%dma_start3A_340, %dma_start3A_341] : memref<512x32xf32, #tpu.memory_space<vmem>> -> memref<128x32xf32, #tpu.memory_space<vmem>>
      tpu.enqueue_dma source(%dma_start3A_342 : memref<128x32xf32, #tpu.memory_space<vmem>>) target(%dma_start3A_339 : memref<128x32xf32, #tpu.memory_space<hbm>>) target_semaphore(%arg17 : memref<!tpu.dma_semaphore, #tpu.memory_space<semaphore_mem>>)
      %dma_start3A_343 = arith.constant 128 : i32
      %dma_start3A_344 = arith.constant 0 : i32
      %dma_start3A_345 = tpu.memref_slice %arg12[%dma_start3A_343, %dma_start3A_344] : memref<512x32xf32, #tpu.memory_space<vmem>> -> memref<128x32xf32, #tpu.memory_space<vmem>>
      %dma_start3A_346 = arith.constant 32 : i32
      %dma_start3A_347 = tpu.memref_slice %arg6[%add3A_322, %dma_start3A_346] : memref<81920x128xf32, #tpu.memory_space<hbm>> -> memref<128x32xf32, #tpu.memory_space<hbm>>
      %dma_start3A_348 = arith.constant 32 : i32
      %dma_start3A_349 = tpu.memref_slice %arg6[%add3A_322, %dma_start3A_348] : memref<81920x128xf32, #tpu.memory_space<hbm>> -> memref<128x32xf32, #tpu.memory_space<hbm>>
      %dma_start3A_350 = arith.constant 128 : i32
      %dma_start3A_351 = arith.constant 0 : i32
      %dma_start3A_352 = tpu.memref_slice %arg12[%dma_start3A_350, %dma_start3A_351] : memref<512x32xf32, #tpu.memory_space<vmem>> -> memref<128x32xf32, #tpu.memory_space<vmem>>
      tpu.enqueue_dma source(%dma_start3A_352 : memref<128x32xf32, #tpu.memory_space<vmem>>) target(%dma_start3A_349 : memref<128x32xf32, #tpu.memory_space<hbm>>) target_semaphore(%arg17 : memref<!tpu.dma_semaphore, #tpu.memory_space<semaphore_mem>>)
      %dma_start3A_353 = arith.constant 128 : i32
      %dma_start3A_354 = arith.constant 0 : i32
      %dma_start3A_355 = tpu.memref_slice %arg13[%dma_start3A_353, %dma_start3A_354] : memref<512x32xf32, #tpu.memory_space<vmem>> -> memref<128x32xf32, #tpu.memory_space<vmem>>
      %dma_start3A_356 = arith.constant 32 : i32
      %dma_start3A_357 = tpu.memref_slice %arg7[%add3A_322, %dma_start3A_356] : memref<81920x128xf32, #tpu.memory_space<hbm>> -> memref<128x32xf32, #tpu.memory_space<hbm>>
      %dma_start3A_358 = arith.constant 32 : i32
      %dma_start3A_359 = tpu.memref_slice %arg7[%add3A_322, %dma_start3A_358] : memref<81920x128xf32, #tpu.memory_space<hbm>> -> memref<128x32xf32, #tpu.memory_space<hbm>>
      %dma_start3A_360 = arith.constant 128 : i32
      %dma_start3A_361 = arith.constant 0 : i32
      %dma_start3A_362 = tpu.memref_slice %arg13[%dma_start3A_360, %dma_start3A_361] : memref<512x32xf32, #tpu.memory_space<vmem>> -> memref<128x32xf32, #tpu.memory_space<vmem>>
      tpu.enqueue_dma source(%dma_start3A_362 : memref<128x32xf32, #tpu.memory_space<vmem>>) target(%dma_start3A_359 : memref<128x32xf32, #tpu.memory_space<hbm>>) target_semaphore(%arg17 : memref<!tpu.dma_semaphore, #tpu.memory_space<semaphore_mem>>)
      %dma_start3A_363 = arith.constant 256 : i32
      %dma_start3A_364 = arith.constant 0 : i32
      %dma_start3A_365 = tpu.memref_slice %arg12[%dma_start3A_363, %dma_start3A_364] : memref<512x32xf32, #tpu.memory_space<vmem>> -> memref<128x32xf32, #tpu.memory_space<vmem>>
      %dma_start3A_366 = arith.constant 64 : i32
      %dma_start3A_367 = tpu.memref_slice %arg6[%add3A_322, %dma_start3A_366] : memref<81920x128xf32, #tpu.memory_space<hbm>> -> memref<128x32xf32, #tpu.memory_space<hbm>>
      %dma_start3A_368 = arith.constant 64 : i32
      %dma_start3A_369 = tpu.memref_slice %arg6[%add3A_322, %dma_start3A_368] : memref<81920x128xf32, #tpu.memory_space<hbm>> -> memref<128x32xf32, #tpu.memory_space<hbm>>
      %dma_start3A_370 = arith.constant 256 : i32
      %dma_start3A_371 = arith.constant 0 : i32
      %dma_start3A_372 = tpu.memref_slice %arg12[%dma_start3A_370, %dma_start3A_371] : memref<512x32xf32, #tpu.memory_space<vmem>> -> memref<128x32xf32, #tpu.memory_space<vmem>>
      tpu.enqueue_dma source(%dma_start3A_372 : memref<128x32xf32, #tpu.memory_space<vmem>>) target(%dma_start3A_369 : memref<128x32xf32, #tpu.memory_space<hbm>>) target_semaphore(%arg17 : memref<!tpu.dma_semaphore, #tpu.memory_space<semaphore_mem>>)
      %dma_start3A_373 = arith.constant 256 : i32
      %dma_start3A_374 = arith.constant 0 : i32
      %dma_start3A_375 = tpu.memref_slice %arg13[%dma_start3A_373, %dma_start3A_374] : memref<512x32xf32, #tpu.memory_space<vmem>> -> memref<128x32xf32, #tpu.memory_space<vmem>>
      %dma_start3A_376 = arith.constant 64 : i32
      %dma_start3A_377 = tpu.memref_slice %arg7[%add3A_322, %dma_start3A_376] : memref<81920x128xf32, #tpu.memory_space<hbm>> -> memref<128x32xf32, #tpu.memory_space<hbm>>
      %dma_start3A_378 = arith.constant 64 : i32
      %dma_start3A_379 = tpu.memref_slice %arg7[%add3A_322, %dma_start3A_378] : memref<81920x128xf32, #tpu.memory_space<hbm>> -> memref<128x32xf32, #tpu.memory_space<hbm>>
      %dma_start3A_380 = arith.constant 256 : i32
      %dma_start3A_381 = arith.constant 0 : i32
      %dma_start3A_382 = tpu.memref_slice %arg13[%dma_start3A_380, %dma_start3A_381] : memref<512x32xf32, #tpu.memory_space<vmem>> -> memref<128x32xf32, #tpu.memory_space<vmem>>
      tpu.enqueue_dma source(%dma_start3A_382 : memref<128x32xf32, #tpu.memory_space<vmem>>) target(%dma_start3A_379 : memref<128x32xf32, #tpu.memory_space<hbm>>) target_semaphore(%arg17 : memref<!tpu.dma_semaphore, #tpu.memory_space<semaphore_mem>>)
      %dma_start3A_383 = arith.constant 384 : i32
      %dma_start3A_384 = arith.constant 0 : i32
      %dma_start3A_385 = tpu.memref_slice %arg12[%dma_start3A_383, %dma_start3A_384] : memref<512x32xf32, #tpu.memory_space<vmem>> -> memref<128x32xf32, #tpu.memory_space<vmem>>
      %dma_start3A_386 = arith.constant 96 : i32
      %dma_start3A_387 = tpu.memref_slice %arg6[%add3A_322, %dma_start3A_386] : memref<81920x128xf32, #tpu.memory_space<hbm>> -> memref<128x32xf32, #tpu.memory_space<hbm>>
      %dma_start3A_388 = arith.constant 96 : i32
      %dma_start3A_389 = tpu.memref_slice %arg6[%add3A_322, %dma_start3A_388] : memref<81920x128xf32, #tpu.memory_space<hbm>> -> memref<128x32xf32, #tpu.memory_space<hbm>>
      %dma_start3A_390 = arith.constant 384 : i32
      %dma_start3A_391 = arith.constant 0 : i32
      %dma_start3A_392 = tpu.memref_slice %arg12[%dma_start3A_390, %dma_start3A_391] : memref<512x32xf32, #tpu.memory_space<vmem>> -> memref<128x32xf32, #tpu.memory_space<vmem>>
      tpu.enqueue_dma source(%dma_start3A_392 : memref<128x32xf32, #tpu.memory_space<vmem>>) target(%dma_start3A_389 : memref<128x32xf32, #tpu.memory_space<hbm>>) target_semaphore(%arg17 : memref<!tpu.dma_semaphore, #tpu.memory_space<semaphore_mem>>)
      %dma_start3A_393 = arith.constant 384 : i32
      %dma_start3A_394 = arith.constant 0 : i32
      %dma_start3A_395 = tpu.memref_slice %arg13[%dma_start3A_393, %dma_start3A_394] : memref<512x32xf32, #tpu.memory_space<vmem>> -> memref<128x32xf32, #tpu.memory_space<vmem>>
      %dma_start3A_396 = arith.constant 96 : i32
      %dma_start3A_397 = tpu.memref_slice %arg7[%add3A_322, %dma_start3A_396] : memref<81920x128xf32, #tpu.memory_space<hbm>> -> memref<128x32xf32, #tpu.memory_space<hbm>>
      %dma_start3A_398 = arith.constant 96 : i32
      %dma_start3A_399 = tpu.memref_slice %arg7[%add3A_322, %dma_start3A_398] : memref<81920x128xf32, #tpu.memory_space<hbm>> -> memref<128x32xf32, #tpu.memory_space<hbm>>
      %dma_start3A_400 = arith.constant 384 : i32
      %dma_start3A_401 = arith.constant 0 : i32
      %dma_start3A_402 = tpu.memref_slice %arg13[%dma_start3A_400, %dma_start3A_401] : memref<512x32xf32, #tpu.memory_space<vmem>> -> memref<128x32xf32, #tpu.memory_space<vmem>>
      tpu.enqueue_dma source(%dma_start3A_402 : memref<128x32xf32, #tpu.memory_space<vmem>>) target(%dma_start3A_399 : memref<128x32xf32, #tpu.memory_space<hbm>>) target_semaphore(%arg17 : memref<!tpu.dma_semaphore, #tpu.memory_space<semaphore_mem>>)
    }
    %scan3A_32 = arith.constant 10 : i32
    %dma_wait3A = arith.constant 0 : i32
    %dma_wait3A_33 = arith.constant 0 : i32
    %dma_wait3A_34 = tpu.memref_slice %arg10[%dma_wait3A, %dma_wait3A_33] : memref<512x32xf32, #tpu.memory_space<vmem>> -> memref<128x32xf32, #tpu.memory_space<vmem>>
    %dma_wait3A_35 = arith.constant 0 : i32
    %dma_wait3A_36 = tpu.memref_slice %arg6[%select_n3A, %dma_wait3A_35] : memref<81920x128xf32, #tpu.memory_space<hbm>> -> memref<128x32xf32, #tpu.memory_space<hbm>>
    %dma_wait3A_37 = arith.constant 0 : i32
    %dma_wait3A_38 = tpu.memref_slice %arg6[%select_n3A, %dma_wait3A_37] : memref<81920x128xf32, #tpu.memory_space<hbm>> -> memref<128x32xf32, #tpu.memory_space<hbm>>
    %dma_wait3A_39 = arith.constant 0 : i32
    %dma_wait3A_40 = arith.constant 0 : i32
    %dma_wait3A_41 = tpu.memref_slice %arg10[%dma_wait3A_39, %dma_wait3A_40] : memref<512x32xf32, #tpu.memory_space<vmem>> -> memref<128x32xf32, #tpu.memory_space<vmem>>
    tpu.wait_dma2 semaphore(%arg16 : memref<!tpu.dma_semaphore, #tpu.memory_space<semaphore_mem>>) src(%dma_wait3A_41 : memref<128x32xf32, #tpu.memory_space<vmem>>) dst(%dma_wait3A_38 : memref<128x32xf32, #tpu.memory_space<hbm>>)
    %dma_wait3A_42 = arith.constant 0 : i32
    %dma_wait3A_43 = arith.constant 0 : i32
    %dma_wait3A_44 = tpu.memref_slice %arg11[%dma_wait3A_42, %dma_wait3A_43] : memref<512x32xf32, #tpu.memory_space<vmem>> -> memref<128x32xf32, #tpu.memory_space<vmem>>
    %dma_wait3A_45 = arith.constant 0 : i32
    %dma_wait3A_46 = tpu.memref_slice %arg7[%select_n3A, %dma_wait3A_45] : memref<81920x128xf32, #tpu.memory_space<hbm>> -> memref<128x32xf32, #tpu.memory_space<hbm>>
    %dma_wait3A_47 = arith.constant 0 : i32
    %dma_wait3A_48 = tpu.memref_slice %arg7[%select_n3A, %dma_wait3A_47] : memref<81920x128xf32, #tpu.memory_space<hbm>> -> memref<128x32xf32, #tpu.memory_space<hbm>>
    %dma_wait3A_49 = arith.constant 0 : i32
    %dma_wait3A_50 = arith.constant 0 : i32
    %dma_wait3A_51 = tpu.memref_slice %arg11[%dma_wait3A_49, %dma_wait3A_50] : memref<512x32xf32, #tpu.memory_space<vmem>> -> memref<128x32xf32, #tpu.memory_space<vmem>>
    tpu.wait_dma2 semaphore(%arg16 : memref<!tpu.dma_semaphore, #tpu.memory_space<semaphore_mem>>) src(%dma_wait3A_51 : memref<128x32xf32, #tpu.memory_space<vmem>>) dst(%dma_wait3A_48 : memref<128x32xf32, #tpu.memory_space<hbm>>)
    %dma_wait3A_52 = arith.constant 128 : i32
    %dma_wait3A_53 = arith.constant 0 : i32
    %dma_wait3A_54 = tpu.memref_slice %arg10[%dma_wait3A_52, %dma_wait3A_53] : memref<512x32xf32, #tpu.memory_space<vmem>> -> memref<128x32xf32, #tpu.memory_space<vmem>>
    %dma_wait3A_55 = arith.constant 32 : i32
    %dma_wait3A_56 = tpu.memref_slice %arg6[%select_n3A, %dma_wait3A_55] : memref<81920x128xf32, #tpu.memory_space<hbm>> -> memref<128x32xf32, #tpu.memory_space<hbm>>
    %dma_wait3A_57 = arith.constant 32 : i32
    %dma_wait3A_58 = tpu.memref_slice %arg6[%select_n3A, %dma_wait3A_57] : memref<81920x128xf32, #tpu.memory_space<hbm>> -> memref<128x32xf32, #tpu.memory_space<hbm>>
    %dma_wait3A_59 = arith.constant 128 : i32
    %dma_wait3A_60 = arith.constant 0 : i32
    %dma_wait3A_61 = tpu.memref_slice %arg10[%dma_wait3A_59, %dma_wait3A_60] : memref<512x32xf32, #tpu.memory_space<vmem>> -> memref<128x32xf32, #tpu.memory_space<vmem>>
    tpu.wait_dma2 semaphore(%arg16 : memref<!tpu.dma_semaphore, #tpu.memory_space<semaphore_mem>>) src(%dma_wait3A_61 : memref<128x32xf32, #tpu.memory_space<vmem>>) dst(%dma_wait3A_58 : memref<128x32xf32, #tpu.memory_space<hbm>>)
    %dma_wait3A_62 = arith.constant 128 : i32
    %dma_wait3A_63 = arith.constant 0 : i32
    %dma_wait3A_64 = tpu.memref_slice %arg11[%dma_wait3A_62, %dma_wait3A_63] : memref<512x32xf32, #tpu.memory_space<vmem>> -> memref<128x32xf32, #tpu.memory_space<vmem>>
    %dma_wait3A_65 = arith.constant 32 : i32
    %dma_wait3A_66 = tpu.memref_slice %arg7[%select_n3A, %dma_wait3A_65] : memref<81920x128xf32, #tpu.memory_space<hbm>> -> memref<128x32xf32, #tpu.memory_space<hbm>>
    %dma_wait3A_67 = arith.constant 32 : i32
    %dma_wait3A_68 = tpu.memref_slice %arg7[%select_n3A, %dma_wait3A_67] : memref<81920x128xf32, #tpu.memory_space<hbm>> -> memref<128x32xf32, #tpu.memory_space<hbm>>
    %dma_wait3A_69 = arith.constant 128 : i32
    %dma_wait3A_70 = arith.constant 0 : i32
    %dma_wait3A_71 = tpu.memref_slice %arg11[%dma_wait3A_69, %dma_wait3A_70] : memref<512x32xf32, #tpu.memory_space<vmem>> -> memref<128x32xf32, #tpu.memory_space<vmem>>
    tpu.wait_dma2 semaphore(%arg16 : memref<!tpu.dma_semaphore, #tpu.memory_space<semaphore_mem>>) src(%dma_wait3A_71 : memref<128x32xf32, #tpu.memory_space<vmem>>) dst(%dma_wait3A_68 : memref<128x32xf32, #tpu.memory_space<hbm>>)
    %dma_wait3A_72 = arith.constant 256 : i32
    %dma_wait3A_73 = arith.constant 0 : i32
    %dma_wait3A_74 = tpu.memref_slice %arg10[%dma_wait3A_72, %dma_wait3A_73] : memref<512x32xf32, #tpu.memory_space<vmem>> -> memref<128x32xf32, #tpu.memory_space<vmem>>
    %dma_wait3A_75 = arith.constant 64 : i32
    %dma_wait3A_76 = tpu.memref_slice %arg6[%select_n3A, %dma_wait3A_75] : memref<81920x128xf32, #tpu.memory_space<hbm>> -> memref<128x32xf32, #tpu.memory_space<hbm>>
    %dma_wait3A_77 = arith.constant 64 : i32
    %dma_wait3A_78 = tpu.memref_slice %arg6[%select_n3A, %dma_wait3A_77] : memref<81920x128xf32, #tpu.memory_space<hbm>> -> memref<128x32xf32, #tpu.memory_space<hbm>>
    %dma_wait3A_79 = arith.constant 256 : i32
    %dma_wait3A_80 = arith.constant 0 : i32
    %dma_wait3A_81 = tpu.memref_slice %arg10[%dma_wait3A_79, %dma_wait3A_80] : memref<512x32xf32, #tpu.memory_space<vmem>> -> memref<128x32xf32, #tpu.memory_space<vmem>>
    tpu.wait_dma2 semaphore(%arg16 : memref<!tpu.dma_semaphore, #tpu.memory_space<semaphore_mem>>) src(%dma_wait3A_81 : memref<128x32xf32, #tpu.memory_space<vmem>>) dst(%dma_wait3A_78 : memref<128x32xf32, #tpu.memory_space<hbm>>)
    %dma_wait3A_82 = arith.constant 256 : i32
    %dma_wait3A_83 = arith.constant 0 : i32
    %dma_wait3A_84 = tpu.memref_slice %arg11[%dma_wait3A_82, %dma_wait3A_83] : memref<512x32xf32, #tpu.memory_space<vmem>> -> memref<128x32xf32, #tpu.memory_space<vmem>>
    %dma_wait3A_85 = arith.constant 64 : i32
    %dma_wait3A_86 = tpu.memref_slice %arg7[%select_n3A, %dma_wait3A_85] : memref<81920x128xf32, #tpu.memory_space<hbm>> -> memref<128x32xf32, #tpu.memory_space<hbm>>
    %dma_wait3A_87 = arith.constant 64 : i32
    %dma_wait3A_88 = tpu.memref_slice %arg7[%select_n3A, %dma_wait3A_87] : memref<81920x128xf32, #tpu.memory_space<hbm>> -> memref<128x32xf32, #tpu.memory_space<hbm>>
    %dma_wait3A_89 = arith.constant 256 : i32
    %dma_wait3A_90 = arith.constant 0 : i32
    %dma_wait3A_91 = tpu.memref_slice %arg11[%dma_wait3A_89, %dma_wait3A_90] : memref<512x32xf32, #tpu.memory_space<vmem>> -> memref<128x32xf32, #tpu.memory_space<vmem>>
    tpu.wait_dma2 semaphore(%arg16 : memref<!tpu.dma_semaphore, #tpu.memory_space<semaphore_mem>>) src(%dma_wait3A_91 : memref<128x32xf32, #tpu.memory_space<vmem>>) dst(%dma_wait3A_88 : memref<128x32xf32, #tpu.memory_space<hbm>>)
    %dma_wait3A_92 = arith.constant 384 : i32
    %dma_wait3A_93 = arith.constant 0 : i32
    %dma_wait3A_94 = tpu.memref_slice %arg10[%dma_wait3A_92, %dma_wait3A_93] : memref<512x32xf32, #tpu.memory_space<vmem>> -> memref<128x32xf32, #tpu.memory_space<vmem>>
    %dma_wait3A_95 = arith.constant 96 : i32
    %dma_wait3A_96 = tpu.memref_slice %arg6[%select_n3A, %dma_wait3A_95] : memref<81920x128xf32, #tpu.memory_space<hbm>> -> memref<128x32xf32, #tpu.memory_space<hbm>>
    %dma_wait3A_97 = arith.constant 96 : i32
    %dma_wait3A_98 = tpu.memref_slice %arg6[%select_n3A, %dma_wait3A_97] : memref<81920x128xf32, #tpu.memory_space<hbm>> -> memref<128x32xf32, #tpu.memory_space<hbm>>
    %dma_wait3A_99 = arith.constant 384 : i32
    %dma_wait3A_100 = arith.constant 0 : i32
    %dma_wait3A_101 = tpu.memref_slice %arg10[%dma_wait3A_99, %dma_wait3A_100] : memref<512x32xf32, #tpu.memory_space<vmem>> -> memref<128x32xf32, #tpu.memory_space<vmem>>
    tpu.wait_dma2 semaphore(%arg16 : memref<!tpu.dma_semaphore, #tpu.memory_space<semaphore_mem>>) src(%dma_wait3A_101 : memref<128x32xf32, #tpu.memory_space<vmem>>) dst(%dma_wait3A_98 : memref<128x32xf32, #tpu.memory_space<hbm>>)
    %dma_wait3A_102 = arith.constant 384 : i32
    %dma_wait3A_103 = arith.constant 0 : i32
    %dma_wait3A_104 = tpu.memref_slice %arg11[%dma_wait3A_102, %dma_wait3A_103] : memref<512x32xf32, #tpu.memory_space<vmem>> -> memref<128x32xf32, #tpu.memory_space<vmem>>
    %dma_wait3A_105 = arith.constant 96 : i32
    %dma_wait3A_106 = tpu.memref_slice %arg7[%select_n3A, %dma_wait3A_105] : memref<81920x128xf32, #tpu.memory_space<hbm>> -> memref<128x32xf32, #tpu.memory_space<hbm>>
    %dma_wait3A_107 = arith.constant 96 : i32
    %dma_wait3A_108 = tpu.memref_slice %arg7[%select_n3A, %dma_wait3A_107] : memref<81920x128xf32, #tpu.memory_space<hbm>> -> memref<128x32xf32, #tpu.memory_space<hbm>>
    %dma_wait3A_109 = arith.constant 384 : i32
    %dma_wait3A_110 = arith.constant 0 : i32
    %dma_wait3A_111 = tpu.memref_slice %arg11[%dma_wait3A_109, %dma_wait3A_110] : memref<512x32xf32, #tpu.memory_space<vmem>> -> memref<128x32xf32, #tpu.memory_space<vmem>>
    tpu.wait_dma2 semaphore(%arg16 : memref<!tpu.dma_semaphore, #tpu.memory_space<semaphore_mem>>) src(%dma_wait3A_111 : memref<128x32xf32, #tpu.memory_space<vmem>>) dst(%dma_wait3A_108 : memref<128x32xf32, #tpu.memory_space<hbm>>)
    %dma_wait3A_112 = arith.constant 0 : i32
    %dma_wait3A_113 = arith.constant 0 : i32
    %dma_wait3A_114 = tpu.memref_slice %arg12[%dma_wait3A_112, %dma_wait3A_113] : memref<512x32xf32, #tpu.memory_space<vmem>> -> memref<128x32xf32, #tpu.memory_space<vmem>>
    %dma_wait3A_115 = arith.constant 0 : i32
    %dma_wait3A_116 = tpu.memref_slice %arg6[%select_n3A, %dma_wait3A_115] : memref<81920x128xf32, #tpu.memory_space<hbm>> -> memref<128x32xf32, #tpu.memory_space<hbm>>
    %dma_wait3A_117 = arith.constant 0 : i32
    %dma_wait3A_118 = tpu.memref_slice %arg6[%select_n3A, %dma_wait3A_117] : memref<81920x128xf32, #tpu.memory_space<hbm>> -> memref<128x32xf32, #tpu.memory_space<hbm>>
    %dma_wait3A_119 = arith.constant 0 : i32
    %dma_wait3A_120 = arith.constant 0 : i32
    %dma_wait3A_121 = tpu.memref_slice %arg12[%dma_wait3A_119, %dma_wait3A_120] : memref<512x32xf32, #tpu.memory_space<vmem>> -> memref<128x32xf32, #tpu.memory_space<vmem>>
    tpu.wait_dma2 semaphore(%arg17 : memref<!tpu.dma_semaphore, #tpu.memory_space<semaphore_mem>>) src(%dma_wait3A_121 : memref<128x32xf32, #tpu.memory_space<vmem>>) dst(%dma_wait3A_118 : memref<128x32xf32, #tpu.memory_space<hbm>>)
    %dma_wait3A_122 = arith.constant 0 : i32
    %dma_wait3A_123 = arith.constant 0 : i32
    %dma_wait3A_124 = tpu.memref_slice %arg13[%dma_wait3A_122, %dma_wait3A_123] : memref<512x32xf32, #tpu.memory_space<vmem>> -> memref<128x32xf32, #tpu.memory_space<vmem>>
    %dma_wait3A_125 = arith.constant 0 : i32
    %dma_wait3A_126 = tpu.memref_slice %arg7[%select_n3A, %dma_wait3A_125] : memref<81920x128xf32, #tpu.memory_space<hbm>> -> memref<128x32xf32, #tpu.memory_space<hbm>>
    %dma_wait3A_127 = arith.constant 0 : i32
    %dma_wait3A_128 = tpu.memref_slice %arg7[%select_n3A, %dma_wait3A_127] : memref<81920x128xf32, #tpu.memory_space<hbm>> -> memref<128x32xf32, #tpu.memory_space<hbm>>
    %dma_wait3A_129 = arith.constant 0 : i32
    %dma_wait3A_130 = arith.constant 0 : i32
    %dma_wait3A_131 = tpu.memref_slice %arg13[%dma_wait3A_129, %dma_wait3A_130] : memref<512x32xf32, #tpu.memory_space<vmem>> -> memref<128x32xf32, #tpu.memory_space<vmem>>
    tpu.wait_dma2 semaphore(%arg17 : memref<!tpu.dma_semaphore, #tpu.memory_space<semaphore_mem>>) src(%dma_wait3A_131 : memref<128x32xf32, #tpu.memory_space<vmem>>) dst(%dma_wait3A_128 : memref<128x32xf32, #tpu.memory_space<hbm>>)
    %dma_wait3A_132 = arith.constant 128 : i32
    %dma_wait3A_133 = arith.constant 0 : i32
    %dma_wait3A_134 = tpu.memref_slice %arg12[%dma_wait3A_132, %dma_wait3A_133] : memref<512x32xf32, #tpu.memory_space<vmem>> -> memref<128x32xf32, #tpu.memory_space<vmem>>
    %dma_wait3A_135 = arith.constant 32 : i32
    %dma_wait3A_136 = tpu.memref_slice %arg6[%select_n3A, %dma_wait3A_135] : memref<81920x128xf32, #tpu.memory_space<hbm>> -> memref<128x32xf32, #tpu.memory_space<hbm>>
    %dma_wait3A_137 = arith.constant 32 : i32
    %dma_wait3A_138 = tpu.memref_slice %arg6[%select_n3A, %dma_wait3A_137] : memref<81920x128xf32, #tpu.memory_space<hbm>> -> memref<128x32xf32, #tpu.memory_space<hbm>>
    %dma_wait3A_139 = arith.constant 128 : i32
    %dma_wait3A_140 = arith.constant 0 : i32
    %dma_wait3A_141 = tpu.memref_slice %arg12[%dma_wait3A_139, %dma_wait3A_140] : memref<512x32xf32, #tpu.memory_space<vmem>> -> memref<128x32xf32, #tpu.memory_space<vmem>>
    tpu.wait_dma2 semaphore(%arg17 : memref<!tpu.dma_semaphore, #tpu.memory_space<semaphore_mem>>) src(%dma_wait3A_141 : memref<128x32xf32, #tpu.memory_space<vmem>>) dst(%dma_wait3A_138 : memref<128x32xf32, #tpu.memory_space<hbm>>)
    %dma_wait3A_142 = arith.constant 128 : i32
    %dma_wait3A_143 = arith.constant 0 : i32
    %dma_wait3A_144 = tpu.memref_slice %arg13[%dma_wait3A_142, %dma_wait3A_143] : memref<512x32xf32, #tpu.memory_space<vmem>> -> memref<128x32xf32, #tpu.memory_space<vmem>>
    %dma_wait3A_145 = arith.constant 32 : i32
    %dma_wait3A_146 = tpu.memref_slice %arg7[%select_n3A, %dma_wait3A_145] : memref<81920x128xf32, #tpu.memory_space<hbm>> -> memref<128x32xf32, #tpu.memory_space<hbm>>
    %dma_wait3A_147 = arith.constant 32 : i32
    %dma_wait3A_148 = tpu.memref_slice %arg7[%select_n3A, %dma_wait3A_147] : memref<81920x128xf32, #tpu.memory_space<hbm>> -> memref<128x32xf32, #tpu.memory_space<hbm>>
    %dma_wait3A_149 = arith.constant 128 : i32
    %dma_wait3A_150 = arith.constant 0 : i32
    %dma_wait3A_151 = tpu.memref_slice %arg13[%dma_wait3A_149, %dma_wait3A_150] : memref<512x32xf32, #tpu.memory_space<vmem>> -> memref<128x32xf32, #tpu.memory_space<vmem>>
    tpu.wait_dma2 semaphore(%arg17 : memref<!tpu.dma_semaphore, #tpu.memory_space<semaphore_mem>>) src(%dma_wait3A_151 : memref<128x32xf32, #tpu.memory_space<vmem>>) dst(%dma_wait3A_148 : memref<128x32xf32, #tpu.memory_space<hbm>>)
    %dma_wait3A_152 = arith.constant 256 : i32
    %dma_wait3A_153 = arith.constant 0 : i32
    %dma_wait3A_154 = tpu.memref_slice %arg12[%dma_wait3A_152, %dma_wait3A_153] : memref<512x32xf32, #tpu.memory_space<vmem>> -> memref<128x32xf32, #tpu.memory_space<vmem>>
    %dma_wait3A_155 = arith.constant 64 : i32
    %dma_wait3A_156 = tpu.memref_slice %arg6[%select_n3A, %dma_wait3A_155] : memref<81920x128xf32, #tpu.memory_space<hbm>> -> memref<128x32xf32, #tpu.memory_space<hbm>>
    %dma_wait3A_157 = arith.constant 64 : i32
    %dma_wait3A_158 = tpu.memref_slice %arg6[%select_n3A, %dma_wait3A_157] : memref<81920x128xf32, #tpu.memory_space<hbm>> -> memref<128x32xf32, #tpu.memory_space<hbm>>
    %dma_wait3A_159 = arith.constant 256 : i32
    %dma_wait3A_160 = arith.constant 0 : i32
    %dma_wait3A_161 = tpu.memref_slice %arg12[%dma_wait3A_159, %dma_wait3A_160] : memref<512x32xf32, #tpu.memory_space<vmem>> -> memref<128x32xf32, #tpu.memory_space<vmem>>
    tpu.wait_dma2 semaphore(%arg17 : memref<!tpu.dma_semaphore, #tpu.memory_space<semaphore_mem>>) src(%dma_wait3A_161 : memref<128x32xf32, #tpu.memory_space<vmem>>) dst(%dma_wait3A_158 : memref<128x32xf32, #tpu.memory_space<hbm>>)
    %dma_wait3A_162 = arith.constant 256 : i32
    %dma_wait3A_163 = arith.constant 0 : i32
    %dma_wait3A_164 = tpu.memref_slice %arg13[%dma_wait3A_162, %dma_wait3A_163] : memref<512x32xf32, #tpu.memory_space<vmem>> -> memref<128x32xf32, #tpu.memory_space<vmem>>
    %dma_wait3A_165 = arith.constant 64 : i32
    %dma_wait3A_166 = tpu.memref_slice %arg7[%select_n3A, %dma_wait3A_165] : memref<81920x128xf32, #tpu.memory_space<hbm>> -> memref<128x32xf32, #tpu.memory_space<hbm>>
    %dma_wait3A_167 = arith.constant 64 : i32
    %dma_wait3A_168 = tpu.memref_slice %arg7[%select_n3A, %dma_wait3A_167] : memref<81920x128xf32, #tpu.memory_space<hbm>> -> memref<128x32xf32, #tpu.memory_space<hbm>>
    %dma_wait3A_169 = arith.constant 256 : i32
    %dma_wait3A_170 = arith.constant 0 : i32
    %dma_wait3A_171 = tpu.memref_slice %arg13[%dma_wait3A_169, %dma_wait3A_170] : memref<512x32xf32, #tpu.memory_space<vmem>> -> memref<128x32xf32, #tpu.memory_space<vmem>>
    tpu.wait_dma2 semaphore(%arg17 : memref<!tpu.dma_semaphore, #tpu.memory_space<semaphore_mem>>) src(%dma_wait3A_171 : memref<128x32xf32, #tpu.memory_space<vmem>>) dst(%dma_wait3A_168 : memref<128x32xf32, #tpu.memory_space<hbm>>)
    %dma_wait3A_172 = arith.constant 384 : i32
    %dma_wait3A_173 = arith.constant 0 : i32
    %dma_wait3A_174 = tpu.memref_slice %arg12[%dma_wait3A_172, %dma_wait3A_173] : memref<512x32xf32, #tpu.memory_space<vmem>> -> memref<128x32xf32, #tpu.memory_space<vmem>>
    %dma_wait3A_175 = arith.constant 96 : i32
    %dma_wait3A_176 = tpu.memref_slice %arg6[%select_n3A, %dma_wait3A_175] : memref<81920x128xf32, #tpu.memory_space<hbm>> -> memref<128x32xf32, #tpu.memory_space<hbm>>
    %dma_wait3A_177 = arith.constant 96 : i32
    %dma_wait3A_178 = tpu.memref_slice %arg6[%select_n3A, %dma_wait3A_177] : memref<81920x128xf32, #tpu.memory_space<hbm>> -> memref<128x32xf32, #tpu.memory_space<hbm>>
    %dma_wait3A_179 = arith.constant 384 : i32
    %dma_wait3A_180 = arith.constant 0 : i32
    %dma_wait3A_181 = tpu.memref_slice %arg12[%dma_wait3A_179, %dma_wait3A_180] : memref<512x32xf32, #tpu.memory_space<vmem>> -> memref<128x32xf32, #tpu.memory_space<vmem>>
    tpu.wait_dma2 semaphore(%arg17 : memref<!tpu.dma_semaphore, #tpu.memory_space<semaphore_mem>>) src(%dma_wait3A_181 : memref<128x32xf32, #tpu.memory_space<vmem>>) dst(%dma_wait3A_178 : memref<128x32xf32, #tpu.memory_space<hbm>>)
    %dma_wait3A_182 = arith.constant 384 : i32
    %dma_wait3A_183 = arith.constant 0 : i32
    %dma_wait3A_184 = tpu.memref_slice %arg13[%dma_wait3A_182, %dma_wait3A_183] : memref<512x32xf32, #tpu.memory_space<vmem>> -> memref<128x32xf32, #tpu.memory_space<vmem>>
    %dma_wait3A_185 = arith.constant 96 : i32
    %dma_wait3A_186 = tpu.memref_slice %arg7[%select_n3A, %dma_wait3A_185] : memref<81920x128xf32, #tpu.memory_space<hbm>> -> memref<128x32xf32, #tpu.memory_space<hbm>>
    %dma_wait3A_187 = arith.constant 96 : i32
    %dma_wait3A_188 = tpu.memref_slice %arg7[%select_n3A, %dma_wait3A_187] : memref<81920x128xf32, #tpu.memory_space<hbm>> -> memref<128x32xf32, #tpu.memory_space<hbm>>
    %dma_wait3A_189 = arith.constant 384 : i32
    %dma_wait3A_190 = arith.constant 0 : i32
    %dma_wait3A_191 = tpu.memref_slice %arg13[%dma_wait3A_189, %dma_wait3A_190] : memref<512x32xf32, #tpu.memory_space<vmem>> -> memref<128x32xf32, #tpu.memory_space<vmem>>
    tpu.wait_dma2 semaphore(%arg17 : memref<!tpu.dma_semaphore, #tpu.memory_space<semaphore_mem>>) src(%dma_wait3A_191 : memref<128x32xf32, #tpu.memory_space<vmem>>) dst(%dma_wait3A_188 : memref<128x32xf32, #tpu.memory_space<hbm>>)
    return
  }
}

#map = affine_map<(d0, d1) -> (0, 0)>
module attributes {stable_mosaic.version = 14 : i64} {
  func.func @_scatter_body(%arg0: i32, %arg1: i32, %arg2: memref<327680x16xf32, #tpu.memory_space<hbm>>, %arg3: memref<327680x16xf32, #tpu.memory_space<hbm>>, %arg4: memref<16x10240xi32, #tpu.memory_space<hbm>>, %arg5: memref<16x10240xi32, #tpu.memory_space<hbm>>, %arg6: memref<20480x16xf32, #tpu.memory_space<hbm>>, %arg7: memref<10240xi32, #tpu.memory_space<vmem>>, %arg8: memref<10240xi32, #tpu.memory_space<vmem>>, %arg9: memref<512x16xf32, #tpu.memory_space<vmem>>, %arg10: memref<512x16xf32, #tpu.memory_space<vmem>>, %arg11: memref<512x16xf32, #tpu.memory_space<vmem>>, %arg12: memref<512x16xf32, #tpu.memory_space<vmem>>, %arg13: memref<128x16xf32, #tpu.memory_space<vmem>>, %arg14: memref<10240x16xf32, #tpu.memory_space<vmem_shared>>, %arg15: memref<!tpu.dma_semaphore, #tpu.memory_space<semaphore_mem>>, %arg16: memref<!tpu.dma_semaphore, #tpu.memory_space<semaphore_mem>>, %arg17: memref<!tpu.dma_semaphore, #tpu.memory_space<semaphore_mem>>, %arg18: memref<!tpu.dma_semaphore, #tpu.memory_space<semaphore_mem>>) attributes {dimension_semantics = [#tpu.dimension_semantics<core_parallel>, #tpu.dimension_semantics<subcore_parallel>], iteration_bounds = array<i64: 2, 16>, scalar_prefetch = 0 : i64, scratch_operands = 12 : i64, tpu.core_type = #tpu.core_type<sc_vector_subcore>, window_params = [{transform_indices = #map}, {transform_indices = #map}, {transform_indices = #map}, {transform_indices = #map}, {transform_indices = #map}]} {
    "tpu.region"() ({
      %run_scoped3A = tpu.sem_alloc : memref<!tpu.dma_semaphore, #tpu.memory_space<semaphore_mem>>
      %dma_start3A_70 = arith.constant 0 : i32
      %dma_start3A_71 = tpu.memref_slice %arg4[%arg1, %dma_start3A_70] : memref<16x10240xi32, #tpu.memory_space<hbm>> -> memref<1x10240xi32, #tpu.memory_space<hbm>>
      %dma_start3A_72 = tpu.memref_squeeze %dma_start3A_71 : memref<1x10240xi32, #tpu.memory_space<hbm>> -> memref<10240xi32, #tpu.memory_space<hbm>>
      %dma_start3A_73 = arith.constant 0 : i32
      %dma_start3A_74 = tpu.memref_slice %arg4[%arg1, %dma_start3A_73] : memref<16x10240xi32, #tpu.memory_space<hbm>> -> memref<1x10240xi32, #tpu.memory_space<hbm>>
      %dma_start3A_75 = tpu.memref_squeeze %dma_start3A_74 : memref<1x10240xi32, #tpu.memory_space<hbm>> -> memref<10240xi32, #tpu.memory_space<hbm>>
      tpu.enqueue_dma source(%dma_start3A_75 : memref<10240xi32, #tpu.memory_space<hbm>>) target(%arg7 : memref<10240xi32, #tpu.memory_space<vmem>>) target_semaphore(%run_scoped3A : memref<!tpu.dma_semaphore, #tpu.memory_space<semaphore_mem>>)
      %dma_wait3A_76 = arith.constant 0 : i32
      %dma_wait3A_77 = tpu.memref_slice %arg4[%arg1, %dma_wait3A_76] : memref<16x10240xi32, #tpu.memory_space<hbm>> -> memref<1x10240xi32, #tpu.memory_space<hbm>>
      %dma_wait3A_78 = tpu.memref_squeeze %dma_wait3A_77 : memref<1x10240xi32, #tpu.memory_space<hbm>> -> memref<10240xi32, #tpu.memory_space<hbm>>
      %dma_wait3A_79 = arith.constant 0 : i32
      %dma_wait3A_80 = tpu.memref_slice %arg4[%arg1, %dma_wait3A_79] : memref<16x10240xi32, #tpu.memory_space<hbm>> -> memref<1x10240xi32, #tpu.memory_space<hbm>>
      %dma_wait3A_81 = tpu.memref_squeeze %dma_wait3A_80 : memref<1x10240xi32, #tpu.memory_space<hbm>> -> memref<10240xi32, #tpu.memory_space<hbm>>
      tpu.wait_dma2 semaphore(%run_scoped3A : memref<!tpu.dma_semaphore, #tpu.memory_space<semaphore_mem>>) src(%dma_wait3A_81 : memref<10240xi32, #tpu.memory_space<hbm>>) dst(%arg7 : memref<10240xi32, #tpu.memory_space<vmem>>)
      tpu.yield
    }) : () -> ()
    "tpu.region"() ({
      %run_scoped3A = tpu.sem_alloc : memref<!tpu.dma_semaphore, #tpu.memory_space<semaphore_mem>>
      %dma_start3A_70 = arith.constant 0 : i32
      %dma_start3A_71 = tpu.memref_slice %arg5[%arg1, %dma_start3A_70] : memref<16x10240xi32, #tpu.memory_space<hbm>> -> memref<1x10240xi32, #tpu.memory_space<hbm>>
      %dma_start3A_72 = tpu.memref_squeeze %dma_start3A_71 : memref<1x10240xi32, #tpu.memory_space<hbm>> -> memref<10240xi32, #tpu.memory_space<hbm>>
      %dma_start3A_73 = arith.constant 0 : i32
      %dma_start3A_74 = tpu.memref_slice %arg5[%arg1, %dma_start3A_73] : memref<16x10240xi32, #tpu.memory_space<hbm>> -> memref<1x10240xi32, #tpu.memory_space<hbm>>
      %dma_start3A_75 = tpu.memref_squeeze %dma_start3A_74 : memref<1x10240xi32, #tpu.memory_space<hbm>> -> memref<10240xi32, #tpu.memory_space<hbm>>
      tpu.enqueue_dma source(%dma_start3A_75 : memref<10240xi32, #tpu.memory_space<hbm>>) target(%arg8 : memref<10240xi32, #tpu.memory_space<vmem>>) target_semaphore(%run_scoped3A : memref<!tpu.dma_semaphore, #tpu.memory_space<semaphore_mem>>)
      %dma_wait3A_76 = arith.constant 0 : i32
      %dma_wait3A_77 = tpu.memref_slice %arg5[%arg1, %dma_wait3A_76] : memref<16x10240xi32, #tpu.memory_space<hbm>> -> memref<1x10240xi32, #tpu.memory_space<hbm>>
      %dma_wait3A_78 = tpu.memref_squeeze %dma_wait3A_77 : memref<1x10240xi32, #tpu.memory_space<hbm>> -> memref<10240xi32, #tpu.memory_space<hbm>>
      %dma_wait3A_79 = arith.constant 0 : i32
      %dma_wait3A_80 = tpu.memref_slice %arg5[%arg1, %dma_wait3A_79] : memref<16x10240xi32, #tpu.memory_space<hbm>> -> memref<1x10240xi32, #tpu.memory_space<hbm>>
      %dma_wait3A_81 = tpu.memref_squeeze %dma_wait3A_80 : memref<1x10240xi32, #tpu.memory_space<hbm>> -> memref<10240xi32, #tpu.memory_space<hbm>>
      tpu.wait_dma2 semaphore(%run_scoped3A : memref<!tpu.dma_semaphore, #tpu.memory_space<semaphore_mem>>) src(%dma_wait3A_81 : memref<10240xi32, #tpu.memory_space<hbm>>) dst(%arg8 : memref<10240xi32, #tpu.memory_space<vmem>>)
      tpu.yield
    }) : () -> ()
    %scan3A = arith.constant 0 : i32
    %scan3A_0 = arith.constant 0 : i32
    %scan3A_1 = arith.constant 128 : i32
    %scan3A_2 = arith.addi %scan3A_0, %scan3A_1 : i32
    %scan3A_3 = arith.constant 1 : i32
    scf.for %scan3A_70 = %scan3A_0 to %scan3A_2 step %scan3A_3  : i32 {
      %broadcast_in_dim3A = arith.constant 0.000000e+00 : f32
      %broadcast_in_dim3A_71 = vector.broadcast %broadcast_in_dim3A : f32 to vector<16xf32>
      %swap3A = arith.index_cast %scan3A_70 : i32 to index
      %swap3A_72 = arith.constant 0 : index
      %swap3A_73 = tpu.vector_load %arg13[%swap3A, %swap3A_72] {strides = array<i32>} : memref<128x16xf32, #tpu.memory_space<vmem>>, vector<1x16xf32>,
      %swap3A_74 = vector.shape_cast %swap3A_73 : vector<1x16xf32> to vector<16xf32>
      %swap3A_75 = vector.shape_cast %broadcast_in_dim3A_71 : vector<16xf32> to vector<1x16xf32>
      tpu.vector_store %arg13[%swap3A, %swap3A_72], %swap3A_75 {strides = array<i32>} : memref<128x16xf32, #tpu.memory_space<vmem>>, vector<1x16xf32>,
    }
    %scan3A_4 = arith.constant 128 : i32
    %mul3A = arith.constant 640 : i32
    %mul3A_5 = arith.muli %arg1, %mul3A : i32
    %add3A = arith.constant 0 : i32
    %add3A_6 = arith.addi %mul3A_5, %add3A : i32
    "tpu.region"() ({
      %run_scoped3A = tpu.sem_alloc : memref<!tpu.dma_semaphore, #tpu.memory_space<semaphore_mem>>
      %dma_start3A_70 = arith.constant 0 : i32
      %dma_start3A_71 = tpu.memref_slice %arg14[%add3A_6, %dma_start3A_70] : memref<10240x16xf32, #tpu.memory_space<vmem_shared>> -> memref<128x16xf32, #tpu.memory_space<vmem_shared>>
      %dma_start3A_72 = arith.constant 0 : i32
      %dma_start3A_73 = tpu.memref_slice %arg14[%add3A_6, %dma_start3A_72] : memref<10240x16xf32, #tpu.memory_space<vmem_shared>> -> memref<128x16xf32, #tpu.memory_space<vmem_shared>>
      tpu.enqueue_dma source(%arg13 : memref<128x16xf32, #tpu.memory_space<vmem>>) target(%dma_start3A_73 : memref<128x16xf32, #tpu.memory_space<vmem_shared>>) target_semaphore(%run_scoped3A : memref<!tpu.dma_semaphore, #tpu.memory_space<semaphore_mem>>)
      %dma_wait3A_74 = arith.constant 0 : i32
      %dma_wait3A_75 = tpu.memref_slice %arg14[%add3A_6, %dma_wait3A_74] : memref<10240x16xf32, #tpu.memory_space<vmem_shared>> -> memref<128x16xf32, #tpu.memory_space<vmem_shared>>
      %dma_wait3A_76 = arith.constant 0 : i32
      %dma_wait3A_77 = tpu.memref_slice %arg14[%add3A_6, %dma_wait3A_76] : memref<10240x16xf32, #tpu.memory_space<vmem_shared>> -> memref<128x16xf32, #tpu.memory_space<vmem_shared>>
      tpu.wait_dma2 semaphore(%run_scoped3A : memref<!tpu.dma_semaphore, #tpu.memory_space<semaphore_mem>>) src(%arg13 : memref<128x16xf32, #tpu.memory_space<vmem>>) dst(%dma_wait3A_77 : memref<128x16xf32, #tpu.memory_space<vmem_shared>>)
      tpu.yield
    }) : () -> ()
    %mul3A_7 = arith.constant 640 : i32
    %mul3A_8 = arith.muli %arg1, %mul3A_7 : i32
    %add3A_9 = arith.constant 128 : i32
    %add3A_10 = arith.addi %mul3A_8, %add3A_9 : i32
    "tpu.region"() ({
      %run_scoped3A = tpu.sem_alloc : memref<!tpu.dma_semaphore, #tpu.memory_space<semaphore_mem>>
      %dma_start3A_70 = arith.constant 0 : i32
      %dma_start3A_71 = tpu.memref_slice %arg14[%add3A_10, %dma_start3A_70] : memref<10240x16xf32, #tpu.memory_space<vmem_shared>> -> memref<128x16xf32, #tpu.memory_space<vmem_shared>>
      %dma_start3A_72 = arith.constant 0 : i32
      %dma_start3A_73 = tpu.memref_slice %arg14[%add3A_10, %dma_start3A_72] : memref<10240x16xf32, #tpu.memory_space<vmem_shared>> -> memref<128x16xf32, #tpu.memory_space<vmem_shared>>
      tpu.enqueue_dma source(%arg13 : memref<128x16xf32, #tpu.memory_space<vmem>>) target(%dma_start3A_73 : memref<128x16xf32, #tpu.memory_space<vmem_shared>>) target_semaphore(%run_scoped3A : memref<!tpu.dma_semaphore, #tpu.memory_space<semaphore_mem>>)
      %dma_wait3A_74 = arith.constant 0 : i32
      %dma_wait3A_75 = tpu.memref_slice %arg14[%add3A_10, %dma_wait3A_74] : memref<10240x16xf32, #tpu.memory_space<vmem_shared>> -> memref<128x16xf32, #tpu.memory_space<vmem_shared>>
      %dma_wait3A_76 = arith.constant 0 : i32
      %dma_wait3A_77 = tpu.memref_slice %arg14[%add3A_10, %dma_wait3A_76] : memref<10240x16xf32, #tpu.memory_space<vmem_shared>> -> memref<128x16xf32, #tpu.memory_space<vmem_shared>>
      tpu.wait_dma2 semaphore(%run_scoped3A : memref<!tpu.dma_semaphore, #tpu.memory_space<semaphore_mem>>) src(%arg13 : memref<128x16xf32, #tpu.memory_space<vmem>>) dst(%dma_wait3A_77 : memref<128x16xf32, #tpu.memory_space<vmem_shared>>)
      tpu.yield
    }) : () -> ()
    %mul3A_11 = arith.constant 640 : i32
    %mul3A_12 = arith.muli %arg1, %mul3A_11 : i32
    %add3A_13 = arith.constant 256 : i32
    %add3A_14 = arith.addi %mul3A_12, %add3A_13 : i32
    "tpu.region"() ({
      %run_scoped3A = tpu.sem_alloc : memref<!tpu.dma_semaphore, #tpu.memory_space<semaphore_mem>>
      %dma_start3A_70 = arith.constant 0 : i32
      %dma_start3A_71 = tpu.memref_slice %arg14[%add3A_14, %dma_start3A_70] : memref<10240x16xf32, #tpu.memory_space<vmem_shared>> -> memref<128x16xf32, #tpu.memory_space<vmem_shared>>
      %dma_start3A_72 = arith.constant 0 : i32
      %dma_start3A_73 = tpu.memref_slice %arg14[%add3A_14, %dma_start3A_72] : memref<10240x16xf32, #tpu.memory_space<vmem_shared>> -> memref<128x16xf32, #tpu.memory_space<vmem_shared>>
      tpu.enqueue_dma source(%arg13 : memref<128x16xf32, #tpu.memory_space<vmem>>) target(%dma_start3A_73 : memref<128x16xf32, #tpu.memory_space<vmem_shared>>) target_semaphore(%run_scoped3A : memref<!tpu.dma_semaphore, #tpu.memory_space<semaphore_mem>>)
      %dma_wait3A_74 = arith.constant 0 : i32
      %dma_wait3A_75 = tpu.memref_slice %arg14[%add3A_14, %dma_wait3A_74] : memref<10240x16xf32, #tpu.memory_space<vmem_shared>> -> memref<128x16xf32, #tpu.memory_space<vmem_shared>>
      %dma_wait3A_76 = arith.constant 0 : i32
      %dma_wait3A_77 = tpu.memref_slice %arg14[%add3A_14, %dma_wait3A_76] : memref<10240x16xf32, #tpu.memory_space<vmem_shared>> -> memref<128x16xf32, #tpu.memory_space<vmem_shared>>
      tpu.wait_dma2 semaphore(%run_scoped3A : memref<!tpu.dma_semaphore, #tpu.memory_space<semaphore_mem>>) src(%arg13 : memref<128x16xf32, #tpu.memory_space<vmem>>) dst(%dma_wait3A_77 : memref<128x16xf32, #tpu.memory_space<vmem_shared>>)
      tpu.yield
    }) : () -> ()
    %mul3A_15 = arith.constant 640 : i32
    %mul3A_16 = arith.muli %arg1, %mul3A_15 : i32
    %add3A_17 = arith.constant 384 : i32
    %add3A_18 = arith.addi %mul3A_16, %add3A_17 : i32
    "tpu.region"() ({
      %run_scoped3A = tpu.sem_alloc : memref<!tpu.dma_semaphore, #tpu.memory_space<semaphore_mem>>
      %dma_start3A_70 = arith.constant 0 : i32
      %dma_start3A_71 = tpu.memref_slice %arg14[%add3A_18, %dma_start3A_70] : memref<10240x16xf32, #tpu.memory_space<vmem_shared>> -> memref<128x16xf32, #tpu.memory_space<vmem_shared>>
      %dma_start3A_72 = arith.constant 0 : i32
      %dma_start3A_73 = tpu.memref_slice %arg14[%add3A_18, %dma_start3A_72] : memref<10240x16xf32, #tpu.memory_space<vmem_shared>> -> memref<128x16xf32, #tpu.memory_space<vmem_shared>>
      tpu.enqueue_dma source(%arg13 : memref<128x16xf32, #tpu.memory_space<vmem>>) target(%dma_start3A_73 : memref<128x16xf32, #tpu.memory_space<vmem_shared>>) target_semaphore(%run_scoped3A : memref<!tpu.dma_semaphore, #tpu.memory_space<semaphore_mem>>)
      %dma_wait3A_74 = arith.constant 0 : i32
      %dma_wait3A_75 = tpu.memref_slice %arg14[%add3A_18, %dma_wait3A_74] : memref<10240x16xf32, #tpu.memory_space<vmem_shared>> -> memref<128x16xf32, #tpu.memory_space<vmem_shared>>
      %dma_wait3A_76 = arith.constant 0 : i32
      %dma_wait3A_77 = tpu.memref_slice %arg14[%add3A_18, %dma_wait3A_76] : memref<10240x16xf32, #tpu.memory_space<vmem_shared>> -> memref<128x16xf32, #tpu.memory_space<vmem_shared>>
      tpu.wait_dma2 semaphore(%run_scoped3A : memref<!tpu.dma_semaphore, #tpu.memory_space<semaphore_mem>>) src(%arg13 : memref<128x16xf32, #tpu.memory_space<vmem>>) dst(%dma_wait3A_77 : memref<128x16xf32, #tpu.memory_space<vmem_shared>>)
      tpu.yield
    }) : () -> ()
    %mul3A_19 = arith.constant 640 : i32
    %mul3A_20 = arith.muli %arg1, %mul3A_19 : i32
    %add3A_21 = arith.constant 512 : i32
    %add3A_22 = arith.addi %mul3A_20, %add3A_21 : i32
    "tpu.region"() ({
      %run_scoped3A = tpu.sem_alloc : memref<!tpu.dma_semaphore, #tpu.memory_space<semaphore_mem>>
      %dma_start3A_70 = arith.constant 0 : i32
      %dma_start3A_71 = tpu.memref_slice %arg14[%add3A_22, %dma_start3A_70] : memref<10240x16xf32, #tpu.memory_space<vmem_shared>> -> memref<128x16xf32, #tpu.memory_space<vmem_shared>>
      %dma_start3A_72 = arith.constant 0 : i32
      %dma_start3A_73 = tpu.memref_slice %arg14[%add3A_22, %dma_start3A_72] : memref<10240x16xf32, #tpu.memory_space<vmem_shared>> -> memref<128x16xf32, #tpu.memory_space<vmem_shared>>
      tpu.enqueue_dma source(%arg13 : memref<128x16xf32, #tpu.memory_space<vmem>>) target(%dma_start3A_73 : memref<128x16xf32, #tpu.memory_space<vmem_shared>>) target_semaphore(%run_scoped3A : memref<!tpu.dma_semaphore, #tpu.memory_space<semaphore_mem>>)
      %dma_wait3A_74 = arith.constant 0 : i32
      %dma_wait3A_75 = tpu.memref_slice %arg14[%add3A_22, %dma_wait3A_74] : memref<10240x16xf32, #tpu.memory_space<vmem_shared>> -> memref<128x16xf32, #tpu.memory_space<vmem_shared>>
      %dma_wait3A_76 = arith.constant 0 : i32
      %dma_wait3A_77 = tpu.memref_slice %arg14[%add3A_22, %dma_wait3A_76] : memref<10240x16xf32, #tpu.memory_space<vmem_shared>> -> memref<128x16xf32, #tpu.memory_space<vmem_shared>>
      tpu.wait_dma2 semaphore(%run_scoped3A : memref<!tpu.dma_semaphore, #tpu.memory_space<semaphore_mem>>) src(%arg13 : memref<128x16xf32, #tpu.memory_space<vmem>>) dst(%dma_wait3A_77 : memref<128x16xf32, #tpu.memory_space<vmem_shared>>)
      tpu.yield
    }) : () -> ()
    %barrier3A = arith.constant 0 : index
    tpu.barrier barrier_id(%barrier3A)
    %mul3A_23 = arith.constant 163840 : i32
    %mul3A_24 = arith.muli %arg0, %mul3A_23 : i32
    %mul3A_25 = arith.constant 10240 : i32
    %mul3A_26 = arith.muli %arg1, %mul3A_25 : i32
    %add3A_27 = arith.addi %mul3A_24, %mul3A_26 : i32
    %add3A_28 = arith.constant 0 : i32
    %add3A_29 = arith.addi %add3A_27, %add3A_28 : i32
    %dma_start3A = arith.constant 0 : i32
    %dma_start3A_30 = tpu.memref_slice %arg2[%add3A_29, %dma_start3A] : memref<327680x16xf32, #tpu.memory_space<hbm>> -> memref<512x16xf32, #tpu.memory_space<hbm>>
    %dma_start3A_31 = arith.constant 0 : i32
    %dma_start3A_32 = tpu.memref_slice %arg2[%add3A_29, %dma_start3A_31] : memref<327680x16xf32, #tpu.memory_space<hbm>> -> memref<512x16xf32, #tpu.memory_space<hbm>>
    tpu.enqueue_dma source(%dma_start3A_32 : memref<512x16xf32, #tpu.memory_space<hbm>>) target(%arg9 : memref<512x16xf32, #tpu.memory_space<vmem>>) target_semaphore(%arg15 : memref<!tpu.dma_semaphore, #tpu.memory_space<semaphore_mem>>)
    %dma_start3A_33 = arith.constant 0 : i32
    %dma_start3A_34 = tpu.memref_slice %arg3[%add3A_29, %dma_start3A_33] : memref<327680x16xf32, #tpu.memory_space<hbm>> -> memref<512x16xf32, #tpu.memory_space<hbm>>
    %dma_start3A_35 = arith.constant 0 : i32
    %dma_start3A_36 = tpu.memref_slice %arg3[%add3A_29, %dma_start3A_35] : memref<327680x16xf32, #tpu.memory_space<hbm>> -> memref<512x16xf32, #tpu.memory_space<hbm>>
    tpu.enqueue_dma source(%dma_start3A_36 : memref<512x16xf32, #tpu.memory_space<hbm>>) target(%arg10 : memref<512x16xf32, #tpu.memory_space<vmem>>) target_semaphore(%arg15 : memref<!tpu.dma_semaphore, #tpu.memory_space<semaphore_mem>>)
    %scan3A_37 = arith.constant 0 : i32
    %scan3A_38 = arith.constant 0 : i32
    %scan3A_39 = arith.constant 10 : i32
    %scan3A_40 = arith.addi %scan3A_38, %scan3A_39 : i32
    %scan3A_41 = arith.constant 1 : i32
    scf.for %scan3A_70 = %scan3A_38 to %scan3A_40 step %scan3A_41  : i32 {
      %mul3A_71 = arith.constant 2 : i32
      %mul3A_72 = arith.muli %mul3A_71, %scan3A_70 : i32
      %gt3A = arith.constant 0 : i32
      %gt3A_73 = arith.cmpi sgt, %scan3A_70, %gt3A : i32
      %convert_element_type3A = arith.extui %gt3A_73 : i1 to i32
      %cond3A = arith.constant 0 : i32
      %cond3A_74 = arith.cmpi ne, %convert_element_type3A, %cond3A : i32
      scf.if %cond3A_74 {
        %dma_wait3A_134 = arith.constant 0 : i32
        %dma_wait3A_135 = tpu.memref_slice %arg7[%dma_wait3A_134] : memref<10240xi32, #tpu.memory_space<vmem>> -> memref<512xi32, #tpu.memory_space<vmem>>
        %dma_wait3A_136 = arith.constant 0 : i32
        %dma_wait3A_137 = arith.constant 0 : i32
        %dma_wait3A_138 = tpu.memref_slice %arg14[%dma_wait3A_136, %dma_wait3A_137] : memref<10240x16xf32, #tpu.memory_space<vmem_shared>> -> memref<10240x16xf32, #tpu.memory_space<vmem_shared>>
        tpu.wait_indirect_dma semaphore(%arg18 : memref<!tpu.dma_semaphore, #tpu.memory_space<semaphore_mem>>) src(%arg11 : memref<512x16xf32, #tpu.memory_space<vmem>>) dst(%dma_wait3A_138 : memref<10240x16xf32, #tpu.memory_space<vmem_shared>>)
        %dma_wait3A_139 = arith.constant 0 : i32
        %dma_wait3A_140 = tpu.memref_slice %arg8[%dma_wait3A_139] : memref<10240xi32, #tpu.memory_space<vmem>> -> memref<512xi32, #tpu.memory_space<vmem>>
        %dma_wait3A_141 = arith.constant 0 : i32
        %dma_wait3A_142 = arith.constant 0 : i32
        %dma_wait3A_143 = tpu.memref_slice %arg14[%dma_wait3A_141, %dma_wait3A_142] : memref<10240x16xf32, #tpu.memory_space<vmem_shared>> -> memref<10240x16xf32, #tpu.memory_space<vmem_shared>>
        tpu.wait_indirect_dma semaphore(%arg18 : memref<!tpu.dma_semaphore, #tpu.memory_space<semaphore_mem>>) src(%arg12 : memref<512x16xf32, #tpu.memory_space<vmem>>) dst(%dma_wait3A_143 : memref<10240x16xf32, #tpu.memory_space<vmem_shared>>)
      } else {
      }
      %add3A_75 = arith.constant 1 : i32
      %add3A_76 = arith.addi %mul3A_72, %add3A_75 : i32
      %mul3A_77 = arith.constant 512 : i32
      %mul3A_78 = arith.muli %add3A_76, %mul3A_77 : i32
      %add3A_79 = arith.addi %add3A_27, %mul3A_78 : i32
      %dma_start3A_80 = arith.constant 0 : i32
      %dma_start3A_81 = tpu.memref_slice %arg2[%add3A_79, %dma_start3A_80] : memref<327680x16xf32, #tpu.memory_space<hbm>> -> memref<512x16xf32, #tpu.memory_space<hbm>>
      %dma_start3A_82 = arith.constant 0 : i32
      %dma_start3A_83 = tpu.memref_slice %arg2[%add3A_79, %dma_start3A_82] : memref<327680x16xf32, #tpu.memory_space<hbm>> -> memref<512x16xf32, #tpu.memory_space<hbm>>
      tpu.enqueue_dma source(%dma_start3A_83 : memref<512x16xf32, #tpu.memory_space<hbm>>) target(%arg11 : memref<512x16xf32, #tpu.memory_space<vmem>>) target_semaphore(%arg16 : memref<!tpu.dma_semaphore, #tpu.memory_space<semaphore_mem>>)
      %dma_start3A_84 = arith.constant 0 : i32
      %dma_start3A_85 = tpu.memref_slice %arg3[%add3A_79, %dma_start3A_84] : memref<327680x16xf32, #tpu.memory_space<hbm>> -> memref<512x16xf32, #tpu.memory_space<hbm>>
      %dma_start3A_86 = arith.constant 0 : i32
      %dma_start3A_87 = tpu.memref_slice %arg3[%add3A_79, %dma_start3A_86] : memref<327680x16xf32, #tpu.memory_space<hbm>> -> memref<512x16xf32, #tpu.memory_space<hbm>>
      tpu.enqueue_dma source(%dma_start3A_87 : memref<512x16xf32, #tpu.memory_space<hbm>>) target(%arg12 : memref<512x16xf32, #tpu.memory_space<vmem>>) target_semaphore(%arg16 : memref<!tpu.dma_semaphore, #tpu.memory_space<semaphore_mem>>)
      %dma_wait3A_88 = arith.constant 0 : i32
      %dma_wait3A_89 = tpu.memref_slice %arg2[%add3A_27, %dma_wait3A_88] : memref<327680x16xf32, #tpu.memory_space<hbm>> -> memref<512x16xf32, #tpu.memory_space<hbm>>
      %dma_wait3A_90 = arith.constant 0 : i32
      %dma_wait3A_91 = tpu.memref_slice %arg2[%add3A_27, %dma_wait3A_90] : memref<327680x16xf32, #tpu.memory_space<hbm>> -> memref<512x16xf32, #tpu.memory_space<hbm>>
      tpu.wait_dma2 semaphore(%arg15 : memref<!tpu.dma_semaphore, #tpu.memory_space<semaphore_mem>>) src(%dma_wait3A_91 : memref<512x16xf32, #tpu.memory_space<hbm>>) dst(%arg9 : memref<512x16xf32, #tpu.memory_space<vmem>>)
      %dma_wait3A_92 = arith.constant 0 : i32
      %dma_wait3A_93 = tpu.memref_slice %arg3[%add3A_27, %dma_wait3A_92] : memref<327680x16xf32, #tpu.memory_space<hbm>> -> memref<512x16xf32, #tpu.memory_space<hbm>>
      %dma_wait3A_94 = arith.constant 0 : i32
      %dma_wait3A_95 = tpu.memref_slice %arg3[%add3A_27, %dma_wait3A_94] : memref<327680x16xf32, #tpu.memory_space<hbm>> -> memref<512x16xf32, #tpu.memory_space<hbm>>
      tpu.wait_dma2 semaphore(%arg15 : memref<!tpu.dma_semaphore, #tpu.memory_space<semaphore_mem>>) src(%dma_wait3A_95 : memref<512x16xf32, #tpu.memory_space<hbm>>) dst(%arg10 : memref<512x16xf32, #tpu.memory_space<vmem>>)
      %mul3A_96 = arith.constant 512 : i32
      %mul3A_97 = arith.muli %mul3A_72, %mul3A_96 : i32
      %dma_start3A_98 = tpu.memref_slice %arg7[%mul3A_97] : memref<10240xi32, #tpu.memory_space<vmem>> -> memref<512xi32, #tpu.memory_space<vmem>>
      %dma_start3A_99 = arith.constant 0 : i32
      %dma_start3A_100 = arith.constant 0 : i32
      %dma_start3A_101 = tpu.memref_slice %arg14[%dma_start3A_99, %dma_start3A_100] : memref<10240x16xf32, #tpu.memory_space<vmem_shared>> -> memref<10240x16xf32, #tpu.memory_space<vmem_shared>>
      tpu.enqueue_indirect_dma source(%arg9 : memref<512x16xf32, #tpu.memory_space<vmem>>) target(%dma_start3A_101 : memref<10240x16xf32, #tpu.memory_space<vmem_shared>>) offsets(%dma_start3A_98 : memref<512xi32, #tpu.memory_space<vmem>>) semaphore(%arg17 : memref<!tpu.dma_semaphore, #tpu.memory_space<semaphore_mem>>) {add = true}
      %mul3A_102 = arith.constant 512 : i32
      %mul3A_103 = arith.muli %mul3A_72, %mul3A_102 : i32
      %dma_start3A_104 = tpu.memref_slice %arg8[%mul3A_103] : memref<10240xi32, #tpu.memory_space<vmem>> -> memref<512xi32, #tpu.memory_space<vmem>>
      %dma_start3A_105 = arith.constant 0 : i32
      %dma_start3A_106 = arith.constant 0 : i32
      %dma_start3A_107 = tpu.memref_slice %arg14[%dma_start3A_105, %dma_start3A_106] : memref<10240x16xf32, #tpu.memory_space<vmem_shared>> -> memref<10240x16xf32, #tpu.memory_space<vmem_shared>>
      tpu.enqueue_indirect_dma source(%arg10 : memref<512x16xf32, #tpu.memory_space<vmem>>) target(%dma_start3A_107 : memref<10240x16xf32, #tpu.memory_space<vmem_shared>>) offsets(%dma_start3A_104 : memref<512xi32, #tpu.memory_space<vmem>>) semaphore(%arg17 : memref<!tpu.dma_semaphore, #tpu.memory_space<semaphore_mem>>) {add = true}
      %lt3A = arith.constant 9 : i32
      %lt3A_108 = arith.cmpi slt, %scan3A_70, %lt3A : i32
      %convert_element_type3A_109 = arith.extui %lt3A_108 : i1 to i32
      %cond3A_110 = arith.constant 0 : i32
      %cond3A_111 = arith.cmpi ne, %convert_element_type3A_109, %cond3A_110 : i32
      scf.if %cond3A_111 {
        %dma_wait3A_134 = arith.constant 0 : i32
        %dma_wait3A_135 = tpu.memref_slice %arg7[%dma_wait3A_134] : memref<10240xi32, #tpu.memory_space<vmem>> -> memref<512xi32, #tpu.memory_space<vmem>>
        %dma_wait3A_136 = arith.constant 0 : i32
        %dma_wait3A_137 = arith.constant 0 : i32
        %dma_wait3A_138 = tpu.memref_slice %arg14[%dma_wait3A_136, %dma_wait3A_137] : memref<10240x16xf32, #tpu.memory_space<vmem_shared>> -> memref<10240x16xf32, #tpu.memory_space<vmem_shared>>
        tpu.wait_indirect_dma semaphore(%arg17 : memref<!tpu.dma_semaphore, #tpu.memory_space<semaphore_mem>>) src(%arg9 : memref<512x16xf32, #tpu.memory_space<vmem>>) dst(%dma_wait3A_138 : memref<10240x16xf32, #tpu.memory_space<vmem_shared>>)
        %dma_wait3A_139 = arith.constant 0 : i32
        %dma_wait3A_140 = tpu.memref_slice %arg8[%dma_wait3A_139] : memref<10240xi32, #tpu.memory_space<vmem>> -> memref<512xi32, #tpu.memory_space<vmem>>
        %dma_wait3A_141 = arith.constant 0 : i32
        %dma_wait3A_142 = arith.constant 0 : i32
        %dma_wait3A_143 = tpu.memref_slice %arg14[%dma_wait3A_141, %dma_wait3A_142] : memref<10240x16xf32, #tpu.memory_space<vmem_shared>> -> memref<10240x16xf32, #tpu.memory_space<vmem_shared>>
        tpu.wait_indirect_dma semaphore(%arg17 : memref<!tpu.dma_semaphore, #tpu.memory_space<semaphore_mem>>) src(%arg10 : memref<512x16xf32, #tpu.memory_space<vmem>>) dst(%dma_wait3A_143 : memref<10240x16xf32, #tpu.memory_space<vmem_shared>>)
        %add3A_144 = arith.constant 2 : i32
        %add3A_145 = arith.addi %mul3A_72, %add3A_144 : i32
        %mul3A_146 = arith.constant 512 : i32
        %mul3A_147 = arith.muli %add3A_145, %mul3A_146 : i32
        %add3A_148 = arith.addi %add3A_27, %mul3A_147 : i32
        %dma_start3A_149 = arith.constant 0 : i32
        %dma_start3A_150 = tpu.memref_slice %arg2[%add3A_148, %dma_start3A_149] : memref<327680x16xf32, #tpu.memory_space<hbm>> -> memref<512x16xf32, #tpu.memory_space<hbm>>
        %dma_start3A_151 = arith.constant 0 : i32
        %dma_start3A_152 = tpu.memref_slice %arg2[%add3A_148, %dma_start3A_151] : memref<327680x16xf32, #tpu.memory_space<hbm>> -> memref<512x16xf32, #tpu.memory_space<hbm>>
        tpu.enqueue_dma source(%dma_start3A_152 : memref<512x16xf32, #tpu.memory_space<hbm>>) target(%arg9 : memref<512x16xf32, #tpu.memory_space<vmem>>) target_semaphore(%arg15 : memref<!tpu.dma_semaphore, #tpu.memory_space<semaphore_mem>>)
        %dma_start3A_153 = arith.constant 0 : i32
        %dma_start3A_154 = tpu.memref_slice %arg3[%add3A_148, %dma_start3A_153] : memref<327680x16xf32, #tpu.memory_space<hbm>> -> memref<512x16xf32, #tpu.memory_space<hbm>>
        %dma_start3A_155 = arith.constant 0 : i32
        %dma_start3A_156 = tpu.memref_slice %arg3[%add3A_148, %dma_start3A_155] : memref<327680x16xf32, #tpu.memory_space<hbm>> -> memref<512x16xf32, #tpu.memory_space<hbm>>
        tpu.enqueue_dma source(%dma_start3A_156 : memref<512x16xf32, #tpu.memory_space<hbm>>) target(%arg10 : memref<512x16xf32, #tpu.memory_space<vmem>>) target_semaphore(%arg15 : memref<!tpu.dma_semaphore, #tpu.memory_space<semaphore_mem>>)
      } else {
      }
      %dma_wait3A_112 = arith.constant 0 : i32
      %dma_wait3A_113 = tpu.memref_slice %arg2[%add3A_27, %dma_wait3A_112] : memref<327680x16xf32, #tpu.memory_space<hbm>> -> memref<512x16xf32, #tpu.memory_space<hbm>>
      %dma_wait3A_114 = arith.constant 0 : i32
      %dma_wait3A_115 = tpu.memref_slice %arg2[%add3A_27, %dma_wait3A_114] : memref<327680x16xf32, #tpu.memory_space<hbm>> -> memref<512x16xf32, #tpu.memory_space<hbm>>
      tpu.wait_dma2 semaphore(%arg16 : memref<!tpu.dma_semaphore, #tpu.memory_space<semaphore_mem>>) src(%dma_wait3A_115 : memref<512x16xf32, #tpu.memory_space<hbm>>) dst(%arg11 : memref<512x16xf32, #tpu.memory_space<vmem>>)
      %dma_wait3A_116 = arith.constant 0 : i32
      %dma_wait3A_117 = tpu.memref_slice %arg3[%add3A_27, %dma_wait3A_116] : memref<327680x16xf32, #tpu.memory_space<hbm>> -> memref<512x16xf32, #tpu.memory_space<hbm>>
      %dma_wait3A_118 = arith.constant 0 : i32
      %dma_wait3A_119 = tpu.memref_slice %arg3[%add3A_27, %dma_wait3A_118] : memref<327680x16xf32, #tpu.memory_space<hbm>> -> memref<512x16xf32, #tpu.memory_space<hbm>>
      tpu.wait_dma2 semaphore(%arg16 : memref<!tpu.dma_semaphore, #tpu.memory_space<semaphore_mem>>) src(%dma_wait3A_119 : memref<512x16xf32, #tpu.memory_space<hbm>>) dst(%arg12 : memref<512x16xf32, #tpu.memory_space<vmem>>)
      %add3A_120 = arith.constant 1 : i32
      %add3A_121 = arith.addi %mul3A_72, %add3A_120 : i32
      %mul3A_122 = arith.constant 512 : i32
      %mul3A_123 = arith.muli %add3A_121, %mul3A_122 : i32
      %dma_start3A_124 = tpu.memref_slice %arg7[%mul3A_123] : memref<10240xi32, #tpu.memory_space<vmem>> -> memref<512xi32, #tpu.memory_space<vmem>>
      %dma_start3A_125 = arith.constant 0 : i32
      %dma_start3A_126 = arith.constant 0 : i32
      %dma_start3A_127 = tpu.memref_slice %arg14[%dma_start3A_125, %dma_start3A_126] : memref<10240x16xf32, #tpu.memory_space<vmem_shared>> -> memref<10240x16xf32, #tpu.memory_space<vmem_shared>>
      tpu.enqueue_indirect_dma source(%arg11 : memref<512x16xf32, #tpu.memory_space<vmem>>) target(%dma_start3A_127 : memref<10240x16xf32, #tpu.memory_space<vmem_shared>>) offsets(%dma_start3A_124 : memref<512xi32, #tpu.memory_space<vmem>>) semaphore(%arg18 : memref<!tpu.dma_semaphore, #tpu.memory_space<semaphore_mem>>) {add = true}
      %mul3A_128 = arith.constant 512 : i32
      %mul3A_129 = arith.muli %add3A_121, %mul3A_128 : i32
      %dma_start3A_130 = tpu.memref_slice %arg8[%mul3A_129] : memref<10240xi32, #tpu.memory_space<vmem>> -> memref<512xi32, #tpu.memory_space<vmem>>
      %dma_start3A_131 = arith.constant 0 : i32
      %dma_start3A_132 = arith.constant 0 : i32
      %dma_start3A_133 = tpu.memref_slice %arg14[%dma_start3A_131, %dma_start3A_132] : memref<10240x16xf32, #tpu.memory_space<vmem_shared>> -> memref<10240x16xf32, #tpu.memory_space<vmem_shared>>
      tpu.enqueue_indirect_dma source(%arg12 : memref<512x16xf32, #tpu.memory_space<vmem>>) target(%dma_start3A_133 : memref<10240x16xf32, #tpu.memory_space<vmem_shared>>) offsets(%dma_start3A_130 : memref<512xi32, #tpu.memory_space<vmem>>) semaphore(%arg18 : memref<!tpu.dma_semaphore, #tpu.memory_space<semaphore_mem>>) {add = true}
    }
    %scan3A_42 = arith.constant 10 : i32
    %dma_wait3A = arith.constant 0 : i32
    %dma_wait3A_43 = tpu.memref_slice %arg7[%dma_wait3A] : memref<10240xi32, #tpu.memory_space<vmem>> -> memref<512xi32, #tpu.memory_space<vmem>>
    %dma_wait3A_44 = arith.constant 0 : i32
    %dma_wait3A_45 = arith.constant 0 : i32
    %dma_wait3A_46 = tpu.memref_slice %arg14[%dma_wait3A_44, %dma_wait3A_45] : memref<10240x16xf32, #tpu.memory_space<vmem_shared>> -> memref<10240x16xf32, #tpu.memory_space<vmem_shared>>
    tpu.wait_indirect_dma semaphore(%arg17 : memref<!tpu.dma_semaphore, #tpu.memory_space<semaphore_mem>>) src(%arg9 : memref<512x16xf32, #tpu.memory_space<vmem>>) dst(%dma_wait3A_46 : memref<10240x16xf32, #tpu.memory_space<vmem_shared>>)
    %dma_wait3A_47 = arith.constant 0 : i32
    %dma_wait3A_48 = tpu.memref_slice %arg8[%dma_wait3A_47] : memref<10240xi32, #tpu.memory_space<vmem>> -> memref<512xi32, #tpu.memory_space<vmem>>
    %dma_wait3A_49 = arith.constant 0 : i32
    %dma_wait3A_50 = arith.constant 0 : i32
    %dma_wait3A_51 = tpu.memref_slice %arg14[%dma_wait3A_49, %dma_wait3A_50] : memref<10240x16xf32, #tpu.memory_space<vmem_shared>> -> memref<10240x16xf32, #tpu.memory_space<vmem_shared>>
    tpu.wait_indirect_dma semaphore(%arg17 : memref<!tpu.dma_semaphore, #tpu.memory_space<semaphore_mem>>) src(%arg10 : memref<512x16xf32, #tpu.memory_space<vmem>>) dst(%dma_wait3A_51 : memref<10240x16xf32, #tpu.memory_space<vmem_shared>>)
    %dma_wait3A_52 = arith.constant 0 : i32
    %dma_wait3A_53 = tpu.memref_slice %arg7[%dma_wait3A_52] : memref<10240xi32, #tpu.memory_space<vmem>> -> memref<512xi32, #tpu.memory_space<vmem>>
    %dma_wait3A_54 = arith.constant 0 : i32
    %dma_wait3A_55 = arith.constant 0 : i32
    %dma_wait3A_56 = tpu.memref_slice %arg14[%dma_wait3A_54, %dma_wait3A_55] : memref<10240x16xf32, #tpu.memory_space<vmem_shared>> -> memref<10240x16xf32, #tpu.memory_space<vmem_shared>>
    tpu.wait_indirect_dma semaphore(%arg18 : memref<!tpu.dma_semaphore, #tpu.memory_space<semaphore_mem>>) src(%arg11 : memref<512x16xf32, #tpu.memory_space<vmem>>) dst(%dma_wait3A_56 : memref<10240x16xf32, #tpu.memory_space<vmem_shared>>)
    %dma_wait3A_57 = arith.constant 0 : i32
    %dma_wait3A_58 = tpu.memref_slice %arg8[%dma_wait3A_57] : memref<10240xi32, #tpu.memory_space<vmem>> -> memref<512xi32, #tpu.memory_space<vmem>>
    %dma_wait3A_59 = arith.constant 0 : i32
    %dma_wait3A_60 = arith.constant 0 : i32
    %dma_wait3A_61 = tpu.memref_slice %arg14[%dma_wait3A_59, %dma_wait3A_60] : memref<10240x16xf32, #tpu.memory_space<vmem_shared>> -> memref<10240x16xf32, #tpu.memory_space<vmem_shared>>
    tpu.wait_indirect_dma semaphore(%arg18 : memref<!tpu.dma_semaphore, #tpu.memory_space<semaphore_mem>>) src(%arg12 : memref<512x16xf32, #tpu.memory_space<vmem>>) dst(%dma_wait3A_61 : memref<10240x16xf32, #tpu.memory_space<vmem_shared>>)
    %barrier3A_62 = arith.constant 0 : index
    tpu.barrier barrier_id(%barrier3A_62)
    %mul3A_63 = arith.constant 640 : i32
    %mul3A_64 = arith.muli %arg1, %mul3A_63 : i32
    %mul3A_65 = arith.constant 10240 : i32
    %mul3A_66 = arith.muli %arg0, %mul3A_65 : i32
    %mul3A_67 = arith.constant 640 : i32
    %mul3A_68 = arith.muli %arg1, %mul3A_67 : i32
    %add3A_69 = arith.addi %mul3A_66, %mul3A_68 : i32
    "tpu.region"() ({
      %run_scoped3A = tpu.sem_alloc : memref<!tpu.dma_semaphore, #tpu.memory_space<semaphore_mem>>
      %dma_start3A_70 = arith.constant 0 : i32
      %dma_start3A_71 = tpu.memref_slice %arg6[%add3A_69, %dma_start3A_70] : memref<20480x16xf32, #tpu.memory_space<hbm>> -> memref<640x16xf32, #tpu.memory_space<hbm>>
      %dma_start3A_72 = arith.constant 0 : i32
      %dma_start3A_73 = tpu.memref_slice %arg14[%mul3A_64, %dma_start3A_72] : memref<10240x16xf32, #tpu.memory_space<vmem_shared>> -> memref<640x16xf32, #tpu.memory_space<vmem_shared>>
      tpu.enqueue_dma source(%dma_start3A_73 : memref<640x16xf32, #tpu.memory_space<vmem_shared>>) target(%dma_start3A_71 : memref<640x16xf32, #tpu.memory_space<hbm>>) target_semaphore(%run_scoped3A : memref<!tpu.dma_semaphore, #tpu.memory_space<semaphore_mem>>)
      %dma_wait3A_74 = arith.constant 0 : i32
      %dma_wait3A_75 = tpu.memref_slice %arg6[%add3A_69, %dma_wait3A_74] : memref<20480x16xf32, #tpu.memory_space<hbm>> -> memref<640x16xf32, #tpu.memory_space<hbm>>
      %dma_wait3A_76 = arith.constant 0 : i32
      %dma_wait3A_77 = tpu.memref_slice %arg14[%mul3A_64, %dma_wait3A_76] : memref<10240x16xf32, #tpu.memory_space<vmem_shared>> -> memref<640x16xf32, #tpu.memory_space<vmem_shared>>
      tpu.wait_dma2 semaphore(%run_scoped3A : memref<!tpu.dma_semaphore, #tpu.memory_space<semaphore_mem>>) src(%dma_wait3A_77 : memref<640x16xf32, #tpu.memory_space<vmem_shared>>) dst(%dma_wait3A_75 : memref<640x16xf32, #tpu.memory_space<hbm>>)
      tpu.yield
    }) : () -> ()
    return
  }
}

module attributes {stable_mosaic.version = 14 : i64} {
  func.func @_tables_body(%arg0: i32, %arg1: i32, %arg2: memref<1x1000x128xf32, #tpu.memory_space<vmem>>, %arg3: memref<128x64xf32, #tpu.memory_space<vmem>>, %arg4: memref<128x64xf32, #tpu.memory_space<vmem>>, %arg5: memref<1x64xf32, #tpu.memory_space<vmem>>, %arg6: memref<1x1000x32xf32, #tpu.memory_space<vmem>>, %arg7: memref<1x1000x32xf32, #tpu.memory_space<vmem>>) attributes {dimension_semantics = [#tpu.dimension_semantics<arbitrary>, #tpu.dimension_semantics<arbitrary>], iteration_bounds = array<i64: 2, 10>, scalar_prefetch = 0 : i64, scratch_operands = 0 : i64, tpu.core_type = #tpu.core_type<tc>, window_params = [{transform_indices = @transform_0, window_bounds = array<i64: 1, 1000, 128>}, {pipeline_mode = #tpu.pipeline_mode<synchronous>, transform_indices = @transform_1, window_bounds = array<i64: 128, 64>}, {pipeline_mode = #tpu.pipeline_mode<synchronous>, transform_indices = @transform_2, window_bounds = array<i64: 128, 64>}, {pipeline_mode = #tpu.pipeline_mode<synchronous>, transform_indices = @transform_3, window_bounds = array<i64: 1, 64>}, {transform_indices = @transform_4, window_bounds = array<i64: 1, 1000, 32>}, {transform_indices = @transform_5, window_bounds = array<i64: 1, 1000, 32>}]} {
    %get3A = arith.constant 0 : index
    %get3A_0 = arith.constant 0 : index
    %get3A_1 = arith.constant 0 : index
    %get3A_2 = vector.load %arg2[%get3A, %get3A_0, %get3A_1] : memref<1x1000x128xf32, #tpu.memory_space<vmem>>, vector<1x1000x128xf32>
    %get3A_3 = vector.shape_cast %get3A_2 : vector<1x1000x128xf32> to vector<1000x128xf32>
    %get3A_4 = arith.constant 0 : index
    %get3A_5 = arith.constant 0 : index
    %get3A_6 = vector.load %arg3[%get3A_4, %get3A_5] : memref<128x64xf32, #tpu.memory_space<vmem>>, vector<128x64xf32>
    %dot_general3A = arith.constant dense<0.000000e+00> : vector<1000x64xf32>
    %dot_general3A_7 = tpu.matmul %get3A_3, %get3A_6, %dot_general3A {dimension_numbers = #tpu.dot_dimension_numbers<[1], [0], [0], [1], [0, 0, 1, 1], [], []>, transpose_lhs_hint = false} : vector<1000x128xf32>, vector<128x64xf32>, vector<1000x64xf32> -> vector<1000x64xf32>
    %get3A_8 = arith.constant 0 : index
    %get3A_9 = arith.constant 0 : index
    %get3A_10 = vector.load %arg4[%get3A_8, %get3A_9] : memref<128x64xf32, #tpu.memory_space<vmem>>, vector<128x64xf32>
    %dot_general3A_11 = arith.constant dense<0.000000e+00> : vector<1000x64xf32>
    %dot_general3A_12 = tpu.matmul %get3A_3, %get3A_10, %dot_general3A_11 {dimension_numbers = #tpu.dot_dimension_numbers<[1], [0], [0], [1], [0, 0, 1, 1], [], []>, transpose_lhs_hint = false} : vector<1000x128xf32>, vector<128x64xf32>, vector<1000x64xf32> -> vector<1000x64xf32>
    %get3A_13 = arith.constant 0 : index
    %get3A_14 = arith.constant 0 : index
    %get3A_15 = vector.load %arg5[%get3A_13, %get3A_14] : memref<1x64xf32, #tpu.memory_space<vmem>>, vector<1x64xf32>
    %add3A = vector.broadcast %get3A_15 : vector<1x64xf32> to vector<1000x64xf32>
    %add3A_16 = arith.addf %dot_general3A_12, %add3A : vector<1000x64xf32>
    %bitcast_convert_type3A = tpu.bitcast %dot_general3A_7 : vector<1000x64xf32> -> vector<1000x64xi32>
    %add3A_17 = arith.constant 32767 : i32
    %add3A_18 = vector.broadcast %add3A_17 : i32 to vector<1000x64xi32>
    %add3A_19 = arith.addi %bitcast_convert_type3A, %add3A_18 : vector<1000x64xi32>
    %shift_right_logical3A = arith.constant 16 : i32
    %shift_right_logical3A_20 = vector.broadcast %shift_right_logical3A : i32 to vector<1000x64xi32>
    %shift_right_logical3A_21 = arith.shrui %bitcast_convert_type3A, %shift_right_logical3A_20 : vector<1000x64xi32>
    %and3A = arith.constant 1 : i32
    %and3A_22 = vector.broadcast %and3A : i32 to vector<1000x64xi32>
    %and3A_23 = arith.andi %shift_right_logical3A_21, %and3A_22 : vector<1000x64xi32>
    %add3A_24 = arith.addi %add3A_19, %and3A_23 : vector<1000x64xi32>
    %shift_right_logical3A_25 = arith.constant 16 : i32
    %shift_right_logical3A_26 = vector.broadcast %shift_right_logical3A_25 : i32 to vector<1000x64xi32>
    %shift_right_logical3A_27 = arith.shrui %add3A_24, %shift_right_logical3A_26 : vector<1000x64xi32>
    %slice3A = vector.extract_strided_slice %shift_right_logical3A_27 {offsets = [0, 0], sizes = [1000, 32], strides = [1, 1]} : vector<1000x64xi32> to vector<1000x32xi32>
    %slice3A_28 = vector.extract_strided_slice %shift_right_logical3A_27 {offsets = [0, 32], sizes = [1000, 32], strides = [1, 1]} : vector<1000x64xi32> to vector<1000x32xi32>
    %shift_left3A = arith.constant 16 : i32
    %shift_left3A_29 = vector.broadcast %shift_left3A : i32 to vector<1000x32xi32>
    %shift_left3A_30 = arith.shli %slice3A_28, %shift_left3A_29 : vector<1000x32xi32>
    %or3A = arith.ori %slice3A, %shift_left3A_30 : vector<1000x32xi32>
    %bitcast_convert_type3A_31 = tpu.bitcast %or3A : vector<1000x32xi32> -> vector<1000x32xf32>
    %swap3A = arith.constant 0 : index
    %swap3A_32 = arith.constant 0 : index
    %swap3A_33 = arith.constant 0 : index
    %swap3A_34 = vector.load %arg6[%swap3A, %swap3A_32, %swap3A_33] : memref<1x1000x32xf32, #tpu.memory_space<vmem>>, vector<1x1000x32xf32>
    %swap3A_35 = vector.shape_cast %swap3A_34 : vector<1x1000x32xf32> to vector<1000x32xf32>
    %swap3A_36 = vector.shape_cast %bitcast_convert_type3A_31 : vector<1000x32xf32> to vector<1x1000x32xf32>
    tpu.vector_store %arg6[%swap3A, %swap3A_32, %swap3A_33], %swap3A_36 {strides = array<i32>} : memref<1x1000x32xf32, #tpu.memory_space<vmem>>, vector<1x1000x32xf32>,
    %bitcast_convert_type3A_37 = tpu.bitcast %add3A_16 : vector<1000x64xf32> -> vector<1000x64xi32>
    %add3A_38 = arith.constant 32767 : i32
    %add3A_39 = vector.broadcast %add3A_38 : i32 to vector<1000x64xi32>
    %add3A_40 = arith.addi %bitcast_convert_type3A_37, %add3A_39 : vector<1000x64xi32>
    %shift_right_logical3A_41 = arith.constant 16 : i32
    %shift_right_logical3A_42 = vector.broadcast %shift_right_logical3A_41 : i32 to vector<1000x64xi32>
    %shift_right_logical3A_43 = arith.shrui %bitcast_convert_type3A_37, %shift_right_logical3A_42 : vector<1000x64xi32>
    %and3A_44 = arith.constant 1 : i32
    %and3A_45 = vector.broadcast %and3A_44 : i32 to vector<1000x64xi32>
    %and3A_46 = arith.andi %shift_right_logical3A_43, %and3A_45 : vector<1000x64xi32>
    %add3A_47 = arith.addi %add3A_40, %and3A_46 : vector<1000x64xi32>
    %shift_right_logical3A_48 = arith.constant 16 : i32
    %shift_right_logical3A_49 = vector.broadcast %shift_right_logical3A_48 : i32 to vector<1000x64xi32>
    %shift_right_logical3A_50 = arith.shrui %add3A_47, %shift_right_logical3A_49 : vector<1000x64xi32>
    %slice3A_51 = vector.extract_strided_slice %shift_right_logical3A_50 {offsets = [0, 0], sizes = [1000, 32], strides = [1, 1]} : vector<1000x64xi32> to vector<1000x32xi32>
    %slice3A_52 = vector.extract_strided_slice %shift_right_logical3A_50 {offsets = [0, 32], sizes = [1000, 32], strides = [1, 1]} : vector<1000x64xi32> to vector<1000x32xi32>
    %shift_left3A_53 = arith.constant 16 : i32
    %shift_left3A_54 = vector.broadcast %shift_left3A_53 : i32 to vector<1000x32xi32>
    %shift_left3A_55 = arith.shli %slice3A_52, %shift_left3A_54 : vector<1000x32xi32>
    %or3A_56 = arith.ori %slice3A_51, %shift_left3A_55 : vector<1000x32xi32>
    %bitcast_convert_type3A_57 = tpu.bitcast %or3A_56 : vector<1000x32xi32> -> vector<1000x32xf32>
    %swap3A_58 = arith.constant 0 : index
    %swap3A_59 = arith.constant 0 : index
    %swap3A_60 = arith.constant 0 : index
    %swap3A_61 = vector.load %arg7[%swap3A_58, %swap3A_59, %swap3A_60] : memref<1x1000x32xf32, #tpu.memory_space<vmem>>, vector<1x1000x32xf32>
    %swap3A_62 = vector.shape_cast %swap3A_61 : vector<1x1000x32xf32> to vector<1000x32xf32>
    %swap3A_63 = vector.shape_cast %bitcast_convert_type3A_57 : vector<1000x32xf32> to vector<1x1000x32xf32>
    tpu.vector_store %arg7[%swap3A_58, %swap3A_59, %swap3A_60], %swap3A_63 {strides = array<i32>} : memref<1x1000x32xf32, #tpu.memory_space<vmem>>, vector<1x1000x32xf32>,
    return
  }
  func.func @transform_0(%arg0: i32, %arg1: i32) -> (i32, i32, i32) {
    %c0_i32 = arith.constant 0 : i32
    %c0_i32_0 = arith.constant 0 : i32
    return %arg0, %arg1, %c0_i32 : i32, i32, i32
  }
  func.func @transform_1(%arg0: i32, %arg1: i32) -> (i32, i32) {
    %c0_i32 = arith.constant 0 : i32
    %c0_i32_0 = arith.constant 0 : i32
    %c0_i32_1 = arith.constant 0 : i32
    return %c0_i32, %c0_i32_0 : i32, i32
  }
  func.func @transform_2(%arg0: i32, %arg1: i32) -> (i32, i32) {
    %c0_i32 = arith.constant 0 : i32
    %c0_i32_0 = arith.constant 0 : i32
    %c0_i32_1 = arith.constant 0 : i32
    return %c0_i32, %c0_i32_0 : i32, i32
  }
  func.func @transform_3(%arg0: i32, %arg1: i32) -> (i32, i32) {
    %c0_i32 = arith.constant 0 : i32
    %c0_i32_0 = arith.constant 0 : i32
    %c0_i32_1 = arith.constant 0 : i32
    return %c0_i32, %c0_i32_0 : i32, i32
  }
  func.func @transform_4(%arg0: i32, %arg1: i32) -> (i32, i32, i32) {
    %c0_i32 = arith.constant 0 : i32
    %c0_i32_0 = arith.constant 0 : i32
    return %arg0, %arg1, %c0_i32 : i32, i32, i32
  }
  func.func @transform_5(%arg0: i32, %arg1: i32) -> (i32, i32, i32) {
    %c0_i32 = arith.constant 0 : i32
    %c0_i32_0 = arith.constant 0 : i32
    return %arg0, %arg1, %c0_i32 : i32, i32, i32
  }
}

module attributes {stable_mosaic.version = 14 : i64} {
  func.func @_edge_body(%arg0: i32, %arg1: i32, %arg2: memref<1x512x128xf32, #tpu.memory_space<vmem>>, %arg3: memref<1x512x128xf32, #tpu.memory_space<vmem>>, %arg4: memref<1x1x8x2x128xf32, #tpu.memory_space<vmem>>, %arg5: memref<1x64xf32, #tpu.memory_space<vmem>>, %arg6: memref<64x32xf32, #tpu.memory_space<vmem>>, %arg7: memref<1x32xf32, #tpu.memory_space<vmem>>, %arg8: memref<32x64xf32, #tpu.memory_space<vmem>>, %arg9: memref<1x64xf32, #tpu.memory_space<vmem>>, %arg10: memref<64x16xf32, #tpu.memory_space<vmem>>, %arg11: memref<1x256x128xf32, #tpu.memory_space<vmem>>, %arg12: memref<1x256x128xf32, #tpu.memory_space<vmem>>) attributes {dimension_semantics = [#tpu.dimension_semantics<arbitrary>, #tpu.dimension_semantics<arbitrary>], iteration_bounds = array<i64: 2, 80>, scalar_prefetch = 0 : i64, scratch_operands = 0 : i64, tpu.core_type = #tpu.core_type<tc>, window_params = [{transform_indices = @transform_0, window_bounds = array<i64: 1, 512, 128>}, {transform_indices = @transform_1, window_bounds = array<i64: 1, 512, 128>}, {transform_indices = @transform_2, window_bounds = array<i64: 1, 1, 8, 2, 128>}, {pipeline_mode = #tpu.pipeline_mode<synchronous>, transform_indices = @transform_3, window_bounds = array<i64: 1, 64>}, {pipeline_mode = #tpu.pipeline_mode<synchronous>, transform_indices = @transform_4, window_bounds = array<i64: 64, 32>}, {pipeline_mode = #tpu.pipeline_mode<synchronous>, transform_indices = @transform_5, window_bounds = array<i64: 1, 32>}, {pipeline_mode = #tpu.pipeline_mode<synchronous>, transform_indices = @transform_6, window_bounds = array<i64: 32, 64>}, {pipeline_mode = #tpu.pipeline_mode<synchronous>, transform_indices = @transform_7, window_bounds = array<i64: 1, 64>}, {pipeline_mode = #tpu.pipeline_mode<synchronous>, transform_indices = @transform_8, window_bounds = array<i64: 64, 16>}, {transform_indices = @transform_9, window_bounds = array<i64: 1, 256, 128>}, {transform_indices = @transform_10, window_bounds = array<i64: 1, 256, 128>}]} {
    %get3A = arith.constant 0 : index
    %get3A_0 = arith.constant 0 : index
    %get3A_1 = arith.constant 0 : index
    %get3A_2 = vector.load %arg2[%get3A, %get3A_0, %get3A_1] : memref<1x512x128xf32, #tpu.memory_space<vmem>>, vector<1x512x128xf32>
    %get3A_3 = vector.shape_cast %get3A_2 : vector<1x512x128xf32> to vector<512x128xf32>
    %get3A_4 = arith.constant 0 : index
    %get3A_5 = arith.constant 0 : index
    %get3A_6 = arith.constant 0 : index
    %get3A_7 = vector.load %arg3[%get3A_4, %get3A_5, %get3A_6] : memref<1x512x128xf32, #tpu.memory_space<vmem>>, vector<1x512x128xf32>
    %get3A_8 = vector.shape_cast %get3A_7 : vector<1x512x128xf32> to vector<512x128xf32>
    %get3A_9 = arith.constant 0 : index
    %get3A_10 = arith.constant 0 : index
    %get3A_11 = arith.constant 0 : index
    %get3A_12 = arith.constant 0 : index
    %get3A_13 = arith.constant 0 : index
    %get3A_14 = vector.load %arg4[%get3A_9, %get3A_10, %get3A_11, %get3A_12, %get3A_13] : memref<1x1x8x2x128xf32, #tpu.memory_space<vmem>>, vector<1x1x8x2x128xf32>
    %get3A_15 = vector.shape_cast %get3A_14 : vector<1x1x8x2x128xf32> to vector<8x2x128xf32>
    %get3A_16 = arith.constant 0 : index
    %get3A_17 = arith.constant 0 : index
    %get3A_18 = vector.load %arg5[%get3A_16, %get3A_17] : memref<1x64xf32, #tpu.memory_space<vmem>>, vector<1x64xf32>
    %iota3A = tpu.iota {dimensions = array<i32: 0>} : vector<128x128xi32>
    %iota3A_19 = tpu.iota {dimensions = array<i32: 1>} : vector<128x128xi32>
    %eq3A = arith.cmpi eq, %iota3A, %iota3A_19 : vector<128x128xi32>
    %convert_element_type3A = arith.extui %eq3A : vector<128x128xi1> to vector<128x128xi32>
    %convert_element_type3A_20 = arith.sitofp %convert_element_type3A : vector<128x128xi32> to vector<128x128xf32>
    %slice3A = vector.extract_strided_slice %get3A_3 {offsets = [0, 0], sizes = [256, 32], strides = [1, 1]} : vector<512x128xf32> to vector<256x32xf32>
    %bitcast_convert_type3A = tpu.bitcast %slice3A : vector<256x32xf32> -> vector<256x32xi32>
    %shift_left3A = arith.constant 16 : i32
    %shift_left3A_21 = vector.broadcast %shift_left3A : i32 to vector<256x32xi32>
    %shift_left3A_22 = arith.shli %bitcast_convert_type3A, %shift_left3A_21 : vector<256x32xi32>
    %bitcast_convert_type3A_23 = tpu.bitcast %shift_left3A_22 : vector<256x32xi32> -> vector<256x32xf32>
    %and3A = arith.constant -65536 : i32
    %and3A_24 = vector.broadcast %and3A : i32 to vector<256x32xi32>
    %and3A_25 = arith.andi %bitcast_convert_type3A, %and3A_24 : vector<256x32xi32>
    %bitcast_convert_type3A_26 = tpu.bitcast %and3A_25 : vector<256x32xi32> -> vector<256x32xf32>
    %concatenate3A = tpu.concatenate %bitcast_convert_type3A_23, %bitcast_convert_type3A_26 in 1 : vector<256x32xf32>, vector<256x32xf32> -> vector<256x64xf32>
    %slice3A_27 = vector.extract_strided_slice %get3A_8 {offsets = [0, 0], sizes = [256, 32], strides = [1, 1]} : vector<512x128xf32> to vector<256x32xf32>
    %bitcast_convert_type3A_28 = tpu.bitcast %slice3A_27 : vector<256x32xf32> -> vector<256x32xi32>
    %shift_left3A_29 = arith.constant 16 : i32
    %shift_left3A_30 = vector.broadcast %shift_left3A_29 : i32 to vector<256x32xi32>
    %shift_left3A_31 = arith.shli %bitcast_convert_type3A_28, %shift_left3A_30 : vector<256x32xi32>
    %bitcast_convert_type3A_32 = tpu.bitcast %shift_left3A_31 : vector<256x32xi32> -> vector<256x32xf32>
    %and3A_33 = arith.constant -65536 : i32
    %and3A_34 = vector.broadcast %and3A_33 : i32 to vector<256x32xi32>
    %and3A_35 = arith.andi %bitcast_convert_type3A_28, %and3A_34 : vector<256x32xi32>
    %bitcast_convert_type3A_36 = tpu.bitcast %and3A_35 : vector<256x32xi32> -> vector<256x32xf32>
    %concatenate3A_37 = tpu.concatenate %bitcast_convert_type3A_32, %bitcast_convert_type3A_36 in 1 : vector<256x32xf32>, vector<256x32xf32> -> vector<256x64xf32>
    %add3A = arith.addf %concatenate3A, %concatenate3A_37 : vector<256x64xf32>
    %slice3A_38 = vector.extract_strided_slice %get3A_15 {offsets = [0, 0, 0], sizes = [1, 2, 128], strides = [1, 1, 1]} : vector<8x2x128xf32> to vector<1x2x128xf32>
    %squeeze3A = vector.shape_cast %slice3A_38 : vector<1x2x128xf32> to vector<2x128xf32>
    %dot_general3A = arith.constant dense<0.000000e+00> : vector<128x2xf32>
    %dot_general3A_39 = tpu.matmul %convert_element_type3A_20, %squeeze3A, %dot_general3A {dimension_numbers = #tpu.dot_dimension_numbers<[1], [1], [0], [0], [0, 0, 1, 0], [], []>, transpose_lhs_hint = false} : vector<128x128xf32>, vector<2x128xf32>, vector<128x2xf32> -> vector<128x2xf32>
    %slice3A_40 = vector.extract_strided_slice %dot_general3A_39 {offsets = [0, 0], sizes = [128, 1], strides = [1, 1]} : vector<128x2xf32> to vector<128x1xf32>
    %slice3A_41 = vector.extract_strided_slice %dot_general3A_39 {offsets = [0, 1], sizes = [128, 1], strides = [1, 1]} : vector<128x2xf32> to vector<128x1xf32>
    %concatenate3A_42 = tpu.concatenate %slice3A_40, %slice3A_41 in 0 : vector<128x1xf32>, vector<128x1xf32> -> vector<256x1xf32>
    %mul3A = vector.broadcast %concatenate3A_42 : vector<256x1xf32> to vector<256x64xf32>
    %mul3A_43 = vector.broadcast %get3A_18 : vector<1x64xf32> to vector<256x64xf32>
    %mul3A_44 = arith.mulf %mul3A, %mul3A_43 : vector<256x64xf32>
    %add3A_45 = arith.addf %add3A, %mul3A_44 : vector<256x64xf32>
    %slice3A_46 = vector.extract_strided_slice %get3A_3 {offsets = [0, 32], sizes = [256, 32], strides = [1, 1]} : vector<512x128xf32> to vector<256x32xf32>
    %bitcast_convert_type3A_47 = tpu.bitcast %slice3A_46 : vector<256x32xf32> -> vector<256x32xi32>
    %shift_left3A_48 = arith.constant 16 : i32
    %shift_left3A_49 = vector.broadcast %shift_left3A_48 : i32 to vector<256x32xi32>
    %shift_left3A_50 = arith.shli %bitcast_convert_type3A_47, %shift_left3A_49 : vector<256x32xi32>
    %bitcast_convert_type3A_51 = tpu.bitcast %shift_left3A_50 : vector<256x32xi32> -> vector<256x32xf32>
    %and3A_52 = arith.constant -65536 : i32
    %and3A_53 = vector.broadcast %and3A_52 : i32 to vector<256x32xi32>
    %and3A_54 = arith.andi %bitcast_convert_type3A_47, %and3A_53 : vector<256x32xi32>
    %bitcast_convert_type3A_55 = tpu.bitcast %and3A_54 : vector<256x32xi32> -> vector<256x32xf32>
    %concatenate3A_56 = tpu.concatenate %bitcast_convert_type3A_51, %bitcast_convert_type3A_55 in 1 : vector<256x32xf32>, vector<256x32xf32> -> vector<256x64xf32>
    %slice3A_57 = vector.extract_strided_slice %get3A_8 {offsets = [0, 32], sizes = [256, 32], strides = [1, 1]} : vector<512x128xf32> to vector<256x32xf32>
    %bitcast_convert_type3A_58 = tpu.bitcast %slice3A_57 : vector<256x32xf32> -> vector<256x32xi32>
    %shift_left3A_59 = arith.constant 16 : i32
    %shift_left3A_60 = vector.broadcast %shift_left3A_59 : i32 to vector<256x32xi32>
    %shift_left3A_61 = arith.shli %bitcast_convert_type3A_58, %shift_left3A_60 : vector<256x32xi32>
    %bitcast_convert_type3A_62 = tpu.bitcast %shift_left3A_61 : vector<256x32xi32> -> vector<256x32xf32>
    %and3A_63 = arith.constant -65536 : i32
    %and3A_64 = vector.broadcast %and3A_63 : i32 to vector<256x32xi32>
    %and3A_65 = arith.andi %bitcast_convert_type3A_58, %and3A_64 : vector<256x32xi32>
    %bitcast_convert_type3A_66 = tpu.bitcast %and3A_65 : vector<256x32xi32> -> vector<256x32xf32>
    %concatenate3A_67 = tpu.concatenate %bitcast_convert_type3A_62, %bitcast_convert_type3A_66 in 1 : vector<256x32xf32>, vector<256x32xf32> -> vector<256x64xf32>
    %add3A_68 = arith.addf %concatenate3A_56, %concatenate3A_67 : vector<256x64xf32>
    %slice3A_69 = vector.extract_strided_slice %get3A_15 {offsets = [1, 0, 0], sizes = [1, 2, 128], strides = [1, 1, 1]} : vector<8x2x128xf32> to vector<1x2x128xf32>
    %squeeze3A_70 = vector.shape_cast %slice3A_69 : vector<1x2x128xf32> to vector<2x128xf32>
    %dot_general3A_71 = arith.constant dense<0.000000e+00> : vector<128x2xf32>
    %dot_general3A_72 = tpu.matmul %convert_element_type3A_20, %squeeze3A_70, %dot_general3A_71 {dimension_numbers = #tpu.dot_dimension_numbers<[1], [1], [0], [0], [0, 0, 1, 0], [], []>, transpose_lhs_hint = false} : vector<128x128xf32>, vector<2x128xf32>, vector<128x2xf32> -> vector<128x2xf32>
    %slice3A_73 = vector.extract_strided_slice %dot_general3A_72 {offsets = [0, 0], sizes = [128, 1], strides = [1, 1]} : vector<128x2xf32> to vector<128x1xf32>
    %slice3A_74 = vector.extract_strided_slice %dot_general3A_72 {offsets = [0, 1], sizes = [128, 1], strides = [1, 1]} : vector<128x2xf32> to vector<128x1xf32>
    %concatenate3A_75 = tpu.concatenate %slice3A_73, %slice3A_74 in 0 : vector<128x1xf32>, vector<128x1xf32> -> vector<256x1xf32>
    %mul3A_76 = vector.broadcast %concatenate3A_75 : vector<256x1xf32> to vector<256x64xf32>
    %mul3A_77 = vector.broadcast %get3A_18 : vector<1x64xf32> to vector<256x64xf32>
    %mul3A_78 = arith.mulf %mul3A_76, %mul3A_77 : vector<256x64xf32>
    %add3A_79 = arith.addf %add3A_68, %mul3A_78 : vector<256x64xf32>
    %slice3A_80 = vector.extract_strided_slice %get3A_3 {offsets = [0, 64], sizes = [256, 32], strides = [1, 1]} : vector<512x128xf32> to vector<256x32xf32>
    %bitcast_convert_type3A_81 = tpu.bitcast %slice3A_80 : vector<256x32xf32> -> vector<256x32xi32>
    %shift_left3A_82 = arith.constant 16 : i32
    %shift_left3A_83 = vector.broadcast %shift_left3A_82 : i32 to vector<256x32xi32>
    %shift_left3A_84 = arith.shli %bitcast_convert_type3A_81, %shift_left3A_83 : vector<256x32xi32>
    %bitcast_convert_type3A_85 = tpu.bitcast %shift_left3A_84 : vector<256x32xi32> -> vector<256x32xf32>
    %and3A_86 = arith.constant -65536 : i32
    %and3A_87 = vector.broadcast %and3A_86 : i32 to vector<256x32xi32>
    %and3A_88 = arith.andi %bitcast_convert_type3A_81, %and3A_87 : vector<256x32xi32>
    %bitcast_convert_type3A_89 = tpu.bitcast %and3A_88 : vector<256x32xi32> -> vector<256x32xf32>
    %concatenate3A_90 = tpu.concatenate %bitcast_convert_type3A_85, %bitcast_convert_type3A_89 in 1 : vector<256x32xf32>, vector<256x32xf32> -> vector<256x64xf32>
    %slice3A_91 = vector.extract_strided_slice %get3A_8 {offsets = [0, 64], sizes = [256, 32], strides = [1, 1]} : vector<512x128xf32> to vector<256x32xf32>
    %bitcast_convert_type3A_92 = tpu.bitcast %slice3A_91 : vector<256x32xf32> -> vector<256x32xi32>
    %shift_left3A_93 = arith.constant 16 : i32
    %shift_left3A_94 = vector.broadcast %shift_left3A_93 : i32 to vector<256x32xi32>
    %shift_left3A_95 = arith.shli %bitcast_convert_type3A_92, %shift_left3A_94 : vector<256x32xi32>
    %bitcast_convert_type3A_96 = tpu.bitcast %shift_left3A_95 : vector<256x32xi32> -> vector<256x32xf32>
    %and3A_97 = arith.constant -65536 : i32
    %and3A_98 = vector.broadcast %and3A_97 : i32 to vector<256x32xi32>
    %and3A_99 = arith.andi %bitcast_convert_type3A_92, %and3A_98 : vector<256x32xi32>
    %bitcast_convert_type3A_100 = tpu.bitcast %and3A_99 : vector<256x32xi32> -> vector<256x32xf32>
    %concatenate3A_101 = tpu.concatenate %bitcast_convert_type3A_96, %bitcast_convert_type3A_100 in 1 : vector<256x32xf32>, vector<256x32xf32> -> vector<256x64xf32>
    %add3A_102 = arith.addf %concatenate3A_90, %concatenate3A_101 : vector<256x64xf32>
    %slice3A_103 = vector.extract_strided_slice %get3A_15 {offsets = [2, 0, 0], sizes = [1, 2, 128], strides = [1, 1, 1]} : vector<8x2x128xf32> to vector<1x2x128xf32>
    %squeeze3A_104 = vector.shape_cast %slice3A_103 : vector<1x2x128xf32> to vector<2x128xf32>
    %dot_general3A_105 = arith.constant dense<0.000000e+00> : vector<128x2xf32>
    %dot_general3A_106 = tpu.matmul %convert_element_type3A_20, %squeeze3A_104, %dot_general3A_105 {dimension_numbers = #tpu.dot_dimension_numbers<[1], [1], [0], [0], [0, 0, 1, 0], [], []>, transpose_lhs_hint = false} : vector<128x128xf32>, vector<2x128xf32>, vector<128x2xf32> -> vector<128x2xf32>
    %slice3A_107 = vector.extract_strided_slice %dot_general3A_106 {offsets = [0, 0], sizes = [128, 1], strides = [1, 1]} : vector<128x2xf32> to vector<128x1xf32>
    %slice3A_108 = vector.extract_strided_slice %dot_general3A_106 {offsets = [0, 1], sizes = [128, 1], strides = [1, 1]} : vector<128x2xf32> to vector<128x1xf32>
    %concatenate3A_109 = tpu.concatenate %slice3A_107, %slice3A_108 in 0 : vector<128x1xf32>, vector<128x1xf32> -> vector<256x1xf32>
    %mul3A_110 = vector.broadcast %concatenate3A_109 : vector<256x1xf32> to vector<256x64xf32>
    %mul3A_111 = vector.broadcast %get3A_18 : vector<1x64xf32> to vector<256x64xf32>
    %mul3A_112 = arith.mulf %mul3A_110, %mul3A_111 : vector<256x64xf32>
    %add3A_113 = arith.addf %add3A_102, %mul3A_112 : vector<256x64xf32>
    %slice3A_114 = vector.extract_strided_slice %get3A_3 {offsets = [0, 96], sizes = [256, 32], strides = [1, 1]} : vector<512x128xf32> to vector<256x32xf32>
    %bitcast_convert_type3A_115 = tpu.bitcast %slice3A_114 : vector<256x32xf32> -> vector<256x32xi32>
    %shift_left3A_116 = arith.constant 16 : i32
    %shift_left3A_117 = vector.broadcast %shift_left3A_116 : i32 to vector<256x32xi32>
    %shift_left3A_118 = arith.shli %bitcast_convert_type3A_115, %shift_left3A_117 : vector<256x32xi32>
    %bitcast_convert_type3A_119 = tpu.bitcast %shift_left3A_118 : vector<256x32xi32> -> vector<256x32xf32>
    %and3A_120 = arith.constant -65536 : i32
    %and3A_121 = vector.broadcast %and3A_120 : i32 to vector<256x32xi32>
    %and3A_122 = arith.andi %bitcast_convert_type3A_115, %and3A_121 : vector<256x32xi32>
    %bitcast_convert_type3A_123 = tpu.bitcast %and3A_122 : vector<256x32xi32> -> vector<256x32xf32>
    %concatenate3A_124 = tpu.concatenate %bitcast_convert_type3A_119, %bitcast_convert_type3A_123 in 1 : vector<256x32xf32>, vector<256x32xf32> -> vector<256x64xf32>
    %slice3A_125 = vector.extract_strided_slice %get3A_8 {offsets = [0, 96], sizes = [256, 32], strides = [1, 1]} : vector<512x128xf32> to vector<256x32xf32>
    %bitcast_convert_type3A_126 = tpu.bitcast %slice3A_125 : vector<256x32xf32> -> vector<256x32xi32>
    %shift_left3A_127 = arith.constant 16 : i32
    %shift_left3A_128 = vector.broadcast %shift_left3A_127 : i32 to vector<256x32xi32>
    %shift_left3A_129 = arith.shli %bitcast_convert_type3A_126, %shift_left3A_128 : vector<256x32xi32>
    %bitcast_convert_type3A_130 = tpu.bitcast %shift_left3A_129 : vector<256x32xi32> -> vector<256x32xf32>
    %and3A_131 = arith.constant -65536 : i32
    %and3A_132 = vector.broadcast %and3A_131 : i32 to vector<256x32xi32>
    %and3A_133 = arith.andi %bitcast_convert_type3A_126, %and3A_132 : vector<256x32xi32>
    %bitcast_convert_type3A_134 = tpu.bitcast %and3A_133 : vector<256x32xi32> -> vector<256x32xf32>
    %concatenate3A_135 = tpu.concatenate %bitcast_convert_type3A_130, %bitcast_convert_type3A_134 in 1 : vector<256x32xf32>, vector<256x32xf32> -> vector<256x64xf32>
    %add3A_136 = arith.addf %concatenate3A_124, %concatenate3A_135 : vector<256x64xf32>
    %slice3A_137 = vector.extract_strided_slice %get3A_15 {offsets = [3, 0, 0], sizes = [1, 2, 128], strides = [1, 1, 1]} : vector<8x2x128xf32> to vector<1x2x128xf32>
    %squeeze3A_138 = vector.shape_cast %slice3A_137 : vector<1x2x128xf32> to vector<2x128xf32>
    %dot_general3A_139 = arith.constant dense<0.000000e+00> : vector<128x2xf32>
    %dot_general3A_140 = tpu.matmul %convert_element_type3A_20, %squeeze3A_138, %dot_general3A_139 {dimension_numbers = #tpu.dot_dimension_numbers<[1], [1], [0], [0], [0, 0, 1, 0], [], []>, transpose_lhs_hint = false} : vector<128x128xf32>, vector<2x128xf32>, vector<128x2xf32> -> vector<128x2xf32>
    %slice3A_141 = vector.extract_strided_slice %dot_general3A_140 {offsets = [0, 0], sizes = [128, 1], strides = [1, 1]} : vector<128x2xf32> to vector<128x1xf32>
    %slice3A_142 = vector.extract_strided_slice %dot_general3A_140 {offsets = [0, 1], sizes = [128, 1], strides = [1, 1]} : vector<128x2xf32> to vector<128x1xf32>
    %concatenate3A_143 = tpu.concatenate %slice3A_141, %slice3A_142 in 0 : vector<128x1xf32>, vector<128x1xf32> -> vector<256x1xf32>
    %mul3A_144 = vector.broadcast %concatenate3A_143 : vector<256x1xf32> to vector<256x64xf32>
    %mul3A_145 = vector.broadcast %get3A_18 : vector<1x64xf32> to vector<256x64xf32>
    %mul3A_146 = arith.mulf %mul3A_144, %mul3A_145 : vector<256x64xf32>
    %add3A_147 = arith.addf %add3A_136, %mul3A_146 : vector<256x64xf32>
    %slice3A_148 = vector.extract_strided_slice %get3A_3 {offsets = [256, 0], sizes = [256, 32], strides = [1, 1]} : vector<512x128xf32> to vector<256x32xf32>
    %bitcast_convert_type3A_149 = tpu.bitcast %slice3A_148 : vector<256x32xf32> -> vector<256x32xi32>
    %shift_left3A_150 = arith.constant 16 : i32
    %shift_left3A_151 = vector.broadcast %shift_left3A_150 : i32 to vector<256x32xi32>
    %shift_left3A_152 = arith.shli %bitcast_convert_type3A_149, %shift_left3A_151 : vector<256x32xi32>
    %bitcast_convert_type3A_153 = tpu.bitcast %shift_left3A_152 : vector<256x32xi32> -> vector<256x32xf32>
    %and3A_154 = arith.constant -65536 : i32
    %and3A_155 = vector.broadcast %and3A_154 : i32 to vector<256x32xi32>
    %and3A_156 = arith.andi %bitcast_convert_type3A_149, %and3A_155 : vector<256x32xi32>
    %bitcast_convert_type3A_157 = tpu.bitcast %and3A_156 : vector<256x32xi32> -> vector<256x32xf32>
    %concatenate3A_158 = tpu.concatenate %bitcast_convert_type3A_153, %bitcast_convert_type3A_157 in 1 : vector<256x32xf32>, vector<256x32xf32> -> vector<256x64xf32>
    %slice3A_159 = vector.extract_strided_slice %get3A_8 {offsets = [256, 0], sizes = [256, 32], strides = [1, 1]} : vector<512x128xf32> to vector<256x32xf32>
    %bitcast_convert_type3A_160 = tpu.bitcast %slice3A_159 : vector<256x32xf32> -> vector<256x32xi32>
    %shift_left3A_161 = arith.constant 16 : i32
    %shift_left3A_162 = vector.broadcast %shift_left3A_161 : i32 to vector<256x32xi32>
    %shift_left3A_163 = arith.shli %bitcast_convert_type3A_160, %shift_left3A_162 : vector<256x32xi32>
    %bitcast_convert_type3A_164 = tpu.bitcast %shift_left3A_163 : vector<256x32xi32> -> vector<256x32xf32>
    %and3A_165 = arith.constant -65536 : i32
    %and3A_166 = vector.broadcast %and3A_165 : i32 to vector<256x32xi32>
    %and3A_167 = arith.andi %bitcast_convert_type3A_160, %and3A_166 : vector<256x32xi32>
    %bitcast_convert_type3A_168 = tpu.bitcast %and3A_167 : vector<256x32xi32> -> vector<256x32xf32>
    %concatenate3A_169 = tpu.concatenate %bitcast_convert_type3A_164, %bitcast_convert_type3A_168 in 1 : vector<256x32xf32>, vector<256x32xf32> -> vector<256x64xf32>
    %add3A_170 = arith.addf %concatenate3A_158, %concatenate3A_169 : vector<256x64xf32>
    %slice3A_171 = vector.extract_strided_slice %get3A_15 {offsets = [4, 0, 0], sizes = [1, 2, 128], strides = [1, 1, 1]} : vector<8x2x128xf32> to vector<1x2x128xf32>
    %squeeze3A_172 = vector.shape_cast %slice3A_171 : vector<1x2x128xf32> to vector<2x128xf32>
    %dot_general3A_173 = arith.constant dense<0.000000e+00> : vector<128x2xf32>
    %dot_general3A_174 = tpu.matmul %convert_element_type3A_20, %squeeze3A_172, %dot_general3A_173 {dimension_numbers = #tpu.dot_dimension_numbers<[1], [1], [0], [0], [0, 0, 1, 0], [], []>, transpose_lhs_hint = false} : vector<128x128xf32>, vector<2x128xf32>, vector<128x2xf32> -> vector<128x2xf32>
    %slice3A_175 = vector.extract_strided_slice %dot_general3A_174 {offsets = [0, 0], sizes = [128, 1], strides = [1, 1]} : vector<128x2xf32> to vector<128x1xf32>
    %slice3A_176 = vector.extract_strided_slice %dot_general3A_174 {offsets = [0, 1], sizes = [128, 1], strides = [1, 1]} : vector<128x2xf32> to vector<128x1xf32>
    %concatenate3A_177 = tpu.concatenate %slice3A_175, %slice3A_176 in 0 : vector<128x1xf32>, vector<128x1xf32> -> vector<256x1xf32>
    %mul3A_178 = vector.broadcast %concatenate3A_177 : vector<256x1xf32> to vector<256x64xf32>
    %mul3A_179 = vector.broadcast %get3A_18 : vector<1x64xf32> to vector<256x64xf32>
    %mul3A_180 = arith.mulf %mul3A_178, %mul3A_179 : vector<256x64xf32>
    %add3A_181 = arith.addf %add3A_170, %mul3A_180 : vector<256x64xf32>
    %slice3A_182 = vector.extract_strided_slice %get3A_3 {offsets = [256, 32], sizes = [256, 32], strides = [1, 1]} : vector<512x128xf32> to vector<256x32xf32>
    %bitcast_convert_type3A_183 = tpu.bitcast %slice3A_182 : vector<256x32xf32> -> vector<256x32xi32>
    %shift_left3A_184 = arith.constant 16 : i32
    %shift_left3A_185 = vector.broadcast %shift_left3A_184 : i32 to vector<256x32xi32>
    %shift_left3A_186 = arith.shli %bitcast_convert_type3A_183, %shift_left3A_185 : vector<256x32xi32>
    %bitcast_convert_type3A_187 = tpu.bitcast %shift_left3A_186 : vector<256x32xi32> -> vector<256x32xf32>
    %and3A_188 = arith.constant -65536 : i32
    %and3A_189 = vector.broadcast %and3A_188 : i32 to vector<256x32xi32>
    %and3A_190 = arith.andi %bitcast_convert_type3A_183, %and3A_189 : vector<256x32xi32>
    %bitcast_convert_type3A_191 = tpu.bitcast %and3A_190 : vector<256x32xi32> -> vector<256x32xf32>
    %concatenate3A_192 = tpu.concatenate %bitcast_convert_type3A_187, %bitcast_convert_type3A_191 in 1 : vector<256x32xf32>, vector<256x32xf32> -> vector<256x64xf32>
    %slice3A_193 = vector.extract_strided_slice %get3A_8 {offsets = [256, 32], sizes = [256, 32], strides = [1, 1]} : vector<512x128xf32> to vector<256x32xf32>
    %bitcast_convert_type3A_194 = tpu.bitcast %slice3A_193 : vector<256x32xf32> -> vector<256x32xi32>
    %shift_left3A_195 = arith.constant 16 : i32
    %shift_left3A_196 = vector.broadcast %shift_left3A_195 : i32 to vector<256x32xi32>
    %shift_left3A_197 = arith.shli %bitcast_convert_type3A_194, %shift_left3A_196 : vector<256x32xi32>
    %bitcast_convert_type3A_198 = tpu.bitcast %shift_left3A_197 : vector<256x32xi32> -> vector<256x32xf32>
    %and3A_199 = arith.constant -65536 : i32
    %and3A_200 = vector.broadcast %and3A_199 : i32 to vector<256x32xi32>
    %and3A_201 = arith.andi %bitcast_convert_type3A_194, %and3A_200 : vector<256x32xi32>
    %bitcast_convert_type3A_202 = tpu.bitcast %and3A_201 : vector<256x32xi32> -> vector<256x32xf32>
    %concatenate3A_203 = tpu.concatenate %bitcast_convert_type3A_198, %bitcast_convert_type3A_202 in 1 : vector<256x32xf32>, vector<256x32xf32> -> vector<256x64xf32>
    %add3A_204 = arith.addf %concatenate3A_192, %concatenate3A_203 : vector<256x64xf32>
    %slice3A_205 = vector.extract_strided_slice %get3A_15 {offsets = [5, 0, 0], sizes = [1, 2, 128], strides = [1, 1, 1]} : vector<8x2x128xf32> to vector<1x2x128xf32>
    %squeeze3A_206 = vector.shape_cast %slice3A_205 : vector<1x2x128xf32> to vector<2x128xf32>
    %dot_general3A_207 = arith.constant dense<0.000000e+00> : vector<128x2xf32>
    %dot_general3A_208 = tpu.matmul %convert_element_type3A_20, %squeeze3A_206, %dot_general3A_207 {dimension_numbers = #tpu.dot_dimension_numbers<[1], [1], [0], [0], [0, 0, 1, 0], [], []>, transpose_lhs_hint = false} : vector<128x128xf32>, vector<2x128xf32>, vector<128x2xf32> -> vector<128x2xf32>
    %slice3A_209 = vector.extract_strided_slice %dot_general3A_208 {offsets = [0, 0], sizes = [128, 1], strides = [1, 1]} : vector<128x2xf32> to vector<128x1xf32>
    %slice3A_210 = vector.extract_strided_slice %dot_general3A_208 {offsets = [0, 1], sizes = [128, 1], strides = [1, 1]} : vector<128x2xf32> to vector<128x1xf32>
    %concatenate3A_211 = tpu.concatenate %slice3A_209, %slice3A_210 in 0 : vector<128x1xf32>, vector<128x1xf32> -> vector<256x1xf32>
    %mul3A_212 = vector.broadcast %concatenate3A_211 : vector<256x1xf32> to vector<256x64xf32>
    %mul3A_213 = vector.broadcast %get3A_18 : vector<1x64xf32> to vector<256x64xf32>
    %mul3A_214 = arith.mulf %mul3A_212, %mul3A_213 : vector<256x64xf32>
    %add3A_215 = arith.addf %add3A_204, %mul3A_214 : vector<256x64xf32>
    %slice3A_216 = vector.extract_strided_slice %get3A_3 {offsets = [256, 64], sizes = [256, 32], strides = [1, 1]} : vector<512x128xf32> to vector<256x32xf32>
    %bitcast_convert_type3A_217 = tpu.bitcast %slice3A_216 : vector<256x32xf32> -> vector<256x32xi32>
    %shift_left3A_218 = arith.constant 16 : i32
    %shift_left3A_219 = vector.broadcast %shift_left3A_218 : i32 to vector<256x32xi32>
    %shift_left3A_220 = arith.shli %bitcast_convert_type3A_217, %shift_left3A_219 : vector<256x32xi32>
    %bitcast_convert_type3A_221 = tpu.bitcast %shift_left3A_220 : vector<256x32xi32> -> vector<256x32xf32>
    %and3A_222 = arith.constant -65536 : i32
    %and3A_223 = vector.broadcast %and3A_222 : i32 to vector<256x32xi32>
    %and3A_224 = arith.andi %bitcast_convert_type3A_217, %and3A_223 : vector<256x32xi32>
    %bitcast_convert_type3A_225 = tpu.bitcast %and3A_224 : vector<256x32xi32> -> vector<256x32xf32>
    %concatenate3A_226 = tpu.concatenate %bitcast_convert_type3A_221, %bitcast_convert_type3A_225 in 1 : vector<256x32xf32>, vector<256x32xf32> -> vector<256x64xf32>
    %slice3A_227 = vector.extract_strided_slice %get3A_8 {offsets = [256, 64], sizes = [256, 32], strides = [1, 1]} : vector<512x128xf32> to vector<256x32xf32>
    %bitcast_convert_type3A_228 = tpu.bitcast %slice3A_227 : vector<256x32xf32> -> vector<256x32xi32>
    %shift_left3A_229 = arith.constant 16 : i32
    %shift_left3A_230 = vector.broadcast %shift_left3A_229 : i32 to vector<256x32xi32>
    %shift_left3A_231 = arith.shli %bitcast_convert_type3A_228, %shift_left3A_230 : vector<256x32xi32>
    %bitcast_convert_type3A_232 = tpu.bitcast %shift_left3A_231 : vector<256x32xi32> -> vector<256x32xf32>
    %and3A_233 = arith.constant -65536 : i32
    %and3A_234 = vector.broadcast %and3A_233 : i32 to vector<256x32xi32>
    %and3A_235 = arith.andi %bitcast_convert_type3A_228, %and3A_234 : vector<256x32xi32>
    %bitcast_convert_type3A_236 = tpu.bitcast %and3A_235 : vector<256x32xi32> -> vector<256x32xf32>
    %concatenate3A_237 = tpu.concatenate %bitcast_convert_type3A_232, %bitcast_convert_type3A_236 in 1 : vector<256x32xf32>, vector<256x32xf32> -> vector<256x64xf32>
    %add3A_238 = arith.addf %concatenate3A_226, %concatenate3A_237 : vector<256x64xf32>
    %slice3A_239 = vector.extract_strided_slice %get3A_15 {offsets = [6, 0, 0], sizes = [1, 2, 128], strides = [1, 1, 1]} : vector<8x2x128xf32> to vector<1x2x128xf32>
    %squeeze3A_240 = vector.shape_cast %slice3A_239 : vector<1x2x128xf32> to vector<2x128xf32>
    %dot_general3A_241 = arith.constant dense<0.000000e+00> : vector<128x2xf32>
    %dot_general3A_242 = tpu.matmul %convert_element_type3A_20, %squeeze3A_240, %dot_general3A_241 {dimension_numbers = #tpu.dot_dimension_numbers<[1], [1], [0], [0], [0, 0, 1, 0], [], []>, transpose_lhs_hint = false} : vector<128x128xf32>, vector<2x128xf32>, vector<128x2xf32> -> vector<128x2xf32>
    %slice3A_243 = vector.extract_strided_slice %dot_general3A_242 {offsets = [0, 0], sizes = [128, 1], strides = [1, 1]} : vector<128x2xf32> to vector<128x1xf32>
    %slice3A_244 = vector.extract_strided_slice %dot_general3A_242 {offsets = [0, 1], sizes = [128, 1], strides = [1, 1]} : vector<128x2xf32> to vector<128x1xf32>
    %concatenate3A_245 = tpu.concatenate %slice3A_243, %slice3A_244 in 0 : vector<128x1xf32>, vector<128x1xf32> -> vector<256x1xf32>
    %mul3A_246 = vector.broadcast %concatenate3A_245 : vector<256x1xf32> to vector<256x64xf32>
    %mul3A_247 = vector.broadcast %get3A_18 : vector<1x64xf32> to vector<256x64xf32>
    %mul3A_248 = arith.mulf %mul3A_246, %mul3A_247 : vector<256x64xf32>
    %add3A_249 = arith.addf %add3A_238, %mul3A_248 : vector<256x64xf32>
    %slice3A_250 = vector.extract_strided_slice %get3A_3 {offsets = [256, 96], sizes = [256, 32], strides = [1, 1]} : vector<512x128xf32> to vector<256x32xf32>
    %bitcast_convert_type3A_251 = tpu.bitcast %slice3A_250 : vector<256x32xf32> -> vector<256x32xi32>
    %shift_left3A_252 = arith.constant 16 : i32
    %shift_left3A_253 = vector.broadcast %shift_left3A_252 : i32 to vector<256x32xi32>
    %shift_left3A_254 = arith.shli %bitcast_convert_type3A_251, %shift_left3A_253 : vector<256x32xi32>
    %bitcast_convert_type3A_255 = tpu.bitcast %shift_left3A_254 : vector<256x32xi32> -> vector<256x32xf32>
    %and3A_256 = arith.constant -65536 : i32
    %and3A_257 = vector.broadcast %and3A_256 : i32 to vector<256x32xi32>
    %and3A_258 = arith.andi %bitcast_convert_type3A_251, %and3A_257 : vector<256x32xi32>
    %bitcast_convert_type3A_259 = tpu.bitcast %and3A_258 : vector<256x32xi32> -> vector<256x32xf32>
    %concatenate3A_260 = tpu.concatenate %bitcast_convert_type3A_255, %bitcast_convert_type3A_259 in 1 : vector<256x32xf32>, vector<256x32xf32> -> vector<256x64xf32>
    %slice3A_261 = vector.extract_strided_slice %get3A_8 {offsets = [256, 96], sizes = [256, 32], strides = [1, 1]} : vector<512x128xf32> to vector<256x32xf32>
    %bitcast_convert_type3A_262 = tpu.bitcast %slice3A_261 : vector<256x32xf32> -> vector<256x32xi32>
    %shift_left3A_263 = arith.constant 16 : i32
    %shift_left3A_264 = vector.broadcast %shift_left3A_263 : i32 to vector<256x32xi32>
    %shift_left3A_265 = arith.shli %bitcast_convert_type3A_262, %shift_left3A_264 : vector<256x32xi32>
    %bitcast_convert_type3A_266 = tpu.bitcast %shift_left3A_265 : vector<256x32xi32> -> vector<256x32xf32>
    %and3A_267 = arith.constant -65536 : i32
    %and3A_268 = vector.broadcast %and3A_267 : i32 to vector<256x32xi32>
    %and3A_269 = arith.andi %bitcast_convert_type3A_262, %and3A_268 : vector<256x32xi32>
    %bitcast_convert_type3A_270 = tpu.bitcast %and3A_269 : vector<256x32xi32> -> vector<256x32xf32>
    %concatenate3A_271 = tpu.concatenate %bitcast_convert_type3A_266, %bitcast_convert_type3A_270 in 1 : vector<256x32xf32>, vector<256x32xf32> -> vector<256x64xf32>
    %add3A_272 = arith.addf %concatenate3A_260, %concatenate3A_271 : vector<256x64xf32>
    %slice3A_273 = vector.extract_strided_slice %get3A_15 {offsets = [7, 0, 0], sizes = [1, 2, 128], strides = [1, 1, 1]} : vector<8x2x128xf32> to vector<1x2x128xf32>
    %squeeze3A_274 = vector.shape_cast %slice3A_273 : vector<1x2x128xf32> to vector<2x128xf32>
    %dot_general3A_275 = arith.constant dense<0.000000e+00> : vector<128x2xf32>
    %dot_general3A_276 = tpu.matmul %convert_element_type3A_20, %squeeze3A_274, %dot_general3A_275 {dimension_numbers = #tpu.dot_dimension_numbers<[1], [1], [0], [0], [0, 0, 1, 0], [], []>, transpose_lhs_hint = false} : vector<128x128xf32>, vector<2x128xf32>, vector<128x2xf32> -> vector<128x2xf32>
    %slice3A_277 = vector.extract_strided_slice %dot_general3A_276 {offsets = [0, 0], sizes = [128, 1], strides = [1, 1]} : vector<128x2xf32> to vector<128x1xf32>
    %slice3A_278 = vector.extract_strided_slice %dot_general3A_276 {offsets = [0, 1], sizes = [128, 1], strides = [1, 1]} : vector<128x2xf32> to vector<128x1xf32>
    %concatenate3A_279 = tpu.concatenate %slice3A_277, %slice3A_278 in 0 : vector<128x1xf32>, vector<128x1xf32> -> vector<256x1xf32>
    %mul3A_280 = vector.broadcast %concatenate3A_279 : vector<256x1xf32> to vector<256x64xf32>
    %mul3A_281 = vector.broadcast %get3A_18 : vector<1x64xf32> to vector<256x64xf32>
    %mul3A_282 = arith.mulf %mul3A_280, %mul3A_281 : vector<256x64xf32>
    %add3A_283 = arith.addf %add3A_272, %mul3A_282 : vector<256x64xf32>
    %concatenate3A_284 = tpu.concatenate %add3A_45, %add3A_79, %add3A_113, %add3A_147, %add3A_181, %add3A_215, %add3A_249, %add3A_283 in 0 : vector<256x64xf32>, vector<256x64xf32>, vector<256x64xf32>, vector<256x64xf32>, vector<256x64xf32>, vector<256x64xf32>, vector<256x64xf32>, vector<256x64xf32> -> vector<2048x64xf32>
    %max3A = arith.constant 0.000000e+00 : f32
    %max3A_285 = vector.broadcast %max3A : f32 to vector<2048x64xf32>
    %max3A_286 = arith.maximumf %concatenate3A_284, %max3A_285 : vector<2048x64xf32>
    %get3A_287 = arith.constant 0 : index
    %get3A_288 = arith.constant 0 : index
    %get3A_289 = vector.load %arg6[%get3A_287, %get3A_288] : memref<64x32xf32, #tpu.memory_space<vmem>>, vector<64x32xf32>
    %dot_general3A_290 = arith.constant dense<0.000000e+00> : vector<2048x32xf32>
    %dot_general3A_291 = tpu.matmul %max3A_286, %get3A_289, %dot_general3A_290 {dimension_numbers = #tpu.dot_dimension_numbers<[1], [0], [0], [1], [0, 0, 1, 1], [], []>, transpose_lhs_hint = false} : vector<2048x64xf32>, vector<64x32xf32>, vector<2048x32xf32> -> vector<2048x32xf32>
    %get3A_292 = arith.constant 0 : index
    %get3A_293 = arith.constant 0 : index
    %get3A_294 = vector.load %arg7[%get3A_292, %get3A_293] : memref<1x32xf32, #tpu.memory_space<vmem>>, vector<1x32xf32>
    %add3A_295 = vector.broadcast %get3A_294 : vector<1x32xf32> to vector<2048x32xf32>
    %add3A_296 = arith.addf %dot_general3A_291, %add3A_295 : vector<2048x32xf32>
    %max3A_297 = arith.constant 0.000000e+00 : f32
    %max3A_298 = vector.broadcast %max3A_297 : f32 to vector<2048x32xf32>
    %max3A_299 = arith.maximumf %add3A_296, %max3A_298 : vector<2048x32xf32>
    %get3A_300 = arith.constant 0 : index
    %get3A_301 = arith.constant 0 : index
    %get3A_302 = vector.load %arg8[%get3A_300, %get3A_301] : memref<32x64xf32, #tpu.memory_space<vmem>>, vector<32x64xf32>
    %dot_general3A_303 = arith.constant dense<0.000000e+00> : vector<2048x64xf32>
    %dot_general3A_304 = tpu.matmul %max3A_299, %get3A_302, %dot_general3A_303 {dimension_numbers = #tpu.dot_dimension_numbers<[1], [0], [0], [1], [0, 0, 1, 1], [], []>, transpose_lhs_hint = false} : vector<2048x32xf32>, vector<32x64xf32>, vector<2048x64xf32> -> vector<2048x64xf32>
    %get3A_305 = arith.constant 0 : index
    %get3A_306 = arith.constant 0 : index
    %get3A_307 = vector.load %arg9[%get3A_305, %get3A_306] : memref<1x64xf32, #tpu.memory_space<vmem>>, vector<1x64xf32>
    %add3A_308 = vector.broadcast %get3A_307 : vector<1x64xf32> to vector<2048x64xf32>
    %add3A_309 = arith.addf %dot_general3A_304, %add3A_308 : vector<2048x64xf32>
    %logistic3A = arith.negf %add3A_309 : vector<2048x64xf32>
    %logistic3A_310 = math.exp %logistic3A : vector<2048x64xf32>
    %logistic3A_311 = arith.constant 1.000000e+00 : f32
    %logistic3A_312 = vector.broadcast %logistic3A_311 : f32 to vector<2048x64xf32>
    %logistic3A_313 = arith.addf %logistic3A_312, %logistic3A_310 : vector<2048x64xf32>
    %logistic3A_314 = arith.divf %logistic3A_312, %logistic3A_313 : vector<2048x64xf32>
    %get3A_315 = arith.constant 0 : index
    %get3A_316 = arith.constant 0 : index
    %get3A_317 = vector.load %arg10[%get3A_315, %get3A_316] : memref<64x16xf32, #tpu.memory_space<vmem>>, vector<64x16xf32>
    %dot_general3A_318 = arith.constant dense<0.000000e+00> : vector<2048x16xf32>
    %dot_general3A_319 = tpu.matmul %logistic3A_314, %get3A_317, %dot_general3A_318 {dimension_numbers = #tpu.dot_dimension_numbers<[1], [0], [0], [1], [0, 0, 1, 1], [], []>, transpose_lhs_hint = false} : vector<2048x64xf32>, vector<64x16xf32>, vector<2048x16xf32> -> vector<2048x16xf32>
    %slice3A_320 = vector.extract_strided_slice %dot_general3A_319 {offsets = [0, 0], sizes = [256, 16], strides = [1, 1]} : vector<2048x16xf32> to vector<256x16xf32>
    %slice3A_321 = vector.extract_strided_slice %dot_general3A_319 {offsets = [256, 0], sizes = [256, 16], strides = [1, 1]} : vector<2048x16xf32> to vector<256x16xf32>
    %slice3A_322 = vector.extract_strided_slice %dot_general3A_319 {offsets = [512, 0], sizes = [256, 16], strides = [1, 1]} : vector<2048x16xf32> to vector<256x16xf32>
    %slice3A_323 = vector.extract_strided_slice %dot_general3A_319 {offsets = [768, 0], sizes = [256, 16], strides = [1, 1]} : vector<2048x16xf32> to vector<256x16xf32>
    %slice3A_324 = vector.extract_strided_slice %dot_general3A_319 {offsets = [1024, 0], sizes = [256, 16], strides = [1, 1]} : vector<2048x16xf32> to vector<256x16xf32>
    %slice3A_325 = vector.extract_strided_slice %dot_general3A_319 {offsets = [1280, 0], sizes = [256, 16], strides = [1, 1]} : vector<2048x16xf32> to vector<256x16xf32>
    %slice3A_326 = vector.extract_strided_slice %dot_general3A_319 {offsets = [1536, 0], sizes = [256, 16], strides = [1, 1]} : vector<2048x16xf32> to vector<256x16xf32>
    %slice3A_327 = vector.extract_strided_slice %dot_general3A_319 {offsets = [1792, 0], sizes = [256, 16], strides = [1, 1]} : vector<2048x16xf32> to vector<256x16xf32>
    %concatenate3A_328 = tpu.concatenate %slice3A_320, %slice3A_321, %slice3A_322, %slice3A_323, %slice3A_324, %slice3A_325, %slice3A_326, %slice3A_327 in 1 : vector<256x16xf32>, vector<256x16xf32>, vector<256x16xf32>, vector<256x16xf32>, vector<256x16xf32>, vector<256x16xf32>, vector<256x16xf32>, vector<256x16xf32> -> vector<256x128xf32>
    %swap3A = arith.constant 0 : index
    %swap3A_329 = arith.constant 0 : index
    %swap3A_330 = arith.constant 0 : index
    %swap3A_331 = vector.load %arg11[%swap3A, %swap3A_329, %swap3A_330] : memref<1x256x128xf32, #tpu.memory_space<vmem>>, vector<1x256x128xf32>
    %swap3A_332 = vector.shape_cast %swap3A_331 : vector<1x256x128xf32> to vector<256x128xf32>
    %swap3A_333 = vector.shape_cast %concatenate3A_328 : vector<256x128xf32> to vector<1x256x128xf32>
    tpu.vector_store %arg11[%swap3A, %swap3A_329, %swap3A_330], %swap3A_333 {strides = array<i32>} : memref<1x256x128xf32, #tpu.memory_space<vmem>>, vector<1x256x128xf32>,
    %neg3A = arith.constant 0.000000e+00 : f32
    %neg3A_334 = vector.broadcast %neg3A : f32 to vector<256x128xf32>
    %neg3A_335 = arith.subf %neg3A_334, %concatenate3A_328 : vector<256x128xf32>
    %swap3A_336 = arith.constant 0 : index
    %swap3A_337 = arith.constant 0 : index
    %swap3A_338 = arith.constant 0 : index
    %swap3A_339 = vector.load %arg12[%swap3A_336, %swap3A_337, %swap3A_338] : memref<1x256x128xf32, #tpu.memory_space<vmem>>, vector<1x256x128xf32>
    %swap3A_340 = vector.shape_cast %swap3A_339 : vector<1x256x128xf32> to vector<256x128xf32>
    %swap3A_341 = vector.shape_cast %neg3A_335 : vector<256x128xf32> to vector<1x256x128xf32>
    tpu.vector_store %arg12[%swap3A_336, %swap3A_337, %swap3A_338], %swap3A_341 {strides = array<i32>} : memref<1x256x128xf32, #tpu.memory_space<vmem>>, vector<1x256x128xf32>,
    return
  }
  func.func @transform_0(%arg0: i32, %arg1: i32) -> (i32, i32, i32) {
    %c0_i32 = arith.constant 0 : i32
    %c0_i32_0 = arith.constant 0 : i32
    return %arg0, %arg1, %c0_i32 : i32, i32, i32
  }
  func.func @transform_1(%arg0: i32, %arg1: i32) -> (i32, i32, i32) {
    %c0_i32 = arith.constant 0 : i32
    %c0_i32_0 = arith.constant 0 : i32
    return %arg0, %arg1, %c0_i32 : i32, i32, i32
  }
  func.func @transform_2(%arg0: i32, %arg1: i32) -> (i32, i32, i32, i32, i32) {
    %c0_i32 = arith.constant 0 : i32
    %c0_i32_0 = arith.constant 0 : i32
    %c0_i32_1 = arith.constant 0 : i32
    %c0_i32_2 = arith.constant 0 : i32
    return %arg0, %arg1, %c0_i32, %c0_i32_0, %c0_i32_1 : i32, i32, i32, i32, i32
  }
  func.func @transform_3(%arg0: i32, %arg1: i32) -> (i32, i32) {
    %c0_i32 = arith.constant 0 : i32
    %c0_i32_0 = arith.constant 0 : i32
    %c0_i32_1 = arith.constant 0 : i32
    return %c0_i32, %c0_i32_0 : i32, i32
  }
  func.func @transform_4(%arg0: i32, %arg1: i32) -> (i32, i32) {
    %c0_i32 = arith.constant 0 : i32
    %c0_i32_0 = arith.constant 0 : i32
    %c0_i32_1 = arith.constant 0 : i32
    return %c0_i32, %c0_i32_0 : i32, i32
  }
  func.func @transform_5(%arg0: i32, %arg1: i32) -> (i32, i32) {
    %c0_i32 = arith.constant 0 : i32
    %c0_i32_0 = arith.constant 0 : i32
    %c0_i32_1 = arith.constant 0 : i32
    return %c0_i32, %c0_i32_0 : i32, i32
  }
  func.func @transform_6(%arg0: i32, %arg1: i32) -> (i32, i32) {
    %c0_i32 = arith.constant 0 : i32
    %c0_i32_0 = arith.constant 0 : i32
    %c0_i32_1 = arith.constant 0 : i32
    return %c0_i32, %c0_i32_0 : i32, i32
  }
  func.func @transform_7(%arg0: i32, %arg1: i32) -> (i32, i32) {
    %c0_i32 = arith.constant 0 : i32
    %c0_i32_0 = arith.constant 0 : i32
    %c0_i32_1 = arith.constant 0 : i32
    return %c0_i32, %c0_i32_0 : i32, i32
  }
  func.func @transform_8(%arg0: i32, %arg1: i32) -> (i32, i32) {
    %c0_i32 = arith.constant 0 : i32
    %c0_i32_0 = arith.constant 0 : i32
    %c0_i32_1 = arith.constant 0 : i32
    return %c0_i32, %c0_i32_0 : i32, i32
  }
  func.func @transform_9(%arg0: i32, %arg1: i32) -> (i32, i32, i32) {
    %c0_i32 = arith.constant 0 : i32
    %c0_i32_0 = arith.constant 0 : i32
    return %arg0, %arg1, %c0_i32 : i32, i32, i32
  }
  func.func @transform_10(%arg0: i32, %arg1: i32) -> (i32, i32, i32) {
    %c0_i32 = arith.constant 0 : i32
    %c0_i32_0 = arith.constant 0 : i32
    return %arg0, %arg1, %c0_i32 : i32, i32, i32
  }
}

module attributes {stable_mosaic.version = 14 : i64} {
  func.func @_node_body(%arg0: i32, %arg1: i32, %arg2: memref<1x1000x16xf32, #tpu.memory_space<vmem>>, %arg3: memref<1x1000x1xf32, #tpu.memory_space<vmem>>, %arg4: memref<1x12xf32, #tpu.memory_space<vmem>>, %arg5: memref<1x12xf32, #tpu.memory_space<vmem>>, %arg6: memref<12x1xf32, #tpu.memory_space<vmem>>, %arg7: memref<1x1xf32, #tpu.memory_space<vmem>>, %arg8: memref<1x1000x1xf32, #tpu.memory_space<vmem>>) attributes {dimension_semantics = [#tpu.dimension_semantics<arbitrary>, #tpu.dimension_semantics<arbitrary>], iteration_bounds = array<i64: 2, 10>, scalar_prefetch = 0 : i64, scratch_operands = 0 : i64, tpu.core_type = #tpu.core_type<tc>, window_params = [{transform_indices = @transform_0, window_bounds = array<i64: 1, 1000, 16>}, {transform_indices = @transform_1, window_bounds = array<i64: 1, 1000, 1>}, {pipeline_mode = #tpu.pipeline_mode<synchronous>, transform_indices = @transform_2, window_bounds = array<i64: 1, 12>}, {pipeline_mode = #tpu.pipeline_mode<synchronous>, transform_indices = @transform_3, window_bounds = array<i64: 1, 12>}, {pipeline_mode = #tpu.pipeline_mode<synchronous>, transform_indices = @transform_4, window_bounds = array<i64: 12, 1>}, {pipeline_mode = #tpu.pipeline_mode<synchronous>, transform_indices = @transform_5, window_bounds = array<i64: 1, 1>}, {transform_indices = @transform_6, window_bounds = array<i64: 1, 1000, 1>}]} {
    %get3A = arith.constant 0 : index
    %get3A_0 = arith.constant 0 : index
    %get3A_1 = arith.constant 0 : index
    %get3A_2 = vector.load %arg2[%get3A, %get3A_0, %get3A_1] : memref<1x1000x16xf32, #tpu.memory_space<vmem>>, vector<1x1000x16xf32>
    %get3A_3 = vector.shape_cast %get3A_2 : vector<1x1000x16xf32> to vector<1000x16xf32>
    %slice3A = vector.extract_strided_slice %get3A_3 {offsets = [0, 0], sizes = [1000, 12], strides = [1, 1]} : vector<1000x16xf32> to vector<1000x12xf32>
    %get3A_4 = arith.constant 0 : index
    %get3A_5 = arith.constant 0 : index
    %get3A_6 = arith.constant 0 : index
    %get3A_7 = vector.load %arg3[%get3A_4, %get3A_5, %get3A_6] : memref<1x1000x1xf32, #tpu.memory_space<vmem>>, vector<1x1000x1xf32>
    %get3A_8 = vector.shape_cast %get3A_7 : vector<1x1000x1xf32> to vector<1000x1xf32>
    %get3A_9 = arith.constant 0 : index
    %get3A_10 = arith.constant 0 : index
    %get3A_11 = vector.load %arg4[%get3A_9, %get3A_10] : memref<1x12xf32, #tpu.memory_space<vmem>>, vector<1x12xf32>
    %mul3A = vector.broadcast %get3A_8 : vector<1000x1xf32> to vector<1000x12xf32>
    %mul3A_12 = vector.broadcast %get3A_11 : vector<1x12xf32> to vector<1000x12xf32>
    %mul3A_13 = arith.mulf %mul3A, %mul3A_12 : vector<1000x12xf32>
    %add3A = arith.addf %slice3A, %mul3A_13 : vector<1000x12xf32>
    %get3A_14 = arith.constant 0 : index
    %get3A_15 = arith.constant 0 : index
    %get3A_16 = vector.load %arg5[%get3A_14, %get3A_15] : memref<1x12xf32, #tpu.memory_space<vmem>>, vector<1x12xf32>
    %add3A_17 = vector.broadcast %get3A_16 : vector<1x12xf32> to vector<1000x12xf32>
    %add3A_18 = arith.addf %add3A, %add3A_17 : vector<1000x12xf32>
    %max3A = arith.constant 0.000000e+00 : f32
    %max3A_19 = vector.broadcast %max3A : f32 to vector<1000x12xf32>
    %max3A_20 = arith.maximumf %add3A_18, %max3A_19 : vector<1000x12xf32>
    %get3A_21 = arith.constant 0 : index
    %get3A_22 = arith.constant 0 : index
    %get3A_23 = vector.load %arg6[%get3A_21, %get3A_22] : memref<12x1xf32, #tpu.memory_space<vmem>>, vector<12x1xf32>
    %dot_general3A = arith.constant dense<0.000000e+00> : vector<1000x1xf32>
    %dot_general3A_24 = tpu.matmul %max3A_20, %get3A_23, %dot_general3A {dimension_numbers = #tpu.dot_dimension_numbers<[1], [0], [0], [1], [0, 0, 1, 1], [], []>, transpose_lhs_hint = false} : vector<1000x12xf32>, vector<12x1xf32>, vector<1000x1xf32> -> vector<1000x1xf32>
    %get3A_25 = arith.constant 0 : index
    %get3A_26 = arith.constant 0 : index
    %get3A_27 = vector.load %arg7[%get3A_25, %get3A_26] : memref<1x1xf32, #tpu.memory_space<vmem>>, vector<1x1xf32>
    %add3A_28 = vector.broadcast %get3A_27 : vector<1x1xf32> to vector<1000x1xf32>
    %add3A_29 = arith.addf %dot_general3A_24, %add3A_28 : vector<1000x1xf32>
    %logistic3A = arith.negf %add3A_29 : vector<1000x1xf32>
    %logistic3A_30 = math.exp %logistic3A : vector<1000x1xf32>
    %logistic3A_31 = arith.constant 1.000000e+00 : f32
    %logistic3A_32 = vector.broadcast %logistic3A_31 : f32 to vector<1000x1xf32>
    %logistic3A_33 = arith.addf %logistic3A_32, %logistic3A_30 : vector<1000x1xf32>
    %logistic3A_34 = arith.divf %logistic3A_32, %logistic3A_33 : vector<1000x1xf32>
    %swap3A = arith.constant 0 : index
    %swap3A_35 = arith.constant 0 : index
    %swap3A_36 = arith.constant 0 : index
    %swap3A_37 = vector.load %arg8[%swap3A, %swap3A_35, %swap3A_36] : memref<1x1000x1xf32, #tpu.memory_space<vmem>>, vector<1x1000x1xf32>
    %swap3A_38 = vector.shape_cast %swap3A_37 : vector<1x1000x1xf32> to vector<1000x1xf32>
    %swap3A_39 = vector.shape_cast %logistic3A_34 : vector<1000x1xf32> to vector<1x1000x1xf32>
    tpu.vector_store %arg8[%swap3A, %swap3A_35, %swap3A_36], %swap3A_39 {strides = array<i32>} : memref<1x1000x1xf32, #tpu.memory_space<vmem>>, vector<1x1000x1xf32>,
    return
  }
  func.func @transform_0(%arg0: i32, %arg1: i32) -> (i32, i32, i32) {
    %c0_i32 = arith.constant 0 : i32
    %c0_i32_0 = arith.constant 0 : i32
    return %arg0, %arg1, %c0_i32 : i32, i32, i32
  }
  func.func @transform_1(%arg0: i32, %arg1: i32) -> (i32, i32, i32) {
    %c0_i32 = arith.constant 0 : i32
    %c0_i32_0 = arith.constant 0 : i32
    return %arg0, %arg1, %c0_i32 : i32, i32, i32
  }
  func.func @transform_2(%arg0: i32, %arg1: i32) -> (i32, i32) {
    %c0_i32 = arith.constant 0 : i32
    %c0_i32_0 = arith.constant 0 : i32
    %c0_i32_1 = arith.constant 0 : i32
    return %c0_i32, %c0_i32_0 : i32, i32
  }
  func.func @transform_3(%arg0: i32, %arg1: i32) -> (i32, i32) {
    %c0_i32 = arith.constant 0 : i32
    %c0_i32_0 = arith.constant 0 : i32
    %c0_i32_1 = arith.constant 0 : i32
    return %c0_i32, %c0_i32_0 : i32, i32
  }
  func.func @transform_4(%arg0: i32, %arg1: i32) -> (i32, i32) {
    %c0_i32 = arith.constant 0 : i32
    %c0_i32_0 = arith.constant 0 : i32
    %c0_i32_1 = arith.constant 0 : i32
    return %c0_i32, %c0_i32_0 : i32, i32
  }
  func.func @transform_5(%arg0: i32, %arg1: i32) -> (i32, i32) {
    %c0_i32 = arith.constant 0 : i32
    %c0_i32_0 = arith.constant 0 : i32
    %c0_i32_1 = arith.constant 0 : i32
    return %c0_i32, %c0_i32_0 : i32, i32
  }
  func.func @transform_6(%arg0: i32, %arg1: i32) -> (i32, i32, i32) {
    %c0_i32 = arith.constant 0 : i32
    %c0_i32_0 = arith.constant 0 : i32
    return %arg0, %arg1, %c0_i32 : i32, i32, i32
  }
}

</mosaic_0001>

<sc_bundles>
// kernel: gather_offload_async_start.1
scs
__scs_entry_jumppad:
0x0: {  	(pc) =	sbr.rel $0x88, $3  }
0x1: {  	(tag) =	ssettag $0x0;
	lr =	simm.s32 $0x1  }
0x2: {  	[smem:$0x3F93] =	sst lr;
	_ =	strace $0xD0000000  }
0x3: {  	_ = 	snop  }
0x4: {  	_ = 	snop  }
0x5: {  	_ = 	snop  }
0x6: {  	_ = 	snop  }
0x7: {  	_ = 	snop  }
__scs_overlays_trampoline_lowered:
0x8: {  	[smem:$0x3FA2] =	sst s0  }
0x9: {  	[smem:$0x3FA3] =	sst s1  }
0xa: {  	[smem:$0x3FA4] =	sst s2  }
0xb: {  	[smem:$0x3FA5] =	sst s3  }
0xc: {  	[smem:$0x3FA6] =	sst s4  }
0xd: {  	[smem:$0x3FA7] =	sst s5  }
0xe: {  	[smem:$0x3FA8] =	sst s6  }
0xf: {  	[smem:$0x3FA9] =	sst s7  }
0x10: {  	[smem:$0x3FAA] =	sst s8  }
0x11: {  	[smem:$0x3FAB] =	sst s9;
	s0 =	simm.s32 @!p0 $0x0  }
0x12: {  	s1 =	sld [smem:$0x3F91];
	s0 =	simm.s32 @p0 $0x1  }
0x13: {  	[smem:$0x3FAC] =	sst s0;
	s0 =	simm.s32 @!p1 $0x0  }
0x14: {  	s2 =	sld [smem:$0x3F90];
	s0 =	simm.s32 @p1 $0x1  }
0x15: {  	[smem:$0x3FAD] =	sst s0;
	s0 =	simm.s32 @!p2 $0x0  }
0x16: {  	s3 =	sld [smem:$0x3FDB];
	s0 =	simm.s32 @p2 $0x1  }
0x17: {  	s4 =	simm.s32 $0x1BF5;
	[smem:$0x3FAF] =	sst s0  }
0x18: {  	s0 =	sld [smem:$0x3F92];
	_ =	swait.ge [sflag:s4], $0x0  }
0x19: {  	s7 =	sld [smem:$0x3F93]  }
0x1a: {  	s8 =	sadd.s32 $0xFFFFE003, lr  }
0x1b: {  	s9 =	sadd.s32 $0xFFFFFEF7, lr;
	s5 =	simm.s32 $0xFFFFFFFF;
	p2 =	slt.u32 s8, $0xFFFFF086  }
0x1c: {  	p1 =	slt.u32 s9, $0xF7A;
	s5 =	simm.s32 @!p2 $0x0  }
0x1d: {  	s5 =	simm.s32 @p1 $0x1;
	p0 =	seq.s32 s7, s2  }
0x1e: {  	s7 =	smul.u32 @!p0 $0xF7A, s2;
	p2 =	seq.s32 @!p0 s5, $0x0  }
0x1f: {  	s9 =	smul.u32 $0xF7A, s1;
	s8 =	simm.s32 @!p0 $0x1BF5;
	p2 =	por !p2, p0  }
0x20: {  	[sflag:s8] =	ssyncset.s32 @!p0 $0xFFFFF086;
	s6 =	sadd.s32 @!p0 s3, s7;
	s7 =	simm.s32 @!p0 $0x108  }
0x21: {  	s3 =	sadd.s32 s3, s9;
	s6 =	sadd.s32 @!p0 $0x88, s6;
	s7 =	simm.s32 @p2 $0x1082  }
0x22: {  	[simem:s7], [sflag:s8] =	dma.local @!p0 [hbm:s6], $0xF7A  }
0x23: {  	s9 =	sor.u32 $0xD0000000, s2;
	s6 =	simm.s32 $0x108;
	_ =	swait.ge @!p0 [sflag:s8], $0x0  }
0x24: {  	s3 =	sadd.s32 $0x88, s3;
	s6 =	simm.s32 @!p1 $0x1082;
	[sflag:s4] =	ssyncset.s32 $0xFFFFF086  }
0x25: {  	[simem:s6], [sflag:s4] =	dma.local [hbm:s3], $0xF7A  }
0x26: {  	[smem:$0x3F93] =	sst s1;
	(tag) =	ssettag s2;
	_ =	strace s9  }
0x27: {  	s1 =	sld [smem:$0x3FA3]  }
0x28: {  	s2 =	sld [smem:$0x3FA4]  }
0x29: {  	s4 =	sld [smem:$0x3FA6]  }
0x2a: {  	p0 =	seq.s32 s5, $0x0;
	s5 =	sld [smem:$0x3FA7]  }
0x2b: {  	s6 =	sld [smem:$0x3FA8]  }
0x2c: {  	s7 =	sld [smem:$0x3FA9]  }
0x2d: {  	s3 =	simm.s32 $0x108;
	s8 =	sld [smem:$0x3FAA]  }
0x2e: {  	s3 =	simm.s32 @!p0 $0x1082;
	s9 =	sld [smem:$0x3FAB]  }
0x2f: {  	lr =	sadd.s32 s0, s3;
	s0 =	sld [smem:$0x3FA2]  }
0x30: {  	s3 =	sld [smem:$0x3FA5]  }
0x31: {  	[smem:$0x3FAE] =	sst s10  }
0x32: {  	s10 =	sld [smem:$0x3FAC];
	_ =	sdelay $0x3  }
0x33: {  	p0 =	seq.s32 s10, $0x1;
	s10 =	sld [smem:$0x3FAE];
	_ =	sdelay $0x3  }
0x34: {  	[smem:$0x3FAE] =	sst s10  }
0x35: {  	s10 =	sld [smem:$0x3FAD];
	_ =	sdelay $0x3  }
0x36: {  	p1 =	seq.s32 s10, $0x1;
	s10 =	sld [smem:$0x3FAE];
	_ =	sdelay $0x3  }
0x37: {  	[smem:$0x3FAE] =	sst s10  }
0x38: {  	s10 =	sld [smem:$0x3FAF]  }
0x39: {  	_ = 	snop;
	(pc) =	sbr.ind lr, $3  }
0x3a: {  	_ = 	snop  }
0x3b: {  	_ = 	snop  }
0x3c: {  	p2 =	seq.s32 s10, $0x1;
	s10 =	sld [smem:$0x3FAE]  }
0x3d: {  	_ =	shalt  }
0x3e: {  	_ =	shalt  }
0x3f: {  	_ =	shalt  }
0x40: {  	_ =	shalt  }
0x41: {  	_ =	shalt  }
0x42: {  	_ =	shalt  }
0x43: {  	_ =	shalt  }
0x44: {  	_ =	shalt  }
0x45: {  	_ =	shalt  }
0x46: {  	_ =	shalt  }
0x47: {  	_ =	shalt  }
0x48: {  	_ =	shalt  }
0x49: {  	_ =	shalt  }
0x4a: {  	_ =	shalt  }
0x4b: {  	_ =	shalt  }
0x4c: {  	_ =	shalt  }
0x4d: {  	_ =	shalt  }
0x4e: {  	_ =	shalt  }
0x4f: {  	_ =	shalt  }
0x50: {  	_ =	shalt  }
0x51: {  	_ =	shalt  }
0x52: {  	_ =	shalt  }
0x53: {  	_ =	shalt  }
0x54: {  	_ =	shalt  }
0x55: {  	_ =	shalt  }
0x56: {  	_ =	shalt  }
0x57: {  	_ =	shalt  }
0x58: {  	_ =	shalt  }
0x59: {  	_ =	shalt  }
0x5a: {  	_ =	shalt  }
0x5b: {  	_ =	shalt  }
0x5c: {  	_ =	shalt  }
0x5d: {  	_ =	shalt  }
0x5e: {  	_ =	shalt  }
0x5f: {  	_ =	shalt  }
0x60: {  	_ =	shalt  }
0x61: {  	_ =	shalt  }
0x62: {  	_ =	shalt  }
0x63: {  	_ =	shalt  }
0x64: {  	_ =	shalt  }
0x65: {  	_ =	shalt  }
0x66: {  	_ =	shalt  }
0x67: {  	_ =	shalt  }
0x68: {  	_ =	shalt  }
0x69: {  	_ =	shalt  }
0x6a: {  	_ =	shalt  }
0x6b: {  	_ =	shalt  }
0x6c: {  	_ =	shalt  }
0x6d: {  	_ =	shalt  }
0x6e: {  	_ =	shalt  }
0x6f: {  	_ =	shalt  }
0x70: {  	_ =	shalt  }
0x71: {  	_ =	shalt  }
0x72: {  	_ =	shalt  }
0x73: {  	_ =	shalt  }
0x74: {  	_ =	shalt  }
0x75: {  	_ =	shalt  }
0x76: {  	_ =	shalt  }
0x77: {  	_ =	shalt  }
0x78: {  	_ =	shalt  }
0x79: {  	_ =	shalt  }
0x7a: {  	_ =	shalt  }
0x7b: {  	_ =	shalt  }
0x7c: {  	_ =	shalt  }
0x7d: {  	_ =	shalt  }
0x7e: {  	_ =	shalt  }
0x7f: {  	_ =	shalt  }
0x80: {  	_ =	shalt  }
0x81: {  	_ =	shalt  }
0x82: {  	_ =	shalt  }
0x83: {  	_ =	shalt  }
0x84: {  	_ =	shalt  }
0x85: {  	_ =	shalt  }
0x86: {  	_ =	shalt  }
0x87: {  	_ =	shalt  }
.Lfunc_end0:
.L_simem_size_0:
called_computation.1_lowered:
.L_overlay_start_0:
0x88: {  	s2 =	sld [smem:$0x3FD9]  }
0x89: {  	s3 =	sld [smem:$0x3FFE];
	_ =	sdelay $0x1  }
0x8a: {  	s1 =	srdreg.scid  }
0x8b: {  	s0 =	sand.u32 $0x1, s1  }
0x8c: {  	s16 =	sshll.u32 s0, $0xA;
	s2 =	sadd.s32 s3, s2  }
0x8d: {  	s2 =	sadd.s32 s2, s16  }
0x8e: {  	[smem:$0x3FBA] =	sst s2  }
0x8f: {  	_ = 	snop  }
0x90: {  	(tm) =	ssettm $0x1  }
0x91: {  	s17 =	sld [smem:$0x3FFB];
	_ =	sdelay $0x3  }
0x92: {  	_ =	strace s17  }
0x93: {  	s2 =	sld [smem:$0x3FFC];
	_ =	sdelay $0x3  }
0x94: {  	_ =	strace s2  }
0x95: {  	s2 =	sld [smem:$0x3FFD];
	_ =	sdelay $0x3  }
0x96: {  	_ =	strace s2  }
0x97: {  	_ =	strace $0x8FFFFFFF  }
0x98: {  	s18 =	sld [smem:$0x3FDB];
	_ =	sdelay $0x1  }
0x99: {  	s19 =	simm.s32 $_scs_section_size  }
0x9a: {  	s4 =	simm.s32 $_size__tile_overlayer_lowered;
	s5 =	simm.s32 $_tile_overlayer_lowered  }
0x9b: {  	s22 =	simm.s32 $0x1BFF;
	s21 =	sshll.u32 s5, $0x1;
	s2 =	sadd.s32 s19, s18  }
0x9c: {  	s6 =	simm.s32 $0x0;
	s20 =	sshll.u32 s4, $0x1;
	s4 =	sadd.s32 s21, s2  }
0x9d: {  	[timem:s6], [sflag:s22] =	dma.local [hbm:s4], s20  }
0x9e: {  	_ =	swait.ge [sflag:s22], s20  }
0x9f: {  	s3 =	ssub.s32 $0x0, s20;
	[sflag:s22] =	ssyncset.done $0x0  }
0xa0: {  	[sflag:s22] =	ssyncadd.s32 s3;
	_ =	sdelay $0x1  }
0xa1: {  	s23 =	simm.s32 $0x1B8B  }
0xa2: {  	_ =	swait.ge [sflag:s23], $0x1  }
0xa3: {  	[sflag:s23] =	ssyncset.done $0x0  }
0xa4: {  	s25 =	simm.s32 $0x1B8E;
	s24 =	sld [smem:$0x3FFE];
	[sflag:s23] =	ssyncadd.s32 $0xFFFFFFFF  }
0xa5: {  	s26 =	simm.s32 $execute0_lowered;
	[smem:$0x3FD2] =	sst s25  }
0xa6: {  	s4 =	sshll.u32 s26, $0x1;
	_ =	strace $0x80000046;
	[dreg:$0x1] =	wrdreg $0xFFFFFFFF  }
0xa7: {  	s28 =	simm.s32 $_size_execute0_lowered;
	s2 =	sadd.s32 s2, s4;
	[dreg:$0x0] =	wrdreg $0x0  }
0xa8: {  	s4 =	sshll.u32 s28, $0x1;
	[dreg:$0x2] =	wrdreg s2  }
0xa9: {  	[dreg:$0x3] =	wrdreg s4  }
0xaa: {  	[dreg:$0x4] =	wrdreg $0xC0  }
0xab: {  	_ =	task [dreg:s6], $0x5FFFF  }
0xac: {  	[dreg:$0x1] =	wrdreg $0xFFFFFFFF  }
0xad: {  	[dreg:$0x0] =	wrdreg $0x60  }
0xae: {  	[dreg:$0x2] =	wrdreg s24  }
0xaf: {  	[dreg:$0x3] =	wrdreg $0x9  }
0xb0: {  	_ =	task.clear_ibuf [dreg:s6], $0x4FFFF;
	_ =	strace $0x90000046  }
0xb1: {  	s29 =	simm.s32 $0x9;
	_ =	strace $0x80000048  }
0xb2: {  	_ =	swait.ge [sflag:s29], $0x1  }
0xb3: {  	[sflag:s29] =	ssyncadd.s32 $0xFFFFFFFF  }
0xb4: {  	_ =	strace $0x90000048  }
0xb5: {  	_ =	sfence  }
0xb6: {  	s30 =	sld [smem:$0x0];
	_ =	sdelay $0x2  }
0xb7: {  	s31 =	sshll.u32 s1, $0xD;
	s1 =	sshrl.u32 s1, $0x2  }
0xb8: {  	s3 =	sand.u32 $0x4000, s31;
	s1 =	sadd.s32 s1, s30  }
0xb9: {  	s0 =	sor.u32 s3, s0;
	s1 =	sshll.u32 s1, $0x11  }
0xba: {  	s0 =	sor.u32 s1, s0  }
0xbb: {  	s0 =	sadd.s32 $0x8F2B, s0  }
0xbc: {  	[sflag:s0] =	ssyncadd.remote.s32 $0x1  }
0xbd: {  	_ =	sfence.sel $0xFFFF  }
0xbe: {  	[dreg:$0x0] =	wrdreg $0xFFFFFFFF;
	(pc) =	sbr.abs _section_cstart, $3  }
0xbf: {  	[dreg:$0x1] =	wrdreg $0xFFFFFFFF  }
0xc0: {  	_ =	task.clear_ibuf [dreg:s6], $0x2FFFF;
	_ =	strace $0x9FFFFFFF  }
0xc1: {  	(tm) =	ssettm $0x7FFFFFFF  }
tec
execute0_lowered:
.L_overlay_start_1:
0x0: {  	(tag) =	ssettag $0x1  }
0x1: {  	s0 =	srdreg.scid;
	s5 =	rddreg [dreg:$0x0]  }
0x2: {  	s1 =	stileid.u32;
	s6 =	simm.s32 $0x1;
	s9 =	simm.s32 $0x1  }
0x3: {  	s10 =	simm.s32 $0x3;
	s13 =	simm.s32 $0x0;
	s2 =	sshll.u32 s0, $0xC  }
0x4: {  	s12 =	simm.s32 $0x0;
	s3 =	sshll.u32 s1, $0xD;
	s2 =	sand.u32 $0x1000, s2  }
0x5: {  	s0 =	rddreg [dreg:$0x1];
	_ =	strace $0x80000047;
	s2 =	sor.u32 s3, s2  }
0x6: {  	s4 =	sadd.s32 $0x4200, s5;
	[sflag:s6] =	ssyncpa.u1 $0x0;
	s8 =	ssub.s32 $0x28000, s2  }
.Ltmp0:
0x7: {  	s3 =	sadd.s32 $0x6FE00, s5;
	s7 =	sand.u32 $0x1F000, s8;
	(pc) =	sbr.rel .LBB2_1-.Ltmp0, $4  }
0x8: {  	s5 =	sadd.s32 $0x83E00, s5;
	s11 =	smov.u32 s2;
	p0 =	sne.s32 s7, $0x0  }
0x9: {  	s8 =	sshrl.u32 s8, $0x11;
	s7 =	simm.s32 $0x2;
	s9 =	simm.s32 @!p0 $0x0  }
0xa: {  	[sflag:s7] =	ssyncpa.u1 $0x0;
	p0 =	por $0x0, $0x0;
	s8 =	sadd.s32 s9, s8  }
0xb: {  	vm0 =	vmmov $0xffff;
	[sflag:s10] =	ssyncpa.u1 $0x0;
	s10 =	simm.s32 $0x0;
	s9 =	sadd.s32 $0x1, s8  }
.LBB2_4:
0xc: {  	v2 =	vnsel vm1, $0x0, v2  }
0xd: {  	vm1 =	vgt.s32 v0, $0x0;
	v2 =	vmin.u32 v2, $0x27FFF  }
0xe: {  	v0 =	vnsel vm1, $0x0, v0  }
0xf: {  	v0 =	vmin.u32 v0, $0x27FFF  }
0x10: {  	[tilespmem:s15], [sflag:$0x1] =	stream.indirect_vreg.gather [hbm4b:s3+s10], $0x1, v1, vm0, $0x4038;
	[tilespmem:$0x4000] =	vst v63  }
0x11: {  	(ifvalue) =	ssetifvalue $0x7FFFFFFF  }
0x12: {  	[tilespmem:s16], [sflag:$0x1] =	stream.indirect_vreg.gather [hbm4b:s3+s10], $0x1, v2, vm0, $0x4038;
	[tilespmem:$0x4000] =	vst v63  }
0x13: {  	s29 =	sadd.s32 $0x10, s16;
	(ifvalue) =	ssetifvalue $0x7FFFFFFF  }
0x14: {  	[tilespmem:s29], [sflag:$0x1] =	stream.indirect_vreg.gather [hbm4b:s3+s10], $0x1, v0, vm0, $0x4038;
	[tilespmem:$0x4000] =	vst v63  }
0x15: {  	_ =	swait.ge [sflag:s6], $0x1000  }
0x16: {  	s30 =	sshrl.u32 s13, $0x3;
	[sflag:s6] =	ssyncset.done $0x0  }
0x17: {  	s31 =	sand.u32 $0x7, s13;
	s15 =	sadd.s32 s5, s30;
	[sflag:s6] =	ssyncadd.s32 $0xFFFFF000  }
0x18: {  	[hbm4b:s15+s31] =	stream.linear.scatter [tilespmem:s14], [sflag:$0x3], $0x1000, $0x38;
	[tilespmem:$0x4000] =	vst v63  }
.LBB2_5:
0x19: {  	s15 =	sadd.s32 $0x20000, s11  }
0x1a: {  	p2 =	sgt.s32 s15, $0x27FFF  }
0x1b: {  	s15 =	smov.u32 @p2 s2;
	p2 =	sne.s32 s12, s9  }
.Ltmp1:
0x1c: {  	p1 =	slt.u32 s12, $0x2;
	(pc) =	sbr.rel @!p2 .LBB2_6-.Ltmp1, $4  }
0x1d: {  	s14 =	simm.s32 @!p1 $0x3  }
0x1e: {  	s16 =	sadd.s32 $0x1, s12;
	_ =	swait.ge @!p1 [sflag:s14], $0x1000  }
0x1f: {  	s13 =	smov.u32 s11;
	p0 =	por !p0, !p0;
	[sflag:s14] =	ssyncset.done @!p1 $0x0  }
0x20: {  	s12 =	smov.u32 s16;
	s11 =	smov.u32 s15;
	[sflag:s14] =	ssyncadd.s32 @!p1 $0xFFFFF000  }
.LBB2_1:
0x21: {  	p1 =	sge.u32 s12, s8  }
0x22: {  	s14 =	sxor.u32 @!p1 $0xFFFFFFFF, s12  }
0x23: {  	s31 =	sadd.s32 $0xFFFFFFFF, s12;
	s15 =	sshrl.u32 @!p1 s11, $0x3;
	s14 =	sshll.u32 @!p1 s14, $0xC  }
0x24: {  	s16 =	sand.u32 @!p1 $0x7, s11;
	s15 =	sadd.s32 @!p1 s4, s15;
	s14 =	sand.u32 @!p1 $0x1000, s14  }
0x25: {  	[tilespmem:s14], [sflag:$0x2] =	stream.linear.gather @!p1 [hbm4b:s15+s16], $0x1000, $0x38;
	[tilespmem:$0x4000] =	vst v63  }
0x26: {  	p1 =	sge.u32 s31, s8  }
.Ltmp2:
0x27: {  	_ = 	snop;
	(pc) =	sbr.rel @p1 .LBB2_5-.Ltmp2, $1  }
0x28: {  	_ =	sdelay $0x3  }
0x29: {  	s14 =	simm.s32 $0x1  }
0x2a: {  	_ =	swait.ge [sflag:s7], $0x1000;
	s14 =	simm.s32 @!p0 $0x0  }
0x2b: {  	[sflag:s7] =	ssyncset.done $0x0;
	s14 =	sshll.u32 s14, $0xC  }
0x2c: {  	[sflag:s7] =	ssyncadd.s32 $0xFFFFF000;
	(ifvalue) =	ssetifvalue $0x7FFFFFFF;
	v0 =	vld.msk [tilespmem:s14+$0x0 ss:$0x1], $0xffff;
	_ =	sdelay $0x4  }
0x2d: {  	s15 =	sadd.s32 $0x10, s14;
	vm1 =	vgt.s32 v0, $0x0  }
0x2e: {  	v2 =	vld.msk [tilespmem:s15+$0x0 ss:$0x1], $0xffff;
	v1 =	vnsel vm1, $0x0, v0  }
0x2f: {  	v1 =	vmin.u32 v1, $0x27FFF;
	_ =	sdelay $0x1  }
0x30: {  	s16 =	sshll.u32 s12, $0xC;
	s18 =	simm.s32 $0x20  }
0x31: {  	s16 =	sand.u32 $0x1000, s16;
	s17 =	sadd.s32 $0x10, s15;
	s15 =	sor.u32 $0x2000, s14  }
0x32: {  	s14 =	sor.u32 $0x2000, s16;
	s16 =	sadd.s32 $0x10, s15;
	v0 =	vld.msk [tilespmem:s17+$0x0 ss:$0x1], $0xffff;
	vm1 =	vgt.s32 v2, $0x0;
	(ifvalue) =	ssetifvalue $0x7FFFFFFF  }
.LBB2_3:
0x33: {  	[tilespmem:s15], [sflag:$0x1] =	stream.indirect_vreg.gather [hbm4b:s3+s10], $0x1, v1, vm0, $0x4038;
	[tilespmem:$0x4000] =	vst v63  }
0x34: {  	s18 =	sadd.s32 $0x10, s18  }
0x35: {  	v2 =	vnsel vm1, $0x0, v2;
	p1 =	slt.u32 s18, $0xFF0  }
.Ltmp3:
0x36: {  	s15 =	smov.u32 s16;
	v1 =	vmin.u32 v2, $0x27FFF;
	(pc) =	sbr.rel @p1 .LBB2_3-.Ltmp3, $3  }
0x37: {  	_ =	sdelay $0x1  }
0x38: {  	s17 =	sadd.s32 $0x10, s17  }
0x39: {  	vm1 =	vgt.s32 v0, $0x0;
	s16 =	sadd.s32 $0x10, s16;
	v2 =	vmov v0;
	(ifvalue) =	ssetifvalue $0x7FFFFFFF;
	v0 =	vld.msk [tilespmem:s17+$0x0 ss:$0x1], $0xffff  }
.Ltmp4:
0x3a: {  	_ = 	snop;
	(pc) =	sbr.rel .LBB2_4-.Ltmp4, $1  }
0x3b: {  	_ =	sdelay $0x3  }
.LBB2_6:
0x3c: {  	_ =	sfence.sel $0x180000  }
0x3d: {  	s2 =	simm.s32 $0x2;
	[bflag:$0x0] =	sbarrier.arrive $0xFFFF  }
0x3e: {  	s30 =	simm.s32 $0x3;
	[sflag:s2] =	ssyncpa.u1 $0x1  }
0x3f: {  	s31 =	simm.s32 $0x1;
	[sflag:s30] =	ssyncpa.u1 $0x1  }
0x40: {  	[sflag:s31] =	ssyncpa.u1 $0x1  }
0x41: {  	p0 =	sne.s32 s1, $0x0;
	_ =	strace $0x90000047  }
0x42: {  	s0 =	sadd.s32 @!p0 $0x100000, s0;
	[bflag:$0x2] =	sbarrier.arrive $0xFFFF  }
0x43: {  	[sflag:s0] =	ssyncadd.tile.s32 @!p0 $0x1;
	_ =	shalt  }
.Lfunc_end2:
_tile_overlayer_lowered:
.L_overlay_start_2:
0x44: {  	(tag) =	ssettag $0x2  }
0x45: {  	s0 =	rddreg [dreg:$0x0];
	s2 =	stileid.u32  }
0x46: {  	s1 =	rddreg [dreg:$0x1];
	p0 =	sne.s32 s2, $0x0  }
0x47: {  	s3 =	rddreg [dreg:$0x2];
	[bflag:$0x3] =	sbarrier.arrive $0xFFFF;
	s2 =	simm.s32 @!p0 $0x1C01  }
0x48: {  	[timem:s3], [sflag:s2] =	dma.local @!p0 [hbm:s0], s1  }
0x49: {  	s0 =	simm.s32 @!p0 $0x1  }
0x4a: {  	_ =	swait.ge @!p0 [sflag:s0], s1  }
0x4b: {  	s1 =	ssub.s32 @!p0 $0x0, s1;
	[sflag:s0] =	ssyncset.done @!p0 $0x0  }
0x4c: {  	[sflag:s0] =	ssyncadd.s32 @!p0 s1  }
0x4d: {  	[bflag:$0x3] =	sbarrier.arrive $0xFFFF  }
0x4e: {  	_ =	shalt  }

// kernel: gather_offload_async_start.2
scs
__scs_entry_jumppad:
0x0: {  	(pc) =	sbr.rel $0x88, $3  }
0x1: {  	(tag) =	ssettag $0x0;
	lr =	simm.s32 $0x1  }
0x2: {  	[smem:$0x3F93] =	sst lr;
	_ =	strace $0xD0000000  }
0x3: {  	_ = 	snop  }
0x4: {  	_ = 	snop  }
0x5: {  	_ = 	snop  }
0x6: {  	_ = 	snop  }
0x7: {  	_ = 	snop  }
__scs_overlays_trampoline_lowered:
0x8: {  	[smem:$0x3FA2] =	sst s0  }
0x9: {  	[smem:$0x3FA3] =	sst s1  }
0xa: {  	[smem:$0x3FA4] =	sst s2  }
0xb: {  	[smem:$0x3FA5] =	sst s3  }
0xc: {  	[smem:$0x3FA6] =	sst s4  }
0xd: {  	[smem:$0x3FA7] =	sst s5  }
0xe: {  	[smem:$0x3FA8] =	sst s6  }
0xf: {  	[smem:$0x3FA9] =	sst s7  }
0x10: {  	[smem:$0x3FAA] =	sst s8  }
0x11: {  	[smem:$0x3FAB] =	sst s9;
	s0 =	simm.s32 @!p0 $0x0  }
0x12: {  	s1 =	sld [smem:$0x3F91];
	s0 =	simm.s32 @p0 $0x1  }
0x13: {  	[smem:$0x3FAC] =	sst s0;
	s0 =	simm.s32 @!p1 $0x0  }
0x14: {  	s2 =	sld [smem:$0x3F90];
	s0 =	simm.s32 @p1 $0x1  }
0x15: {  	[smem:$0x3FAD] =	sst s0;
	s0 =	simm.s32 @!p2 $0x0  }
0x16: {  	s3 =	sld [smem:$0x3FDB];
	s0 =	simm.s32 @p2 $0x1  }
0x17: {  	s4 =	simm.s32 $0x1BF5;
	[smem:$0x3FAF] =	sst s0  }
0x18: {  	s0 =	sld [smem:$0x3F92];
	_ =	swait.ge [sflag:s4], $0x0  }
0x19: {  	s7 =	sld [smem:$0x3F93]  }
0x1a: {  	s8 =	sadd.s32 $0xFFFFE003, lr  }
0x1b: {  	s9 =	sadd.s32 $0xFFFFFEF7, lr;
	s5 =	simm.s32 $0xFFFFFFFF;
	p2 =	slt.u32 s8, $0xFFFFF086  }
0x1c: {  	p1 =	slt.u32 s9, $0xF7A;
	s5 =	simm.s32 @!p2 $0x0  }
0x1d: {  	s5 =	simm.s32 @p1 $0x1;
	p0 =	seq.s32 s7, s2  }
0x1e: {  	s7 =	smul.u32 @!p0 $0xF7A, s2;
	p2 =	seq.s32 @!p0 s5, $0x0  }
0x1f: {  	s9 =	smul.u32 $0xF7A, s1;
	s8 =	simm.s32 @!p0 $0x1BF5;
	p2 =	por !p2, p0  }
0x20: {  	[sflag:s8] =	ssyncset.s32 @!p0 $0xFFFFF086;
	s6 =	sadd.s32 @!p0 s3, s7;
	s7 =	simm.s32 @!p0 $0x108  }
0x21: {  	s3 =	sadd.s32 s3, s9;
	s6 =	sadd.s32 @!p0 $0x88, s6;
	s7 =	simm.s32 @p2 $0x1082  }
0x22: {  	[simem:s7], [sflag:s8] =	dma.local @!p0 [hbm:s6], $0xF7A  }
0x23: {  	s9 =	sor.u32 $0xD0000000, s2;
	s6 =	simm.s32 $0x108;
	_ =	swait.ge @!p0 [sflag:s8], $0x0  }
0x24: {  	s3 =	sadd.s32 $0x88, s3;
	s6 =	simm.s32 @!p1 $0x1082;
	[sflag:s4] =	ssyncset.s32 $0xFFFFF086  }
0x25: {  	[simem:s6], [sflag:s4] =	dma.local [hbm:s3], $0xF7A  }
0x26: {  	[smem:$0x3F93] =	sst s1;
	(tag) =	ssettag s2;
	_ =	strace s9  }
0x27: {  	s1 =	sld [smem:$0x3FA3]  }
0x28: {  	s2 =	sld [smem:$0x3FA4]  }
0x29: {  	s4 =	sld [smem:$0x3FA6]  }
0x2a: {  	p0 =	seq.s32 s5, $0x0;
	s5 =	sld [smem:$0x3FA7]  }
0x2b: {  	s6 =	sld [smem:$0x3FA8]  }
0x2c: {  	s7 =	sld [smem:$0x3FA9]  }
0x2d: {  	s3 =	simm.s32 $0x108;
	s8 =	sld [smem:$0x3FAA]  }
0x2e: {  	s3 =	simm.s32 @!p0 $0x1082;
	s9 =	sld [smem:$0x3FAB]  }
0x2f: {  	lr =	sadd.s32 s0, s3;
	s0 =	sld [smem:$0x3FA2]  }
0x30: {  	s3 =	sld [smem:$0x3FA5]  }
0x31: {  	[smem:$0x3FAE] =	sst s10  }
0x32: {  	s10 =	sld [smem:$0x3FAC];
	_ =	sdelay $0x3  }
0x33: {  	p0 =	seq.s32 s10, $0x1;
	s10 =	sld [smem:$0x3FAE];
	_ =	sdelay $0x3  }
0x34: {  	[smem:$0x3FAE] =	sst s10  }
0x35: {  	s10 =	sld [smem:$0x3FAD];
	_ =	sdelay $0x3  }
0x36: {  	p1 =	seq.s32 s10, $0x1;
	s10 =	sld [smem:$0x3FAE];
	_ =	sdelay $0x3  }
0x37: {  	[smem:$0x3FAE] =	sst s10  }
0x38: {  	s10 =	sld [smem:$0x3FAF]  }
0x39: {  	_ = 	snop;
	(pc) =	sbr.ind lr, $3  }
0x3a: {  	_ = 	snop  }
0x3b: {  	_ = 	snop  }
0x3c: {  	p2 =	seq.s32 s10, $0x1;
	s10 =	sld [smem:$0x3FAE]  }
0x3d: {  	_ =	shalt  }
0x3e: {  	_ =	shalt  }
0x3f: {  	_ =	shalt  }
0x40: {  	_ =	shalt  }
0x41: {  	_ =	shalt  }
0x42: {  	_ =	shalt  }
0x43: {  	_ =	shalt  }
0x44: {  	_ =	shalt  }
0x45: {  	_ =	shalt  }
0x46: {  	_ =	shalt  }
0x47: {  	_ =	shalt  }
0x48: {  	_ =	shalt  }
0x49: {  	_ =	shalt  }
0x4a: {  	_ =	shalt  }
0x4b: {  	_ =	shalt  }
0x4c: {  	_ =	shalt  }
0x4d: {  	_ =	shalt  }
0x4e: {  	_ =	shalt  }
0x4f: {  	_ =	shalt  }
0x50: {  	_ =	shalt  }
0x51: {  	_ =	shalt  }
0x52: {  	_ =	shalt  }
0x53: {  	_ =	shalt  }
0x54: {  	_ =	shalt  }
0x55: {  	_ =	shalt  }
0x56: {  	_ =	shalt  }
0x57: {  	_ =	shalt  }
0x58: {  	_ =	shalt  }
0x59: {  	_ =	shalt  }
0x5a: {  	_ =	shalt  }
0x5b: {  	_ =	shalt  }
0x5c: {  	_ =	shalt  }
0x5d: {  	_ =	shalt  }
0x5e: {  	_ =	shalt  }
0x5f: {  	_ =	shalt  }
0x60: {  	_ =	shalt  }
0x61: {  	_ =	shalt  }
0x62: {  	_ =	shalt  }
0x63: {  	_ =	shalt  }
0x64: {  	_ =	shalt  }
0x65: {  	_ =	shalt  }
0x66: {  	_ =	shalt  }
0x67: {  	_ =	shalt  }
0x68: {  	_ =	shalt  }
0x69: {  	_ =	shalt  }
0x6a: {  	_ =	shalt  }
0x6b: {  	_ =	shalt  }
0x6c: {  	_ =	shalt  }
0x6d: {  	_ =	shalt  }
0x6e: {  	_ =	shalt  }
0x6f: {  	_ =	shalt  }
0x70: {  	_ =	shalt  }
0x71: {  	_ =	shalt  }
0x72: {  	_ =	shalt  }
0x73: {  	_ =	shalt  }
0x74: {  	_ =	shalt  }
0x75: {  	_ =	shalt  }
0x76: {  	_ =	shalt  }
0x77: {  	_ =	shalt  }
0x78: {  	_ =	shalt  }
0x79: {  	_ =	shalt  }
0x7a: {  	_ =	shalt  }
0x7b: {  	_ =	shalt  }
0x7c: {  	_ =	shalt  }
0x7d: {  	_ =	shalt  }
0x7e: {  	_ =	shalt  }
0x7f: {  	_ =	shalt  }
0x80: {  	_ =	shalt  }
0x81: {  	_ =	shalt  }
0x82: {  	_ =	shalt  }
0x83: {  	_ =	shalt  }
0x84: {  	_ =	shalt  }
0x85: {  	_ =	shalt  }
0x86: {  	_ =	shalt  }
0x87: {  	_ =	shalt  }
.Lfunc_end0:
.L_simem_size_0:
called_computation.2_lowered:
.L_overlay_start_0:
0x88: {  	s2 =	sld [smem:$0x3FD9]  }
0x89: {  	s3 =	sld [smem:$0x3FFE];
	_ =	sdelay $0x1  }
0x8a: {  	s1 =	srdreg.scid  }
0x8b: {  	s0 =	sand.u32 $0x1, s1  }
0x8c: {  	s17 =	sshll.u32 s0, $0xA;
	s2 =	sadd.s32 s3, s2  }
0x8d: {  	s2 =	sadd.s32 s2, s17  }
0x8e: {  	[smem:$0x3FBA] =	sst s2  }
0x8f: {  	_ = 	snop  }
0x90: {  	(tm) =	ssettm $0x1  }
0x91: {  	s18 =	sld [smem:$0x3FFB];
	_ =	sdelay $0x3  }
0x92: {  	_ =	strace s18  }
0x93: {  	s2 =	sld [smem:$0x3FFC];
	_ =	sdelay $0x3  }
0x94: {  	_ =	strace s2  }
0x95: {  	s2 =	sld [smem:$0x3FFD];
	_ =	sdelay $0x3  }
0x96: {  	_ =	strace s2  }
0x97: {  	_ =	strace $0x8FFFFFFF  }
0x98: {  	s19 =	sld [smem:$0x3FDB];
	_ =	sdelay $0x1  }
0x99: {  	s20 =	simm.s32 $_scs_section_size  }
0x9a: {  	s4 =	simm.s32 $_size__tile_overlayer_lowered;
	s5 =	simm.s32 $_tile_overlayer_lowered  }
0x9b: {  	s6 =	simm.s32 $0x1BFF;
	s21 =	sshll.u32 s5, $0x1;
	s3 =	sadd.s32 s20, s19  }
0x9c: {  	s22 =	simm.s32 $0x0;
	s4 =	sshll.u32 s4, $0x1;
	s5 =	sadd.s32 s21, s3  }
0x9d: {  	[timem:s22], [sflag:s6] =	dma.local [hbm:s5], s4  }
0x9e: {  	_ =	swait.ge [sflag:s6], s4  }
0x9f: {  	s4 =	ssub.s32 $0x0, s4;
	[sflag:s6] =	ssyncset.done $0x0  }
0xa0: {  	[sflag:s6] =	ssyncadd.s32 s4;
	_ =	sdelay $0x1  }
0xa1: {  	s23 =	simm.s32 $0x1B8B  }
0xa2: {  	_ =	swait.ge [sflag:s23], $0x1  }
0xa3: {  	[sflag:s23] =	ssyncset.done $0x0  }
0xa4: {  	[sflag:s23] =	ssyncadd.s32 $0xFFFFFFFF  }
0xa5: {  	s4 =	sld [smem:$0x0]  }
0xa6: {  	s5 =	sand.u32 $0xFFFFFFFE, s1  }
0xa7: {  	p0 =	sne.s32 s1, s5  }
0xa8: {  	s5 =	sshll.u32 @p0 s5, $0xE  }
0xa9: {  	s5 =	sadd.s32 @p0 $0x11B8D, s5;
	s6 =	sshll.u32 @p0 s4, $0x11  }
0xaa: {  	s5 =	sor.u32 @p0 s6, s5  }
0xab: {  	[sflag:s5] =	ssyncadd.remote.s32 @p0 $0x1;
	_ =	sdelay $0x1  }
0xac: {  	s5 =	simm.s32 @p0 $0x1B8D  }
0xad: {  	_ =	swait.eq @p0 [sflag:s5], $0x1  }
0xae: {  	[sflag:s5] =	ssyncadd.s32 @p0 $0xFFFFFFFF  }
0xaf: {  	s6 =	sshll.u32 @!p0 s1, $0xE  }
0xb0: {  	s6 =	sor.u32 @!p0 $0x4000, s6;
	s5 =	simm.s32 @!p0 $0x1B8D  }
0xb1: {  	s4 =	sshll.u32 @!p0 s4, $0x11;
	s6 =	sadd.s32 @!p0 $0x11B8D, s6;
	_ =	swait.eq @!p0 [sflag:s5], $0x1  }
0xb2: {  	s4 =	sor.u32 @!p0 s4, s6;
	[sflag:s5] =	ssyncadd.s32 @!p0 $0xFFFFFFFF  }
0xb3: {  	s25 =	simm.s32 $0x1B8E;
	s24 =	sld [smem:$0x3FFE];
	[sflag:s4] =	ssyncadd.remote.s32 @!p0 $0x1  }
0xb4: {  	s26 =	simm.s32 $execute0_lowered;
	[smem:$0x3FD2] =	sst s25  }
0xb5: {  	s5 =	sshll.u32 s26, $0x1;
	_ =	strace $0x8000004F;
	[dreg:$0x1] =	wrdreg $0xFFFFFFFF  }
0xb6: {  	s28 =	simm.s32 $_size_execute0_lowered;
	s3 =	sadd.s32 s3, s5;
	[dreg:$0x0] =	wrdreg $0x0  }
0xb7: {  	s5 =	sshll.u32 s28, $0x1;
	[dreg:$0x2] =	wrdreg s3  }
0xb8: {  	[dreg:$0x3] =	wrdreg s5  }
0xb9: {  	[dreg:$0x4] =	wrdreg $0xC0  }
0xba: {  	_ =	task [dreg:s22], $0x5FFFF  }
0xbb: {  	[dreg:$0x1] =	wrdreg $0xFFFFFFFF  }
0xbc: {  	[dreg:$0x0] =	wrdreg $0x60  }
0xbd: {  	[dreg:$0x2] =	wrdreg s24  }
0xbe: {  	[dreg:$0x3] =	wrdreg $0x9  }
0xbf: {  	_ =	task.clear_ibuf [dreg:s22], $0x4FFFF;
	_ =	strace $0x9000004F  }
0xc0: {  	s29 =	simm.s32 $0x9;
	_ =	strace $0x80000051  }
0xc1: {  	_ =	swait.ge [sflag:s29], $0x1  }
0xc2: {  	[sflag:s29] =	ssyncadd.s32 $0xFFFFFFFF  }
0xc3: {  	_ =	strace $0x90000051  }
0xc4: {  	_ =	sfence  }
0xc5: {  	s30 =	sld [smem:$0x0];
	_ =	sdelay $0x2  }
0xc6: {  	s31 =	sshll.u32 s1, $0xD;
	s1 =	sshrl.u32 s1, $0x2  }
0xc7: {  	s4 =	sand.u32 $0x4000, s31;
	s1 =	sadd.s32 s1, s30  }
0xc8: {  	s0 =	sor.u32 s4, s0;
	s1 =	sshll.u32 s1, $0x11  }
0xc9: {  	s0 =	sor.u32 s1, s0  }
0xca: {  	s0 =	sadd.s32 $0x8F2B, s0  }
0xcb: {  	[sflag:s0] =	ssyncadd.remote.s32 $0x1  }
0xcc: {  	_ =	sfence.sel $0xFFFF  }
0xcd: {  	[dreg:$0x0] =	wrdreg $0xFFFFFFFF;
	(pc) =	sbr.abs _section_cstart, $3  }
0xce: {  	[dreg:$0x1] =	wrdreg $0xFFFFFFFF  }
0xcf: {  	_ =	task.clear_ibuf [dreg:s22], $0x2FFFF;
	_ =	strace $0x9FFFFFFF  }
0xd0: {  	(tm) =	ssettm $0x7FFFFFFF  }
0xd1: {  	_ =	shalt  }
tec
execute0_lowered:
.L_overlay_start_1:
0x0: {  	(tag) =	ssettag $0x1  }
0x1: {  	s0 =	srdreg.scid;
	s5 =	rddreg [dreg:$0x0]  }
0x2: {  	s1 =	stileid.u32;
	s6 =	simm.s32 $0x1;
	s9 =	simm.s32 $0x1  }
0x3: {  	s10 =	simm.s32 $0x3;
	s13 =	simm.s32 $0x0;
	s2 =	sshll.u32 s0, $0xC  }
0x4: {  	s12 =	simm.s32 $0x0;
	s3 =	sshll.u32 s1, $0xD;
	s2 =	sand.u32 $0x1000, s2  }
0x5: {  	s0 =	rddreg [dreg:$0x1];
	_ =	strace $0x80000050;
	s2 =	sor.u32 s3, s2  }
0x6: {  	s4 =	sadd.s32 $0x9200, s5;
	[sflag:s6] =	ssyncpa.u1 $0x0;
	s8 =	ssub.s32 $0x28000, s2  }
.Ltmp0:
0x7: {  	s3 =	sadd.s32 $0x7EE00, s5;
	s7 =	sand.u32 $0x1F000, s8;
	(pc) =	sbr.rel .LBB2_1-.Ltmp0, $4  }
0x8: {  	s5 =	sadd.s32 $0x83E00, s5;
	s11 =	smov.u32 s2;
	p0 =	sne.s32 s7, $0x0  }
0x9: {  	s8 =	sshrl.u32 s8, $0x11;
	s7 =	simm.s32 $0x2;
	s9 =	simm.s32 @!p0 $0x0  }
0xa: {  	[sflag:s7] =	ssyncpa.u1 $0x0;
	p0 =	por $0x0, $0x0;
	s8 =	sadd.s32 s9, s8  }
0xb: {  	vm0 =	vmmov $0xffff;
	[sflag:s10] =	ssyncpa.u1 $0x0;
	s10 =	simm.s32 $0x0;
	s9 =	sadd.s32 $0x1, s8  }
.LBB2_4:
0xc: {  	v2 =	vnsel vm1, $0x0, v2  }
0xd: {  	vm1 =	vgt.s32 v0, $0x0;
	v2 =	vmin.u32 v2, $0x27FFF  }
0xe: {  	v0 =	vnsel vm1, $0x0, v0  }
0xf: {  	v0 =	vmin.u32 v0, $0x27FFF  }
0x10: {  	[tilespmem:s15], [sflag:$0x1] =	stream.indirect_vreg.gather [hbm4b:s3+s10], $0x1, v1, vm0, $0x4038;
	[tilespmem:$0x4000] =	vst v63  }
0x11: {  	(ifvalue) =	ssetifvalue $0x7FFFFFFF  }
0x12: {  	[tilespmem:s16], [sflag:$0x1] =	stream.indirect_vreg.gather [hbm4b:s3+s10], $0x1, v2, vm0, $0x4038;
	[tilespmem:$0x4000] =	vst v63  }
0x13: {  	s29 =	sadd.s32 $0x10, s16;
	(ifvalue) =	ssetifvalue $0x7FFFFFFF  }
0x14: {  	[tilespmem:s29], [sflag:$0x1] =	stream.indirect_vreg.gather [hbm4b:s3+s10], $0x1, v0, vm0, $0x4038;
	[tilespmem:$0x4000] =	vst v63  }
0x15: {  	_ =	swait.ge [sflag:s6], $0x1000  }
0x16: {  	s30 =	sshrl.u32 s13, $0x3;
	[sflag:s6] =	ssyncset.done $0x0  }
0x17: {  	s31 =	sand.u32 $0x7, s13;
	s15 =	sadd.s32 s5, s30;
	[sflag:s6] =	ssyncadd.s32 $0xFFFFF000  }
0x18: {  	[hbm4b:s15+s31] =	stream.linear.scatter [tilespmem:s14], [sflag:$0x3], $0x1000, $0x38;
	[tilespmem:$0x4000] =	vst v63  }
.LBB2_5:
0x19: {  	s15 =	sadd.s32 $0x20000, s11  }
0x1a: {  	p2 =	sgt.s32 s15, $0x27FFF  }
0x1b: {  	s15 =	smov.u32 @p2 s2;
	p2 =	sne.s32 s12, s9  }
.Ltmp1:
0x1c: {  	p1 =	slt.u32 s12, $0x2;
	(pc) =	sbr.rel @!p2 .LBB2_6-.Ltmp1, $4  }
0x1d: {  	s14 =	simm.s32 @!p1 $0x3  }
0x1e: {  	s16 =	sadd.s32 $0x1, s12;
	_ =	swait.ge @!p1 [sflag:s14], $0x1000  }
0x1f: {  	s13 =	smov.u32 s11;
	p0 =	por !p0, !p0;
	[sflag:s14] =	ssyncset.done @!p1 $0x0  }
0x20: {  	s12 =	smov.u32 s16;
	s11 =	smov.u32 s15;
	[sflag:s14] =	ssyncadd.s32 @!p1 $0xFFFFF000  }
.LBB2_1:
0x21: {  	p1 =	sge.u32 s12, s8  }
0x22: {  	s14 =	sxor.u32 @!p1 $0xFFFFFFFF, s12  }
0x23: {  	s31 =	sadd.s32 $0xFFFFFFFF, s12;
	s15 =	sshrl.u32 @!p1 s11, $0x3;
	s14 =	sshll.u32 @!p1 s14, $0xC  }
0x24: {  	s16 =	sand.u32 @!p1 $0x7, s11;
	s15 =	sadd.s32 @!p1 s4, s15;
	s14 =	sand.u32 @!p1 $0x1000, s14  }
0x25: {  	[tilespmem:s14], [sflag:$0x2] =	stream.linear.gather @!p1 [hbm4b:s15+s16], $0x1000, $0x38;
	[tilespmem:$0x4000] =	vst v63  }
0x26: {  	p1 =	sge.u32 s31, s8  }
.Ltmp2:
0x27: {  	_ = 	snop;
	(pc) =	sbr.rel @p1 .LBB2_5-.Ltmp2, $1  }
0x28: {  	_ =	sdelay $0x3  }
0x29: {  	s14 =	simm.s32 $0x1  }
0x2a: {  	_ =	swait.ge [sflag:s7], $0x1000;
	s14 =	simm.s32 @!p0 $0x0  }
0x2b: {  	[sflag:s7] =	ssyncset.done $0x0;
	s14 =	sshll.u32 s14, $0xC  }
0x2c: {  	[sflag:s7] =	ssyncadd.s32 $0xFFFFF000;
	(ifvalue) =	ssetifvalue $0x7FFFFFFF;
	v0 =	vld.msk [tilespmem:s14+$0x0 ss:$0x1], $0xffff;
	_ =	sdelay $0x4  }
0x2d: {  	s15 =	sadd.s32 $0x10, s14;
	vm1 =	vgt.s32 v0, $0x0  }
0x2e: {  	v2 =	vld.msk [tilespmem:s15+$0x0 ss:$0x1], $0xffff;
	v1 =	vnsel vm1, $0x0, v0  }
0x2f: {  	v1 =	vmin.u32 v1, $0x27FFF;
	_ =	sdelay $0x1  }
0x30: {  	s16 =	sshll.u32 s12, $0xC;
	s18 =	simm.s32 $0x20  }
0x31: {  	s16 =	sand.u32 $0x1000, s16;
	s17 =	sadd.s32 $0x10, s15;
	s15 =	sor.u32 $0x2000, s14  }
0x32: {  	s14 =	sor.u32 $0x2000, s16;
	s16 =	sadd.s32 $0x10, s15;
	v0 =	vld.msk [tilespmem:s17+$0x0 ss:$0x1], $0xffff;
	vm1 =	vgt.s32 v2, $0x0;
	(ifvalue) =	ssetifvalue $0x7FFFFFFF  }
.LBB2_3:
0x33: {  	[tilespmem:s15], [sflag:$0x1] =	stream.indirect_vreg.gather [hbm4b:s3+s10], $0x1, v1, vm0, $0x4038;
	[tilespmem:$0x4000] =	vst v63  }
0x34: {  	s18 =	sadd.s32 $0x10, s18  }
0x35: {  	v2 =	vnsel vm1, $0x0, v2;
	p1 =	slt.u32 s18, $0xFF0  }
.Ltmp3:
0x36: {  	s15 =	smov.u32 s16;
	v1 =	vmin.u32 v2, $0x27FFF;
	(pc) =	sbr.rel @p1 .LBB2_3-.Ltmp3, $3  }
0x37: {  	_ =	sdelay $0x1  }
0x38: {  	s17 =	sadd.s32 $0x10, s17  }
0x39: {  	vm1 =	vgt.s32 v0, $0x0;
	s16 =	sadd.s32 $0x10, s16;
	v2 =	vmov v0;
	(ifvalue) =	ssetifvalue $0x7FFFFFFF;
	v0 =	vld.msk [tilespmem:s17+$0x0 ss:$0x1], $0xffff  }
.Ltmp4:
0x3a: {  	_ = 	snop;
	(pc) =	sbr.rel .LBB2_4-.Ltmp4, $1  }
0x3b: {  	_ =	sdelay $0x3  }
.LBB2_6:
0x3c: {  	_ =	sfence.sel $0x180000  }
0x3d: {  	s2 =	simm.s32 $0x2;
	[bflag:$0x0] =	sbarrier.arrive $0xFFFF  }
0x3e: {  	s30 =	simm.s32 $0x3;
	[sflag:s2] =	ssyncpa.u1 $0x1  }
0x3f: {  	s31 =	simm.s32 $0x1;
	[sflag:s30] =	ssyncpa.u1 $0x1  }
0x40: {  	[sflag:s31] =	ssyncpa.u1 $0x1  }
0x41: {  	p0 =	sne.s32 s1, $0x0;
	_ =	strace $0x90000050  }
0x42: {  	s0 =	sadd.s32 @!p0 $0x100000, s0;
	[bflag:$0x2] =	sbarrier.arrive $0xFFFF  }
0x43: {  	[sflag:s0] =	ssyncadd.tile.s32 @!p0 $0x1;
	_ =	shalt  }
.Lfunc_end2:
_tile_overlayer_lowered:
.L_overlay_start_2:
0x44: {  	(tag) =	ssettag $0x2  }
0x45: {  	s0 =	rddreg [dreg:$0x0];
	s2 =	stileid.u32  }
0x46: {  	s1 =	rddreg [dreg:$0x1];
	p0 =	sne.s32 s2, $0x0  }
0x47: {  	s3 =	rddreg [dreg:$0x2];
	[bflag:$0x3] =	sbarrier.arrive $0xFFFF;
	s2 =	simm.s32 @!p0 $0x1C01  }
0x48: {  	[timem:s3], [sflag:s2] =	dma.local @!p0 [hbm:s0], s1  }
0x49: {  	s0 =	simm.s32 @!p0 $0x1  }
0x4a: {  	_ =	swait.ge @!p0 [sflag:s0], s1  }
0x4b: {  	s1 =	ssub.s32 @!p0 $0x0, s1;
	[sflag:s0] =	ssyncset.done @!p0 $0x0  }
0x4c: {  	[sflag:s0] =	ssyncadd.s32 @!p0 s1  }
0x4d: {  	[bflag:$0x3] =	sbarrier.arrive $0xFFFF  }
0x4e: {  	_ =	shalt  }

// kernel: gather_offload_async_start.3
scs
__scs_entry_jumppad:
0x0: {  	(pc) =	sbr.rel $0x88, $3  }
0x1: {  	(tag) =	ssettag $0x0;
	lr =	simm.s32 $0x1  }
0x2: {  	[smem:$0x3F93] =	sst lr;
	_ =	strace $0xD0000000  }
0x3: {  	_ = 	snop  }
0x4: {  	_ = 	snop  }
0x5: {  	_ = 	snop  }
0x6: {  	_ = 	snop  }
0x7: {  	_ = 	snop  }
__scs_overlays_trampoline_lowered:
0x8: {  	[smem:$0x3FA2] =	sst s0  }
0x9: {  	[smem:$0x3FA3] =	sst s1  }
0xa: {  	[smem:$0x3FA4] =	sst s2  }
0xb: {  	[smem:$0x3FA5] =	sst s3  }
0xc: {  	[smem:$0x3FA6] =	sst s4  }
0xd: {  	[smem:$0x3FA7] =	sst s5  }
0xe: {  	[smem:$0x3FA8] =	sst s6  }
0xf: {  	[smem:$0x3FA9] =	sst s7  }
0x10: {  	[smem:$0x3FAA] =	sst s8  }
0x11: {  	[smem:$0x3FAB] =	sst s9;
	s0 =	simm.s32 @!p0 $0x0  }
0x12: {  	s1 =	sld [smem:$0x3F91];
	s0 =	simm.s32 @p0 $0x1  }
0x13: {  	[smem:$0x3FAC] =	sst s0;
	s0 =	simm.s32 @!p1 $0x0  }
0x14: {  	s2 =	sld [smem:$0x3F90];
	s0 =	simm.s32 @p1 $0x1  }
0x15: {  	[smem:$0x3FAD] =	sst s0;
	s0 =	simm.s32 @!p2 $0x0  }
0x16: {  	s3 =	sld [smem:$0x3FDB];
	s0 =	simm.s32 @p2 $0x1  }
0x17: {  	s4 =	simm.s32 $0x1BF5;
	[smem:$0x3FAF] =	sst s0  }
0x18: {  	s0 =	sld [smem:$0x3F92];
	_ =	swait.ge [sflag:s4], $0x0  }
0x19: {  	s7 =	sld [smem:$0x3F93]  }
0x1a: {  	s8 =	sadd.s32 $0xFFFFE003, lr  }
0x1b: {  	s9 =	sadd.s32 $0xFFFFFEF7, lr;
	s5 =	simm.s32 $0xFFFFFFFF;
	p2 =	slt.u32 s8, $0xFFFFF086  }
0x1c: {  	p1 =	slt.u32 s9, $0xF7A;
	s5 =	simm.s32 @!p2 $0x0  }
0x1d: {  	s5 =	simm.s32 @p1 $0x1;
	p0 =	seq.s32 s7, s2  }
0x1e: {  	s7 =	smul.u32 @!p0 $0xF7A, s2;
	p2 =	seq.s32 @!p0 s5, $0x0  }
0x1f: {  	s9 =	smul.u32 $0xF7A, s1;
	s8 =	simm.s32 @!p0 $0x1BF5;
	p2 =	por !p2, p0  }
0x20: {  	[sflag:s8] =	ssyncset.s32 @!p0 $0xFFFFF086;
	s6 =	sadd.s32 @!p0 s3, s7;
	s7 =	simm.s32 @!p0 $0x108  }
0x21: {  	s3 =	sadd.s32 s3, s9;
	s6 =	sadd.s32 @!p0 $0x88, s6;
	s7 =	simm.s32 @p2 $0x1082  }
0x22: {  	[simem:s7], [sflag:s8] =	dma.local @!p0 [hbm:s6], $0xF7A  }
0x23: {  	s9 =	sor.u32 $0xD0000000, s2;
	s6 =	simm.s32 $0x108;
	_ =	swait.ge @!p0 [sflag:s8], $0x0  }
0x24: {  	s3 =	sadd.s32 $0x88, s3;
	s6 =	simm.s32 @!p1 $0x1082;
	[sflag:s4] =	ssyncset.s32 $0xFFFFF086  }
0x25: {  	[simem:s6], [sflag:s4] =	dma.local [hbm:s3], $0xF7A  }
0x26: {  	[smem:$0x3F93] =	sst s1;
	(tag) =	ssettag s2;
	_ =	strace s9  }
0x27: {  	s1 =	sld [smem:$0x3FA3]  }
0x28: {  	s2 =	sld [smem:$0x3FA4]  }
0x29: {  	s4 =	sld [smem:$0x3FA6]  }
0x2a: {  	p0 =	seq.s32 s5, $0x0;
	s5 =	sld [smem:$0x3FA7]  }
0x2b: {  	s6 =	sld [smem:$0x3FA8]  }
0x2c: {  	s7 =	sld [smem:$0x3FA9]  }
0x2d: {  	s3 =	simm.s32 $0x108;
	s8 =	sld [smem:$0x3FAA]  }
0x2e: {  	s3 =	simm.s32 @!p0 $0x1082;
	s9 =	sld [smem:$0x3FAB]  }
0x2f: {  	lr =	sadd.s32 s0, s3;
	s0 =	sld [smem:$0x3FA2]  }
0x30: {  	s3 =	sld [smem:$0x3FA5]  }
0x31: {  	[smem:$0x3FAE] =	sst s10  }
0x32: {  	s10 =	sld [smem:$0x3FAC];
	_ =	sdelay $0x3  }
0x33: {  	p0 =	seq.s32 s10, $0x1;
	s10 =	sld [smem:$0x3FAE];
	_ =	sdelay $0x3  }
0x34: {  	[smem:$0x3FAE] =	sst s10  }
0x35: {  	s10 =	sld [smem:$0x3FAD];
	_ =	sdelay $0x3  }
0x36: {  	p1 =	seq.s32 s10, $0x1;
	s10 =	sld [smem:$0x3FAE];
	_ =	sdelay $0x3  }
0x37: {  	[smem:$0x3FAE] =	sst s10  }
0x38: {  	s10 =	sld [smem:$0x3FAF]  }
0x39: {  	_ = 	snop;
	(pc) =	sbr.ind lr, $3  }
0x3a: {  	_ = 	snop  }
0x3b: {  	_ = 	snop  }
0x3c: {  	p2 =	seq.s32 s10, $0x1;
	s10 =	sld [smem:$0x3FAE]  }
0x3d: {  	_ =	shalt  }
0x3e: {  	_ =	shalt  }
0x3f: {  	_ =	shalt  }
0x40: {  	_ =	shalt  }
0x41: {  	_ =	shalt  }
0x42: {  	_ =	shalt  }
0x43: {  	_ =	shalt  }
0x44: {  	_ =	shalt  }
0x45: {  	_ =	shalt  }
0x46: {  	_ =	shalt  }
0x47: {  	_ =	shalt  }
0x48: {  	_ =	shalt  }
0x49: {  	_ =	shalt  }
0x4a: {  	_ =	shalt  }
0x4b: {  	_ =	shalt  }
0x4c: {  	_ =	shalt  }
0x4d: {  	_ =	shalt  }
0x4e: {  	_ =	shalt  }
0x4f: {  	_ =	shalt  }
0x50: {  	_ =	shalt  }
0x51: {  	_ =	shalt  }
0x52: {  	_ =	shalt  }
0x53: {  	_ =	shalt  }
0x54: {  	_ =	shalt  }
0x55: {  	_ =	shalt  }
0x56: {  	_ =	shalt  }
0x57: {  	_ =	shalt  }
0x58: {  	_ =	shalt  }
0x59: {  	_ =	shalt  }
0x5a: {  	_ =	shalt  }
0x5b: {  	_ =	shalt  }
0x5c: {  	_ =	shalt  }
0x5d: {  	_ =	shalt  }
0x5e: {  	_ =	shalt  }
0x5f: {  	_ =	shalt  }
0x60: {  	_ =	shalt  }
0x61: {  	_ =	shalt  }
0x62: {  	_ =	shalt  }
0x63: {  	_ =	shalt  }
0x64: {  	_ =	shalt  }
0x65: {  	_ =	shalt  }
0x66: {  	_ =	shalt  }
0x67: {  	_ =	shalt  }
0x68: {  	_ =	shalt  }
0x69: {  	_ =	shalt  }
0x6a: {  	_ =	shalt  }
0x6b: {  	_ =	shalt  }
0x6c: {  	_ =	shalt  }
0x6d: {  	_ =	shalt  }
0x6e: {  	_ =	shalt  }
0x6f: {  	_ =	shalt  }
0x70: {  	_ =	shalt  }
0x71: {  	_ =	shalt  }
0x72: {  	_ =	shalt  }
0x73: {  	_ =	shalt  }
0x74: {  	_ =	shalt  }
0x75: {  	_ =	shalt  }
0x76: {  	_ =	shalt  }
0x77: {  	_ =	shalt  }
0x78: {  	_ =	shalt  }
0x79: {  	_ =	shalt  }
0x7a: {  	_ =	shalt  }
0x7b: {  	_ =	shalt  }
0x7c: {  	_ =	shalt  }
0x7d: {  	_ =	shalt  }
0x7e: {  	_ =	shalt  }
0x7f: {  	_ =	shalt  }
0x80: {  	_ =	shalt  }
0x81: {  	_ =	shalt  }
0x82: {  	_ =	shalt  }
0x83: {  	_ =	shalt  }
0x84: {  	_ =	shalt  }
0x85: {  	_ =	shalt  }
0x86: {  	_ =	shalt  }
0x87: {  	_ =	shalt  }
.Lfunc_end0:
.L_simem_size_0:
called_computation.3_lowered:
.L_overlay_start_0:
0x88: {  	s2 =	sld [smem:$0x3FD9]  }
0x89: {  	s3 =	sld [smem:$0x3FFE];
	_ =	sdelay $0x1  }
0x8a: {  	s1 =	srdreg.scid  }
0x8b: {  	s0 =	sand.u32 $0x1, s1  }
0x8c: {  	s16 =	sshll.u32 s0, $0xA;
	s2 =	sadd.s32 s3, s2  }
0x8d: {  	s2 =	sadd.s32 s2, s16  }
0x8e: {  	[smem:$0x3FBA] =	sst s2  }
0x8f: {  	_ = 	snop  }
0x90: {  	(tm) =	ssettm $0x1  }
0x91: {  	s17 =	sld [smem:$0x3FFB];
	_ =	sdelay $0x3  }
0x92: {  	_ =	strace s17  }
0x93: {  	s2 =	sld [smem:$0x3FFC];
	_ =	sdelay $0x3  }
0x94: {  	_ =	strace s2  }
0x95: {  	s2 =	sld [smem:$0x3FFD];
	_ =	sdelay $0x3  }
0x96: {  	_ =	strace s2  }
0x97: {  	_ =	strace $0x8FFFFFFF  }
0x98: {  	s18 =	sld [smem:$0x3FDB];
	_ =	sdelay $0x1  }
0x99: {  	s19 =	simm.s32 $_scs_section_size  }
0x9a: {  	s4 =	simm.s32 $_size__tile_overlayer_lowered;
	s5 =	simm.s32 $_tile_overlayer_lowered  }
0x9b: {  	s22 =	simm.s32 $0x1BFF;
	s21 =	sshll.u32 s5, $0x1;
	s2 =	sadd.s32 s19, s18  }
0x9c: {  	s6 =	simm.s32 $0x0;
	s20 =	sshll.u32 s4, $0x1;
	s4 =	sadd.s32 s21, s2  }
0x9d: {  	[timem:s6], [sflag:s22] =	dma.local [hbm:s4], s20  }
0x9e: {  	_ =	swait.ge [sflag:s22], s20  }
0x9f: {  	s3 =	ssub.s32 $0x0, s20;
	[sflag:s22] =	ssyncset.done $0x0  }
0xa0: {  	[sflag:s22] =	ssyncadd.s32 s3;
	_ =	sdelay $0x1  }
0xa1: {  	s23 =	simm.s32 $0x1B8B  }
0xa2: {  	_ =	swait.ge [sflag:s23], $0x1  }
0xa3: {  	[sflag:s23] =	ssyncset.done $0x0  }
0xa4: {  	s25 =	simm.s32 $0x1B8E;
	s24 =	sld [smem:$0x3FFE];
	[sflag:s23] =	ssyncadd.s32 $0xFFFFFFFF  }
0xa5: {  	s26 =	simm.s32 $execute0_lowered;
	[smem:$0x3FD2] =	sst s25  }
0xa6: {  	s4 =	sshll.u32 s26, $0x1;
	_ =	strace $0x8000004C;
	[dreg:$0x1] =	wrdreg $0xFFFFFFFF  }
0xa7: {  	s28 =	simm.s32 $_size_execute0_lowered;
	s2 =	sadd.s32 s2, s4;
	[dreg:$0x0] =	wrdreg $0x0  }
0xa8: {  	s4 =	sshll.u32 s28, $0x1;
	[dreg:$0x2] =	wrdreg s2  }
0xa9: {  	[dreg:$0x3] =	wrdreg s4  }
0xaa: {  	[dreg:$0x4] =	wrdreg $0xC0  }
0xab: {  	_ =	task [dreg:s6], $0x5FFFF  }
0xac: {  	[dreg:$0x1] =	wrdreg $0xFFFFFFFF  }
0xad: {  	[dreg:$0x0] =	wrdreg $0x60  }
0xae: {  	[dreg:$0x2] =	wrdreg s24  }
0xaf: {  	[dreg:$0x3] =	wrdreg $0xA  }
0xb0: {  	_ =	task.clear_ibuf [dreg:s6], $0x4FFFF;
	_ =	strace $0x9000004C  }
0xb1: {  	s29 =	simm.s32 $0xA;
	_ =	strace $0x8000004E  }
0xb2: {  	_ =	swait.ge [sflag:s29], $0x1  }
0xb3: {  	[sflag:s29] =	ssyncadd.s32 $0xFFFFFFFF  }
0xb4: {  	_ =	strace $0x9000004E  }
0xb5: {  	_ =	sfence  }
0xb6: {  	s30 =	sld [smem:$0x0];
	_ =	sdelay $0x2  }
0xb7: {  	s31 =	sshll.u32 s1, $0xD;
	s1 =	sshrl.u32 s1, $0x2  }
0xb8: {  	s3 =	sand.u32 $0x4000, s31;
	s1 =	sadd.s32 s1, s30  }
0xb9: {  	s0 =	sor.u32 s3, s0;
	s1 =	sshll.u32 s1, $0x11  }
0xba: {  	s0 =	sor.u32 s1, s0  }
0xbb: {  	s0 =	sadd.s32 $0x8F2B, s0  }
0xbc: {  	[sflag:s0] =	ssyncadd.remote.s32 $0x1  }
0xbd: {  	_ =	sfence.sel $0xFFFF  }
0xbe: {  	[dreg:$0x0] =	wrdreg $0xFFFFFFFF;
	(pc) =	sbr.abs _section_cstart, $3  }
0xbf: {  	[dreg:$0x1] =	wrdreg $0xFFFFFFFF  }
0xc0: {  	_ =	task.clear_ibuf [dreg:s6], $0x2FFFF;
	_ =	strace $0x9FFFFFFF  }
0xc1: {  	(tm) =	ssettm $0x7FFFFFFF  }
tec
execute0_lowered:
.L_overlay_start_1:
0x0: {  	(tag) =	ssettag $0x1  }
0x1: {  	s0 =	srdreg.scid;
	s5 =	rddreg [dreg:$0x0]  }
0x2: {  	s1 =	stileid.u32;
	s6 =	simm.s32 $0x1;
	s9 =	simm.s32 $0x1  }
0x3: {  	s10 =	simm.s32 $0x3;
	s13 =	simm.s32 $0x0;
	s2 =	sshll.u32 s0, $0xC  }
0x4: {  	s12 =	simm.s32 $0x0;
	s3 =	sshll.u32 s1, $0xD;
	s2 =	sand.u32 $0x1000, s2  }
0x5: {  	s0 =	rddreg [dreg:$0x1];
	_ =	strace $0x8000004D;
	s2 =	sor.u32 s3, s2  }
0x6: {  	s4 =	sadd.s32 $0x9200, s5;
	[sflag:s6] =	ssyncpa.u1 $0x0;
	s8 =	ssub.s32 $0x28000, s2  }
.Ltmp0:
0x7: {  	s3 =	sadd.s32 $0x79E00, s5;
	s7 =	sand.u32 $0x1F000, s8;
	(pc) =	sbr.rel .LBB2_1-.Ltmp0, $4  }
0x8: {  	s5 =	sadd.s32 $0x4200, s5;
	s11 =	smov.u32 s2;
	p0 =	sne.s32 s7, $0x0  }
0x9: {  	s8 =	sshrl.u32 s8, $0x11;
	s7 =	simm.s32 $0x2;
	s9 =	simm.s32 @!p0 $0x0  }
0xa: {  	[sflag:s7] =	ssyncpa.u1 $0x0;
	p0 =	por $0x0, $0x0;
	s8 =	sadd.s32 s9, s8  }
0xb: {  	vm0 =	vmmov $0xffff;
	[sflag:s10] =	ssyncpa.u1 $0x0;
	s10 =	simm.s32 $0x0;
	s9 =	sadd.s32 $0x1, s8  }
.LBB2_4:
0xc: {  	v2 =	vnsel vm1, $0x0, v2  }
0xd: {  	vm1 =	vgt.s32 v0, $0x0;
	v2 =	vmin.u32 v2, $0x27FFF  }
0xe: {  	v0 =	vnsel vm1, $0x0, v0  }
0xf: {  	v0 =	vmin.u32 v0, $0x27FFF  }
0x10: {  	[tilespmem:s15], [sflag:$0x1] =	stream.indirect_vreg.gather [hbm4b:s3+s10], $0x1, v1, vm0, $0x4038;
	[tilespmem:$0x4000] =	vst v63  }
0x11: {  	(ifvalue) =	ssetifvalue $0x7FFFFFFF  }
0x12: {  	[tilespmem:s16], [sflag:$0x1] =	stream.indirect_vreg.gather [hbm4b:s3+s10], $0x1, v2, vm0, $0x4038;
	[tilespmem:$0x4000] =	vst v63  }
0x13: {  	s29 =	sadd.s32 $0x10, s16;
	(ifvalue) =	ssetifvalue $0x7FFFFFFF  }
0x14: {  	[tilespmem:s29], [sflag:$0x1] =	stream.indirect_vreg.gather [hbm4b:s3+s10], $0x1, v0, vm0, $0x4038;
	[tilespmem:$0x4000] =	vst v63  }
0x15: {  	_ =	swait.ge [sflag:s6], $0x1000  }
0x16: {  	s30 =	sshrl.u32 s13, $0x3;
	[sflag:s6] =	ssyncset.done $0x0  }
0x17: {  	s31 =	sand.u32 $0x7, s13;
	s15 =	sadd.s32 s5, s30;
	[sflag:s6] =	ssyncadd.s32 $0xFFFFF000  }
0x18: {  	[hbm4b:s15+s31] =	stream.linear.scatter [tilespmem:s14], [sflag:$0x3], $0x1000, $0x38;
	[tilespmem:$0x4000] =	vst v63  }
.LBB2_5:
0x19: {  	s15 =	sadd.s32 $0x20000, s11  }
0x1a: {  	p2 =	sgt.s32 s15, $0x27FFF  }
0x1b: {  	s15 =	smov.u32 @p2 s2;
	p2 =	sne.s32 s12, s9  }
.Ltmp1:
0x1c: {  	p1 =	slt.u32 s12, $0x2;
	(pc) =	sbr.rel @!p2 .LBB2_6-.Ltmp1, $4  }
0x1d: {  	s14 =	simm.s32 @!p1 $0x3  }
0x1e: {  	s16 =	sadd.s32 $0x1, s12;
	_ =	swait.ge @!p1 [sflag:s14], $0x1000  }
0x1f: {  	s13 =	smov.u32 s11;
	p0 =	por !p0, !p0;
	[sflag:s14] =	ssyncset.done @!p1 $0x0  }
0x20: {  	s12 =	smov.u32 s16;
	s11 =	smov.u32 s15;
	[sflag:s14] =	ssyncadd.s32 @!p1 $0xFFFFF000  }
.LBB2_1:
0x21: {  	p1 =	sge.u32 s12, s8  }
0x22: {  	s14 =	sxor.u32 @!p1 $0xFFFFFFFF, s12  }
0x23: {  	s31 =	sadd.s32 $0xFFFFFFFF, s12;
	s15 =	sshrl.u32 @!p1 s11, $0x3;
	s14 =	sshll.u32 @!p1 s14, $0xC  }
0x24: {  	s16 =	sand.u32 @!p1 $0x7, s11;
	s15 =	sadd.s32 @!p1 s4, s15;
	s14 =	sand.u32 @!p1 $0x1000, s14  }
0x25: {  	[tilespmem:s14], [sflag:$0x2] =	stream.linear.gather @!p1 [hbm4b:s15+s16], $0x1000, $0x38;
	[tilespmem:$0x4000] =	vst v63  }
0x26: {  	p1 =	sge.u32 s31, s8  }
.Ltmp2:
0x27: {  	_ = 	snop;
	(pc) =	sbr.rel @p1 .LBB2_5-.Ltmp2, $1  }
0x28: {  	_ =	sdelay $0x3  }
0x29: {  	s14 =	simm.s32 $0x1  }
0x2a: {  	_ =	swait.ge [sflag:s7], $0x1000;
	s14 =	simm.s32 @!p0 $0x0  }
0x2b: {  	[sflag:s7] =	ssyncset.done $0x0;
	s14 =	sshll.u32 s14, $0xC  }
0x2c: {  	[sflag:s7] =	ssyncadd.s32 $0xFFFFF000;
	(ifvalue) =	ssetifvalue $0x7FFFFFFF;
	v0 =	vld.msk [tilespmem:s14+$0x0 ss:$0x1], $0xffff;
	_ =	sdelay $0x4  }
0x2d: {  	s15 =	sadd.s32 $0x10, s14;
	vm1 =	vgt.s32 v0, $0x0  }
0x2e: {  	v2 =	vld.msk [tilespmem:s15+$0x0 ss:$0x1], $0xffff;
	v1 =	vnsel vm1, $0x0, v0  }
0x2f: {  	v1 =	vmin.u32 v1, $0x27FFF;
	_ =	sdelay $0x1  }
0x30: {  	s16 =	sshll.u32 s12, $0xC;
	s18 =	simm.s32 $0x20  }
0x31: {  	s16 =	sand.u32 $0x1000, s16;
	s17 =	sadd.s32 $0x10, s15;
	s15 =	sor.u32 $0x2000, s14  }
0x32: {  	s14 =	sor.u32 $0x2000, s16;
	s16 =	sadd.s32 $0x10, s15;
	v0 =	vld.msk [tilespmem:s17+$0x0 ss:$0x1], $0xffff;
	vm1 =	vgt.s32 v2, $0x0;
	(ifvalue) =	ssetifvalue $0x7FFFFFFF  }
.LBB2_3:
0x33: {  	[tilespmem:s15], [sflag:$0x1] =	stream.indirect_vreg.gather [hbm4b:s3+s10], $0x1, v1, vm0, $0x4038;
	[tilespmem:$0x4000] =	vst v63  }
0x34: {  	s18 =	sadd.s32 $0x10, s18  }
0x35: {  	v2 =	vnsel vm1, $0x0, v2;
	p1 =	slt.u32 s18, $0xFF0  }
.Ltmp3:
0x36: {  	s15 =	smov.u32 s16;
	v1 =	vmin.u32 v2, $0x27FFF;
	(pc) =	sbr.rel @p1 .LBB2_3-.Ltmp3, $3  }
0x37: {  	_ =	sdelay $0x1  }
0x38: {  	s17 =	sadd.s32 $0x10, s17  }
0x39: {  	vm1 =	vgt.s32 v0, $0x0;
	s16 =	sadd.s32 $0x10, s16;
	v2 =	vmov v0;
	(ifvalue) =	ssetifvalue $0x7FFFFFFF;
	v0 =	vld.msk [tilespmem:s17+$0x0 ss:$0x1], $0xffff  }
.Ltmp4:
0x3a: {  	_ = 	snop;
	(pc) =	sbr.rel .LBB2_4-.Ltmp4, $1  }
0x3b: {  	_ =	sdelay $0x3  }
.LBB2_6:
0x3c: {  	_ =	sfence.sel $0x180000  }
0x3d: {  	s2 =	simm.s32 $0x2;
	[bflag:$0x0] =	sbarrier.arrive $0xFFFF  }
0x3e: {  	s30 =	simm.s32 $0x3;
	[sflag:s2] =	ssyncpa.u1 $0x1  }
0x3f: {  	s31 =	simm.s32 $0x1;
	[sflag:s30] =	ssyncpa.u1 $0x1  }
0x40: {  	[sflag:s31] =	ssyncpa.u1 $0x1  }
0x41: {  	p0 =	sne.s32 s1, $0x0;
	_ =	strace $0x9000004D  }
0x42: {  	s0 =	sadd.s32 @!p0 $0x100000, s0;
	[bflag:$0x2] =	sbarrier.arrive $0xFFFF  }
0x43: {  	[sflag:s0] =	ssyncadd.tile.s32 @!p0 $0x1;
	_ =	shalt  }
.Lfunc_end2:
_tile_overlayer_lowered:
.L_overlay_start_2:
0x44: {  	(tag) =	ssettag $0x2  }
0x45: {  	s0 =	rddreg [dreg:$0x0];
	s2 =	stileid.u32  }
0x46: {  	s1 =	rddreg [dreg:$0x1];
	p0 =	sne.s32 s2, $0x0  }
0x47: {  	s3 =	rddreg [dreg:$0x2];
	[bflag:$0x3] =	sbarrier.arrive $0xFFFF;
	s2 =	simm.s32 @!p0 $0x1C01  }
0x48: {  	[timem:s3], [sflag:s2] =	dma.local @!p0 [hbm:s0], s1  }
0x49: {  	s0 =	simm.s32 @!p0 $0x1  }
0x4a: {  	_ =	swait.ge @!p0 [sflag:s0], s1  }
0x4b: {  	s1 =	ssub.s32 @!p0 $0x0, s1;
	[sflag:s0] =	ssyncset.done @!p0 $0x0  }
0x4c: {  	[sflag:s0] =	ssyncadd.s32 @!p0 s1  }
0x4d: {  	[bflag:$0x3] =	sbarrier.arrive $0xFFFF  }
0x4e: {  	_ =	shalt  }

// kernel: gather_offload_async_start
scs
__scs_entry_jumppad:
0x0: {  	(pc) =	sbr.rel $0x88, $3  }
0x1: {  	(tag) =	ssettag $0x0;
	lr =	simm.s32 $0x1  }
0x2: {  	[smem:$0x3F93] =	sst lr;
	_ =	strace $0xD0000000  }
0x3: {  	_ = 	snop  }
0x4: {  	_ = 	snop  }
0x5: {  	_ = 	snop  }
0x6: {  	_ = 	snop  }
0x7: {  	_ = 	snop  }
__scs_overlays_trampoline_lowered:
0x8: {  	[smem:$0x3FA2] =	sst s0  }
0x9: {  	[smem:$0x3FA3] =	sst s1  }
0xa: {  	[smem:$0x3FA4] =	sst s2  }
0xb: {  	[smem:$0x3FA5] =	sst s3  }
0xc: {  	[smem:$0x3FA6] =	sst s4  }
0xd: {  	[smem:$0x3FA7] =	sst s5  }
0xe: {  	[smem:$0x3FA8] =	sst s6  }
0xf: {  	[smem:$0x3FA9] =	sst s7  }
0x10: {  	[smem:$0x3FAA] =	sst s8  }
0x11: {  	[smem:$0x3FAB] =	sst s9;
	s0 =	simm.s32 @!p0 $0x0  }
0x12: {  	s1 =	sld [smem:$0x3F91];
	s0 =	simm.s32 @p0 $0x1  }
0x13: {  	[smem:$0x3FAC] =	sst s0;
	s0 =	simm.s32 @!p1 $0x0  }
0x14: {  	s2 =	sld [smem:$0x3F90];
	s0 =	simm.s32 @p1 $0x1  }
0x15: {  	[smem:$0x3FAD] =	sst s0;
	s0 =	simm.s32 @!p2 $0x0  }
0x16: {  	s3 =	sld [smem:$0x3FDB];
	s0 =	simm.s32 @p2 $0x1  }
0x17: {  	s4 =	simm.s32 $0x1BF5;
	[smem:$0x3FAF] =	sst s0  }
0x18: {  	s0 =	sld [smem:$0x3F92];
	_ =	swait.ge [sflag:s4], $0x0  }
0x19: {  	s7 =	sld [smem:$0x3F93]  }
0x1a: {  	s8 =	sadd.s32 $0xFFFFE003, lr  }
0x1b: {  	s9 =	sadd.s32 $0xFFFFFEF7, lr;
	s5 =	simm.s32 $0xFFFFFFFF;
	p2 =	slt.u32 s8, $0xFFFFF086  }
0x1c: {  	p1 =	slt.u32 s9, $0xF7A;
	s5 =	simm.s32 @!p2 $0x0  }
0x1d: {  	s5 =	simm.s32 @p1 $0x1;
	p0 =	seq.s32 s7, s2  }
0x1e: {  	s7 =	smul.u32 @!p0 $0xF7A, s2;
	p2 =	seq.s32 @!p0 s5, $0x0  }
0x1f: {  	s9 =	smul.u32 $0xF7A, s1;
	s8 =	simm.s32 @!p0 $0x1BF5;
	p2 =	por !p2, p0  }
0x20: {  	[sflag:s8] =	ssyncset.s32 @!p0 $0xFFFFF086;
	s6 =	sadd.s32 @!p0 s3, s7;
	s7 =	simm.s32 @!p0 $0x108  }
0x21: {  	s3 =	sadd.s32 s3, s9;
	s6 =	sadd.s32 @!p0 $0x88, s6;
	s7 =	simm.s32 @p2 $0x1082  }
0x22: {  	[simem:s7], [sflag:s8] =	dma.local @!p0 [hbm:s6], $0xF7A  }
0x23: {  	s9 =	sor.u32 $0xD0000000, s2;
	s6 =	simm.s32 $0x108;
	_ =	swait.ge @!p0 [sflag:s8], $0x0  }
0x24: {  	s3 =	sadd.s32 $0x88, s3;
	s6 =	simm.s32 @!p1 $0x1082;
	[sflag:s4] =	ssyncset.s32 $0xFFFFF086  }
0x25: {  	[simem:s6], [sflag:s4] =	dma.local [hbm:s3], $0xF7A  }
0x26: {  	[smem:$0x3F93] =	sst s1;
	(tag) =	ssettag s2;
	_ =	strace s9  }
0x27: {  	s1 =	sld [smem:$0x3FA3]  }
0x28: {  	s2 =	sld [smem:$0x3FA4]  }
0x29: {  	s4 =	sld [smem:$0x3FA6]  }
0x2a: {  	p0 =	seq.s32 s5, $0x0;
	s5 =	sld [smem:$0x3FA7]  }
0x2b: {  	s6 =	sld [smem:$0x3FA8]  }
0x2c: {  	s7 =	sld [smem:$0x3FA9]  }
0x2d: {  	s3 =	simm.s32 $0x108;
	s8 =	sld [smem:$0x3FAA]  }
0x2e: {  	s3 =	simm.s32 @!p0 $0x1082;
	s9 =	sld [smem:$0x3FAB]  }
0x2f: {  	lr =	sadd.s32 s0, s3;
	s0 =	sld [smem:$0x3FA2]  }
0x30: {  	s3 =	sld [smem:$0x3FA5]  }
0x31: {  	[smem:$0x3FAE] =	sst s10  }
0x32: {  	s10 =	sld [smem:$0x3FAC];
	_ =	sdelay $0x3  }
0x33: {  	p0 =	seq.s32 s10, $0x1;
	s10 =	sld [smem:$0x3FAE];
	_ =	sdelay $0x3  }
0x34: {  	[smem:$0x3FAE] =	sst s10  }
0x35: {  	s10 =	sld [smem:$0x3FAD];
	_ =	sdelay $0x3  }
0x36: {  	p1 =	seq.s32 s10, $0x1;
	s10 =	sld [smem:$0x3FAE];
	_ =	sdelay $0x3  }
0x37: {  	[smem:$0x3FAE] =	sst s10  }
0x38: {  	s10 =	sld [smem:$0x3FAF]  }
0x39: {  	_ = 	snop;
	(pc) =	sbr.ind lr, $3  }
0x3a: {  	_ = 	snop  }
0x3b: {  	_ = 	snop  }
0x3c: {  	p2 =	seq.s32 s10, $0x1;
	s10 =	sld [smem:$0x3FAE]  }
0x3d: {  	_ =	shalt  }
0x3e: {  	_ =	shalt  }
0x3f: {  	_ =	shalt  }
0x40: {  	_ =	shalt  }
0x41: {  	_ =	shalt  }
0x42: {  	_ =	shalt  }
0x43: {  	_ =	shalt  }
0x44: {  	_ =	shalt  }
0x45: {  	_ =	shalt  }
0x46: {  	_ =	shalt  }
0x47: {  	_ =	shalt  }
0x48: {  	_ =	shalt  }
0x49: {  	_ =	shalt  }
0x4a: {  	_ =	shalt  }
0x4b: {  	_ =	shalt  }
0x4c: {  	_ =	shalt  }
0x4d: {  	_ =	shalt  }
0x4e: {  	_ =	shalt  }
0x4f: {  	_ =	shalt  }
0x50: {  	_ =	shalt  }
0x51: {  	_ =	shalt  }
0x52: {  	_ =	shalt  }
0x53: {  	_ =	shalt  }
0x54: {  	_ =	shalt  }
0x55: {  	_ =	shalt  }
0x56: {  	_ =	shalt  }
0x57: {  	_ =	shalt  }
0x58: {  	_ =	shalt  }
0x59: {  	_ =	shalt  }
0x5a: {  	_ =	shalt  }
0x5b: {  	_ =	shalt  }
0x5c: {  	_ =	shalt  }
0x5d: {  	_ =	shalt  }
0x5e: {  	_ =	shalt  }
0x5f: {  	_ =	shalt  }
0x60: {  	_ =	shalt  }
0x61: {  	_ =	shalt  }
0x62: {  	_ =	shalt  }
0x63: {  	_ =	shalt  }
0x64: {  	_ =	shalt  }
0x65: {  	_ =	shalt  }
0x66: {  	_ =	shalt  }
0x67: {  	_ =	shalt  }
0x68: {  	_ =	shalt  }
0x69: {  	_ =	shalt  }
0x6a: {  	_ =	shalt  }
0x6b: {  	_ =	shalt  }
0x6c: {  	_ =	shalt  }
0x6d: {  	_ =	shalt  }
0x6e: {  	_ =	shalt  }
0x6f: {  	_ =	shalt  }
0x70: {  	_ =	shalt  }
0x71: {  	_ =	shalt  }
0x72: {  	_ =	shalt  }
0x73: {  	_ =	shalt  }
0x74: {  	_ =	shalt  }
0x75: {  	_ =	shalt  }
0x76: {  	_ =	shalt  }
0x77: {  	_ =	shalt  }
0x78: {  	_ =	shalt  }
0x79: {  	_ =	shalt  }
0x7a: {  	_ =	shalt  }
0x7b: {  	_ =	shalt  }
0x7c: {  	_ =	shalt  }
0x7d: {  	_ =	shalt  }
0x7e: {  	_ =	shalt  }
0x7f: {  	_ =	shalt  }
0x80: {  	_ =	shalt  }
0x81: {  	_ =	shalt  }
0x82: {  	_ =	shalt  }
0x83: {  	_ =	shalt  }
0x84: {  	_ =	shalt  }
0x85: {  	_ =	shalt  }
0x86: {  	_ =	shalt  }
0x87: {  	_ =	shalt  }
.Lfunc_end0:
.L_simem_size_0:
called_computation_lowered:
.L_overlay_start_0:
0x88: {  	s2 =	sld [smem:$0x3FD9]  }
0x89: {  	s3 =	sld [smem:$0x3FFE];
	_ =	sdelay $0x1  }
0x8a: {  	s1 =	srdreg.scid  }
0x8b: {  	s0 =	sand.u32 $0x1, s1  }
0x8c: {  	s16 =	sshll.u32 s0, $0xA;
	s2 =	sadd.s32 s3, s2  }
0x8d: {  	s2 =	sadd.s32 s2, s16  }
0x8e: {  	[smem:$0x3FBA] =	sst s2  }
0x8f: {  	_ = 	snop  }
0x90: {  	(tm) =	ssettm $0x1  }
0x91: {  	s17 =	sld [smem:$0x3FFB];
	_ =	sdelay $0x3  }
0x92: {  	_ =	strace s17  }
0x93: {  	s2 =	sld [smem:$0x3FFC];
	_ =	sdelay $0x3  }
0x94: {  	_ =	strace s2  }
0x95: {  	s2 =	sld [smem:$0x3FFD];
	_ =	sdelay $0x3  }
0x96: {  	_ =	strace s2  }
0x97: {  	_ =	strace $0x8FFFFFFF  }
0x98: {  	s18 =	sld [smem:$0x3FDB];
	_ =	sdelay $0x1  }
0x99: {  	s19 =	simm.s32 $_scs_section_size  }
0x9a: {  	s4 =	simm.s32 $_size__tile_overlayer_lowered;
	s5 =	simm.s32 $_tile_overlayer_lowered  }
0x9b: {  	s22 =	simm.s32 $0x1BFF;
	s21 =	sshll.u32 s5, $0x1;
	s2 =	sadd.s32 s19, s18  }
0x9c: {  	s6 =	simm.s32 $0x0;
	s20 =	sshll.u32 s4, $0x1;
	s4 =	sadd.s32 s21, s2  }
0x9d: {  	[timem:s6], [sflag:s22] =	dma.local [hbm:s4], s20  }
0x9e: {  	_ =	swait.ge [sflag:s22], s20  }
0x9f: {  	s3 =	ssub.s32 $0x0, s20;
	[sflag:s22] =	ssyncset.done $0x0  }
0xa0: {  	[sflag:s22] =	ssyncadd.s32 s3;
	_ =	sdelay $0x1  }
0xa1: {  	s23 =	simm.s32 $0x1B8B  }
0xa2: {  	_ =	swait.ge [sflag:s23], $0x1  }
0xa3: {  	[sflag:s23] =	ssyncset.done $0x0  }
0xa4: {  	s25 =	simm.s32 $0x1B8E;
	s24 =	sld [smem:$0x3FFE];
	[sflag:s23] =	ssyncadd.s32 $0xFFFFFFFF  }
0xa5: {  	s26 =	simm.s32 $execute0_lowered;
	[smem:$0x3FD2] =	sst s25  }
0xa6: {  	s4 =	sshll.u32 s26, $0x1;
	_ =	strace $0x80000049;
	[dreg:$0x1] =	wrdreg $0xFFFFFFFF  }
0xa7: {  	s28 =	simm.s32 $_size_execute0_lowered;
	s2 =	sadd.s32 s2, s4;
	[dreg:$0x0] =	wrdreg $0x0  }
0xa8: {  	s4 =	sshll.u32 s28, $0x1;
	[dreg:$0x2] =	wrdreg s2  }
0xa9: {  	[dreg:$0x3] =	wrdreg s4  }
0xaa: {  	[dreg:$0x4] =	wrdreg $0xC0  }
0xab: {  	_ =	task [dreg:s6], $0x5FFFF  }
0xac: {  	[dreg:$0x1] =	wrdreg $0xFFFFFFFF  }
0xad: {  	[dreg:$0x0] =	wrdreg $0x60  }
0xae: {  	[dreg:$0x2] =	wrdreg s24  }
0xaf: {  	[dreg:$0x3] =	wrdreg $0x9  }
0xb0: {  	_ =	task.clear_ibuf [dreg:s6], $0x4FFFF;
	_ =	strace $0x90000049  }
0xb1: {  	s29 =	simm.s32 $0x9;
	_ =	strace $0x8000004B  }
0xb2: {  	_ =	swait.ge [sflag:s29], $0x1  }
0xb3: {  	[sflag:s29] =	ssyncadd.s32 $0xFFFFFFFF  }
0xb4: {  	_ =	strace $0x9000004B  }
0xb5: {  	_ =	sfence  }
0xb6: {  	s30 =	sld [smem:$0x0];
	_ =	sdelay $0x2  }
0xb7: {  	s31 =	sshll.u32 s1, $0xD;
	s1 =	sshrl.u32 s1, $0x2  }
0xb8: {  	s3 =	sand.u32 $0x4000, s31;
	s1 =	sadd.s32 s1, s30  }
0xb9: {  	s0 =	sor.u32 s3, s0;
	s1 =	sshll.u32 s1, $0x11  }
0xba: {  	s0 =	sor.u32 s1, s0  }
0xbb: {  	s0 =	sadd.s32 $0x8F2B, s0  }
0xbc: {  	[sflag:s0] =	ssyncadd.remote.s32 $0x1  }
0xbd: {  	_ =	sfence.sel $0xFFFF  }
0xbe: {  	[dreg:$0x0] =	wrdreg $0xFFFFFFFF;
	(pc) =	sbr.abs _section_cstart, $3  }
0xbf: {  	[dreg:$0x1] =	wrdreg $0xFFFFFFFF  }
0xc0: {  	_ =	task.clear_ibuf [dreg:s6], $0x2FFFF;
	_ =	strace $0x9FFFFFFF  }
0xc1: {  	(tm) =	ssettm $0x7FFFFFFF  }
tec
execute0_lowered:
.L_overlay_start_1:
0x0: {  	(tag) =	ssettag $0x1  }
0x1: {  	s0 =	srdreg.scid;
	s5 =	rddreg [dreg:$0x0]  }
0x2: {  	s1 =	stileid.u32;
	s6 =	simm.s32 $0x1;
	s9 =	simm.s32 $0x1  }
0x3: {  	s10 =	simm.s32 $0x3;
	s13 =	simm.s32 $0x0;
	s2 =	sshll.u32 s0, $0xC  }
0x4: {  	s12 =	simm.s32 $0x0;
	s3 =	sshll.u32 s1, $0xD;
	s2 =	sand.u32 $0x1000, s2  }
0x5: {  	s0 =	rddreg [dreg:$0x1];
	_ =	strace $0x8000004A;
	s2 =	sor.u32 s3, s2  }
0x6: {  	s4 =	sadd.s32 $0x4200, s5;
	[sflag:s6] =	ssyncpa.u1 $0x0;
	s8 =	ssub.s32 $0x28000, s2  }
.Ltmp0:
0x7: {  	s3 =	sadd.s32 $0x74E00, s5;
	s7 =	sand.u32 $0x1F000, s8;
	(pc) =	sbr.rel .LBB2_1-.Ltmp0, $4  }
0x8: {  	s5 =	sadd.s32 $0x6FE00, s5;
	s11 =	smov.u32 s2;
	p0 =	sne.s32 s7, $0x0  }
0x9: {  	s8 =	sshrl.u32 s8, $0x11;
	s7 =	simm.s32 $0x2;
	s9 =	simm.s32 @!p0 $0x0  }
0xa: {  	[sflag:s7] =	ssyncpa.u1 $0x0;
	p0 =	por $0x0, $0x0;
	s8 =	sadd.s32 s9, s8  }
0xb: {  	vm0 =	vmmov $0xffff;
	[sflag:s10] =	ssyncpa.u1 $0x0;
	s10 =	simm.s32 $0x0;
	s9 =	sadd.s32 $0x1, s8  }
.LBB2_4:
0xc: {  	v2 =	vnsel vm1, $0x0, v2  }
0xd: {  	vm1 =	vgt.s32 v0, $0x0;
	v2 =	vmin.u32 v2, $0x27FFF  }
0xe: {  	v0 =	vnsel vm1, $0x0, v0  }
0xf: {  	v0 =	vmin.u32 v0, $0x27FFF  }
0x10: {  	[tilespmem:s15], [sflag:$0x1] =	stream.indirect_vreg.gather [hbm4b:s3+s10], $0x1, v1, vm0, $0x4038;
	[tilespmem:$0x4000] =	vst v63  }
0x11: {  	(ifvalue) =	ssetifvalue $0x7FFFFFFF  }
0x12: {  	[tilespmem:s16], [sflag:$0x1] =	stream.indirect_vreg.gather [hbm4b:s3+s10], $0x1, v2, vm0, $0x4038;
	[tilespmem:$0x4000] =	vst v63  }
0x13: {  	s29 =	sadd.s32 $0x10, s16;
	(ifvalue) =	ssetifvalue $0x7FFFFFFF  }
0x14: {  	[tilespmem:s29], [sflag:$0x1] =	stream.indirect_vreg.gather [hbm4b:s3+s10], $0x1, v0, vm0, $0x4038;
	[tilespmem:$0x4000] =	vst v63  }
0x15: {  	_ =	swait.ge [sflag:s6], $0x1000  }
0x16: {  	s30 =	sshrl.u32 s13, $0x3;
	[sflag:s6] =	ssyncset.done $0x0  }
0x17: {  	s31 =	sand.u32 $0x7, s13;
	s15 =	sadd.s32 s5, s30;
	[sflag:s6] =	ssyncadd.s32 $0xFFFFF000  }
0x18: {  	[hbm4b:s15+s31] =	stream.linear.scatter [tilespmem:s14], [sflag:$0x3], $0x1000, $0x38;
	[tilespmem:$0x4000] =	vst v63  }
.LBB2_5:
0x19: {  	s15 =	sadd.s32 $0x20000, s11  }
0x1a: {  	p2 =	sgt.s32 s15, $0x27FFF  }
0x1b: {  	s15 =	smov.u32 @p2 s2;
	p2 =	sne.s32 s12, s9  }
.Ltmp1:
0x1c: {  	p1 =	slt.u32 s12, $0x2;
	(pc) =	sbr.rel @!p2 .LBB2_6-.Ltmp1, $4  }
0x1d: {  	s14 =	simm.s32 @!p1 $0x3  }
0x1e: {  	s16 =	sadd.s32 $0x1, s12;
	_ =	swait.ge @!p1 [sflag:s14], $0x1000  }
0x1f: {  	s13 =	smov.u32 s11;
	p0 =	por !p0, !p0;
	[sflag:s14] =	ssyncset.done @!p1 $0x0  }
0x20: {  	s12 =	smov.u32 s16;
	s11 =	smov.u32 s15;
	[sflag:s14] =	ssyncadd.s32 @!p1 $0xFFFFF000  }
.LBB2_1:
0x21: {  	p1 =	sge.u32 s12, s8  }
0x22: {  	s14 =	sxor.u32 @!p1 $0xFFFFFFFF, s12  }
0x23: {  	s31 =	sadd.s32 $0xFFFFFFFF, s12;
	s15 =	sshrl.u32 @!p1 s11, $0x3;
	s14 =	sshll.u32 @!p1 s14, $0xC  }
0x24: {  	s16 =	sand.u32 @!p1 $0x7, s11;
	s15 =	sadd.s32 @!p1 s4, s15;
	s14 =	sand.u32 @!p1 $0x1000, s14  }
0x25: {  	[tilespmem:s14], [sflag:$0x2] =	stream.linear.gather @!p1 [hbm4b:s15+s16], $0x1000, $0x38;
	[tilespmem:$0x4000] =	vst v63  }
0x26: {  	p1 =	sge.u32 s31, s8  }
.Ltmp2:
0x27: {  	_ = 	snop;
	(pc) =	sbr.rel @p1 .LBB2_5-.Ltmp2, $1  }
0x28: {  	_ =	sdelay $0x3  }
0x29: {  	s14 =	simm.s32 $0x1  }
0x2a: {  	_ =	swait.ge [sflag:s7], $0x1000;
	s14 =	simm.s32 @!p0 $0x0  }
0x2b: {  	[sflag:s7] =	ssyncset.done $0x0;
	s14 =	sshll.u32 s14, $0xC  }
0x2c: {  	[sflag:s7] =	ssyncadd.s32 $0xFFFFF000;
	(ifvalue) =	ssetifvalue $0x7FFFFFFF;
	v0 =	vld.msk [tilespmem:s14+$0x0 ss:$0x1], $0xffff;
	_ =	sdelay $0x4  }
0x2d: {  	s15 =	sadd.s32 $0x10, s14;
	vm1 =	vgt.s32 v0, $0x0  }
0x2e: {  	v2 =	vld.msk [tilespmem:s15+$0x0 ss:$0x1], $0xffff;
	v1 =	vnsel vm1, $0x0, v0  }
0x2f: {  	v1 =	vmin.u32 v1, $0x27FFF;
	_ =	sdelay $0x1  }
0x30: {  	s16 =	sshll.u32 s12, $0xC;
	s18 =	simm.s32 $0x20  }
0x31: {  	s16 =	sand.u32 $0x1000, s16;
	s17 =	sadd.s32 $0x10, s15;
	s15 =	sor.u32 $0x2000, s14  }
0x32: {  	s14 =	sor.u32 $0x2000, s16;
	s16 =	sadd.s32 $0x10, s15;
	v0 =	vld.msk [tilespmem:s17+$0x0 ss:$0x1], $0xffff;
	vm1 =	vgt.s32 v2, $0x0;
	(ifvalue) =	ssetifvalue $0x7FFFFFFF  }
.LBB2_3:
0x33: {  	[tilespmem:s15], [sflag:$0x1] =	stream.indirect_vreg.gather [hbm4b:s3+s10], $0x1, v1, vm0, $0x4038;
	[tilespmem:$0x4000] =	vst v63  }
0x34: {  	s18 =	sadd.s32 $0x10, s18  }
0x35: {  	v2 =	vnsel vm1, $0x0, v2;
	p1 =	slt.u32 s18, $0xFF0  }
.Ltmp3:
0x36: {  	s15 =	smov.u32 s16;
	v1 =	vmin.u32 v2, $0x27FFF;
	(pc) =	sbr.rel @p1 .LBB2_3-.Ltmp3, $3  }
0x37: {  	_ =	sdelay $0x1  }
0x38: {  	s17 =	sadd.s32 $0x10, s17  }
0x39: {  	vm1 =	vgt.s32 v0, $0x0;
	s16 =	sadd.s32 $0x10, s16;
	v2 =	vmov v0;
	(ifvalue) =	ssetifvalue $0x7FFFFFFF;
	v0 =	vld.msk [tilespmem:s17+$0x0 ss:$0x1], $0xffff  }
.Ltmp4:
0x3a: {  	_ = 	snop;
	(pc) =	sbr.rel .LBB2_4-.Ltmp4, $1  }
0x3b: {  	_ =	sdelay $0x3  }
.LBB2_6:
0x3c: {  	_ =	sfence.sel $0x180000  }
0x3d: {  	s2 =	simm.s32 $0x2;
	[bflag:$0x0] =	sbarrier.arrive $0xFFFF  }
0x3e: {  	s30 =	simm.s32 $0x3;
	[sflag:s2] =	ssyncpa.u1 $0x1  }
0x3f: {  	s31 =	simm.s32 $0x1;
	[sflag:s30] =	ssyncpa.u1 $0x1  }
0x40: {  	[sflag:s31] =	ssyncpa.u1 $0x1  }
0x41: {  	p0 =	sne.s32 s1, $0x0;
	_ =	strace $0x9000004A  }
0x42: {  	s0 =	sadd.s32 @!p0 $0x100000, s0;
	[bflag:$0x2] =	sbarrier.arrive $0xFFFF  }
0x43: {  	[sflag:s0] =	ssyncadd.tile.s32 @!p0 $0x1;
	_ =	shalt  }
.Lfunc_end2:
_tile_overlayer_lowered:
.L_overlay_start_2:
0x44: {  	(tag) =	ssettag $0x2  }
0x45: {  	s0 =	rddreg [dreg:$0x0];
	s2 =	stileid.u32  }
0x46: {  	s1 =	rddreg [dreg:$0x1];
	p0 =	sne.s32 s2, $0x0  }
0x47: {  	s3 =	rddreg [dreg:$0x2];
	[bflag:$0x3] =	sbarrier.arrive $0xFFFF;
	s2 =	simm.s32 @!p0 $0x1C01  }
0x48: {  	[timem:s3], [sflag:s2] =	dma.local @!p0 [hbm:s0], s1  }
0x49: {  	s0 =	simm.s32 @!p0 $0x1  }
0x4a: {  	_ =	swait.ge @!p0 [sflag:s0], s1  }
0x4b: {  	s1 =	ssub.s32 @!p0 $0x0, s1;
	[sflag:s0] =	ssyncset.done @!p0 $0x0  }
0x4c: {  	[sflag:s0] =	ssyncadd.s32 @!p0 s1  }
0x4d: {  	[bflag:$0x3] =	sbarrier.arrive $0xFFFF  }
0x4e: {  	_ =	shalt  }

// kernel: kernel.10.cloned.1.call-start
scs
__scs_entry_jumppad:
0x0: {  	(pc) =	sbr.rel $0x88, $3  }
0x1: {  	(tag) =	ssettag $0x0;
	lr =	simm.s32 $0x1  }
0x2: {  	[smem:$0x3F93] =	sst lr;
	_ =	strace $0xD0000000  }
0x3: {  	_ = 	snop  }
0x4: {  	_ = 	snop  }
0x5: {  	_ = 	snop  }
0x6: {  	_ = 	snop  }
0x7: {  	_ = 	snop  }
__scs_overlays_trampoline_lowered:
0x8: {  	[smem:$0x3FA2] =	sst s0  }
0x9: {  	[smem:$0x3FA3] =	sst s1  }
0xa: {  	[smem:$0x3FA4] =	sst s2  }
0xb: {  	[smem:$0x3FA5] =	sst s3  }
0xc: {  	[smem:$0x3FA6] =	sst s4  }
0xd: {  	[smem:$0x3FA7] =	sst s5  }
0xe: {  	[smem:$0x3FA8] =	sst s6  }
0xf: {  	[smem:$0x3FA9] =	sst s7  }
0x10: {  	[smem:$0x3FAA] =	sst s8  }
0x11: {  	[smem:$0x3FAB] =	sst s9;
	s0 =	simm.s32 @!p0 $0x0  }
0x12: {  	s1 =	sld [smem:$0x3F91];
	s0 =	simm.s32 @p0 $0x1  }
0x13: {  	[smem:$0x3FAC] =	sst s0;
	s0 =	simm.s32 @!p1 $0x0  }
0x14: {  	s2 =	sld [smem:$0x3F90];
	s0 =	simm.s32 @p1 $0x1  }
0x15: {  	[smem:$0x3FAD] =	sst s0;
	s0 =	simm.s32 @!p2 $0x0  }
0x16: {  	s3 =	sld [smem:$0x3FDB];
	s0 =	simm.s32 @p2 $0x1  }
0x17: {  	s4 =	simm.s32 $0x1BF5;
	[smem:$0x3FAF] =	sst s0  }
0x18: {  	s0 =	sld [smem:$0x3F92];
	_ =	swait.ge [sflag:s4], $0x0  }
0x19: {  	s7 =	sld [smem:$0x3F93]  }
0x1a: {  	s8 =	sadd.s32 $0xFFFFE003, lr  }
0x1b: {  	s9 =	sadd.s32 $0xFFFFFEF7, lr;
	s5 =	simm.s32 $0xFFFFFFFF;
	p2 =	slt.u32 s8, $0xFFFFF086  }
0x1c: {  	p1 =	slt.u32 s9, $0xF7A;
	s5 =	simm.s32 @!p2 $0x0  }
0x1d: {  	s5 =	simm.s32 @p1 $0x1;
	p0 =	seq.s32 s7, s2  }
0x1e: {  	s7 =	smul.u32 @!p0 $0xF7A, s2;
	p2 =	seq.s32 @!p0 s5, $0x0  }
0x1f: {  	s9 =	smul.u32 $0xF7A, s1;
	s8 =	simm.s32 @!p0 $0x1BF5;
	p2 =	por !p2, p0  }
0x20: {  	[sflag:s8] =	ssyncset.s32 @!p0 $0xFFFFF086;
	s6 =	sadd.s32 @!p0 s3, s7;
	s7 =	simm.s32 @!p0 $0x108  }
0x21: {  	s3 =	sadd.s32 s3, s9;
	s6 =	sadd.s32 @!p0 $0x88, s6;
	s7 =	simm.s32 @p2 $0x1082  }
0x22: {  	[simem:s7], [sflag:s8] =	dma.local @!p0 [hbm:s6], $0xF7A  }
0x23: {  	s9 =	sor.u32 $0xD0000000, s2;
	s6 =	simm.s32 $0x108;
	_ =	swait.ge @!p0 [sflag:s8], $0x0  }
0x24: {  	s3 =	sadd.s32 $0x88, s3;
	s6 =	simm.s32 @!p1 $0x1082;
	[sflag:s4] =	ssyncset.s32 $0xFFFFF086  }
0x25: {  	[simem:s6], [sflag:s4] =	dma.local [hbm:s3], $0xF7A  }
0x26: {  	[smem:$0x3F93] =	sst s1;
	(tag) =	ssettag s2;
	_ =	strace s9  }
0x27: {  	s1 =	sld [smem:$0x3FA3]  }
0x28: {  	s2 =	sld [smem:$0x3FA4]  }
0x29: {  	s4 =	sld [smem:$0x3FA6]  }
0x2a: {  	p0 =	seq.s32 s5, $0x0;
	s5 =	sld [smem:$0x3FA7]  }
0x2b: {  	s6 =	sld [smem:$0x3FA8]  }
0x2c: {  	s7 =	sld [smem:$0x3FA9]  }
0x2d: {  	s3 =	simm.s32 $0x108;
	s8 =	sld [smem:$0x3FAA]  }
0x2e: {  	s3 =	simm.s32 @!p0 $0x1082;
	s9 =	sld [smem:$0x3FAB]  }
0x2f: {  	lr =	sadd.s32 s0, s3;
	s0 =	sld [smem:$0x3FA2]  }
0x30: {  	s3 =	sld [smem:$0x3FA5]  }
0x31: {  	[smem:$0x3FAE] =	sst s10  }
0x32: {  	s10 =	sld [smem:$0x3FAC];
	_ =	sdelay $0x3  }
0x33: {  	p0 =	seq.s32 s10, $0x1;
	s10 =	sld [smem:$0x3FAE];
	_ =	sdelay $0x3  }
0x34: {  	[smem:$0x3FAE] =	sst s10  }
0x35: {  	s10 =	sld [smem:$0x3FAD];
	_ =	sdelay $0x3  }
0x36: {  	p1 =	seq.s32 s10, $0x1;
	s10 =	sld [smem:$0x3FAE];
	_ =	sdelay $0x3  }
0x37: {  	[smem:$0x3FAE] =	sst s10  }
0x38: {  	s10 =	sld [smem:$0x3FAF]  }
0x39: {  	_ = 	snop;
	(pc) =	sbr.ind lr, $3  }
0x3a: {  	_ = 	snop  }
0x3b: {  	_ = 	snop  }
0x3c: {  	p2 =	seq.s32 s10, $0x1;
	s10 =	sld [smem:$0x3FAE]  }
0x3d: {  	_ =	shalt  }
0x3e: {  	_ =	shalt  }
0x3f: {  	_ =	shalt  }
0x40: {  	_ =	shalt  }
0x41: {  	_ =	shalt  }
0x42: {  	_ =	shalt  }
0x43: {  	_ =	shalt  }
0x44: {  	_ =	shalt  }
0x45: {  	_ =	shalt  }
0x46: {  	_ =	shalt  }
0x47: {  	_ =	shalt  }
0x48: {  	_ =	shalt  }
0x49: {  	_ =	shalt  }
0x4a: {  	_ =	shalt  }
0x4b: {  	_ =	shalt  }
0x4c: {  	_ =	shalt  }
0x4d: {  	_ =	shalt  }
0x4e: {  	_ =	shalt  }
0x4f: {  	_ =	shalt  }
0x50: {  	_ =	shalt  }
0x51: {  	_ =	shalt  }
0x52: {  	_ =	shalt  }
0x53: {  	_ =	shalt  }
0x54: {  	_ =	shalt  }
0x55: {  	_ =	shalt  }
0x56: {  	_ =	shalt  }
0x57: {  	_ =	shalt  }
0x58: {  	_ =	shalt  }
0x59: {  	_ =	shalt  }
0x5a: {  	_ =	shalt  }
0x5b: {  	_ =	shalt  }
0x5c: {  	_ =	shalt  }
0x5d: {  	_ =	shalt  }
0x5e: {  	_ =	shalt  }
0x5f: {  	_ =	shalt  }
0x60: {  	_ =	shalt  }
0x61: {  	_ =	shalt  }
0x62: {  	_ =	shalt  }
0x63: {  	_ =	shalt  }
0x64: {  	_ =	shalt  }
0x65: {  	_ =	shalt  }
0x66: {  	_ =	shalt  }
0x67: {  	_ =	shalt  }
0x68: {  	_ =	shalt  }
0x69: {  	_ =	shalt  }
0x6a: {  	_ =	shalt  }
0x6b: {  	_ =	shalt  }
0x6c: {  	_ =	shalt  }
0x6d: {  	_ =	shalt  }
0x6e: {  	_ =	shalt  }
0x6f: {  	_ =	shalt  }
0x70: {  	_ =	shalt  }
0x71: {  	_ =	shalt  }
0x72: {  	_ =	shalt  }
0x73: {  	_ =	shalt  }
0x74: {  	_ =	shalt  }
0x75: {  	_ =	shalt  }
0x76: {  	_ =	shalt  }
0x77: {  	_ =	shalt  }
0x78: {  	_ =	shalt  }
0x79: {  	_ =	shalt  }
0x7a: {  	_ =	shalt  }
0x7b: {  	_ =	shalt  }
0x7c: {  	_ =	shalt  }
0x7d: {  	_ =	shalt  }
0x7e: {  	_ =	shalt  }
0x7f: {  	_ =	shalt  }
0x80: {  	_ =	shalt  }
0x81: {  	_ =	shalt  }
0x82: {  	_ =	shalt  }
0x83: {  	_ =	shalt  }
0x84: {  	_ =	shalt  }
0x85: {  	_ =	shalt  }
0x86: {  	_ =	shalt  }
0x87: {  	_ =	shalt  }
.Lfunc_end0:
.L_simem_size_0:
called_computation.5_lowered:
.L_overlay_start_0:
0x88: {  	s2 =	sld [smem:$0x3FD9]  }
0x89: {  	s3 =	sld [smem:$0x3FFE];
	_ =	sdelay $0x1  }
0x8a: {  	s1 =	srdreg.scid  }
0x8b: {  	s0 =	sand.u32 $0x1, s1  }
0x8c: {  	s16 =	sshll.u32 s0, $0xA;
	s2 =	sadd.s32 s3, s2  }
0x8d: {  	s2 =	sadd.s32 s2, s16  }
0x8e: {  	[smem:$0x3FBA] =	sst s2  }
0x8f: {  	_ = 	snop  }
0x90: {  	(tm) =	ssettm $0x1  }
0x91: {  	s17 =	sld [smem:$0x3FFB];
	_ =	sdelay $0x3  }
0x92: {  	_ =	strace s17  }
0x93: {  	s2 =	sld [smem:$0x3FFC];
	_ =	sdelay $0x3  }
0x94: {  	_ =	strace s2  }
0x95: {  	s2 =	sld [smem:$0x3FFD];
	_ =	sdelay $0x3  }
0x96: {  	_ =	strace s2  }
0x97: {  	_ =	strace $0x8FFFFFFF  }
0x98: {  	s18 =	sld [smem:$0x3FDB];
	_ =	sdelay $0x1  }
0x99: {  	s19 =	simm.s32 $_scs_section_size  }
0x9a: {  	s4 =	simm.s32 $_size__tile_overlayer_lowered;
	s5 =	simm.s32 $_tile_overlayer_lowered  }
0x9b: {  	s22 =	simm.s32 $0x1BFF;
	s21 =	sshll.u32 s5, $0x1;
	s2 =	sadd.s32 s19, s18  }
0x9c: {  	s6 =	simm.s32 $0x0;
	s20 =	sshll.u32 s4, $0x1;
	s4 =	sadd.s32 s21, s2  }
0x9d: {  	[timem:s6], [sflag:s22] =	dma.local [hbm:s4], s20  }
0x9e: {  	_ =	swait.ge [sflag:s22], s20  }
0x9f: {  	s3 =	ssub.s32 $0x0, s20;
	[sflag:s22] =	ssyncset.done $0x0  }
0xa0: {  	[sflag:s22] =	ssyncadd.s32 s3;
	_ =	sdelay $0x1  }
0xa1: {  	s23 =	simm.s32 $0x1B8B  }
0xa2: {  	_ =	swait.ge [sflag:s23], $0x1  }
0xa3: {  	[sflag:s23] =	ssyncset.done $0x0  }
0xa4: {  	s25 =	simm.s32 $0x1B8E;
	s24 =	sld [smem:$0x3FFE];
	[sflag:s23] =	ssyncadd.s32 $0xFFFFFFFF  }
0xa5: {  	s26 =	simm.s32 $execute0_lowered;
	[smem:$0x3FD2] =	sst s25  }
0xa6: {  	s4 =	sshll.u32 s26, $0x1;
	_ =	strace $0x80000055;
	[dreg:$0x1] =	wrdreg $0xFFFFFFFF  }
0xa7: {  	s28 =	simm.s32 $_size_execute0_lowered;
	s2 =	sadd.s32 s2, s4;
	[dreg:$0x0] =	wrdreg $0x0  }
0xa8: {  	s4 =	sshll.u32 s28, $0x1;
	[dreg:$0x2] =	wrdreg s2  }
0xa9: {  	[dreg:$0x3] =	wrdreg s4  }
0xaa: {  	[dreg:$0x4] =	wrdreg $0xC0  }
0xab: {  	_ =	task [dreg:s6], $0x5FFFF  }
0xac: {  	[dreg:$0x1] =	wrdreg $0xFFFFFFFF  }
0xad: {  	[dreg:$0x0] =	wrdreg $0x60  }
0xae: {  	[dreg:$0x2] =	wrdreg s24  }
0xaf: {  	[dreg:$0x3] =	wrdreg $0xD8000  }
0xb0: {  	[dreg:$0x4] =	wrdreg $0x9  }
0xb1: {  	_ =	task.clear_ibuf [dreg:s6], $0x5FFFF;
	_ =	strace $0x90000055  }
0xb2: {  	s29 =	simm.s32 $0x9;
	_ =	strace $0x80000057  }
0xb3: {  	_ =	swait.ge [sflag:s29], $0x1  }
0xb4: {  	[sflag:s29] =	ssyncadd.s32 $0xFFFFFFFF  }
0xb5: {  	_ =	strace $0x90000057  }
0xb6: {  	_ =	sfence  }
0xb7: {  	s30 =	sld [smem:$0x0];
	_ =	sdelay $0x2  }
0xb8: {  	s31 =	sshll.u32 s1, $0xD;
	s1 =	sshrl.u32 s1, $0x2  }
0xb9: {  	s3 =	sand.u32 $0x4000, s31;
	s1 =	sadd.s32 s1, s30  }
0xba: {  	s0 =	sor.u32 s3, s0;
	s1 =	sshll.u32 s1, $0x11  }
0xbb: {  	s0 =	sor.u32 s1, s0  }
0xbc: {  	s0 =	sadd.s32 $0x8F2B, s0  }
0xbd: {  	[sflag:s0] =	ssyncadd.remote.s32 $0x1  }
0xbe: {  	_ =	sfence.sel $0xFFFF  }
0xbf: {  	[dreg:$0x0] =	wrdreg $0xFFFFFFFF;
	(pc) =	sbr.abs _section_cstart, $3  }
0xc0: {  	[dreg:$0x1] =	wrdreg $0xFFFFFFFF  }
0xc1: {  	_ =	task.clear_ibuf [dreg:s6], $0x2FFFF;
	_ =	strace $0x9FFFFFFF  }
0xc2: {  	(tm) =	ssettm $0x7FFFFFFF  }
0xc3: {  	_ =	shalt  }
tec
execute0_lowered:
.L_overlay_start_1:
0x0: {  	(tag) =	ssettag $0x1  }
0x1: {  	s0 =	rddreg [dreg:$0x0];
	s12 =	stileid.u32  }
0x2: {  	s2 =	rddreg [dreg:$0x1];
	s1 =	smul.u32 $0x2800, s12  }
0x3: {  	s3 =	simm.s32 $0x0;
	s4 =	srdreg.scid;
	s5 =	smul.u32 $0x500, s12  }
0x4: {  	s28 =	simm.s32 $0x7000;
	s29 =	simm.s32 $0x9000;
	s10 =	smul.u32 $0xA000, s12  }
0x5: {  	s30 =	simm.s32 $0xB000;
	s4 =	sand.u32 $0x1, s4;
	s25 =	smul.u32 $0x5000, s12  }
0x6: {  	s31 =	simm.s32 $0x1;
	[smem:$0x7FF] =	sst s3;
	s7 =	smul.u32 $0x5000, s4  }
0x7: {  	s8 =	sadd.s32 $0x83E00, s0;
	s9 =	sadd.s32 $0x31C800, s0;
	s11 =	smul.u32 $0x28000, s4  }
0x8: {  	_ =	strace $0x80000056;
	s13 =	ssub.s32 $0x2, s4;
	s24 =	smul.u32 $0x50000, s4  }
0x9: {  	s4 =	simm.s32 $0x2;
	s6 =	sshrl.u32 s1, $0x3;
	s14 =	sshrl.u32 s13, $0x1  }
0xa: {  	s16 =	sshrl.u32 s10, $0x2;
	s6 =	sadd.s32 s6, s0;
	s5 =	sadd.s32 s5, s7  }
0xb: {  	s1 =	sadd.s32 s1, s11;
	s26 =	sadd.s32 s24, s9;
	s15 =	sadd.s32 $0x7EE00, s6  }
0xc: {  	s0 =	sadd.s32 s5, s0;
	s6 =	sadd.s32 $0x79E00, s6;
	[dreg:$0x3] =	wrdreg s15  }
0xd: {  	s5 =	ssub.s32 s13, s14;
	s1 =	sshll.u32 s1, $0x1;
	[dreg:$0x4] =	wrdreg s6  }
0xe: {  	s6 =	sadd.s32 s16, s2;
	s20 =	sadd.s32 s8, s1;
	s21 =	sadd.s32 s9, s1  }
0xf: {  	s0 =	sadd.s32 $0x4200, s0;
	s22 =	sor.u32 $0x400, s1;
	s14 =	smax.u32 s5, $0x1  }
0x10: {  	s23 =	sor.u32 $0x800, s1;
	s1 =	sadd.s32 $0x4C00, s1;
	[dreg:$0x9] =	wrdreg s20  }
0x11: {  	s5 =	simm.s32 $0x4;
	s7 =	sadd.s32 $0x800, s6;
	[dreg:$0xa] =	wrdreg s21  }
0x12: {  	s17 =	sadd.s32 $0x1000, s6;
	s18 =	sadd.s32 $0x1800, s6;
	[dreg:$0xb] =	wrdreg s0  }
0x13: {  	s19 =	sadd.s32 $0x2000, s6;
	s15 =	sadd.s32 s8, s22;
	[dreg:$0x5] =	wrdreg s7  }
0x14: {  	s16 =	sadd.s32 s9, s22;
	s0 =	sadd.s32 s24, s8;
	[dreg:$0x6] =	wrdreg s17  }
0x15: {  	s20 =	sadd.s32 s9, s1;
	s21 =	sadd.s32 s25, s26;
	[dreg:$0x7] =	wrdreg s18  }
0x16: {  	s24 =	simm.s32 $0x2800;
	s26 =	simm.s32 $0x5000;
	[dreg:$0x8] =	wrdreg s19  }
0x17: {  	s17 =	sadd.s32 s8, s23;
	s18 =	sadd.s32 s9, s23;
	s19 =	sadd.s32 s8, s1  }
0x18: {  	s22 =	sadd.s32 s25, s0;
	s23 =	simm.s32 $0x5;
	s25 =	simm.s32 $0xD000  }
0x19: {  	v0 =	vimm.f32 $0.0e+00;
	s0 =	simm.s32 $0x200;
	s1 =	simm.s32 $0x3;
	s7 =	simm.s32 $0x0  }
.LBB2_1:
0x1a: {  	s8 =	rddreg [dreg:$0x3]  }
0x1b: {  	[tilespmem:s3], [sflag:$0x5] =	stream.linear.gather [hbm4b:s8+s3], $0x2800, $0x38;
	[tilespmem:$0x10000] =	vst v63  }
0x1c: {  	_ =	swait.ge [sflag:s23], $0x2800  }
0x1d: {  	[sflag:s23] =	ssyncset.done $0x0  }
0x1e: {  	s13 =	rddreg [dreg:$0x4];
	[sflag:s23] =	ssyncadd.s32 $0xFFFFD800  }
0x1f: {  	[tilespmem:s24], [sflag:$0x5] =	stream.linear.gather [hbm4b:s13+s3], $0x2800, $0x38;
	[tilespmem:$0x10000] =	vst v63  }
0x20: {  	_ =	swait.ge [sflag:s23], $0x2800  }
0x21: {  	[sflag:s23] =	ssyncset.done $0x0  }
0x22: {  	s9 =	simm.s32 $0x0;
	s8 =	simm.s32 $0x40;
	[sflag:s23] =	ssyncadd.s32 $0xFFFFD800  }
.LBB2_2:
0x23: {  	p0 =	sne.s32 s8, $0x1FC0;
	[tilespmem:s9+$0xD000] =	vst v0;
	s9 =	smov.u32 s8;
	s8 =	sadd.s32 $0x40, s8  }
.Ltmp0:
0x24: {  	(pc) =	sbr.rel @p0 .LBB2_2-.Ltmp0, $2  }
0x25: {  	_ =	sdelay $0x2  }
0x26: {  	s9 =	sshra.s32 s9, $0x2  }
0x27: {  	[tilespmem:s9+$0xD000] =	vst v0  }
0x28: {  	[spmem:s6] =	stream.linear.scatter [tilespmem:s25], [sflag:$0x5], $0x800, $0x38;
	[tilespmem:$0x10000] =	vst v63  }
0x29: {  	_ =	swait.ge [sflag:s23], $0x800  }
0x2a: {  	[sflag:s23] =	ssyncset.done $0x0  }
0x2b: {  	s8 =	rddreg [dreg:$0x5];
	[sflag:s23] =	ssyncadd.s32 $0xFFFFF800  }
0x2c: {  	[spmem:s8] =	stream.linear.scatter [tilespmem:s25], [sflag:$0x5], $0x800, $0x38;
	[tilespmem:$0x10000] =	vst v63  }
0x2d: {  	_ =	swait.ge [sflag:s23], $0x800  }
0x2e: {  	[sflag:s23] =	ssyncset.done $0x0  }
0x2f: {  	s13 =	rddreg [dreg:$0x6];
	[sflag:s23] =	ssyncadd.s32 $0xFFFFF800  }
0x30: {  	[spmem:s13] =	stream.linear.scatter [tilespmem:s25], [sflag:$0x5], $0x800, $0x38;
	[tilespmem:$0x10000] =	vst v63  }
0x31: {  	_ =	swait.ge [sflag:s23], $0x800  }
0x32: {  	[sflag:s23] =	ssyncset.done $0x0  }
0x33: {  	s9 =	rddreg [dreg:$0x7];
	[sflag:s23] =	ssyncadd.s32 $0xFFFFF800  }
0x34: {  	[spmem:s9] =	stream.linear.scatter [tilespmem:s25], [sflag:$0x5], $0x800, $0x38;
	[tilespmem:$0x10000] =	vst v63  }
0x35: {  	_ =	swait.ge [sflag:s23], $0x800  }
0x36: {  	[sflag:s23] =	ssyncset.done $0x0  }
0x37: {  	s10 =	rddreg [dreg:$0x8];
	[sflag:s23] =	ssyncadd.s32 $0xFFFFF800  }
0x38: {  	[spmem:s10] =	stream.linear.scatter [tilespmem:s25], [sflag:$0x5], $0x800, $0x38;
	[tilespmem:$0x10000] =	vst v63  }
0x39: {  	_ =	swait.ge [sflag:s23], $0x800  }
0x3a: {  	[sflag:s23] =	ssyncset.done $0x0  }
0x3b: {  	[sflag:s23] =	ssyncadd.s32 $0xFFFFF800  }
0x3c: {  	[bflag:$0x0] =	sbarrier.arrive $0xFFFF  }
0x3d: {  	s11 =	simm.s32 $0x0;
	s12 =	rddreg [dreg:$0x9]  }
0x3e: {  	[tilespmem:s26], [sflag:$0x1] =	stream.linear.gather [hbm4b:s12+s11], $0x2000, $0x38;
	[tilespmem:$0x10000] =	vst v63  }
0x3f: {  	s13 =	rddreg [dreg:$0xa]  }
0x40: {  	[tilespmem:s28], [sflag:$0x1] =	stream.linear.gather [hbm4b:s13+s11], $0x2000, $0x38;
	[tilespmem:$0x10000] =	vst v63  }
0x41: {  	_ = 	snop  }
0x42: {  	[tilespmem:s29], [sflag:$0x2] =	stream.linear.gather [hbm4b:s15+s11], $0x2000, $0x38;
	[tilespmem:$0x10000] =	vst v63  }
0x43: {  	_ = 	snop  }
0x44: {  	[tilespmem:s30], [sflag:$0x2] =	stream.linear.gather [hbm4b:s16+s11], $0x2000, $0x38;
	[tilespmem:$0x10000] =	vst v63  }
0x45: {  	_ =	swait.ge [sflag:s31], $0x2000  }
0x46: {  	[sflag:s31] =	ssyncset.done $0x0  }
0x47: {  	[sflag:s31] =	ssyncadd.s32 $0xFFFFE000  }
0x48: {  	_ =	swait.ge [sflag:s31], $0x2000  }
0x49: {  	[sflag:s31] =	ssyncset.done $0x0  }
0x4a: {  	[sflag:s31] =	ssyncadd.s32 $0xFFFFE000  }
0x4b: {  	[spmem:s2] =	stream.indirect.scatter.add.f32 [tilespmem:s26], [sflag:$0x3], $0x10, s11, s0, $0xb8;
	[tilespmem:$0x10000] =	vst v63  }
0x4c: {  	_ = 	snop  }
0x4d: {  	[spmem:s2] =	stream.indirect.scatter.add.f32 [tilespmem:s28], [sflag:$0x3], $0x10, s24, s0, $0xb8;
	[tilespmem:$0x10000] =	vst v63  }
0x4e: {  	_ =	swait.ge [sflag:s1], $0x2000  }
0x4f: {  	[sflag:s1] =	ssyncset.done $0x0  }
0x50: {  	[sflag:s1] =	ssyncadd.s32 $0xFFFFE000  }
0x51: {  	_ =	swait.ge [sflag:s1], $0x2000  }
0x52: {  	[sflag:s1] =	ssyncset.done $0x0  }
0x53: {  	[sflag:s1] =	ssyncadd.s32 $0xFFFFE000  }
0x54: {  	[tilespmem:s26], [sflag:$0x1] =	stream.linear.gather [hbm4b:s17+s11], $0x2000, $0x38;
	[tilespmem:$0x10000] =	vst v63  }
0x55: {  	_ = 	snop  }
0x56: {  	[tilespmem:s28], [sflag:$0x1] =	stream.linear.gather [hbm4b:s18+s11], $0x2000, $0x38;
	[tilespmem:$0x10000] =	vst v63  }
0x57: {  	_ =	swait.ge [sflag:s4], $0x2000  }
0x58: {  	[sflag:s4] =	ssyncset.done $0x0  }
0x59: {  	[sflag:s4] =	ssyncadd.s32 $0xFFFFE000  }
0x5a: {  	_ =	swait.ge [sflag:s4], $0x2000  }
0x5b: {  	[sflag:s4] =	ssyncset.done $0x0  }
0x5c: {  	[sflag:s4] =	ssyncadd.s32 $0xFFFFE000  }
0x5d: {  	[spmem:s2] =	stream.indirect.scatter.add.f32 [tilespmem:s29], [sflag:$0x4], $0x10, s0, s0, $0xb8;
	[tilespmem:$0x10000] =	vst v63  }
0x5e: {  	s10 =	simm.s32 $0x2A00  }
0x5f: {  	[spmem:s2] =	stream.indirect.scatter.add.f32 [tilespmem:s30], [sflag:$0x4], $0x10, s10, s0, $0xb8;
	[tilespmem:$0x10000] =	vst v63  }
0x60: {  	_ =	swait.ge [sflag:s5], $0x2000  }
0x61: {  	[sflag:s5] =	ssyncset.done $0x0  }
0x62: {  	[sflag:s5] =	ssyncadd.s32 $0xFFFFE000  }
0x63: {  	_ =	swait.ge [sflag:s5], $0x2000  }
0x64: {  	s8 =	sadd.s32 $0x0, s22;
	[sflag:s5] =	ssyncset.done $0x0  }
0x65: {  	s11 =	sadd.s32 $0xC00, s8;
	s10 =	sadd.s32 $0x0, s21;
	[sflag:s5] =	ssyncadd.s32 $0xFFFFE000  }
0x66: {  	[tilespmem:s29], [sflag:$0x2] =	stream.linear.gather [hbm4b:s11+s3], $0x2000, $0x38;
	[tilespmem:$0x10000] =	vst v63  }
0x67: {  	s12 =	sadd.s32 $0xC00, s10  }
0x68: {  	[tilespmem:s30], [sflag:$0x2] =	stream.linear.gather [hbm4b:s12+s3], $0x2000, $0x38;
	[tilespmem:$0x10000] =	vst v63  }
0x69: {  	_ =	swait.ge [sflag:s31], $0x2000  }
0x6a: {  	[sflag:s31] =	ssyncset.done $0x0  }
0x6b: {  	[sflag:s31] =	ssyncadd.s32 $0xFFFFE000  }
0x6c: {  	_ =	swait.ge [sflag:s31], $0x2000  }
0x6d: {  	[sflag:s31] =	ssyncset.done $0x0  }
0x6e: {  	s13 =	simm.s32 $0x400;
	[sflag:s31] =	ssyncadd.s32 $0xFFFFE000  }
0x6f: {  	[spmem:s2] =	stream.indirect.scatter.add.f32 [tilespmem:s26], [sflag:$0x3], $0x10, s13, s0, $0xb8;
	[tilespmem:$0x10000] =	vst v63  }
0x70: {  	s11 =	simm.s32 $0x2C00  }
0x71: {  	[spmem:s2] =	stream.indirect.scatter.add.f32 [tilespmem:s28], [sflag:$0x3], $0x10, s11, s0, $0xb8;
	[tilespmem:$0x10000] =	vst v63  }
0x72: {  	_ =	swait.ge [sflag:s1], $0x2000  }
0x73: {  	[sflag:s1] =	ssyncset.done $0x0  }
0x74: {  	[sflag:s1] =	ssyncadd.s32 $0xFFFFE000  }
0x75: {  	_ =	swait.ge [sflag:s1], $0x2000  }
0x76: {  	[sflag:s1] =	ssyncset.done $0x0  }
0x77: {  	s8 =	sadd.s32 $0x1000, s8;
	[sflag:s1] =	ssyncadd.s32 $0xFFFFE000  }
0x78: {  	[tilespmem:s26], [sflag:$0x1] =	stream.linear.gather [hbm4b:s8+s3], $0x2000, $0x38;
	[tilespmem:$0x10000] =	vst v63  }
0x79: {  	s12 =	sadd.s32 $0x1000, s10  }
0x7a: {  	[tilespmem:s28], [sflag:$0x1] =	stream.linear.gather [hbm4b:s12+s3], $0x2000, $0x38;
	[tilespmem:$0x10000] =	vst v63  }
0x7b: {  	_ =	swait.ge [sflag:s4], $0x2000  }
0x7c: {  	[sflag:s4] =	ssyncset.done $0x0  }
0x7d: {  	[sflag:s4] =	ssyncadd.s32 $0xFFFFE000  }
0x7e: {  	s9 =	simm.s32 $0x3000;
	_ =	swait.ge [sflag:s4], $0x2000  }
0x7f: {  	s10 =	simm.s32 $0x800;
	s13 =	simm.s32 $0x600;
	[sflag:s4] =	ssyncset.done $0x0  }
0x80: {  	s11 =	simm.s32 $0x2E00;
	s8 =	simm.s32 $0x800;
	[sflag:s4] =	ssyncadd.s32 $0xFFFFE000  }
0x81: {  	[spmem:s2] =	stream.indirect.scatter.add.f32 [tilespmem:s29], [sflag:$0x4], $0x10, s13, s0, $0xb8;
	[tilespmem:$0x10000] =	vst v63  }
.LBB2_4:
0x82: {  	[spmem:s2] =	stream.indirect.scatter.add.f32 [tilespmem:s30], [sflag:$0x4], $0x10, s11, s0, $0xb8;
	[tilespmem:$0x10000] =	vst v63  }
0x83: {  	s11 =	smov.u32 s8  }
0x84: {  	p0 =	sne.s32 s8, $0x3800;
	s8 =	sadd.s32 $0x800, s8;
	_ =	swait.ge [sflag:s5], $0x2000  }
0x85: {  	[sflag:s5] =	ssyncset.done $0x0  }
0x86: {  	[sflag:s5] =	ssyncadd.s32 $0xFFFFE000  }
0x87: {  	_ =	swait.ge [sflag:s5], $0x2000  }
0x88: {  	s12 =	sadd.s32 s11, s22;
	[sflag:s5] =	ssyncset.done $0x0  }
0x89: {  	s11 =	sadd.s32 s11, s21;
	s13 =	sadd.s32 $0xC00, s12;
	[sflag:s5] =	ssyncadd.s32 $0xFFFFE000  }
0x8a: {  	[tilespmem:s29], [sflag:$0x2] =	stream.linear.gather [hbm4b:s13+s3], $0x2000, $0x38;
	[tilespmem:$0x10000] =	vst v63  }
0x8b: {  	s13 =	sadd.s32 $0xC00, s11  }
0x8c: {  	[tilespmem:s30], [sflag:$0x2] =	stream.linear.gather [hbm4b:s13+s3], $0x2000, $0x38;
	[tilespmem:$0x10000] =	vst v63  }
0x8d: {  	_ =	swait.ge [sflag:s31], $0x2000  }
0x8e: {  	[sflag:s31] =	ssyncset.done $0x0  }
0x8f: {  	[sflag:s31] =	ssyncadd.s32 $0xFFFFE000  }
0x90: {  	_ =	swait.ge [sflag:s31], $0x2000  }
0x91: {  	[sflag:s31] =	ssyncset.done $0x0  }
0x92: {  	[sflag:s31] =	ssyncadd.s32 $0xFFFFE000  }
0x93: {  	[spmem:s2] =	stream.indirect.scatter.add.f32 [tilespmem:s26], [sflag:$0x3], $0x10, s10, s0, $0xb8;
	[tilespmem:$0x10000] =	vst v63  }
0x94: {  	_ = 	snop  }
0x95: {  	[spmem:s2] =	stream.indirect.scatter.add.f32 [tilespmem:s28], [sflag:$0x3], $0x10, s9, s0, $0xb8;
	[tilespmem:$0x10000] =	vst v63  }
0x96: {  	_ =	swait.ge [sflag:s1], $0x2000  }
0x97: {  	[sflag:s1] =	ssyncset.done $0x0  }
0x98: {  	[sflag:s1] =	ssyncadd.s32 $0xFFFFE000  }
0x99: {  	_ =	swait.ge [sflag:s1], $0x2000  }
0x9a: {  	[sflag:s1] =	ssyncset.done $0x0  }
0x9b: {  	s12 =	sadd.s32 $0x1000, s12;
	[sflag:s1] =	ssyncadd.s32 $0xFFFFE000  }
0x9c: {  	[tilespmem:s26], [sflag:$0x1] =	stream.linear.gather [hbm4b:s12+s3], $0x2000, $0x38;
	[tilespmem:$0x10000] =	vst v63  }
0x9d: {  	s11 =	sadd.s32 $0x1000, s11  }
0x9e: {  	[tilespmem:s28], [sflag:$0x1] =	stream.linear.gather [hbm4b:s11+s3], $0x2000, $0x38;
	[tilespmem:$0x10000] =	vst v63  }
0x9f: {  	_ =	swait.ge [sflag:s4], $0x2000  }
0xa0: {  	[sflag:s4] =	ssyncset.done $0x0  }
0xa1: {  	[sflag:s4] =	ssyncadd.s32 $0xFFFFE000  }
.Ltmp1:
0xa2: {  	_ =	swait.ge [sflag:s4], $0x2000;
	(pc) =	sbr.rel @p0 .LBB2_4-.Ltmp1, $4  }
0xa3: {  	[sflag:s4] =	ssyncset.done $0x0  }
0xa4: {  	s11 =	sadd.s32 $0x200, s10;
	[sflag:s4] =	ssyncadd.s32 $0xFFFFE000  }
0xa5: {  	[spmem:s2] =	stream.indirect.scatter.add.f32 [tilespmem:s29], [sflag:$0x4], $0x10, s11, s0, $0xb8;
	[tilespmem:$0x10000] =	vst v63  }
0xa6: {  	s10 =	sadd.s32 $0x400, s10;
	s11 =	sadd.s32 $0x200, s9;
	s9 =	sadd.s32 $0x400, s9  }
0xa7: {  	[spmem:s2] =	stream.indirect.scatter.add.f32 [tilespmem:s30], [sflag:$0x4], $0x10, s11, s0, $0xb8;
	[tilespmem:$0x10000] =	vst v63  }
0xa8: {  	_ =	swait.ge [sflag:s5], $0x2000  }
0xa9: {  	[sflag:s5] =	ssyncset.done $0x0  }
0xaa: {  	[sflag:s5] =	ssyncadd.s32 $0xFFFFE000  }
0xab: {  	_ =	swait.ge [sflag:s5], $0x2000  }
0xac: {  	[sflag:s5] =	ssyncset.done $0x0  }
0xad: {  	[sflag:s5] =	ssyncadd.s32 $0xFFFFE000  }
0xae: {  	[tilespmem:s29], [sflag:$0x2] =	stream.linear.gather [hbm4b:s19+s3], $0x2000, $0x38;
	[tilespmem:$0x10000] =	vst v63  }
0xaf: {  	_ = 	snop  }
0xb0: {  	[tilespmem:s30], [sflag:$0x2] =	stream.linear.gather [hbm4b:s20+s3], $0x2000, $0x38;
	[tilespmem:$0x10000] =	vst v63  }
0xb1: {  	_ =	swait.ge [sflag:s31], $0x2000  }
0xb2: {  	[sflag:s31] =	ssyncset.done $0x0  }
0xb3: {  	[sflag:s31] =	ssyncadd.s32 $0xFFFFE000  }
0xb4: {  	_ =	swait.ge [sflag:s31], $0x2000  }
0xb5: {  	[sflag:s31] =	ssyncset.done $0x0  }
0xb6: {  	s8 =	simm.s32 $0x2400;
	[sflag:s31] =	ssyncadd.s32 $0xFFFFE000  }
0xb7: {  	[spmem:s2] =	stream.indirect.scatter.add.f32 [tilespmem:s26], [sflag:$0x3], $0x10, s8, s0, $0xb8;
	[tilespmem:$0x10000] =	vst v63  }
0xb8: {  	s10 =	simm.s32 $0x4C00  }
0xb9: {  	[spmem:s2] =	stream.indirect.scatter.add.f32 [tilespmem:s28], [sflag:$0x3], $0x10, s10, s0, $0xb8;
	[tilespmem:$0x10000] =	vst v63  }
0xba: {  	_ =	swait.ge [sflag:s4], $0x2000  }
0xbb: {  	[sflag:s4] =	ssyncset.done $0x0  }
0xbc: {  	[sflag:s4] =	ssyncadd.s32 $0xFFFFE000  }
0xbd: {  	_ =	swait.ge [sflag:s4], $0x2000  }
0xbe: {  	[sflag:s4] =	ssyncset.done $0x0  }
0xbf: {  	s11 =	simm.s32 $0x2600;
	[sflag:s4] =	ssyncadd.s32 $0xFFFFE000  }
0xc0: {  	[spmem:s2] =	stream.indirect.scatter.add.f32 [tilespmem:s29], [sflag:$0x4], $0x10, s11, s0, $0xb8;
	[tilespmem:$0x10000] =	vst v63  }
0xc1: {  	s12 =	simm.s32 $0x4E00  }
0xc2: {  	[spmem:s2] =	stream.indirect.scatter.add.f32 [tilespmem:s30], [sflag:$0x4], $0x10, s12, s0, $0xb8;
	[tilespmem:$0x10000] =	vst v63  }
0xc3: {  	_ =	swait.ge [sflag:s1], $0x2000  }
0xc4: {  	[sflag:s1] =	ssyncset.done $0x0  }
0xc5: {  	[sflag:s1] =	ssyncadd.s32 $0xFFFFE000  }
0xc6: {  	_ =	swait.ge [sflag:s1], $0x2000  }
0xc7: {  	[sflag:s1] =	ssyncset.done $0x0  }
0xc8: {  	[sflag:s1] =	ssyncadd.s32 $0xFFFFE000  }
0xc9: {  	_ =	swait.ge [sflag:s5], $0x2000  }
0xca: {  	[sflag:s5] =	ssyncset.done $0x0  }
0xcb: {  	[sflag:s5] =	ssyncadd.s32 $0xFFFFE000  }
0xcc: {  	_ =	swait.ge [sflag:s5], $0x2000  }
0xcd: {  	s13 =	stileid.u32;
	[sflag:s5] =	ssyncset.done $0x0  }
0xce: {  	s9 =	sshrl.u32 s6, $0x3;
	s7 =	sadd.s32 $0x1, s7;
	[sflag:s5] =	ssyncadd.s32 $0xFFFFE000  }
0xcf: {  	p0 =	sne.s32 s7, s14;
	s8 =	sshll.u32 s13, $0x6;
	[bflag:$0x0] =	sbarrier.arrive $0xFFFF  }
.Ltmp2:
0xd0: {  	s8 =	sor.u32 $0x1C05, s8;
	s10 =	rddreg [dreg:$0xb];
	(pc) =	sbr.rel @p0 .LBB2_1-.Ltmp2, $4  }
0xd1: {  	[hbm:s10], [sflag:s8] =	dma.local [spmem:s9], $0x500  }
0xd2: {  	_ =	swait.ge [sflag:s23], $0x500  }
0xd3: {  	[sflag:s23] =	ssyncset.done $0x0  }
0xd4: {  	[sflag:s23] =	ssyncadd.s32 $0xFFFFFB00  }
0xd5: {  	_ =	sfence.sel $0x180000  }
0xd6: {  	[bflag:$0x0] =	sbarrier.arrive $0xFFFF  }
0xd7: {  	_ =	strace $0x90000056  }
0xd8: {  	s0 =	stileid.u32;
	[bflag:$0x2] =	sbarrier.arrive $0xFFFF  }
0xd9: {  	p0 =	sne.s32 s0, $0x0;
	s0 =	rddreg [dreg:$0x2]  }
0xda: {  	s0 =	sadd.s32 @!p0 $0x100000, s0  }
0xdb: {  	[sflag:s0] =	ssyncadd.tile.s32 @!p0 $0x1;
	_ =	shalt  }
.Lfunc_end2:
_tile_overlayer_lowered:
.L_overlay_start_2:
0xdc: {  	(tag) =	ssettag $0x2  }
0xdd: {  	s0 =	rddreg [dreg:$0x0];
	s2 =	stileid.u32  }
0xde: {  	s1 =	rddreg [dreg:$0x1];
	p0 =	sne.s32 s2, $0x0  }
0xdf: {  	s3 =	rddreg [dreg:$0x2];
	[bflag:$0x3] =	sbarrier.arrive $0xFFFF;
	s2 =	simm.s32 @!p0 $0x1C05  }
0xe0: {  	[timem:s3], [sflag:s2] =	dma.local @!p0 [hbm:s0], s1  }
0xe1: {  	s0 =	simm.s32 @!p0 $0x5  }
0xe2: {  	_ =	swait.ge @!p0 [sflag:s0], s1  }
0xe3: {  	s1 =	ssub.s32 @!p0 $0x0, s1;
	[sflag:s0] =	ssyncset.done @!p0 $0x0  }
0xe4: {  	[sflag:s0] =	ssyncadd.s32 @!p0 s1  }
0xe5: {  	[bflag:$0x3] =	sbarrier.arrive $0xFFFF  }
0xe6: {  	_ =	shalt  }

// kernel: kernel.7.cloned.1.call-start
scs
__scs_entry_jumppad:
0x0: {  	(pc) =	sbr.rel $0x88, $3  }
0x1: {  	(tag) =	ssettag $0x0;
	lr =	simm.s32 $0x1  }
0x2: {  	[smem:$0x3F93] =	sst lr;
	_ =	strace $0xD0000000  }
0x3: {  	_ = 	snop  }
0x4: {  	_ = 	snop  }
0x5: {  	_ = 	snop  }
0x6: {  	_ = 	snop  }
0x7: {  	_ = 	snop  }
__scs_overlays_trampoline_lowered:
0x8: {  	[smem:$0x3FA2] =	sst s0  }
0x9: {  	[smem:$0x3FA3] =	sst s1  }
0xa: {  	[smem:$0x3FA4] =	sst s2  }
0xb: {  	[smem:$0x3FA5] =	sst s3  }
0xc: {  	[smem:$0x3FA6] =	sst s4  }
0xd: {  	[smem:$0x3FA7] =	sst s5  }
0xe: {  	[smem:$0x3FA8] =	sst s6  }
0xf: {  	[smem:$0x3FA9] =	sst s7  }
0x10: {  	[smem:$0x3FAA] =	sst s8  }
0x11: {  	[smem:$0x3FAB] =	sst s9;
	s0 =	simm.s32 @!p0 $0x0  }
0x12: {  	s1 =	sld [smem:$0x3F91];
	s0 =	simm.s32 @p0 $0x1  }
0x13: {  	[smem:$0x3FAC] =	sst s0;
	s0 =	simm.s32 @!p1 $0x0  }
0x14: {  	s2 =	sld [smem:$0x3F90];
	s0 =	simm.s32 @p1 $0x1  }
0x15: {  	[smem:$0x3FAD] =	sst s0;
	s0 =	simm.s32 @!p2 $0x0  }
0x16: {  	s3 =	sld [smem:$0x3FDB];
	s0 =	simm.s32 @p2 $0x1  }
0x17: {  	s4 =	simm.s32 $0x1BF5;
	[smem:$0x3FAF] =	sst s0  }
0x18: {  	s0 =	sld [smem:$0x3F92];
	_ =	swait.ge [sflag:s4], $0x0  }
0x19: {  	s7 =	sld [smem:$0x3F93]  }
0x1a: {  	s8 =	sadd.s32 $0xFFFFE003, lr  }
0x1b: {  	s9 =	sadd.s32 $0xFFFFFEF7, lr;
	s5 =	simm.s32 $0xFFFFFFFF;
	p2 =	slt.u32 s8, $0xFFFFF086  }
0x1c: {  	p1 =	slt.u32 s9, $0xF7A;
	s5 =	simm.s32 @!p2 $0x0  }
0x1d: {  	s5 =	simm.s32 @p1 $0x1;
	p0 =	seq.s32 s7, s2  }
0x1e: {  	s7 =	smul.u32 @!p0 $0xF7A, s2;
	p2 =	seq.s32 @!p0 s5, $0x0  }
0x1f: {  	s9 =	smul.u32 $0xF7A, s1;
	s8 =	simm.s32 @!p0 $0x1BF5;
	p2 =	por !p2, p0  }
0x20: {  	[sflag:s8] =	ssyncset.s32 @!p0 $0xFFFFF086;
	s6 =	sadd.s32 @!p0 s3, s7;
	s7 =	simm.s32 @!p0 $0x108  }
0x21: {  	s3 =	sadd.s32 s3, s9;
	s6 =	sadd.s32 @!p0 $0x88, s6;
	s7 =	simm.s32 @p2 $0x1082  }
0x22: {  	[simem:s7], [sflag:s8] =	dma.local @!p0 [hbm:s6], $0xF7A  }
0x23: {  	s9 =	sor.u32 $0xD0000000, s2;
	s6 =	simm.s32 $0x108;
	_ =	swait.ge @!p0 [sflag:s8], $0x0  }
0x24: {  	s3 =	sadd.s32 $0x88, s3;
	s6 =	simm.s32 @!p1 $0x1082;
	[sflag:s4] =	ssyncset.s32 $0xFFFFF086  }
0x25: {  	[simem:s6], [sflag:s4] =	dma.local [hbm:s3], $0xF7A  }
0x26: {  	[smem:$0x3F93] =	sst s1;
	(tag) =	ssettag s2;
	_ =	strace s9  }
0x27: {  	s1 =	sld [smem:$0x3FA3]  }
0x28: {  	s2 =	sld [smem:$0x3FA4]  }
0x29: {  	s4 =	sld [smem:$0x3FA6]  }
0x2a: {  	p0 =	seq.s32 s5, $0x0;
	s5 =	sld [smem:$0x3FA7]  }
0x2b: {  	s6 =	sld [smem:$0x3FA8]  }
0x2c: {  	s7 =	sld [smem:$0x3FA9]  }
0x2d: {  	s3 =	simm.s32 $0x108;
	s8 =	sld [smem:$0x3FAA]  }
0x2e: {  	s3 =	simm.s32 @!p0 $0x1082;
	s9 =	sld [smem:$0x3FAB]  }
0x2f: {  	lr =	sadd.s32 s0, s3;
	s0 =	sld [smem:$0x3FA2]  }
0x30: {  	s3 =	sld [smem:$0x3FA5]  }
0x31: {  	[smem:$0x3FAE] =	sst s10  }
0x32: {  	s10 =	sld [smem:$0x3FAC];
	_ =	sdelay $0x3  }
0x33: {  	p0 =	seq.s32 s10, $0x1;
	s10 =	sld [smem:$0x3FAE];
	_ =	sdelay $0x3  }
0x34: {  	[smem:$0x3FAE] =	sst s10  }
0x35: {  	s10 =	sld [smem:$0x3FAD];
	_ =	sdelay $0x3  }
0x36: {  	p1 =	seq.s32 s10, $0x1;
	s10 =	sld [smem:$0x3FAE];
	_ =	sdelay $0x3  }
0x37: {  	[smem:$0x3FAE] =	sst s10  }
0x38: {  	s10 =	sld [smem:$0x3FAF]  }
0x39: {  	_ = 	snop;
	(pc) =	sbr.ind lr, $3  }
0x3a: {  	_ = 	snop  }
0x3b: {  	_ = 	snop  }
0x3c: {  	p2 =	seq.s32 s10, $0x1;
	s10 =	sld [smem:$0x3FAE]  }
0x3d: {  	_ =	shalt  }
0x3e: {  	_ =	shalt  }
0x3f: {  	_ =	shalt  }
0x40: {  	_ =	shalt  }
0x41: {  	_ =	shalt  }
0x42: {  	_ =	shalt  }
0x43: {  	_ =	shalt  }
0x44: {  	_ =	shalt  }
0x45: {  	_ =	shalt  }
0x46: {  	_ =	shalt  }
0x47: {  	_ =	shalt  }
0x48: {  	_ =	shalt  }
0x49: {  	_ =	shalt  }
0x4a: {  	_ =	shalt  }
0x4b: {  	_ =	shalt  }
0x4c: {  	_ =	shalt  }
0x4d: {  	_ =	shalt  }
0x4e: {  	_ =	shalt  }
0x4f: {  	_ =	shalt  }
0x50: {  	_ =	shalt  }
0x51: {  	_ =	shalt  }
0x52: {  	_ =	shalt  }
0x53: {  	_ =	shalt  }
0x54: {  	_ =	shalt  }
0x55: {  	_ =	shalt  }
0x56: {  	_ =	shalt  }
0x57: {  	_ =	shalt  }
0x58: {  	_ =	shalt  }
0x59: {  	_ =	shalt  }
0x5a: {  	_ =	shalt  }
0x5b: {  	_ =	shalt  }
0x5c: {  	_ =	shalt  }
0x5d: {  	_ =	shalt  }
0x5e: {  	_ =	shalt  }
0x5f: {  	_ =	shalt  }
0x60: {  	_ =	shalt  }
0x61: {  	_ =	shalt  }
0x62: {  	_ =	shalt  }
0x63: {  	_ =	shalt  }
0x64: {  	_ =	shalt  }
0x65: {  	_ =	shalt  }
0x66: {  	_ =	shalt  }
0x67: {  	_ =	shalt  }
0x68: {  	_ =	shalt  }
0x69: {  	_ =	shalt  }
0x6a: {  	_ =	shalt  }
0x6b: {  	_ =	shalt  }
0x6c: {  	_ =	shalt  }
0x6d: {  	_ =	shalt  }
0x6e: {  	_ =	shalt  }
0x6f: {  	_ =	shalt  }
0x70: {  	_ =	shalt  }
0x71: {  	_ =	shalt  }
0x72: {  	_ =	shalt  }
0x73: {  	_ =	shalt  }
0x74: {  	_ =	shalt  }
0x75: {  	_ =	shalt  }
0x76: {  	_ =	shalt  }
0x77: {  	_ =	shalt  }
0x78: {  	_ =	shalt  }
0x79: {  	_ =	shalt  }
0x7a: {  	_ =	shalt  }
0x7b: {  	_ =	shalt  }
0x7c: {  	_ =	shalt  }
0x7d: {  	_ =	shalt  }
0x7e: {  	_ =	shalt  }
0x7f: {  	_ =	shalt  }
0x80: {  	_ =	shalt  }
0x81: {  	_ =	shalt  }
0x82: {  	_ =	shalt  }
0x83: {  	_ =	shalt  }
0x84: {  	_ =	shalt  }
0x85: {  	_ =	shalt  }
0x86: {  	_ =	shalt  }
0x87: {  	_ =	shalt  }
.Lfunc_end0:
.L_simem_size_0:
called_computation.4_lowered:
.L_overlay_start_0:
0x88: {  	s2 =	sld [smem:$0x3FD9]  }
0x89: {  	s3 =	sld [smem:$0x3FFE];
	_ =	sdelay $0x1  }
0x8a: {  	s1 =	srdreg.scid  }
0x8b: {  	s0 =	sand.u32 $0x1, s1  }
0x8c: {  	s17 =	sshll.u32 s0, $0xA;
	s2 =	sadd.s32 s3, s2  }
0x8d: {  	s2 =	sadd.s32 s2, s17  }
0x8e: {  	[smem:$0x3FBA] =	sst s2  }
0x8f: {  	_ = 	snop  }
0x90: {  	(tm) =	ssettm $0x1  }
0x91: {  	s18 =	sld [smem:$0x3FFB];
	_ =	sdelay $0x3  }
0x92: {  	_ =	strace s18  }
0x93: {  	s2 =	sld [smem:$0x3FFC];
	_ =	sdelay $0x3  }
0x94: {  	_ =	strace s2  }
0x95: {  	s2 =	sld [smem:$0x3FFD];
	_ =	sdelay $0x3  }
0x96: {  	_ =	strace s2  }
0x97: {  	_ =	strace $0x8FFFFFFF  }
0x98: {  	s19 =	sld [smem:$0x3FDB];
	_ =	sdelay $0x1  }
0x99: {  	s20 =	simm.s32 $_scs_section_size  }
0x9a: {  	s4 =	simm.s32 $_size__tile_overlayer_lowered;
	s5 =	simm.s32 $_tile_overlayer_lowered  }
0x9b: {  	s6 =	simm.s32 $0x1BFF;
	s21 =	sshll.u32 s5, $0x1;
	s3 =	sadd.s32 s20, s19  }
0x9c: {  	s22 =	simm.s32 $0x0;
	s4 =	sshll.u32 s4, $0x1;
	s5 =	sadd.s32 s21, s3  }
0x9d: {  	[timem:s22], [sflag:s6] =	dma.local [hbm:s5], s4  }
0x9e: {  	_ =	swait.ge [sflag:s6], s4  }
0x9f: {  	s4 =	ssub.s32 $0x0, s4;
	[sflag:s6] =	ssyncset.done $0x0  }
0xa0: {  	[sflag:s6] =	ssyncadd.s32 s4;
	_ =	sdelay $0x1  }
0xa1: {  	s23 =	simm.s32 $0x1B8B  }
0xa2: {  	_ =	swait.ge [sflag:s23], $0x1  }
0xa3: {  	[sflag:s23] =	ssyncset.done $0x0  }
0xa4: {  	[sflag:s23] =	ssyncadd.s32 $0xFFFFFFFF  }
0xa5: {  	s4 =	sld [smem:$0x0]  }
0xa6: {  	s5 =	sand.u32 $0xFFFFFFFE, s1  }
0xa7: {  	p0 =	sne.s32 s1, s5  }
0xa8: {  	s5 =	sshll.u32 @p0 s5, $0xE  }
0xa9: {  	s5 =	sadd.s32 @p0 $0x11B8D, s5;
	s6 =	sshll.u32 @p0 s4, $0x11  }
0xaa: {  	s5 =	sor.u32 @p0 s6, s5  }
0xab: {  	[sflag:s5] =	ssyncadd.remote.s32 @p0 $0x1;
	_ =	sdelay $0x1  }
0xac: {  	s5 =	simm.s32 @p0 $0x1B8D  }
0xad: {  	_ =	swait.eq @p0 [sflag:s5], $0x1  }
0xae: {  	[sflag:s5] =	ssyncadd.s32 @p0 $0xFFFFFFFF  }
0xaf: {  	s6 =	sshll.u32 @!p0 s1, $0xE  }
0xb0: {  	s6 =	sor.u32 @!p0 $0x4000, s6;
	s5 =	simm.s32 @!p0 $0x1B8D  }
0xb1: {  	s4 =	sshll.u32 @!p0 s4, $0x11;
	s6 =	sadd.s32 @!p0 $0x11B8D, s6;
	_ =	swait.eq @!p0 [sflag:s5], $0x1  }
0xb2: {  	s4 =	sor.u32 @!p0 s4, s6;
	[sflag:s5] =	ssyncadd.s32 @!p0 $0xFFFFFFFF  }
0xb3: {  	s25 =	simm.s32 $0x1B8E;
	s24 =	sld [smem:$0x3FFE];
	[sflag:s4] =	ssyncadd.remote.s32 @!p0 $0x1  }
0xb4: {  	s26 =	simm.s32 $execute0_lowered;
	[smem:$0x3FD2] =	sst s25  }
0xb5: {  	s5 =	sshll.u32 s26, $0x1;
	_ =	strace $0x80000052;
	[dreg:$0x1] =	wrdreg $0xFFFFFFFF  }
0xb6: {  	s28 =	simm.s32 $_size_execute0_lowered;
	s3 =	sadd.s32 s3, s5;
	[dreg:$0x0] =	wrdreg $0x0  }
0xb7: {  	s5 =	sshll.u32 s28, $0x1;
	[dreg:$0x2] =	wrdreg s3  }
0xb8: {  	[dreg:$0x3] =	wrdreg s5  }
0xb9: {  	[dreg:$0x4] =	wrdreg $0xC0  }
0xba: {  	_ =	task [dreg:s22], $0x5FFFF  }
0xbb: {  	[dreg:$0x1] =	wrdreg $0xFFFFFFFF  }
0xbc: {  	[dreg:$0x0] =	wrdreg $0x60  }
0xbd: {  	[dreg:$0x2] =	wrdreg s24  }
0xbe: {  	[dreg:$0x3] =	wrdreg $0xB  }
0xbf: {  	_ =	task.clear_ibuf [dreg:s22], $0x4FFFF;
	_ =	strace $0x90000052  }
0xc0: {  	s29 =	simm.s32 $0xB;
	_ =	strace $0x80000054  }
0xc1: {  	_ =	swait.ge [sflag:s29], $0x1  }
0xc2: {  	[sflag:s29] =	ssyncadd.s32 $0xFFFFFFFF  }
0xc3: {  	_ =	strace $0x90000054  }
0xc4: {  	_ =	sfence  }
0xc5: {  	s30 =	sld [smem:$0x0];
	_ =	sdelay $0x2  }
0xc6: {  	s31 =	sshll.u32 s1, $0xD;
	s1 =	sshrl.u32 s1, $0x2  }
0xc7: {  	s4 =	sand.u32 $0x4000, s31;
	s1 =	sadd.s32 s1, s30  }
0xc8: {  	s0 =	sor.u32 s4, s0;
	s1 =	sshll.u32 s1, $0x11  }
0xc9: {  	s0 =	sor.u32 s1, s0  }
0xca: {  	s0 =	sadd.s32 $0x8F2B, s0  }
0xcb: {  	[sflag:s0] =	ssyncadd.remote.s32 $0x1  }
0xcc: {  	_ =	sfence.sel $0xFFFF  }
0xcd: {  	[dreg:$0x0] =	wrdreg $0xFFFFFFFF;
	(pc) =	sbr.abs _section_cstart, $3  }
0xce: {  	[dreg:$0x1] =	wrdreg $0xFFFFFFFF  }
0xcf: {  	_ =	task.clear_ibuf [dreg:s22], $0x2FFFF;
	_ =	strace $0x9FFFFFFF  }
0xd0: {  	(tm) =	ssettm $0x7FFFFFFF  }
0xd1: {  	_ =	shalt  }
tec
execute0_lowered:
.L_overlay_start_1:
0x0: {  	(tag) =	ssettag $0x1  }
0x1: {  	s0 =	srdreg.scid;
	s5 =	rddreg [dreg:$0x0]  }
0x2: {  	s1 =	stileid.u32;
	s2 =	simm.s32 $0x0;
	s26 =	simm.s32 $0x6000  }
0x3: {  	s28 =	simm.s32 $0xA000;
	s29 =	simm.s32 $0x7000;
	s30 =	simm.s32 $0xB000  }
0x4: {  	s31 =	simm.s32 $0x8000;
	s12 =	simm.s32 $0xC000;
	[smem:$0x7FF] =	sst s2  }
0x5: {  	s13 =	simm.s32 $0xE000;
	_ =	strace $0x80000053;
	[dreg:$0x6] =	wrdreg s26  }
0x6: {  	s14 =	simm.s32 $0x12000;
	s15 =	simm.s32 $0xF000;
	[dreg:$0x7] =	wrdreg s28  }
0x7: {  	s16 =	simm.s32 $0x13000;
	s17 =	simm.s32 $0x10000;
	[dreg:$0x8] =	wrdreg s29  }
0x8: {  	s19 =	simm.s32 $0x14000;
	s18 =	simm.s32 $0x2;
	[dreg:$0x9] =	wrdreg s30  }
0x9: {  	s20 =	simm.s32 $0x4;
	s4 =	smul.u32 $0x2800, s1;
	[dreg:$0xa] =	wrdreg s31  }
0xa: {  	s6 =	sand.u32 $0x1, s0;
	s10 =	smul.u32 $0x50000, s1;
	[dreg:$0xb] =	wrdreg s12  }
0xb: {  	s21 =	simm.s32 $0x0;
	s3 =	smul.u32 $0x28000, s6;
	[dreg:$0xc] =	wrdreg s13  }
0xc: {  	s11 =	sadd.s32 $0x9C800, s5;
	s8 =	smul.u32 $0x500000, s6;
	[dreg:$0xd] =	wrdreg s14  }
0xd: {  	s6 =	ssub.s32 $0x2, s6;
	s12 =	simm.s32 $0x9000;
	[dreg:$0xe] =	wrdreg s15  }
0xe: {  	s13 =	simm.s32 $0xD000;
	s14 =	simm.s32 $0x11000;
	[dreg:$0xf] =	wrdreg s16  }
0xf: {  	s15 =	simm.s32 $0x1;
	s16 =	simm.s32 $0x20;
	[dreg:$0x10] =	wrdreg s17  }
0x10: {  	s17 =	simm.s32 $0x80;
	[dreg:$0x11] =	wrdreg s19;
	s19 =	simm.s32 $0x3  }
0x11: {  	s23 =	sshrl.u32 s6, $0x1;
	s7 =	sadd.s32 s4, s3;
	s3 =	sadd.s32 $0x5C400, s5  }
0x12: {  	s4 =	sadd.s32 $0x88E00, s5;
	s8 =	sadd.s32 s10, s8;
	s10 =	ssub.s32 s6, s23  }
0x13: {  	s9 =	sshrl.u32 s7, $0x3;
	s7 =	sshll.u32 s7, $0x2;
	s8 =	sor.u32 $0x4000, s8  }
0x14: {  	s9 =	sadd.s32 s9, s5;
	s5 =	sadd.s32 $0x1DC800, s5;
	s22 =	sadd.s32 s7, s11  }
0x15: {  	s8 =	sshrl.u32 s8, $0x3;
	[dreg:$0x2] =	wrdreg s22;
	s7 =	sadd.s32 s7, s5  }
0x16: {  	s24 =	sadd.s32 s8, s11;
	s25 =	sadd.s32 s8, s5;
	s5 =	sadd.s32 $0x6FE00, s9  }
0x17: {  	s6 =	sadd.s32 $0xE200, s9;
	s8 =	simm.s32 $0x5;
	[dreg:$0x3] =	wrdreg s7  }
0x18: {  	s9 =	simm.s32 $0x2800;
	s11 =	simm.s32 $0x5000;
	[dreg:$0x4] =	wrdreg s24  }
0x19: {  	[dreg:$0x5] =	wrdreg s25;
	s7 =	smax.u32 s10, $0x1;
	s10 =	simm.s32 $0x200  }
.LBB2_1:
0x1a: {  	[tilespmem:s2], [sflag:$0x5] =	stream.linear.gather [hbm4b:s5+s2], $0x2800, $0x38;
	[tilespmem:$0x15000] =	vst v63  }
0x1b: {  	_ =	swait.ge [sflag:s8], $0x2800  }
0x1c: {  	[sflag:s8] =	ssyncset.done $0x0  }
0x1d: {  	[sflag:s8] =	ssyncadd.s32 $0xFFFFD800  }
0x1e: {  	[tilespmem:s9], [sflag:$0x5] =	stream.linear.gather [hbm4b:s6+s2], $0x2800, $0x38;
	[tilespmem:$0x15000] =	vst v63  }
0x1f: {  	_ =	swait.ge [sflag:s8], $0x2800  }
0x20: {  	p0 =	por $0x1, $0x1;
	[sflag:s8] =	ssyncset.done $0x0  }
0x21: {  	p0 =	por p0, p0;
	[sflag:s8] =	ssyncadd.s32 $0xFFFFD800  }
0x22: {  	[tilespmem:s11], [sflag:$0x1] =	stream.indirect.gather [hbm4b:s3+s10], $0x20, s2, s10, $0xb8;
	[tilespmem:$0x15000] =	vst v63  }
0x23: {  	s22 =	simm.s32 @!p0 $0x4  }
0x24: {  	[tilespmem:s12], [sflag:$0x1] =	stream.indirect.gather [hbm4b:s4+s10], $0x20, s9, s10, $0xb8;
	[tilespmem:$0x15000] =	vst v63  }
0x25: {  	_ =	swait.ge @!p0 [sflag:s22], $0x1000  }
0x26: {  	[sflag:s22] =	ssyncset.done @!p0 $0x0  }
0x27: {  	[sflag:s22] =	ssyncadd.s32 @!p0 $0xFFFFF000  }
0x28: {  	_ =	swait.ge @!p0 [sflag:s22], $0x1000  }
0x29: {  	[sflag:s22] =	ssyncset.done @!p0 $0x0  }
0x2a: {  	[sflag:s22] =	ssyncadd.s32 @!p0 $0xFFFFF000  }
0x2b: {  	_ =	swait.ge @!p0 [sflag:s22], $0x1000  }
0x2c: {  	[sflag:s22] =	ssyncset.done @!p0 $0x0  }
0x2d: {  	[sflag:s22] =	ssyncadd.s32 @!p0 $0xFFFFF000  }
0x2e: {  	_ =	swait.ge @!p0 [sflag:s22], $0x1000  }
0x2f: {  	[sflag:s22] =	ssyncset.done @!p0 $0x0  }
0x30: {  	[sflag:s22] =	ssyncadd.s32 @!p0 $0xFFFFF000  }
0x31: {  	_ =	swait.ge @!p0 [sflag:s22], $0x1000  }
0x32: {  	[sflag:s22] =	ssyncset.done @!p0 $0x0  }
0x33: {  	[sflag:s22] =	ssyncadd.s32 @!p0 $0xFFFFF000  }
0x34: {  	_ =	swait.ge @!p0 [sflag:s22], $0x1000  }
0x35: {  	[sflag:s22] =	ssyncset.done @!p0 $0x0  }
0x36: {  	[sflag:s22] =	ssyncadd.s32 @!p0 $0xFFFFF000  }
0x37: {  	_ =	swait.ge @!p0 [sflag:s22], $0x1000  }
0x38: {  	[sflag:s22] =	ssyncset.done @!p0 $0x0  }
0x39: {  	[sflag:s22] =	ssyncadd.s32 @!p0 $0xFFFFF000  }
0x3a: {  	_ =	swait.ge @!p0 [sflag:s22], $0x1000  }
0x3b: {  	[sflag:s22] =	ssyncset.done @!p0 $0x0  }
0x3c: {  	s28 =	simm.s32 $0x200;
	[sflag:s22] =	ssyncadd.s32 @!p0 $0xFFFFF000  }
0x3d: {  	[tilespmem:s13], [sflag:$0x2] =	stream.indirect.gather [hbm4b:s3+s10], $0x20, s28, s10, $0xb8;
	[tilespmem:$0x15000] =	vst v63  }
0x3e: {  	s29 =	simm.s32 $0x2A00  }
0x3f: {  	[tilespmem:s14], [sflag:$0x2] =	stream.indirect.gather [hbm4b:s4+s10], $0x20, s29, s10, $0xb8;
	[tilespmem:$0x15000] =	vst v63  }
0x40: {  	_ =	swait.ge [sflag:s15], $0x4000  }
0x41: {  	[sflag:s15] =	ssyncset.done $0x0  }
0x42: {  	[sflag:s15] =	ssyncadd.s32 $0xFFFFC000  }
0x43: {  	_ =	swait.ge [sflag:s15], $0x4000  }
0x44: {  	s30 =	rddreg [dreg:$0x2];
	[sflag:s15] =	ssyncset.done $0x0  }
0x45: {  	s23 =	rddreg [dreg:$0x3];
	[sflag:s15] =	ssyncadd.s32 $0xFFFFC000;
	s22 =	sadd.s32 $0x0, s30  }
0x46: {  	[hbm4b:s22+s16] =	stream.strided.scatter [tilespmem:s11], [sflag:$0x3], $0x1000, s17, s16, $0x38;
	[tilespmem:$0x15000] =	vst v63  }
0x47: {  	s23 =	sadd.s32 $0x0, s23  }
0x48: {  	[hbm4b:s23+s16] =	stream.strided.scatter [tilespmem:s12], [sflag:$0x3], $0x1000, s17, s16, $0x38;
	[tilespmem:$0x15000] =	vst v63  }
0x49: {  	s24 =	rddreg [dreg:$0x6];
	s25 =	sadd.s32 $0x4, s22  }
0x4a: {  	[hbm4b:s25+s16] =	stream.strided.scatter [tilespmem:s24], [sflag:$0x3], $0x1000, s17, s16, $0x38;
	[tilespmem:$0x15000] =	vst v63  }
0x4b: {  	s26 =	rddreg [dreg:$0x7];
	s31 =	sadd.s32 $0x4, s23  }
0x4c: {  	[hbm4b:s31+s16] =	stream.strided.scatter [tilespmem:s26], [sflag:$0x3], $0x1000, s17, s16, $0x38;
	[tilespmem:$0x15000] =	vst v63  }
0x4d: {  	s0 =	rddreg [dreg:$0x8];
	s28 =	sadd.s32 $0x8, s22  }
0x4e: {  	[hbm4b:s28+s16] =	stream.strided.scatter [tilespmem:s0], [sflag:$0x3], $0x1000, s17, s16, $0x38;
	[tilespmem:$0x15000] =	vst v63  }
0x4f: {  	s29 =	rddreg [dreg:$0x9];
	s30 =	sadd.s32 $0x8, s23  }
0x50: {  	[hbm4b:s30+s16] =	stream.strided.scatter [tilespmem:s29], [sflag:$0x3], $0x1000, s17, s16, $0x38;
	[tilespmem:$0x15000] =	vst v63  }
0x51: {  	p0 =	por $0x0, $0x0;
	s22 =	sadd.s32 $0xC, s22;
	s31 =	rddreg [dreg:$0xa]  }
0x52: {  	[hbm4b:s22+s16] =	stream.strided.scatter [tilespmem:s31], [sflag:$0x3], $0x1000, s17, s16, $0x38;
	[tilespmem:$0x15000] =	vst v63  }
0x53: {  	s23 =	sadd.s32 $0xC, s23;
	s0 =	rddreg [dreg:$0xb];
	s22 =	simm.s32 @!p0 $0x3  }
0x54: {  	[hbm4b:s23+s16] =	stream.strided.scatter [tilespmem:s0], [sflag:$0x3], $0x1000, s17, s16, $0x38;
	[tilespmem:$0x15000] =	vst v63  }
0x55: {  	_ =	swait.ge @!p0 [sflag:s22], $0x1000  }
0x56: {  	[sflag:s22] =	ssyncset.done @!p0 $0x0  }
0x57: {  	[sflag:s22] =	ssyncadd.s32 @!p0 $0xFFFFF000  }
0x58: {  	_ =	swait.ge @!p0 [sflag:s22], $0x1000  }
0x59: {  	[sflag:s22] =	ssyncset.done @!p0 $0x0  }
0x5a: {  	[sflag:s22] =	ssyncadd.s32 @!p0 $0xFFFFF000  }
0x5b: {  	_ =	swait.ge @!p0 [sflag:s22], $0x1000  }
0x5c: {  	[sflag:s22] =	ssyncset.done @!p0 $0x0  }
0x5d: {  	[sflag:s22] =	ssyncadd.s32 @!p0 $0xFFFFF000  }
0x5e: {  	_ =	swait.ge @!p0 [sflag:s22], $0x1000  }
0x5f: {  	[sflag:s22] =	ssyncset.done @!p0 $0x0  }
0x60: {  	[sflag:s22] =	ssyncadd.s32 @!p0 $0xFFFFF000  }
0x61: {  	_ =	swait.ge @!p0 [sflag:s22], $0x1000  }
0x62: {  	[sflag:s22] =	ssyncset.done @!p0 $0x0  }
0x63: {  	[sflag:s22] =	ssyncadd.s32 @!p0 $0xFFFFF000  }
0x64: {  	_ =	swait.ge @!p0 [sflag:s22], $0x1000  }
0x65: {  	[sflag:s22] =	ssyncset.done @!p0 $0x0  }
0x66: {  	[sflag:s22] =	ssyncadd.s32 @!p0 $0xFFFFF000  }
0x67: {  	_ =	swait.ge @!p0 [sflag:s22], $0x1000  }
0x68: {  	[sflag:s22] =	ssyncset.done @!p0 $0x0  }
0x69: {  	[sflag:s22] =	ssyncadd.s32 @!p0 $0xFFFFF000  }
0x6a: {  	_ =	swait.ge @!p0 [sflag:s22], $0x1000  }
0x6b: {  	s24 =	simm.s32 @!p0 $0x200;
	[sflag:s22] =	ssyncset.done @!p0 $0x0  }
0x6c: {  	s25 =	simm.s32 @!p0 $0x5000;
	s23 =	simm.s32 @!p0 $0x400;
	[sflag:s22] =	ssyncadd.s32 @!p0 $0xFFFFF000  }
0x6d: {  	[tilespmem:s25], [sflag:$0x1] =	stream.indirect.gather @!p0 [hbm4b:s3+s24], $0x20, s23, s24, $0xb8;
	[tilespmem:$0x15000] =	vst v63  }
0x6e: {  	s22 =	simm.s32 @!p0 $0x2C00;
	s23 =	simm.s32 @!p0 $0x9000  }
0x6f: {  	[tilespmem:s23], [sflag:$0x1] =	stream.indirect.gather @!p0 [hbm4b:s4+s24], $0x20, s22, s24, $0xb8;
	[tilespmem:$0x15000] =	vst v63  }
0x70: {  	_ =	swait.ge [sflag:s18], $0x4000  }
0x71: {  	[sflag:s18] =	ssyncset.done $0x0  }
0x72: {  	[sflag:s18] =	ssyncadd.s32 $0xFFFFC000  }
0x73: {  	_ =	swait.ge [sflag:s18], $0x4000  }
0x74: {  	s25 =	rddreg [dreg:$0x4];
	[sflag:s18] =	ssyncset.done $0x0  }
0x75: {  	s26 =	rddreg [dreg:$0x5];
	[sflag:s18] =	ssyncadd.s32 $0xFFFFC000;
	s22 =	sadd.s32 $0x0, s25  }
0x76: {  	[hbm4b:s22+s16] =	stream.strided.scatter [tilespmem:s13], [sflag:$0x4], $0x1000, s17, s16, $0x38;
	[tilespmem:$0x15000] =	vst v63  }
0x77: {  	s26 =	sadd.s32 $0x0, s26  }
0x78: {  	[hbm4b:s26+s16] =	stream.strided.scatter [tilespmem:s14], [sflag:$0x4], $0x1000, s17, s16, $0x38;
	[tilespmem:$0x15000] =	vst v63  }
0x79: {  	s28 =	rddreg [dreg:$0xc];
	s29 =	sadd.s32 $0x4, s22  }
0x7a: {  	[hbm4b:s29+s16] =	stream.strided.scatter [tilespmem:s28], [sflag:$0x4], $0x1000, s17, s16, $0x38;
	[tilespmem:$0x15000] =	vst v63  }
0x7b: {  	s30 =	rddreg [dreg:$0xd];
	s31 =	sadd.s32 $0x4, s26  }
0x7c: {  	[hbm4b:s31+s16] =	stream.strided.scatter [tilespmem:s30], [sflag:$0x4], $0x1000, s17, s16, $0x38;
	[tilespmem:$0x15000] =	vst v63  }
0x7d: {  	p6 =	por $0x0, $0x0;
	s0 =	rddreg [dreg:$0xe];
	s28 =	sadd.s32 $0x8, s22  }
0x7e: {  	[hbm4b:s28+s16] =	stream.strided.scatter [tilespmem:s0], [sflag:$0x4], $0x1000, s17, s16, $0x38;
	[tilespmem:$0x15000] =	vst v63  }
0x7f: {  	s23 =	simm.s32 $0x2000;
	s29 =	rddreg [dreg:$0xf];
	s30 =	sadd.s32 $0x8, s26  }
0x80: {  	[hbm4b:s30+s16] =	stream.strided.scatter [tilespmem:s29], [sflag:$0x4], $0x1000, s17, s16, $0x38;
	[tilespmem:$0x15000] =	vst v63  }
0x81: {  	p0 =	por p6, p6;
	s22 =	sadd.s32 $0xC, s22;
	s31 =	rddreg [dreg:$0x10]  }
0x82: {  	[hbm4b:s22+s16] =	stream.strided.scatter [tilespmem:s31], [sflag:$0x4], $0x1000, s17, s16, $0x38;
	[tilespmem:$0x15000] =	vst v63  }
0x83: {  	s25 =	rddreg [dreg:$0x11];
	s26 =	sadd.s32 $0xC, s26;
	s22 =	simm.s32 $0x1000  }
.LBB2_2:
0x84: {  	s28 =	simm.s32 @!p0 $0x4  }
0x85: {  	[hbm4b:s26+s16] =	stream.strided.scatter [tilespmem:s25], [sflag:$0x4], $0x1000, s17, s16, $0x38;
	[tilespmem:$0x15000] =	vst v63  }
0x86: {  	_ =	swait.ge @!p0 [sflag:s28], $0x1000  }
0x87: {  	[sflag:s28] =	ssyncset.done @!p0 $0x0  }
0x88: {  	[sflag:s28] =	ssyncadd.s32 @!p0 $0xFFFFF000  }
0x89: {  	_ =	swait.ge @!p0 [sflag:s28], $0x1000  }
0x8a: {  	[sflag:s28] =	ssyncset.done @!p0 $0x0  }
0x8b: {  	[sflag:s28] =	ssyncadd.s32 @!p0 $0xFFFFF000  }
0x8c: {  	_ =	swait.ge @!p0 [sflag:s28], $0x1000  }
0x8d: {  	[sflag:s28] =	ssyncset.done @!p0 $0x0  }
0x8e: {  	[sflag:s28] =	ssyncadd.s32 @!p0 $0xFFFFF000  }
0x8f: {  	_ =	swait.ge @!p0 [sflag:s28], $0x1000  }
0x90: {  	[sflag:s28] =	ssyncset.done @!p0 $0x0  }
0x91: {  	[sflag:s28] =	ssyncadd.s32 @!p0 $0xFFFFF000  }
0x92: {  	_ =	swait.ge @!p0 [sflag:s28], $0x1000  }
0x93: {  	[sflag:s28] =	ssyncset.done @!p0 $0x0  }
0x94: {  	[sflag:s28] =	ssyncadd.s32 @!p0 $0xFFFFF000  }
0x95: {  	_ =	swait.ge @!p0 [sflag:s28], $0x1000  }
0x96: {  	[sflag:s28] =	ssyncset.done @!p0 $0x0  }
0x97: {  	[sflag:s28] =	ssyncadd.s32 @!p0 $0xFFFFF000  }
0x98: {  	_ =	swait.ge @!p0 [sflag:s28], $0x1000  }
0x99: {  	[sflag:s28] =	ssyncset.done @!p0 $0x0  }
0x9a: {  	[sflag:s28] =	ssyncadd.s32 @!p0 $0xFFFFF000  }
0x9b: {  	_ =	swait.ge @!p0 [sflag:s28], $0x1000  }
0x9c: {  	s0 =	sshra.s32 s22, $0x2;
	[sflag:s28] =	ssyncset.done @!p0 $0x0  }
0x9d: {  	s29 =	sadd.s32 $0x200, s0;
	[sflag:s28] =	ssyncadd.s32 @!p0 $0xFFFFF000  }
0x9e: {  	[tilespmem:s13], [sflag:$0x2] =	stream.indirect.gather [hbm4b:s3+s10], $0x20, s29, s10, $0xb8;
	[tilespmem:$0x15000] =	vst v63  }
0x9f: {  	s25 =	sadd.s32 $0x2A00, s0  }
0xa0: {  	[tilespmem:s14], [sflag:$0x2] =	stream.indirect.gather [hbm4b:s4+s10], $0x20, s25, s10, $0xb8;
	[tilespmem:$0x15000] =	vst v63  }
0xa1: {  	_ =	swait.ge [sflag:s15], $0x4000  }
0xa2: {  	[sflag:s15] =	ssyncset.done $0x0  }
0xa3: {  	[sflag:s15] =	ssyncadd.s32 $0xFFFFC000  }
0xa4: {  	_ =	swait.ge [sflag:s15], $0x4000  }
0xa5: {  	s30 =	rddreg [dreg:$0x2];
	[sflag:s15] =	ssyncset.done $0x0  }
0xa6: {  	s31 =	rddreg [dreg:$0x3];
	[sflag:s15] =	ssyncadd.s32 $0xFFFFC000;
	s25 =	sadd.s32 s22, s30  }
0xa7: {  	[hbm4b:s25+s16] =	stream.strided.scatter [tilespmem:s11], [sflag:$0x3], $0x1000, s17, s16, $0x38;
	[tilespmem:$0x15000] =	vst v63  }
0xa8: {  	s26 =	sadd.s32 s22, s31  }
0xa9: {  	[hbm4b:s26+s16] =	stream.strided.scatter [tilespmem:s12], [sflag:$0x3], $0x1000, s17, s16, $0x38;
	[tilespmem:$0x15000] =	vst v63  }
0xaa: {  	s0 =	rddreg [dreg:$0x6];
	s29 =	sadd.s32 $0x4, s25  }
0xab: {  	[hbm4b:s29+s16] =	stream.strided.scatter [tilespmem:s0], [sflag:$0x3], $0x1000, s17, s16, $0x38;
	[tilespmem:$0x15000] =	vst v63  }
0xac: {  	s30 =	rddreg [dreg:$0x7];
	s31 =	sadd.s32 $0x4, s26  }
0xad: {  	[hbm4b:s31+s16] =	stream.strided.scatter [tilespmem:s30], [sflag:$0x3], $0x1000, s17, s16, $0x38;
	[tilespmem:$0x15000] =	vst v63  }
0xae: {  	p2 =	seq.s32 s23, $0x0;
	s0 =	rddreg [dreg:$0x8];
	s31 =	sadd.s32 $0x8, s25  }
0xaf: {  	[hbm4b:s31+s16] =	stream.strided.scatter [tilespmem:s0], [sflag:$0x3], $0x1000, s17, s16, $0x38;
	[tilespmem:$0x15000] =	vst v63  }
0xb0: {  	p0 =	por p2, p2;
	s30 =	rddreg [dreg:$0x9];
	s0 =	sadd.s32 $0x8, s26  }
0xb1: {  	[hbm4b:s0+s16] =	stream.strided.scatter [tilespmem:s30], [sflag:$0x3], $0x1000, s17, s16, $0x38;
	[tilespmem:$0x15000] =	vst v63  }
0xb2: {  	p2 =	seq.s32 s22, $0x9000;
	s25 =	sadd.s32 $0xC, s25;
	s31 =	rddreg [dreg:$0xa]  }
0xb3: {  	[hbm4b:s25+s16] =	stream.strided.scatter [tilespmem:s31], [sflag:$0x3], $0x1000, s17, s16, $0x38;
	[tilespmem:$0x15000] =	vst v63  }
0xb4: {  	s26 =	sadd.s32 $0xC, s26;
	s0 =	rddreg [dreg:$0xb];
	s25 =	simm.s32 @!p2 $0x3  }
0xb5: {  	[hbm4b:s26+s16] =	stream.strided.scatter [tilespmem:s0], [sflag:$0x3], $0x1000, s17, s16, $0x38;
	[tilespmem:$0x15000] =	vst v63  }
0xb6: {  	_ =	swait.ge @!p2 [sflag:s25], $0x1000  }
0xb7: {  	[sflag:s25] =	ssyncset.done @!p2 $0x0  }
0xb8: {  	[sflag:s25] =	ssyncadd.s32 @!p2 $0xFFFFF000  }
0xb9: {  	_ =	swait.ge @!p2 [sflag:s25], $0x1000  }
0xba: {  	[sflag:s25] =	ssyncset.done @!p2 $0x0  }
0xbb: {  	[sflag:s25] =	ssyncadd.s32 @!p2 $0xFFFFF000  }
0xbc: {  	_ =	swait.ge @!p2 [sflag:s25], $0x1000  }
0xbd: {  	[sflag:s25] =	ssyncset.done @!p2 $0x0  }
0xbe: {  	[sflag:s25] =	ssyncadd.s32 @!p2 $0xFFFFF000  }
0xbf: {  	_ =	swait.ge @!p2 [sflag:s25], $0x1000  }
0xc0: {  	[sflag:s25] =	ssyncset.done @!p2 $0x0  }
0xc1: {  	[sflag:s25] =	ssyncadd.s32 @!p2 $0xFFFFF000  }
0xc2: {  	_ =	swait.ge @!p2 [sflag:s25], $0x1000  }
0xc3: {  	[sflag:s25] =	ssyncset.done @!p2 $0x0  }
0xc4: {  	[sflag:s25] =	ssyncadd.s32 @!p2 $0xFFFFF000  }
0xc5: {  	_ =	swait.ge @!p2 [sflag:s25], $0x1000  }
0xc6: {  	[sflag:s25] =	ssyncset.done @!p2 $0x0  }
0xc7: {  	[sflag:s25] =	ssyncadd.s32 @!p2 $0xFFFFF000  }
0xc8: {  	_ =	swait.ge @!p2 [sflag:s25], $0x1000  }
0xc9: {  	[sflag:s25] =	ssyncset.done @!p2 $0x0  }
0xca: {  	[sflag:s25] =	ssyncadd.s32 @!p2 $0xFFFFF000  }
0xcb: {  	_ =	swait.ge @!p2 [sflag:s25], $0x1000  }
0xcc: {  	s29 =	simm.s32 @!p2 $0x200;
	s26 =	sshra.s32 @!p2 s22, $0x2;
	[sflag:s25] =	ssyncset.done @!p2 $0x0  }
0xcd: {  	s30 =	simm.s32 @!p2 $0x5000;
	s28 =	sadd.s32 @!p2 $0x400, s26;
	[sflag:s25] =	ssyncadd.s32 @!p2 $0xFFFFF000  }
0xce: {  	[tilespmem:s30], [sflag:$0x1] =	stream.indirect.gather @!p2 [hbm4b:s3+s29], $0x20, s28, s29, $0xb8;
	[tilespmem:$0x15000] =	vst v63  }
0xcf: {  	s26 =	sadd.s32 @!p2 $0x2C00, s26;
	s25 =	simm.s32 @!p2 $0x9000  }
0xd0: {  	[tilespmem:s25], [sflag:$0x1] =	stream.indirect.gather @!p2 [hbm4b:s4+s29], $0x20, s26, s29, $0xb8;
	[tilespmem:$0x15000] =	vst v63  }
0xd1: {  	_ =	swait.ge [sflag:s18], $0x4000  }
0xd2: {  	[sflag:s18] =	ssyncset.done $0x0  }
0xd3: {  	[sflag:s18] =	ssyncadd.s32 $0xFFFFC000  }
0xd4: {  	_ =	swait.ge [sflag:s18], $0x4000  }
0xd5: {  	s29 =	rddreg [dreg:$0x4];
	[sflag:s18] =	ssyncset.done $0x0  }
0xd6: {  	s30 =	rddreg [dreg:$0x5];
	[sflag:s18] =	ssyncadd.s32 $0xFFFFC000;
	s25 =	sadd.s32 s22, s29  }
0xd7: {  	[hbm4b:s25+s16] =	stream.strided.scatter [tilespmem:s13], [sflag:$0x4], $0x1000, s17, s16, $0x38;
	[tilespmem:$0x15000] =	vst v63  }
0xd8: {  	s24 =	smov.u32 s23;
	s26 =	sadd.s32 s22, s30  }
0xd9: {  	[hbm4b:s26+s16] =	stream.strided.scatter [tilespmem:s14], [sflag:$0x4], $0x1000, s17, s16, $0x38;
	[tilespmem:$0x15000] =	vst v63  }
0xda: {  	s23 =	sadd.s32 $0x1000, s23;
	s28 =	rddreg [dreg:$0xc];
	s29 =	sadd.s32 $0x4, s25  }
0xdb: {  	[hbm4b:s29+s16] =	stream.strided.scatter [tilespmem:s28], [sflag:$0x4], $0x1000, s17, s16, $0x38;
	[tilespmem:$0x15000] =	vst v63  }
0xdc: {  	p1 =	sne.s32 s23, $0xA000;
	s30 =	rddreg [dreg:$0xd];
	s31 =	sadd.s32 $0x4, s26  }
0xdd: {  	[hbm4b:s31+s16] =	stream.strided.scatter [tilespmem:s30], [sflag:$0x4], $0x1000, s17, s16, $0x38;
	[tilespmem:$0x15000] =	vst v63  }
0xde: {  	s0 =	rddreg [dreg:$0xe];
	s22 =	smov.u32 s24;
	s24 =	sadd.s32 $0x8, s25  }
0xdf: {  	[hbm4b:s24+s16] =	stream.strided.scatter [tilespmem:s0], [sflag:$0x4], $0x1000, s17, s16, $0x38;
	[tilespmem:$0x15000] =	vst v63  }
.Ltmp0:
0xe0: {  	s28 =	rddreg [dreg:$0xf];
	(pc) =	sbr.rel @p1 .LBB2_2-.Ltmp0, $4  }
0xe1: {  	s29 =	sadd.s32 $0x8, s26;
	s30 =	rddreg [dreg:$0x10]  }
0xe2: {  	[hbm4b:s29+s16] =	stream.strided.scatter [tilespmem:s28], [sflag:$0x4], $0x1000, s17, s16, $0x38;
	[tilespmem:$0x15000] =	vst v63  }
0xe3: {  	s26 =	sadd.s32 $0xC, s26;
	s31 =	sadd.s32 $0xC, s25;
	s25 =	rddreg [dreg:$0x11]  }
0xe4: {  	[hbm4b:s31+s16] =	stream.strided.scatter [tilespmem:s30], [sflag:$0x4], $0x1000, s17, s16, $0x38;
	[tilespmem:$0x15000] =	vst v63  }
0xe5: {  	s0 =	simm.s32 @!p0 $0x4  }
0xe6: {  	[hbm4b:s26+s16] =	stream.strided.scatter [tilespmem:s25], [sflag:$0x4], $0x1000, s17, s16, $0x38;
	[tilespmem:$0x15000] =	vst v63  }
0xe7: {  	_ =	swait.ge @!p0 [sflag:s0], $0x1000  }
0xe8: {  	[sflag:s0] =	ssyncset.done @!p0 $0x0  }
0xe9: {  	[sflag:s0] =	ssyncadd.s32 @!p0 $0xFFFFF000  }
0xea: {  	_ =	swait.ge @!p0 [sflag:s0], $0x1000  }
0xeb: {  	[sflag:s0] =	ssyncset.done @!p0 $0x0  }
0xec: {  	[sflag:s0] =	ssyncadd.s32 @!p0 $0xFFFFF000  }
0xed: {  	_ =	swait.ge @!p0 [sflag:s0], $0x1000  }
0xee: {  	[sflag:s0] =	ssyncset.done @!p0 $0x0  }
0xef: {  	[sflag:s0] =	ssyncadd.s32 @!p0 $0xFFFFF000  }
0xf0: {  	_ =	swait.ge @!p0 [sflag:s0], $0x1000  }
0xf1: {  	[sflag:s0] =	ssyncset.done @!p0 $0x0  }
0xf2: {  	[sflag:s0] =	ssyncadd.s32 @!p0 $0xFFFFF000  }
0xf3: {  	_ =	swait.ge @!p0 [sflag:s0], $0x1000  }
0xf4: {  	[sflag:s0] =	ssyncset.done @!p0 $0x0  }
0xf5: {  	[sflag:s0] =	ssyncadd.s32 @!p0 $0xFFFFF000  }
0xf6: {  	_ =	swait.ge @!p0 [sflag:s0], $0x1000  }
0xf7: {  	[sflag:s0] =	ssyncset.done @!p0 $0x0  }
0xf8: {  	[sflag:s0] =	ssyncadd.s32 @!p0 $0xFFFFF000  }
0xf9: {  	_ =	swait.ge @!p0 [sflag:s0], $0x1000  }
0xfa: {  	[sflag:s0] =	ssyncset.done @!p0 $0x0  }
0xfb: {  	[sflag:s0] =	ssyncadd.s32 @!p0 $0xFFFFF000  }
0xfc: {  	_ =	swait.ge @!p0 [sflag:s0], $0x1000  }
0xfd: {  	s23 =	sshra.s32 s22, $0x2;
	[sflag:s0] =	ssyncset.done @!p0 $0x0  }
0xfe: {  	s31 =	sadd.s32 $0x200, s23;
	[sflag:s0] =	ssyncadd.s32 @!p0 $0xFFFFF000  }
0xff: {  	[tilespmem:s13], [sflag:$0x2] =	stream.indirect.gather [hbm4b:s3+s10], $0x20, s31, s10, $0xb8;
	[tilespmem:$0x15000] =	vst v63  }
0x100: {  	s24 =	sadd.s32 $0x2A00, s23  }
0x101: {  	[tilespmem:s14], [sflag:$0x2] =	stream.indirect.gather [hbm4b:s4+s10], $0x20, s24, s10, $0xb8;
	[tilespmem:$0x15000] =	vst v63  }
0x102: {  	_ =	swait.ge [sflag:s15], $0x4000  }
0x103: {  	[sflag:s15] =	ssyncset.done $0x0  }
0x104: {  	[sflag:s15] =	ssyncadd.s32 $0xFFFFC000  }
0x105: {  	_ =	swait.ge [sflag:s15], $0x4000  }
0x106: {  	s25 =	rddreg [dreg:$0x2];
	[sflag:s15] =	ssyncset.done $0x0  }
0x107: {  	s26 =	rddreg [dreg:$0x3];
	[sflag:s15] =	ssyncadd.s32 $0xFFFFC000;
	s0 =	sadd.s32 s22, s25  }
0x108: {  	[hbm4b:s0+s16] =	stream.strided.scatter [tilespmem:s11], [sflag:$0x3], $0x1000, s17, s16, $0x38;
	[tilespmem:$0x15000] =	vst v63  }
0x109: {  	s23 =	sadd.s32 s22, s26  }
0x10a: {  	[hbm4b:s23+s16] =	stream.strided.scatter [tilespmem:s12], [sflag:$0x3], $0x1000, s17, s16, $0x38;
	[tilespmem:$0x15000] =	vst v63  }
0x10b: {  	s24 =	rddreg [dreg:$0x6];
	s28 =	sadd.s32 $0x4, s0  }
0x10c: {  	[hbm4b:s28+s16] =	stream.strided.scatter [tilespmem:s24], [sflag:$0x3], $0x1000, s17, s16, $0x38;
	[tilespmem:$0x15000] =	vst v63  }
0x10d: {  	s29 =	rddreg [dreg:$0x7];
	s30 =	sadd.s32 $0x4, s23  }
0x10e: {  	[hbm4b:s30+s16] =	stream.strided.scatter [tilespmem:s29], [sflag:$0x3], $0x1000, s17, s16, $0x38;
	[tilespmem:$0x15000] =	vst v63  }
0x10f: {  	s31 =	rddreg [dreg:$0x8];
	s26 =	sadd.s32 $0x8, s0  }
0x110: {  	[hbm4b:s26+s16] =	stream.strided.scatter [tilespmem:s31], [sflag:$0x3], $0x1000, s17, s16, $0x38;
	[tilespmem:$0x15000] =	vst v63  }
0x111: {  	s28 =	rddreg [dreg:$0x9];
	s29 =	sadd.s32 $0x8, s23  }
0x112: {  	[hbm4b:s29+s16] =	stream.strided.scatter [tilespmem:s28], [sflag:$0x3], $0x1000, s17, s16, $0x38;
	[tilespmem:$0x15000] =	vst v63  }
0x113: {  	p0 =	seq.s32 s22, $0x9000;
	s0 =	sadd.s32 $0xC, s0;
	s30 =	rddreg [dreg:$0xa]  }
0x114: {  	[hbm4b:s0+s16] =	stream.strided.scatter [tilespmem:s30], [sflag:$0x3], $0x1000, s17, s16, $0x38;
	[tilespmem:$0x15000] =	vst v63  }
0x115: {  	s23 =	sadd.s32 $0xC, s23;
	s31 =	rddreg [dreg:$0xb];
	s0 =	simm.s32 @!p0 $0x3  }
0x116: {  	[hbm4b:s23+s16] =	stream.strided.scatter [tilespmem:s31], [sflag:$0x3], $0x1000, s17, s16, $0x38;
	[tilespmem:$0x15000] =	vst v63  }
0x117: {  	_ =	swait.ge @!p0 [sflag:s0], $0x1000  }
0x118: {  	[sflag:s0] =	ssyncset.done @!p0 $0x0  }
0x119: {  	[sflag:s0] =	ssyncadd.s32 @!p0 $0xFFFFF000  }
0x11a: {  	_ =	swait.ge @!p0 [sflag:s0], $0x1000  }
0x11b: {  	[sflag:s0] =	ssyncset.done @!p0 $0x0  }
0x11c: {  	[sflag:s0] =	ssyncadd.s32 @!p0 $0xFFFFF000  }
0x11d: {  	_ =	swait.ge @!p0 [sflag:s0], $0x1000  }
0x11e: {  	[sflag:s0] =	ssyncset.done @!p0 $0x0  }
0x11f: {  	[sflag:s0] =	ssyncadd.s32 @!p0 $0xFFFFF000  }
0x120: {  	_ =	swait.ge @!p0 [sflag:s0], $0x1000  }
0x121: {  	[sflag:s0] =	ssyncset.done @!p0 $0x0  }
0x122: {  	[sflag:s0] =	ssyncadd.s32 @!p0 $0xFFFFF000  }
0x123: {  	_ =	swait.ge @!p0 [sflag:s0], $0x1000  }
0x124: {  	[sflag:s0] =	ssyncset.done @!p0 $0x0  }
0x125: {  	[sflag:s0] =	ssyncadd.s32 @!p0 $0xFFFFF000  }
0x126: {  	_ =	swait.ge @!p0 [sflag:s0], $0x1000  }
0x127: {  	[sflag:s0] =	ssyncset.done @!p0 $0x0  }
0x128: {  	[sflag:s0] =	ssyncadd.s32 @!p0 $0xFFFFF000  }
0x129: {  	_ =	swait.ge @!p0 [sflag:s0], $0x1000  }
0x12a: {  	[sflag:s0] =	ssyncset.done @!p0 $0x0  }
0x12b: {  	[sflag:s0] =	ssyncadd.s32 @!p0 $0xFFFFF000  }
0x12c: {  	_ =	swait.ge @!p0 [sflag:s0], $0x1000  }
0x12d: {  	s25 =	simm.s32 @!p0 $0x200;
	s23 =	sshra.s32 @!p0 s22, $0x2;
	[sflag:s0] =	ssyncset.done @!p0 $0x0  }
0x12e: {  	s26 =	simm.s32 @!p0 $0x5000;
	s24 =	sadd.s32 @!p0 $0x400, s23;
	[sflag:s0] =	ssyncadd.s32 @!p0 $0xFFFFF000  }
0x12f: {  	[tilespmem:s26], [sflag:$0x1] =	stream.indirect.gather @!p0 [hbm4b:s3+s25], $0x20, s24, s25, $0xb8;
	[tilespmem:$0x15000] =	vst v63  }
0x130: {  	s0 =	sadd.s32 @!p0 $0x2C00, s23;
	s23 =	simm.s32 @!p0 $0x9000  }
0x131: {  	[tilespmem:s23], [sflag:$0x1] =	stream.indirect.gather @!p0 [hbm4b:s4+s25], $0x20, s0, s25, $0xb8;
	[tilespmem:$0x15000] =	vst v63  }
0x132: {  	_ =	swait.ge [sflag:s18], $0x4000  }
0x133: {  	[sflag:s18] =	ssyncset.done $0x0  }
0x134: {  	[sflag:s18] =	ssyncadd.s32 $0xFFFFC000  }
0x135: {  	_ =	swait.ge [sflag:s18], $0x4000  }
0x136: {  	s24 =	rddreg [dreg:$0x4];
	[sflag:s18] =	ssyncset.done $0x0  }
0x137: {  	s25 =	rddreg [dreg:$0x5];
	[sflag:s18] =	ssyncadd.s32 $0xFFFFC000;
	s0 =	sadd.s32 s22, s24  }
0x138: {  	[hbm4b:s0+s16] =	stream.strided.scatter [tilespmem:s13], [sflag:$0x4], $0x1000, s17, s16, $0x38;
	[tilespmem:$0x15000] =	vst v63  }
0x139: {  	s22 =	sadd.s32 s22, s25  }
0x13a: {  	[hbm4b:s22+s16] =	stream.strided.scatter [tilespmem:s14], [sflag:$0x4], $0x1000, s17, s16, $0x38;
	[tilespmem:$0x15000] =	vst v63  }
0x13b: {  	s26 =	rddreg [dreg:$0xc];
	s28 =	sadd.s32 $0x4, s0  }
0x13c: {  	[hbm4b:s28+s16] =	stream.strided.scatter [tilespmem:s26], [sflag:$0x4], $0x1000, s17, s16, $0x38;
	[tilespmem:$0x15000] =	vst v63  }
0x13d: {  	s29 =	rddreg [dreg:$0xd];
	s30 =	sadd.s32 $0x4, s22  }
0x13e: {  	[hbm4b:s30+s16] =	stream.strided.scatter [tilespmem:s29], [sflag:$0x4], $0x1000, s17, s16, $0x38;
	[tilespmem:$0x15000] =	vst v63  }
0x13f: {  	s31 =	rddreg [dreg:$0xe];
	s25 =	sadd.s32 $0x8, s0  }
0x140: {  	[hbm4b:s25+s16] =	stream.strided.scatter [tilespmem:s31], [sflag:$0x4], $0x1000, s17, s16, $0x38;
	[tilespmem:$0x15000] =	vst v63  }
0x141: {  	s26 =	rddreg [dreg:$0xf];
	s28 =	sadd.s32 $0x8, s22  }
0x142: {  	[hbm4b:s28+s16] =	stream.strided.scatter [tilespmem:s26], [sflag:$0x4], $0x1000, s17, s16, $0x38;
	[tilespmem:$0x15000] =	vst v63  }
0x143: {  	s0 =	sadd.s32 $0xC, s0;
	s29 =	rddreg [dreg:$0x10]  }
0x144: {  	[hbm4b:s0+s16] =	stream.strided.scatter [tilespmem:s29], [sflag:$0x4], $0x1000, s17, s16, $0x38;
	[tilespmem:$0x15000] =	vst v63  }
0x145: {  	s30 =	rddreg [dreg:$0x11];
	s31 =	sadd.s32 $0xC, s22  }
0x146: {  	[hbm4b:s31+s16] =	stream.strided.scatter [tilespmem:s30], [sflag:$0x4], $0x1000, s17, s16, $0x38;
	[tilespmem:$0x15000] =	vst v63  }
0x147: {  	_ =	swait.ge [sflag:s19], $0x1000  }
0x148: {  	[sflag:s19] =	ssyncset.done $0x0  }
0x149: {  	[sflag:s19] =	ssyncadd.s32 $0xFFFFF000  }
0x14a: {  	_ =	swait.ge [sflag:s19], $0x1000  }
0x14b: {  	[sflag:s19] =	ssyncset.done $0x0  }
0x14c: {  	[sflag:s19] =	ssyncadd.s32 $0xFFFFF000  }
0x14d: {  	_ =	swait.ge [sflag:s19], $0x1000  }
0x14e: {  	[sflag:s19] =	ssyncset.done $0x0  }
0x14f: {  	[sflag:s19] =	ssyncadd.s32 $0xFFFFF000  }
0x150: {  	_ =	swait.ge [sflag:s19], $0x1000  }
0x151: {  	[sflag:s19] =	ssyncset.done $0x0  }
0x152: {  	[sflag:s19] =	ssyncadd.s32 $0xFFFFF000  }
0x153: {  	_ =	swait.ge [sflag:s19], $0x1000  }
0x154: {  	[sflag:s19] =	ssyncset.done $0x0  }
0x155: {  	[sflag:s19] =	ssyncadd.s32 $0xFFFFF000  }
0x156: {  	_ =	swait.ge [sflag:s19], $0x1000  }
0x157: {  	[sflag:s19] =	ssyncset.done $0x0  }
0x158: {  	[sflag:s19] =	ssyncadd.s32 $0xFFFFF000  }
0x159: {  	_ =	swait.ge [sflag:s19], $0x1000  }
0x15a: {  	[sflag:s19] =	ssyncset.done $0x0  }
0x15b: {  	[sflag:s19] =	ssyncadd.s32 $0xFFFFF000  }
0x15c: {  	_ =	swait.ge [sflag:s19], $0x1000  }
0x15d: {  	[sflag:s19] =	ssyncset.done $0x0  }
0x15e: {  	[sflag:s19] =	ssyncadd.s32 $0xFFFFF000  }
0x15f: {  	_ =	swait.ge [sflag:s20], $0x1000  }
0x160: {  	[sflag:s20] =	ssyncset.done $0x0  }
0x161: {  	[sflag:s20] =	ssyncadd.s32 $0xFFFFF000  }
0x162: {  	_ =	swait.ge [sflag:s20], $0x1000  }
0x163: {  	[sflag:s20] =	ssyncset.done $0x0  }
0x164: {  	[sflag:s20] =	ssyncadd.s32 $0xFFFFF000  }
0x165: {  	_ =	swait.ge [sflag:s20], $0x1000  }
0x166: {  	[sflag:s20] =	ssyncset.done $0x0  }
0x167: {  	[sflag:s20] =	ssyncadd.s32 $0xFFFFF000  }
0x168: {  	_ =	swait.ge [sflag:s20], $0x1000  }
0x169: {  	[sflag:s20] =	ssyncset.done $0x0  }
0x16a: {  	[sflag:s20] =	ssyncadd.s32 $0xFFFFF000  }
0x16b: {  	_ =	swait.ge [sflag:s20], $0x1000  }
0x16c: {  	[sflag:s20] =	ssyncset.done $0x0  }
0x16d: {  	[sflag:s20] =	ssyncadd.s32 $0xFFFFF000  }
0x16e: {  	_ =	swait.ge [sflag:s20], $0x1000  }
0x16f: {  	[sflag:s20] =	ssyncset.done $0x0  }
0x170: {  	s21 =	sadd.s32 $0x1, s21;
	[sflag:s20] =	ssyncadd.s32 $0xFFFFF000  }
0x171: {  	p0 =	sne.s32 s21, s7;
	_ =	swait.ge [sflag:s20], $0x1000  }
.Ltmp1:
0x172: {  	[sflag:s20] =	ssyncset.done $0x0;
	(pc) =	sbr.rel @p0 .LBB2_1-.Ltmp1, $4  }
0x173: {  	[sflag:s20] =	ssyncadd.s32 $0xFFFFF000  }
0x174: {  	_ =	swait.ge [sflag:s20], $0x1000  }
0x175: {  	[sflag:s20] =	ssyncset.done $0x0  }
0x176: {  	[sflag:s20] =	ssyncadd.s32 $0xFFFFF000  }
0x177: {  	_ =	sfence.sel $0x180000  }
0x178: {  	[bflag:$0x0] =	sbarrier.arrive $0xFFFF  }
0x179: {  	_ =	strace $0x90000053  }
0x17a: {  	[bflag:$0x2] =	sbarrier.arrive $0xFFFF  }
0x17b: {  	p0 =	sne.s32 s1, $0x0;
	s0 =	rddreg [dreg:$0x1]  }
0x17c: {  	s0 =	sadd.s32 @!p0 $0x100000, s0  }
0x17d: {  	[sflag:s0] =	ssyncadd.tile.s32 @!p0 $0x1;
	_ =	shalt  }
.Lfunc_end2:
_tile_overlayer_lowered:
.L_overlay_start_2:
0x17e: {  	(tag) =	ssettag $0x2  }
0x17f: {  	s0 =	rddreg [dreg:$0x0];
	s2 =	stileid.u32  }
0x180: {  	s1 =	rddreg [dreg:$0x1];
	p0 =	sne.s32 s2, $0x0  }
0x181: {  	s3 =	rddreg [dreg:$0x2];
	[bflag:$0x3] =	sbarrier.arrive $0xFFFF;
	s2 =	simm.s32 @!p0 $0x1C05  }
0x182: {  	[timem:s3], [sflag:s2] =	dma.local @!p0 [hbm:s0], s1  }
0x183: {  	s0 =	simm.s32 @!p0 $0x5  }
0x184: {  	_ =	swait.ge @!p0 [sflag:s0], s1  }
0x185: {  	s1 =	ssub.s32 @!p0 $0x0, s1;
	[sflag:s0] =	ssyncset.done @!p0 $0x0  }
0x186: {  	[sflag:s0] =	ssyncadd.s32 @!p0 s1  }
0x187: {  	[bflag:$0x3] =	sbarrier.arrive $0xFFFF  }
0x188: {  	_ =	shalt  }

</sc_bundles>
